<compile_context>
chip_gen: v7x
topology: tpu7x:2x2x1
jax: 0.10.2.dev20260603
libtpu: 0.0.44.dev20260713+nightly
codegen_flags: <defaults>
</compile_context>

<pallas_src>
import functools
import math

import jax
import jax.numpy as jnp
from jax import lax
from jax.experimental import pallas as pl
from jax.experimental.pallas import tpu as pltpu
from jax.experimental.pallas import tpu_sc as plsc

N = 10000
E = 320000
IN_F = 128
HID = 64
HEADS = 4
ALPHA = 0.2
EPS = 1e-6
SCALE = 1.0 / math.sqrt(HID * HEADS)
F = HEADS * HID

NC = 2
NS = 16
CHUNK = 128
SEG = 20
NSEG = 8
CPT = SEG * NSEG
EPT = CHUNK * CPT
EPAD = EPT * NS
NP = 10240
NPT = NP // NS
WSEG = 2 * SEG * CHUNK

BN = 400


def _proj_body(x_ref, w_ref, b_ref, a12_ref, d_ref, s_ref):
    x = x_ref[...]
    d = jnp.dot(x, w_ref[...], preferred_element_type=jnp.float32) + b_ref[...]
    d_ref[0] = d[:, :IN_F]
    d_ref[1] = d[:, IN_F:]
    s = jnp.dot(d, a12_ref[...], preferred_element_type=jnp.float32)
    s_ref[0] = s[:, :4]
    s_ref[1] = s[:, 4:]


def _project(embed, wfull, bfull, a12):
    return pl.pallas_call(
        _proj_body,
        grid=(N // BN,),
        in_specs=[
            pl.BlockSpec((BN, IN_F), lambda i: (i, 0)),
            pl.BlockSpec((IN_F, F), lambda i: (0, 0)),
            pl.BlockSpec((1, F), lambda i: (0, 0)),
            pl.BlockSpec((F, 8), lambda i: (0, 0)),
        ],
        out_specs=[
            pl.BlockSpec((NC, BN, IN_F), lambda i: (0, i, 0)),
            pl.BlockSpec((NC, BN, 4), lambda i: (0, i, 0)),
        ],
        out_shape=[
            jax.ShapeDtypeStruct((NC, N, IN_F), jnp.float32),
            jax.ShapeDtypeStruct((NC, N, 4), jnp.float32),
        ],
    )(embed, wfull, bfull, a12)


def _wgt_body(s_hbm, e0_hbm, e1_hbm, w_out, s_v, e0s, e1s, wseg):
    c = lax.axis_index("c")
    s = lax.axis_index("s")
    iota16 = lax.iota(jnp.int32, 16)
    pltpu.sync_copy(s_hbm.at[c], s_v)

    def _seg(seg, carry):
        pltpu.sync_copy(e0_hbm.at[s, pl.ds(seg * SEG, SEG)], e0s)
        pltpu.sync_copy(e1_hbm.at[s, pl.ds(seg * SEG, SEG)], e1s)
        ebase = s * EPT + seg * (SEG * CHUNK)

        def _chunk(j, carry2):
            for g in range(CHUNK // 16):
                sl = pl.ds(g * 16, 16)
                e0g4 = e0s[j, 0, sl] * 4
                e1g4 = e1s[j, 0, sl] * 4
                l0 = (plsc.load_gather(s_v, [e0g4])
                      + plsc.load_gather(s_v, [e1g4 + 2]))
                l1 = (plsc.load_gather(s_v, [e0g4 + 1])
                      + plsc.load_gather(s_v, [e1g4 + 3]))
                l0 = jnp.where(l0 > 0, l0, ALPHA * l0) * SCALE
                l1 = jnp.where(l1 > 0, l1, ALPHA * l1) * SCALE
                pos = ebase + j * CHUNK + g * 16 + iota16
                valid = pos < E
                w0 = jnp.where(valid, jnp.exp(l0), 0.0)
                w1 = jnp.where(valid, jnp.exp(l1), 0.0)
                ids2 = (j * CHUNK + g * 16 + iota16) * 2
                plsc.store_scatter(wseg, [ids2], w0)
                plsc.store_scatter(wseg, [ids2 + 1], w1)
            return carry2
        lax.fori_loop(0, SEG, _chunk, 0)
        pltpu.sync_copy(wseg, w_out.at[c, pl.ds(2 * ebase, WSEG)])
        return carry
    lax.fori_loop(0, NSEG, _seg, 0)


@functools.cache
def _wgt_kernel():
    return pl.kernel(
        _wgt_body,
        out_type=jax.ShapeDtypeStruct((NC, 2 * EPAD), jnp.float32),
        mesh=plsc.VectorSubcoreMesh(core_axis_name="c", subcore_axis_name="s",
                                    num_cores=NC, num_subcores=NS),
        compiler_params=pltpu.CompilerParams(needs_layout_passes=False),
        scratch_types=[
            pltpu.VMEM((4 * N,), jnp.float32),
            pltpu.VMEM((SEG, 1, CHUNK), jnp.int32),
            pltpu.VMEM((SEG, 1, CHUNK), jnp.int32),
            pltpu.VMEM((WSEG,), jnp.float32),
        ],
    )


def _agg_body(d_hbm, w_hbm, e0_hbm, e1_hbm, hp_out, rs_out,
              e0s, e1s, rows, rows2, wseg, ibuf, zr1, hp_acc, rs_acc,
              sem, sem2, ssem, ssem2):
    c = lax.axis_index("c")
    s = lax.axis_index("s")
    off = c * N
    row0 = s * NPT
    z16 = jnp.zeros((16,), jnp.float32)
    iota16 = lax.iota(jnp.int32, 16)

    def _zrows(i, carry):
        for k in range(IN_F // 16):
            rows[i, pl.ds(k * 16, 16)] = z16
        return carry
    lax.fori_loop(0, CHUNK, _zrows, 0)

    def _zr1(i, carry):
        zr1[pl.ds(i * 16, 16)] = z16
        return carry
    lax.fori_loop(0, 2 * NPT // 16, _zr1, 0)

    for q in range(NPT // CHUNK):
        pltpu.sync_copy(rows, hp_acc.at[pl.ds(row0 + q * CHUNK, CHUNK)])
    pltpu.sync_copy(zr1, rs_acc.at[pl.ds(2 * row0, 2 * NPT)])
    plsc.subcore_barrier()

    def _seg(seg, carry):
        pltpu.sync_copy(e0_hbm.at[s, pl.ds(seg * SEG, SEG)], e0s)
        pltpu.sync_copy(e1_hbm.at[s, pl.ds(seg * SEG, SEG)], e1s)
        ebase = s * EPT + seg * (SEG * CHUNK)
        pltpu.sync_copy(w_hbm.at[c, pl.ds(2 * ebase, WSEG)],
                        wseg.at[pl.ds(0, WSEG)])

        def _adj(j, carry2):
            for k in range(CHUNK // 16):
                sl = pl.ds(k * 16, 16)
                e1s[j, 0, sl] = e1s[j, 0, sl] + off
            return carry2
        lax.fori_loop(0, SEG, _adj, 0)

        def _compute_scatter(j, buf, ssem):
            for g in range(CHUNK // 16):
                sl = pl.ds(g * 16, 16)
                ids2 = (g * 16 + iota16) * 2
                e0g2 = e0s[j, 0, sl] * 2
                plsc.store_scatter(ibuf, [ids2], e0g2)
                plsc.store_scatter(ibuf, [ids2 + 1], e0g2 + 1)

            def _mul(e, carry3):
                wv = wseg[pl.ds(2 * (j * CHUNK + e), 16)]
                w0s = wv[0]
                w1s = wv[1]
                for k in range(4):
                    sl = pl.ds(k * 16, 16)
                    buf[e, sl] = buf[e, sl] * w0s
                for k in range(4, 8):
                    sl = pl.ds(k * 16, 16)
                    buf[e, sl] = buf[e, sl] * w1s
                return carry3
            lax.fori_loop(0, CHUNK, _mul, 0, unroll=4)

            pltpu.async_copy(buf, hp_acc.at[e0s.at[j, 0]], ssem, add=True)
            pltpu.sync_copy(wseg.at[pl.ds(2 * (j * CHUNK), 2 * CHUNK)],
                            rs_acc.at[ibuf], add=True)

        def _gather(j, buf, gsem):
            pltpu.async_copy(d_hbm.at[e1s.at[j, 0, pl.ds(0, CHUNK // 2)]],
                             buf.at[pl.ds(0, CHUNK // 2)], gsem)
            pltpu.async_copy(d_hbm.at[e1s.at[j, 0, pl.ds(CHUNK // 2, CHUNK // 2)]],
                             buf.at[pl.ds(CHUNK // 2, CHUNK // 2)], gsem)

        def _gwait(buf, gsem):
            pltpu.make_async_copy(d_hbm.at[e1s.at[0, 0]], buf, gsem).wait()

        def _swait(buf, xsem):
            pltpu.make_async_copy(buf, hp_acc.at[e0s.at[0, 0]], xsem).wait()

        _gather(0, rows, sem)
        _gather(1, rows2, sem2)

        def _pair(p, carry2):
            j0 = 2 * p
            j1 = j0 + 1
            _gwait(rows, sem)
            _compute_scatter(j0, rows, ssem)
            _gwait(rows2, sem2)
            _swait(rows, ssem)

            @pl.when(j0 + 2 < SEG)
            def _():
                _gather(j0 + 2, rows, sem)
            _compute_scatter(j1, rows2, ssem2)
            _swait(rows2, ssem2)

            @pl.when(j1 + 2 < SEG)
            def _():
                _gather(j1 + 2, rows2, sem2)
            return carry2
        lax.fori_loop(0, SEG // 2, _pair, 0)
        return carry
    lax.fori_loop(0, NSEG, _seg, 0)

    plsc.subcore_barrier()

    for q in range(NPT // CHUNK):
        r0 = row0 + q * CHUNK
        pltpu.sync_copy(hp_acc.at[pl.ds(r0, CHUNK)], rows)
        pltpu.sync_copy(rows, hp_out.at[c, pl.ds(r0, CHUNK)])
    pltpu.sync_copy(rs_acc.at[pl.ds(2 * row0, 2 * NPT)], zr1)
    pltpu.sync_copy(zr1, rs_out.at[c, pl.ds(2 * row0, 2 * NPT)])


@functools.cache
def _agg_kernel():
    return pl.kernel(
        _agg_body,
        out_type=[
            jax.ShapeDtypeStruct((NC, NP, IN_F), jnp.float32),
            jax.ShapeDtypeStruct((NC, 2 * NP), jnp.float32),
        ],
        mesh=plsc.VectorSubcoreMesh(core_axis_name="c", subcore_axis_name="s",
                                    num_cores=NC, num_subcores=NS),
        compiler_params=pltpu.CompilerParams(needs_layout_passes=False),
        scratch_types=[
            pltpu.VMEM((SEG, 1, CHUNK), jnp.int32),
            pltpu.VMEM((SEG, 1, CHUNK), jnp.int32),
            pltpu.VMEM((CHUNK, IN_F), jnp.float32),
            pltpu.VMEM((CHUNK, IN_F), jnp.float32),
            pltpu.VMEM((WSEG + 16,), jnp.float32),
            pltpu.VMEM((2 * CHUNK,), jnp.int32),
            pltpu.VMEM((2 * NPT,), jnp.float32),
            pltpu.VMEM_SHARED((NP, IN_F), jnp.float32),
            pltpu.VMEM_SHARED((2 * NP,), jnp.float32),
            pltpu.SemaphoreType.DMA,
            pltpu.SemaphoreType.DMA,
            pltpu.SemaphoreType.DMA,
            pltpu.SemaphoreType.DMA,
        ],
    )


def _ln_body(hp_ref, rs_ref, g_ref, b_ref, o_ref):
    hp0 = hp_ref[0]
    hp1 = hp_ref[1]
    rs = rs_ref[...]

    def _den(r):
        return jnp.where(r == 0.0, 1.0, r)

    h = jnp.concatenate([
        hp0[:, :HID] / _den(rs[0, :, 0:1]),
        hp0[:, HID:] / _den(rs[0, :, 1:2]),
        hp1[:, :HID] / _den(rs[1, :, 0:1]),
        hp1[:, HID:] / _den(rs[1, :, 1:2]),
    ], axis=1)
    mean = jnp.mean(h, axis=1, keepdims=True)
    xc = h - mean
    std = jnp.sqrt(jnp.sum(xc * xc, axis=1, keepdims=True) / (F - 1))
    y = g_ref[...] * xc / (std + EPS) + b_ref[...]
    o_ref[...] = jnp.where(y > 0, y, jnp.exp(jnp.minimum(y, 0.0)) - 1.0)


def _layernorm(hp, rs, gamma, beta):
    return pl.pallas_call(
        _ln_body,
        grid=(N // BN,),
        in_specs=[
            pl.BlockSpec((NC, BN, IN_F), lambda i: (0, i, 0)),
            pl.BlockSpec((NC, BN, 2), lambda i: (0, i, 0)),
            pl.BlockSpec((1, F), lambda i: (0, 0)),
            pl.BlockSpec((1, F), lambda i: (0, 0)),
        ],
        out_specs=pl.BlockSpec((BN, F), lambda i: (i, 0)),
        out_shape=jax.ShapeDtypeStruct((N, F), jnp.float32),
    )(hp, rs, gamma, beta)


def kernel(data, edge, embed, W_w, W_b, a, a2, b2):
    wfull = W_w.transpose(2, 0, 1).reshape(IN_F, F)
    bfull = W_b.reshape(1, F)
    a1 = a[:, 0, :HID]
    a2h = a[:, 0, HID:]
    cols = []
    for c in range(NC):
        for h in (2 * c, 2 * c + 1):
            cols.append(jnp.zeros((F,), jnp.float32).at[h * HID:(h + 1) * HID].set(a1[h]))
        for h in (2 * c, 2 * c + 1):
            cols.append(jnp.zeros((F,), jnp.float32).at[h * HID:(h + 1) * HID].set(a2h[h]))
    a12 = jnp.stack(cols, axis=1)

    e0 = jnp.zeros((EPAD,), jnp.int32).at[:E].set(edge[0])
    e1 = jnp.zeros((EPAD,), jnp.int32).at[:E].set(edge[1])
    e0r = e0.reshape(NS, CPT, 1, CHUNK)
    e1r = e1.reshape(NS, CPT, 1, CHUNK)

    d_out, s_out = _project(embed, wfull, bfull, a12)
    dcat = d_out.reshape(NC * N, IN_F)

    w_edge = _wgt_kernel()(s_out.reshape(NC, 4 * N), e0r, e1r)
    hp, rs = _agg_kernel()(dcat, w_edge, e0r, e1r)
    return _layernorm(hp, rs.reshape(NC, NP, 2),
                      a2.reshape(1, F), b2.reshape(1, F))

# --- scband reference (transcript-rebuilt; emitter-appended) ---
"""Pipeline reference for scband-sp-graph-attention-layer-652835029006 (READ-ONLY COPY).

The authoritative reference and input builder live on the scoring server;
editing this copy changes nothing except your own understanding.
"""

import jax, jax.numpy as jnp
import numpy as np

N = 10000
E = 320000
IN_F = 128
HID = 64
HEADS = 4
ALPHA = 0.2
EPS = 1e-6


def setup_inputs(seed: int = 0) -> dict:
    key = jax.random.key(seed)
    ks = jax.random.split(key, 8)
    data = jax.random.normal(ks[0], (N, IN_F), dtype=jnp.float32)
    edge = jax.random.randint(ks[1], (2, E), 0, N, dtype=jnp.int32)
    # learned params
    embed = jax.random.normal(ks[2], (N, IN_F), dtype=jnp.float32)
    embed = embed.at[0].set(0.0)  # padding_idx=0
    W_w = jax.random.normal(ks[3], (HEADS, HID, IN_F), dtype=jnp.float32) * 0.05
    W_b = jnp.zeros((HEADS, HID), dtype=jnp.float32)
    a = jax.random.uniform(ks[4], (HEADS, 1, 2 * HID), dtype=jnp.float32)
    a2 = jnp.ones((HEADS * HID,), dtype=jnp.float32)
    b2 = jnp.zeros((HEADS * HID,), dtype=jnp.float32)
    return {"data": data, "edge": edge, "embed": embed, "W_w": W_w, "W_b": W_b, "a": a, "a2": a2, "b2": b2}


def _attention(d, a_h, edge):
    # d: [N, HID] projected node features for this head
    src = d[edge[0]]            # gather rows by source node
    dst = d[edge[1]]            # gather rows by target node
    edge_h = jnp.concatenate([src, dst], axis=1)       # [E, 2*HID]
    logits = edge_h @ a_h[0]                           # [E]
    e = jnp.exp(jax.nn.leaky_relu(logits, ALPHA) / np.sqrt(HID * HEADS))
    rowsum = jax.ops.segment_sum(e, edge[0], num_segments=N)  # sparse.mm(edge_e, ones)
    rowsum = jnp.where(rowsum == 0, 1.0, rowsum)
    h_prime = jax.ops.segment_sum(e[:, None] * dst, edge[0], num_segments=N)
    h_prime = h_prime / rowsum[:, None]
    return h_prime


def reference(data, edge, embed, W_w, W_b, a, a2, b2):
    # concat=True: the module ignores `data` and uses embed(arange(N)) == embed table
    x = embed
    heads_out = []
    for h in range(HEADS):
        d = x @ W_w[h].T + W_b[h]
        heads_out.append(_attention(d, a[h], edge))
    h_prime = jnp.concatenate(heads_out, axis=1)       # [N, HEADS*HID]
    # LayerNorm with torch semantics (unbiased std)
    mean = h_prime.mean(-1, keepdims=True)
    std = jnp.std(h_prime, axis=-1, keepdims=True, ddof=1)
    out = a2 * (h_prime - mean) / (std + EPS) + b2
    return jax.nn.elu(out)

if __name__ == "__main__":
    import jax
    _d = setup_inputs()
    print(jax.jit(kernel)(*tuple(_d.values())))

</pallas_src>

<mosaic_0001>
#map = affine_map<(d0, d1) -> (0, 0)>
#map1 = affine_map<(d0, d1) -> (0, 0, 0, 0)>
#map2 = affine_map<(d0, d1) -> (0, 0, 0)>
module attributes {stable_mosaic.version = 14 : i64} {
  func.func @_agg_body(%arg0: i32, %arg1: i32, %arg2: memref<20000x128xf32, #tpu.memory_space<hbm>>, %arg3: memref<2x655360xf32, #tpu.memory_space<hbm>>, %arg4: memref<16x160x1x128xi32, #tpu.memory_space<hbm>>, %arg5: memref<16x160x1x128xi32, #tpu.memory_space<hbm>>, %arg6: memref<2x10240x128xf32, #tpu.memory_space<hbm>>, %arg7: memref<2x20480xf32, #tpu.memory_space<hbm>>, %arg8: memref<20x1x128xi32, #tpu.memory_space<vmem>>, %arg9: memref<20x1x128xi32, #tpu.memory_space<vmem>>, %arg10: memref<128x128xf32, #tpu.memory_space<vmem>>, %arg11: memref<128x128xf32, #tpu.memory_space<vmem>>, %arg12: memref<5136xf32, #tpu.memory_space<vmem>>, %arg13: memref<256xi32, #tpu.memory_space<vmem>>, %arg14: memref<1280xf32, #tpu.memory_space<vmem>>, %arg15: memref<10240x128xf32, #tpu.memory_space<vmem_shared>>, %arg16: memref<20480xf32, #tpu.memory_space<vmem_shared>>, %arg17: memref<!tpu.dma_semaphore, #tpu.memory_space<semaphore_mem>>, %arg18: memref<!tpu.dma_semaphore, #tpu.memory_space<semaphore_mem>>, %arg19: memref<!tpu.dma_semaphore, #tpu.memory_space<semaphore_mem>>, %arg20: memref<!tpu.dma_semaphore, #tpu.memory_space<semaphore_mem>>) attributes {dimension_semantics = [#tpu.dimension_semantics<core_parallel>, #tpu.dimension_semantics<subcore_parallel>], iteration_bounds = array<i64: 2, 16>, scalar_prefetch = 0 : i64, scratch_operands = 13 : i64, tpu.core_type = #tpu.core_type<sc_vector_subcore>, window_params = [{transform_indices = #map}, {transform_indices = #map}, {transform_indices = #map1}, {transform_indices = #map1}, {transform_indices = #map2}, {transform_indices = #map}]} {
    %mul3A = arith.constant 10000 : i32
    %mul3A_0 = arith.muli %arg0, %mul3A : i32
    %mul3A_1 = arith.constant 640 : i32
    %mul3A_2 = arith.muli %arg1, %mul3A_1 : i32
    %broadcast_in_dim3A = arith.constant 0.000000e+00 : f32
    %broadcast_in_dim3A_3 = vector.broadcast %broadcast_in_dim3A : f32 to vector<16xf32>
    %iota3A = tpu.iota {dimensions = array<i32: 0>} : vector<16xi32>
    %scan3A = arith.constant 0 : i32
    %scan3A_4 = arith.constant 0 : i32
    %scan3A_5 = arith.constant 128 : i32
    %scan3A_6 = arith.addi %scan3A_4, %scan3A_5 : i32
    %scan3A_7 = arith.constant 1 : i32
    scf.for %scan3A_47 = %scan3A_4 to %scan3A_6 step %scan3A_7  : i32 {
      %swap3A = arith.index_cast %scan3A_47 : i32 to index
      %swap3A_48 = arith.constant 0 : index
      %swap3A_49 = tpu.vector_load %arg10[%swap3A, %swap3A_48] {strides = array<i32>} : memref<128x128xf32, #tpu.memory_space<vmem>>, vector<16xf32>,
      tpu.vector_store %arg10[%swap3A, %swap3A_48], %broadcast_in_dim3A_3 {strides = array<i32>} : memref<128x128xf32, #tpu.memory_space<vmem>>, vector<16xf32>,
      %swap3A_50 = arith.index_cast %scan3A_47 : i32 to index
      %swap3A_51 = arith.constant 16 : index
      %swap3A_52 = tpu.vector_load %arg10[%swap3A_50, %swap3A_51] {strides = array<i32>} : memref<128x128xf32, #tpu.memory_space<vmem>>, vector<16xf32>,
      tpu.vector_store %arg10[%swap3A_50, %swap3A_51], %broadcast_in_dim3A_3 {strides = array<i32>} : memref<128x128xf32, #tpu.memory_space<vmem>>, vector<16xf32>,
      %swap3A_53 = arith.index_cast %scan3A_47 : i32 to index
      %swap3A_54 = arith.constant 32 : index
      %swap3A_55 = tpu.vector_load %arg10[%swap3A_53, %swap3A_54] {strides = array<i32>} : memref<128x128xf32, #tpu.memory_space<vmem>>, vector<16xf32>,
      tpu.vector_store %arg10[%swap3A_53, %swap3A_54], %broadcast_in_dim3A_3 {strides = array<i32>} : memref<128x128xf32, #tpu.memory_space<vmem>>, vector<16xf32>,
      %swap3A_56 = arith.index_cast %scan3A_47 : i32 to index
      %swap3A_57 = arith.constant 48 : index
      %swap3A_58 = tpu.vector_load %arg10[%swap3A_56, %swap3A_57] {strides = array<i32>} : memref<128x128xf32, #tpu.memory_space<vmem>>, vector<16xf32>,
      tpu.vector_store %arg10[%swap3A_56, %swap3A_57], %broadcast_in_dim3A_3 {strides = array<i32>} : memref<128x128xf32, #tpu.memory_space<vmem>>, vector<16xf32>,
      %swap3A_59 = arith.index_cast %scan3A_47 : i32 to index
      %swap3A_60 = arith.constant 64 : index
      %swap3A_61 = tpu.vector_load %arg10[%swap3A_59, %swap3A_60] {strides = array<i32>} : memref<128x128xf32, #tpu.memory_space<vmem>>, vector<16xf32>,
      tpu.vector_store %arg10[%swap3A_59, %swap3A_60], %broadcast_in_dim3A_3 {strides = array<i32>} : memref<128x128xf32, #tpu.memory_space<vmem>>, vector<16xf32>,
      %swap3A_62 = arith.index_cast %scan3A_47 : i32 to index
      %swap3A_63 = arith.constant 80 : index
      %swap3A_64 = tpu.vector_load %arg10[%swap3A_62, %swap3A_63] {strides = array<i32>} : memref<128x128xf32, #tpu.memory_space<vmem>>, vector<16xf32>,
      tpu.vector_store %arg10[%swap3A_62, %swap3A_63], %broadcast_in_dim3A_3 {strides = array<i32>} : memref<128x128xf32, #tpu.memory_space<vmem>>, vector<16xf32>,
      %swap3A_65 = arith.index_cast %scan3A_47 : i32 to index
      %swap3A_66 = arith.constant 96 : index
      %swap3A_67 = tpu.vector_load %arg10[%swap3A_65, %swap3A_66] {strides = array<i32>} : memref<128x128xf32, #tpu.memory_space<vmem>>, vector<16xf32>,
      tpu.vector_store %arg10[%swap3A_65, %swap3A_66], %broadcast_in_dim3A_3 {strides = array<i32>} : memref<128x128xf32, #tpu.memory_space<vmem>>, vector<16xf32>,
      %swap3A_68 = arith.index_cast %scan3A_47 : i32 to index
      %swap3A_69 = arith.constant 112 : index
      %swap3A_70 = tpu.vector_load %arg10[%swap3A_68, %swap3A_69] {strides = array<i32>} : memref<128x128xf32, #tpu.memory_space<vmem>>, vector<16xf32>,
      tpu.vector_store %arg10[%swap3A_68, %swap3A_69], %broadcast_in_dim3A_3 {strides = array<i32>} : memref<128x128xf32, #tpu.memory_space<vmem>>, vector<16xf32>,
    }
    %scan3A_8 = arith.constant 128 : i32
    %scan3A_9 = arith.constant 0 : i32
    %scan3A_10 = arith.constant 0 : i32
    %scan3A_11 = arith.constant 80 : i32
    %scan3A_12 = arith.addi %scan3A_10, %scan3A_11 : i32
    %scan3A_13 = arith.constant 1 : i32
    scf.for %scan3A_47 = %scan3A_10 to %scan3A_12 step %scan3A_13  : i32 {
      %mul3A_48 = arith.constant 16 : i32
      %mul3A_49 = arith.muli %scan3A_47, %mul3A_48 : i32
      %swap3A = arith.index_cast %mul3A_49 : i32 to index
      %swap3A_50 = tpu.vector_load %arg14[%swap3A] {strides = array<i32>} : memref<1280xf32, #tpu.memory_space<vmem>>, vector<16xf32>,
      tpu.vector_store %arg14[%swap3A], %broadcast_in_dim3A_3 {strides = array<i32>} : memref<1280xf32, #tpu.memory_space<vmem>>, vector<16xf32>,
    }
    %scan3A_14 = arith.constant 80 : i32
    %add3A = arith.constant 0 : i32
    %add3A_15 = arith.addi %mul3A_2, %add3A : i32
    "tpu.region"() ({
      %run_scoped3A = tpu.sem_alloc : memref<!tpu.dma_semaphore, #tpu.memory_space<semaphore_mem>>
      %dma_start3A = arith.constant 0 : i32
      %dma_start3A_47 = tpu.memref_slice %arg15[%add3A_15, %dma_start3A] : memref<10240x128xf32, #tpu.memory_space<vmem_shared>> -> memref<128x128xf32, #tpu.memory_space<vmem_shared>>
      %dma_start3A_48 = arith.constant 0 : i32
      %dma_start3A_49 = tpu.memref_slice %arg15[%add3A_15, %dma_start3A_48] : memref<10240x128xf32, #tpu.memory_space<vmem_shared>> -> memref<128x128xf32, #tpu.memory_space<vmem_shared>>
      tpu.enqueue_dma source(%arg10 : memref<128x128xf32, #tpu.memory_space<vmem>>) target(%dma_start3A_49 : memref<128x128xf32, #tpu.memory_space<vmem_shared>>) target_semaphore(%run_scoped3A : memref<!tpu.dma_semaphore, #tpu.memory_space<semaphore_mem>>)
      %dma_wait3A = arith.constant 0 : i32
      %dma_wait3A_50 = tpu.memref_slice %arg15[%add3A_15, %dma_wait3A] : memref<10240x128xf32, #tpu.memory_space<vmem_shared>> -> memref<128x128xf32, #tpu.memory_space<vmem_shared>>
      %dma_wait3A_51 = arith.constant 0 : i32
      %dma_wait3A_52 = tpu.memref_slice %arg15[%add3A_15, %dma_wait3A_51] : memref<10240x128xf32, #tpu.memory_space<vmem_shared>> -> memref<128x128xf32, #tpu.memory_space<vmem_shared>>
      tpu.wait_dma2 semaphore(%run_scoped3A : memref<!tpu.dma_semaphore, #tpu.memory_space<semaphore_mem>>) src(%arg10 : memref<128x128xf32, #tpu.memory_space<vmem>>) dst(%dma_wait3A_52 : memref<128x128xf32, #tpu.memory_space<vmem_shared>>)
      tpu.yield
    }) : () -> ()
    %add3A_16 = arith.constant 128 : i32
    %add3A_17 = arith.addi %mul3A_2, %add3A_16 : i32
    "tpu.region"() ({
      %run_scoped3A = tpu.sem_alloc : memref<!tpu.dma_semaphore, #tpu.memory_space<semaphore_mem>>
      %dma_start3A = arith.constant 0 : i32
      %dma_start3A_47 = tpu.memref_slice %arg15[%add3A_17, %dma_start3A] : memref<10240x128xf32, #tpu.memory_space<vmem_shared>> -> memref<128x128xf32, #tpu.memory_space<vmem_shared>>
      %dma_start3A_48 = arith.constant 0 : i32
      %dma_start3A_49 = tpu.memref_slice %arg15[%add3A_17, %dma_start3A_48] : memref<10240x128xf32, #tpu.memory_space<vmem_shared>> -> memref<128x128xf32, #tpu.memory_space<vmem_shared>>
      tpu.enqueue_dma source(%arg10 : memref<128x128xf32, #tpu.memory_space<vmem>>) target(%dma_start3A_49 : memref<128x128xf32, #tpu.memory_space<vmem_shared>>) target_semaphore(%run_scoped3A : memref<!tpu.dma_semaphore, #tpu.memory_space<semaphore_mem>>)
      %dma_wait3A = arith.constant 0 : i32
      %dma_wait3A_50 = tpu.memref_slice %arg15[%add3A_17, %dma_wait3A] : memref<10240x128xf32, #tpu.memory_space<vmem_shared>> -> memref<128x128xf32, #tpu.memory_space<vmem_shared>>
      %dma_wait3A_51 = arith.constant 0 : i32
      %dma_wait3A_52 = tpu.memref_slice %arg15[%add3A_17, %dma_wait3A_51] : memref<10240x128xf32, #tpu.memory_space<vmem_shared>> -> memref<128x128xf32, #tpu.memory_space<vmem_shared>>
      tpu.wait_dma2 semaphore(%run_scoped3A : memref<!tpu.dma_semaphore, #tpu.memory_space<semaphore_mem>>) src(%arg10 : memref<128x128xf32, #tpu.memory_space<vmem>>) dst(%dma_wait3A_52 : memref<128x128xf32, #tpu.memory_space<vmem_shared>>)
      tpu.yield
    }) : () -> ()
    %add3A_18 = arith.constant 256 : i32
    %add3A_19 = arith.addi %mul3A_2, %add3A_18 : i32
    "tpu.region"() ({
      %run_scoped3A = tpu.sem_alloc : memref<!tpu.dma_semaphore, #tpu.memory_space<semaphore_mem>>
      %dma_start3A = arith.constant 0 : i32
      %dma_start3A_47 = tpu.memref_slice %arg15[%add3A_19, %dma_start3A] : memref<10240x128xf32, #tpu.memory_space<vmem_shared>> -> memref<128x128xf32, #tpu.memory_space<vmem_shared>>
      %dma_start3A_48 = arith.constant 0 : i32
      %dma_start3A_49 = tpu.memref_slice %arg15[%add3A_19, %dma_start3A_48] : memref<10240x128xf32, #tpu.memory_space<vmem_shared>> -> memref<128x128xf32, #tpu.memory_space<vmem_shared>>
      tpu.enqueue_dma source(%arg10 : memref<128x128xf32, #tpu.memory_space<vmem>>) target(%dma_start3A_49 : memref<128x128xf32, #tpu.memory_space<vmem_shared>>) target_semaphore(%run_scoped3A : memref<!tpu.dma_semaphore, #tpu.memory_space<semaphore_mem>>)
      %dma_wait3A = arith.constant 0 : i32
      %dma_wait3A_50 = tpu.memref_slice %arg15[%add3A_19, %dma_wait3A] : memref<10240x128xf32, #tpu.memory_space<vmem_shared>> -> memref<128x128xf32, #tpu.memory_space<vmem_shared>>
      %dma_wait3A_51 = arith.constant 0 : i32
      %dma_wait3A_52 = tpu.memref_slice %arg15[%add3A_19, %dma_wait3A_51] : memref<10240x128xf32, #tpu.memory_space<vmem_shared>> -> memref<128x128xf32, #tpu.memory_space<vmem_shared>>
      tpu.wait_dma2 semaphore(%run_scoped3A : memref<!tpu.dma_semaphore, #tpu.memory_space<semaphore_mem>>) src(%arg10 : memref<128x128xf32, #tpu.memory_space<vmem>>) dst(%dma_wait3A_52 : memref<128x128xf32, #tpu.memory_space<vmem_shared>>)
      tpu.yield
    }) : () -> ()
    %add3A_20 = arith.constant 384 : i32
    %add3A_21 = arith.addi %mul3A_2, %add3A_20 : i32
    "tpu.region"() ({
      %run_scoped3A = tpu.sem_alloc : memref<!tpu.dma_semaphore, #tpu.memory_space<semaphore_mem>>
      %dma_start3A = arith.constant 0 : i32
      %dma_start3A_47 = tpu.memref_slice %arg15[%add3A_21, %dma_start3A] : memref<10240x128xf32, #tpu.memory_space<vmem_shared>> -> memref<128x128xf32, #tpu.memory_space<vmem_shared>>
      %dma_start3A_48 = arith.constant 0 : i32
      %dma_start3A_49 = tpu.memref_slice %arg15[%add3A_21, %dma_start3A_48] : memref<10240x128xf32, #tpu.memory_space<vmem_shared>> -> memref<128x128xf32, #tpu.memory_space<vmem_shared>>
      tpu.enqueue_dma source(%arg10 : memref<128x128xf32, #tpu.memory_space<vmem>>) target(%dma_start3A_49 : memref<128x128xf32, #tpu.memory_space<vmem_shared>>) target_semaphore(%run_scoped3A : memref<!tpu.dma_semaphore, #tpu.memory_space<semaphore_mem>>)
      %dma_wait3A = arith.constant 0 : i32
      %dma_wait3A_50 = tpu.memref_slice %arg15[%add3A_21, %dma_wait3A] : memref<10240x128xf32, #tpu.memory_space<vmem_shared>> -> memref<128x128xf32, #tpu.memory_space<vmem_shared>>
      %dma_wait3A_51 = arith.constant 0 : i32
      %dma_wait3A_52 = tpu.memref_slice %arg15[%add3A_21, %dma_wait3A_51] : memref<10240x128xf32, #tpu.memory_space<vmem_shared>> -> memref<128x128xf32, #tpu.memory_space<vmem_shared>>
      tpu.wait_dma2 semaphore(%run_scoped3A : memref<!tpu.dma_semaphore, #tpu.memory_space<semaphore_mem>>) src(%arg10 : memref<128x128xf32, #tpu.memory_space<vmem>>) dst(%dma_wait3A_52 : memref<128x128xf32, #tpu.memory_space<vmem_shared>>)
      tpu.yield
    }) : () -> ()
    %add3A_22 = arith.constant 512 : i32
    %add3A_23 = arith.addi %mul3A_2, %add3A_22 : i32
    "tpu.region"() ({
      %run_scoped3A = tpu.sem_alloc : memref<!tpu.dma_semaphore, #tpu.memory_space<semaphore_mem>>
      %dma_start3A = arith.constant 0 : i32
      %dma_start3A_47 = tpu.memref_slice %arg15[%add3A_23, %dma_start3A] : memref<10240x128xf32, #tpu.memory_space<vmem_shared>> -> memref<128x128xf32, #tpu.memory_space<vmem_shared>>
      %dma_start3A_48 = arith.constant 0 : i32
      %dma_start3A_49 = tpu.memref_slice %arg15[%add3A_23, %dma_start3A_48] : memref<10240x128xf32, #tpu.memory_space<vmem_shared>> -> memref<128x128xf32, #tpu.memory_space<vmem_shared>>
      tpu.enqueue_dma source(%arg10 : memref<128x128xf32, #tpu.memory_space<vmem>>) target(%dma_start3A_49 : memref<128x128xf32, #tpu.memory_space<vmem_shared>>) target_semaphore(%run_scoped3A : memref<!tpu.dma_semaphore, #tpu.memory_space<semaphore_mem>>)
      %dma_wait3A = arith.constant 0 : i32
      %dma_wait3A_50 = tpu.memref_slice %arg15[%add3A_23, %dma_wait3A] : memref<10240x128xf32, #tpu.memory_space<vmem_shared>> -> memref<128x128xf32, #tpu.memory_space<vmem_shared>>
      %dma_wait3A_51 = arith.constant 0 : i32
      %dma_wait3A_52 = tpu.memref_slice %arg15[%add3A_23, %dma_wait3A_51] : memref<10240x128xf32, #tpu.memory_space<vmem_shared>> -> memref<128x128xf32, #tpu.memory_space<vmem_shared>>
      tpu.wait_dma2 semaphore(%run_scoped3A : memref<!tpu.dma_semaphore, #tpu.memory_space<semaphore_mem>>) src(%arg10 : memref<128x128xf32, #tpu.memory_space<vmem>>) dst(%dma_wait3A_52 : memref<128x128xf32, #tpu.memory_space<vmem_shared>>)
      tpu.yield
    }) : () -> ()
    %mul3A_24 = arith.constant 2 : i32
    %mul3A_25 = arith.muli %mul3A_24, %mul3A_2 : i32
    "tpu.region"() ({
      %run_scoped3A = tpu.sem_alloc : memref<!tpu.dma_semaphore, #tpu.memory_space<semaphore_mem>>
      %dma_start3A = tpu.memref_slice %arg16[%mul3A_25] : memref<20480xf32, #tpu.memory_space<vmem_shared>> -> memref<1280xf32, #tpu.memory_space<vmem_shared>>
      %dma_start3A_47 = tpu.memref_slice %arg16[%mul3A_25] : memref<20480xf32, #tpu.memory_space<vmem_shared>> -> memref<1280xf32, #tpu.memory_space<vmem_shared>>
      tpu.enqueue_dma source(%arg14 : memref<1280xf32, #tpu.memory_space<vmem>>) target(%dma_start3A_47 : memref<1280xf32, #tpu.memory_space<vmem_shared>>) target_semaphore(%run_scoped3A : memref<!tpu.dma_semaphore, #tpu.memory_space<semaphore_mem>>)
      %dma_wait3A = tpu.memref_slice %arg16[%mul3A_25] : memref<20480xf32, #tpu.memory_space<vmem_shared>> -> memref<1280xf32, #tpu.memory_space<vmem_shared>>
      %dma_wait3A_48 = tpu.memref_slice %arg16[%mul3A_25] : memref<20480xf32, #tpu.memory_space<vmem_shared>> -> memref<1280xf32, #tpu.memory_space<vmem_shared>>
      tpu.wait_dma2 semaphore(%run_scoped3A : memref<!tpu.dma_semaphore, #tpu.memory_space<semaphore_mem>>) src(%arg14 : memref<1280xf32, #tpu.memory_space<vmem>>) dst(%dma_wait3A_48 : memref<1280xf32, #tpu.memory_space<vmem_shared>>)
      tpu.yield
    }) : () -> ()
    %barrier3A = arith.constant 0 : index
    tpu.barrier barrier_id(%barrier3A)
    %scan3A_26 = arith.constant 0 : i32
    %scan3A_27 = arith.constant 0 : i32
    %scan3A_28 = arith.constant 8 : i32
    %scan3A_29 = arith.addi %scan3A_27, %scan3A_28 : i32
    %scan3A_30 = arith.constant 1 : i32
    scf.for %scan3A_47 = %scan3A_27 to %scan3A_29 step %scan3A_30  : i32 {
      %mul3A_48 = arith.constant 20 : i32
      %mul3A_49 = arith.muli %scan3A_47, %mul3A_48 : i32
      "tpu.region"() ({
        %run_scoped3A = tpu.sem_alloc : memref<!tpu.dma_semaphore, #tpu.memory_space<semaphore_mem>>
        %dma_start3A_114 = arith.constant 0 : i32
        %dma_start3A_115 = arith.constant 0 : i32
        %dma_start3A_116 = tpu.memref_slice %arg4[%arg1, %mul3A_49, %dma_start3A_114, %dma_start3A_115] : memref<16x160x1x128xi32, #tpu.memory_space<hbm>> -> memref<1x20x1x128xi32, #tpu.memory_space<hbm>>
        %dma_start3A_117 = tpu.memref_squeeze %dma_start3A_116 : memref<1x20x1x128xi32, #tpu.memory_space<hbm>> -> memref<20x1x128xi32, #tpu.memory_space<hbm>>
        %dma_start3A_118 = arith.constant 0 : i32
        %dma_start3A_119 = arith.constant 0 : i32
        %dma_start3A_120 = tpu.memref_slice %arg4[%arg1, %mul3A_49, %dma_start3A_118, %dma_start3A_119] : memref<16x160x1x128xi32, #tpu.memory_space<hbm>> -> memref<1x20x1x128xi32, #tpu.memory_space<hbm>>
        %dma_start3A_121 = tpu.memref_squeeze %dma_start3A_120 : memref<1x20x1x128xi32, #tpu.memory_space<hbm>> -> memref<20x1x128xi32, #tpu.memory_space<hbm>>
        tpu.enqueue_dma source(%dma_start3A_121 : memref<20x1x128xi32, #tpu.memory_space<hbm>>) target(%arg8 : memref<20x1x128xi32, #tpu.memory_space<vmem>>) target_semaphore(%run_scoped3A : memref<!tpu.dma_semaphore, #tpu.memory_space<semaphore_mem>>)
        %dma_wait3A = arith.constant 0 : i32
        %dma_wait3A_122 = arith.constant 0 : i32
        %dma_wait3A_123 = tpu.memref_slice %arg4[%arg1, %mul3A_49, %dma_wait3A, %dma_wait3A_122] : memref<16x160x1x128xi32, #tpu.memory_space<hbm>> -> memref<1x20x1x128xi32, #tpu.memory_space<hbm>>
        %dma_wait3A_124 = tpu.memref_squeeze %dma_wait3A_123 : memref<1x20x1x128xi32, #tpu.memory_space<hbm>> -> memref<20x1x128xi32, #tpu.memory_space<hbm>>
        %dma_wait3A_125 = arith.constant 0 : i32
        %dma_wait3A_126 = arith.constant 0 : i32
        %dma_wait3A_127 = tpu.memref_slice %arg4[%arg1, %mul3A_49, %dma_wait3A_125, %dma_wait3A_126] : memref<16x160x1x128xi32, #tpu.memory_space<hbm>> -> memref<1x20x1x128xi32, #tpu.memory_space<hbm>>
        %dma_wait3A_128 = tpu.memref_squeeze %dma_wait3A_127 : memref<1x20x1x128xi32, #tpu.memory_space<hbm>> -> memref<20x1x128xi32, #tpu.memory_space<hbm>>
        tpu.wait_dma2 semaphore(%run_scoped3A : memref<!tpu.dma_semaphore, #tpu.memory_space<semaphore_mem>>) src(%dma_wait3A_128 : memref<20x1x128xi32, #tpu.memory_space<hbm>>) dst(%arg8 : memref<20x1x128xi32, #tpu.memory_space<vmem>>)
        tpu.yield
      }) : () -> ()
      %mul3A_50 = arith.constant 20 : i32
      %mul3A_51 = arith.muli %scan3A_47, %mul3A_50 : i32
      "tpu.region"() ({
        %run_scoped3A = tpu.sem_alloc : memref<!tpu.dma_semaphore, #tpu.memory_space<semaphore_mem>>
        %dma_start3A_114 = arith.constant 0 : i32
        %dma_start3A_115 = arith.constant 0 : i32
        %dma_start3A_116 = tpu.memref_slice %arg5[%arg1, %mul3A_51, %dma_start3A_114, %dma_start3A_115] : memref<16x160x1x128xi32, #tpu.memory_space<hbm>> -> memref<1x20x1x128xi32, #tpu.memory_space<hbm>>
        %dma_start3A_117 = tpu.memref_squeeze %dma_start3A_116 : memref<1x20x1x128xi32, #tpu.memory_space<hbm>> -> memref<20x1x128xi32, #tpu.memory_space<hbm>>
        %dma_start3A_118 = arith.constant 0 : i32
        %dma_start3A_119 = arith.constant 0 : i32
        %dma_start3A_120 = tpu.memref_slice %arg5[%arg1, %mul3A_51, %dma_start3A_118, %dma_start3A_119] : memref<16x160x1x128xi32, #tpu.memory_space<hbm>> -> memref<1x20x1x128xi32, #tpu.memory_space<hbm>>
        %dma_start3A_121 = tpu.memref_squeeze %dma_start3A_120 : memref<1x20x1x128xi32, #tpu.memory_space<hbm>> -> memref<20x1x128xi32, #tpu.memory_space<hbm>>
        tpu.enqueue_dma source(%dma_start3A_121 : memref<20x1x128xi32, #tpu.memory_space<hbm>>) target(%arg9 : memref<20x1x128xi32, #tpu.memory_space<vmem>>) target_semaphore(%run_scoped3A : memref<!tpu.dma_semaphore, #tpu.memory_space<semaphore_mem>>)
        %dma_wait3A = arith.constant 0 : i32
        %dma_wait3A_122 = arith.constant 0 : i32
        %dma_wait3A_123 = tpu.memref_slice %arg5[%arg1, %mul3A_51, %dma_wait3A, %dma_wait3A_122] : memref<16x160x1x128xi32, #tpu.memory_space<hbm>> -> memref<1x20x1x128xi32, #tpu.memory_space<hbm>>
        %dma_wait3A_124 = tpu.memref_squeeze %dma_wait3A_123 : memref<1x20x1x128xi32, #tpu.memory_space<hbm>> -> memref<20x1x128xi32, #tpu.memory_space<hbm>>
        %dma_wait3A_125 = arith.constant 0 : i32
        %dma_wait3A_126 = arith.constant 0 : i32
        %dma_wait3A_127 = tpu.memref_slice %arg5[%arg1, %mul3A_51, %dma_wait3A_125, %dma_wait3A_126] : memref<16x160x1x128xi32, #tpu.memory_space<hbm>> -> memref<1x20x1x128xi32, #tpu.memory_space<hbm>>
        %dma_wait3A_128 = tpu.memref_squeeze %dma_wait3A_127 : memref<1x20x1x128xi32, #tpu.memory_space<hbm>> -> memref<20x1x128xi32, #tpu.memory_space<hbm>>
        tpu.wait_dma2 semaphore(%run_scoped3A : memref<!tpu.dma_semaphore, #tpu.memory_space<semaphore_mem>>) src(%dma_wait3A_128 : memref<20x1x128xi32, #tpu.memory_space<hbm>>) dst(%arg9 : memref<20x1x128xi32, #tpu.memory_space<vmem>>)
        tpu.yield
      }) : () -> ()
      %mul3A_52 = arith.constant 20480 : i32
      %mul3A_53 = arith.muli %arg1, %mul3A_52 : i32
      %mul3A_54 = arith.constant 2560 : i32
      %mul3A_55 = arith.muli %scan3A_47, %mul3A_54 : i32
      %add3A_56 = arith.addi %mul3A_53, %mul3A_55 : i32
      %mul3A_57 = arith.constant 2 : i32
      %mul3A_58 = arith.muli %mul3A_57, %add3A_56 : i32
      "tpu.region"() ({
        %run_scoped3A = tpu.sem_alloc : memref<!tpu.dma_semaphore, #tpu.memory_space<semaphore_mem>>
        %dma_start3A_114 = arith.constant 0 : i32
        %dma_start3A_115 = tpu.memref_slice %arg12[%dma_start3A_114] : memref<5136xf32, #tpu.memory_space<vmem>> -> memref<5120xf32, #tpu.memory_space<vmem>>
        %dma_start3A_116 = tpu.memref_slice %arg3[%arg0, %mul3A_58] : memref<2x655360xf32, #tpu.memory_space<hbm>> -> memref<1x5120xf32, #tpu.memory_space<hbm>>
        %dma_start3A_117 = tpu.memref_squeeze %dma_start3A_116 : memref<1x5120xf32, #tpu.memory_space<hbm>> -> memref<5120xf32, #tpu.memory_space<hbm>>
        %dma_start3A_118 = arith.constant 0 : i32
        %dma_start3A_119 = tpu.memref_slice %arg12[%dma_start3A_118] : memref<5136xf32, #tpu.memory_space<vmem>> -> memref<5120xf32, #tpu.memory_space<vmem>>
        %dma_start3A_120 = tpu.memref_slice %arg3[%arg0, %mul3A_58] : memref<2x655360xf32, #tpu.memory_space<hbm>> -> memref<1x5120xf32, #tpu.memory_space<hbm>>
        %dma_start3A_121 = tpu.memref_squeeze %dma_start3A_120 : memref<1x5120xf32, #tpu.memory_space<hbm>> -> memref<5120xf32, #tpu.memory_space<hbm>>
        tpu.enqueue_dma source(%dma_start3A_121 : memref<5120xf32, #tpu.memory_space<hbm>>) target(%dma_start3A_119 : memref<5120xf32, #tpu.memory_space<vmem>>) target_semaphore(%run_scoped3A : memref<!tpu.dma_semaphore, #tpu.memory_space<semaphore_mem>>)
        %dma_wait3A = arith.constant 0 : i32
        %dma_wait3A_122 = tpu.memref_slice %arg12[%dma_wait3A] : memref<5136xf32, #tpu.memory_space<vmem>> -> memref<5120xf32, #tpu.memory_space<vmem>>
        %dma_wait3A_123 = tpu.memref_slice %arg3[%arg0, %mul3A_58] : memref<2x655360xf32, #tpu.memory_space<hbm>> -> memref<1x5120xf32, #tpu.memory_space<hbm>>
        %dma_wait3A_124 = tpu.memref_squeeze %dma_wait3A_123 : memref<1x5120xf32, #tpu.memory_space<hbm>> -> memref<5120xf32, #tpu.memory_space<hbm>>
        %dma_wait3A_125 = arith.constant 0 : i32
        %dma_wait3A_126 = tpu.memref_slice %arg12[%dma_wait3A_125] : memref<5136xf32, #tpu.memory_space<vmem>> -> memref<5120xf32, #tpu.memory_space<vmem>>
        %dma_wait3A_127 = tpu.memref_slice %arg3[%arg0, %mul3A_58] : memref<2x655360xf32, #tpu.memory_space<hbm>> -> memref<1x5120xf32, #tpu.memory_space<hbm>>
        %dma_wait3A_128 = tpu.memref_squeeze %dma_wait3A_127 : memref<1x5120xf32, #tpu.memory_space<hbm>> -> memref<5120xf32, #tpu.memory_space<hbm>>
        tpu.wait_dma2 semaphore(%run_scoped3A : memref<!tpu.dma_semaphore, #tpu.memory_space<semaphore_mem>>) src(%dma_wait3A_128 : memref<5120xf32, #tpu.memory_space<hbm>>) dst(%dma_wait3A_126 : memref<5120xf32, #tpu.memory_space<vmem>>)
        tpu.yield
      }) : () -> ()
      %scan3A_59 = arith.constant 0 : i32
      %scan3A_60 = arith.constant 0 : i32
      %scan3A_61 = arith.constant 20 : i32
      %scan3A_62 = arith.addi %scan3A_60, %scan3A_61 : i32
      %scan3A_63 = arith.constant 1 : i32
      scf.for %scan3A_114 = %scan3A_60 to %scan3A_62 step %scan3A_63  : i32 {
        %get3A = arith.constant 0 : i32
        %get3A_115 = arith.index_cast %scan3A_114 : i32 to index
        %get3A_116 = arith.index_cast %get3A : i32 to index
        %get3A_117 = arith.constant 0 : index
        %get3A_118 = tpu.vector_load %arg9[%get3A_115, %get3A_116, %get3A_117] {strides = array<i32>} : memref<20x1x128xi32, #tpu.memory_space<vmem>>, vector<16xi32>,
        %add3A_119 = vector.broadcast %mul3A_0 : i32 to vector<16xi32>
        %add3A_120 = arith.addi %get3A_118, %add3A_119 : vector<16xi32>
        %swap3A = arith.constant 0 : i32
        %swap3A_121 = arith.index_cast %scan3A_114 : i32 to index
        %swap3A_122 = arith.index_cast %swap3A : i32 to index
        %swap3A_123 = arith.constant 0 : index
        %swap3A_124 = tpu.vector_load %arg9[%swap3A_121, %swap3A_122, %swap3A_123] {strides = array<i32>} : memref<20x1x128xi32, #tpu.memory_space<vmem>>, vector<16xi32>,
        tpu.vector_store %arg9[%swap3A_121, %swap3A_122, %swap3A_123], %add3A_120 {strides = array<i32>} : memref<20x1x128xi32, #tpu.memory_space<vmem>>, vector<16xi32>,
        %get3A_125 = arith.constant 0 : i32
        %get3A_126 = arith.index_cast %scan3A_114 : i32 to index
        %get3A_127 = arith.index_cast %get3A_125 : i32 to index
        %get3A_128 = arith.constant 16 : index
        %get3A_129 = tpu.vector_load %arg9[%get3A_126, %get3A_127, %get3A_128] {strides = array<i32>} : memref<20x1x128xi32, #tpu.memory_space<vmem>>, vector<16xi32>,
        %add3A_130 = vector.broadcast %mul3A_0 : i32 to vector<16xi32>
        %add3A_131 = arith.addi %get3A_129, %add3A_130 : vector<16xi32>
        %swap3A_132 = arith.constant 0 : i32
        %swap3A_133 = arith.index_cast %scan3A_114 : i32 to index
        %swap3A_134 = arith.index_cast %swap3A_132 : i32 to index
        %swap3A_135 = arith.constant 16 : index
        %swap3A_136 = tpu.vector_load %arg9[%swap3A_133, %swap3A_134, %swap3A_135] {strides = array<i32>} : memref<20x1x128xi32, #tpu.memory_space<vmem>>, vector<16xi32>,
        tpu.vector_store %arg9[%swap3A_133, %swap3A_134, %swap3A_135], %add3A_131 {strides = array<i32>} : memref<20x1x128xi32, #tpu.memory_space<vmem>>, vector<16xi32>,
        %get3A_137 = arith.constant 0 : i32
        %get3A_138 = arith.index_cast %scan3A_114 : i32 to index
        %get3A_139 = arith.index_cast %get3A_137 : i32 to index
        %get3A_140 = arith.constant 32 : index
        %get3A_141 = tpu.vector_load %arg9[%get3A_138, %get3A_139, %get3A_140] {strides = array<i32>} : memref<20x1x128xi32, #tpu.memory_space<vmem>>, vector<16xi32>,
        %add3A_142 = vector.broadcast %mul3A_0 : i32 to vector<16xi32>
        %add3A_143 = arith.addi %get3A_141, %add3A_142 : vector<16xi32>
        %swap3A_144 = arith.constant 0 : i32
        %swap3A_145 = arith.index_cast %scan3A_114 : i32 to index
        %swap3A_146 = arith.index_cast %swap3A_144 : i32 to index
        %swap3A_147 = arith.constant 32 : index
        %swap3A_148 = tpu.vector_load %arg9[%swap3A_145, %swap3A_146, %swap3A_147] {strides = array<i32>} : memref<20x1x128xi32, #tpu.memory_space<vmem>>, vector<16xi32>,
        tpu.vector_store %arg9[%swap3A_145, %swap3A_146, %swap3A_147], %add3A_143 {strides = array<i32>} : memref<20x1x128xi32, #tpu.memory_space<vmem>>, vector<16xi32>,
        %get3A_149 = arith.constant 0 : i32
        %get3A_150 = arith.index_cast %scan3A_114 : i32 to index
        %get3A_151 = arith.index_cast %get3A_149 : i32 to index
        %get3A_152 = arith.constant 48 : index
        %get3A_153 = tpu.vector_load %arg9[%get3A_150, %get3A_151, %get3A_152] {strides = array<i32>} : memref<20x1x128xi32, #tpu.memory_space<vmem>>, vector<16xi32>,
        %add3A_154 = vector.broadcast %mul3A_0 : i32 to vector<16xi32>
        %add3A_155 = arith.addi %get3A_153, %add3A_154 : vector<16xi32>
        %swap3A_156 = arith.constant 0 : i32
        %swap3A_157 = arith.index_cast %scan3A_114 : i32 to index
        %swap3A_158 = arith.index_cast %swap3A_156 : i32 to index
        %swap3A_159 = arith.constant 48 : index
        %swap3A_160 = tpu.vector_load %arg9[%swap3A_157, %swap3A_158, %swap3A_159] {strides = array<i32>} : memref<20x1x128xi32, #tpu.memory_space<vmem>>, vector<16xi32>,
        tpu.vector_store %arg9[%swap3A_157, %swap3A_158, %swap3A_159], %add3A_155 {strides = array<i32>} : memref<20x1x128xi32, #tpu.memory_space<vmem>>, vector<16xi32>,
        %get3A_161 = arith.constant 0 : i32
        %get3A_162 = arith.index_cast %scan3A_114 : i32 to index
        %get3A_163 = arith.index_cast %get3A_161 : i32 to index
        %get3A_164 = arith.constant 64 : index
        %get3A_165 = tpu.vector_load %arg9[%get3A_162, %get3A_163, %get3A_164] {strides = array<i32>} : memref<20x1x128xi32, #tpu.memory_space<vmem>>, vector<16xi32>,
        %add3A_166 = vector.broadcast %mul3A_0 : i32 to vector<16xi32>
        %add3A_167 = arith.addi %get3A_165, %add3A_166 : vector<16xi32>
        %swap3A_168 = arith.constant 0 : i32
        %swap3A_169 = arith.index_cast %scan3A_114 : i32 to index
        %swap3A_170 = arith.index_cast %swap3A_168 : i32 to index
        %swap3A_171 = arith.constant 64 : index
        %swap3A_172 = tpu.vector_load %arg9[%swap3A_169, %swap3A_170, %swap3A_171] {strides = array<i32>} : memref<20x1x128xi32, #tpu.memory_space<vmem>>, vector<16xi32>,
        tpu.vector_store %arg9[%swap3A_169, %swap3A_170, %swap3A_171], %add3A_167 {strides = array<i32>} : memref<20x1x128xi32, #tpu.memory_space<vmem>>, vector<16xi32>,
        %get3A_173 = arith.constant 0 : i32
        %get3A_174 = arith.index_cast %scan3A_114 : i32 to index
        %get3A_175 = arith.index_cast %get3A_173 : i32 to index
        %get3A_176 = arith.constant 80 : index
        %get3A_177 = tpu.vector_load %arg9[%get3A_174, %get3A_175, %get3A_176] {strides = array<i32>} : memref<20x1x128xi32, #tpu.memory_space<vmem>>, vector<16xi32>,
        %add3A_178 = vector.broadcast %mul3A_0 : i32 to vector<16xi32>
        %add3A_179 = arith.addi %get3A_177, %add3A_178 : vector<16xi32>
        %swap3A_180 = arith.constant 0 : i32
        %swap3A_181 = arith.index_cast %scan3A_114 : i32 to index
        %swap3A_182 = arith.index_cast %swap3A_180 : i32 to index
        %swap3A_183 = arith.constant 80 : index
        %swap3A_184 = tpu.vector_load %arg9[%swap3A_181, %swap3A_182, %swap3A_183] {strides = array<i32>} : memref<20x1x128xi32, #tpu.memory_space<vmem>>, vector<16xi32>,
        tpu.vector_store %arg9[%swap3A_181, %swap3A_182, %swap3A_183], %add3A_179 {strides = array<i32>} : memref<20x1x128xi32, #tpu.memory_space<vmem>>, vector<16xi32>,
        %get3A_185 = arith.constant 0 : i32
        %get3A_186 = arith.index_cast %scan3A_114 : i32 to index
        %get3A_187 = arith.index_cast %get3A_185 : i32 to index
        %get3A_188 = arith.constant 96 : index
        %get3A_189 = tpu.vector_load %arg9[%get3A_186, %get3A_187, %get3A_188] {strides = array<i32>} : memref<20x1x128xi32, #tpu.memory_space<vmem>>, vector<16xi32>,
        %add3A_190 = vector.broadcast %mul3A_0 : i32 to vector<16xi32>
        %add3A_191 = arith.addi %get3A_189, %add3A_190 : vector<16xi32>
        %swap3A_192 = arith.constant 0 : i32
        %swap3A_193 = arith.index_cast %scan3A_114 : i32 to index
        %swap3A_194 = arith.index_cast %swap3A_192 : i32 to index
        %swap3A_195 = arith.constant 96 : index
        %swap3A_196 = tpu.vector_load %arg9[%swap3A_193, %swap3A_194, %swap3A_195] {strides = array<i32>} : memref<20x1x128xi32, #tpu.memory_space<vmem>>, vector<16xi32>,
        tpu.vector_store %arg9[%swap3A_193, %swap3A_194, %swap3A_195], %add3A_191 {strides = array<i32>} : memref<20x1x128xi32, #tpu.memory_space<vmem>>, vector<16xi32>,
        %get3A_197 = arith.constant 0 : i32
        %get3A_198 = arith.index_cast %scan3A_114 : i32 to index
        %get3A_199 = arith.index_cast %get3A_197 : i32 to index
        %get3A_200 = arith.constant 112 : index
        %get3A_201 = tpu.vector_load %arg9[%get3A_198, %get3A_199, %get3A_200] {strides = array<i32>} : memref<20x1x128xi32, #tpu.memory_space<vmem>>, vector<16xi32>,
        %add3A_202 = vector.broadcast %mul3A_0 : i32 to vector<16xi32>
        %add3A_203 = arith.addi %get3A_201, %add3A_202 : vector<16xi32>
        %swap3A_204 = arith.constant 0 : i32
        %swap3A_205 = arith.index_cast %scan3A_114 : i32 to index
        %swap3A_206 = arith.index_cast %swap3A_204 : i32 to index
        %swap3A_207 = arith.constant 112 : index
        %swap3A_208 = tpu.vector_load %arg9[%swap3A_205, %swap3A_206, %swap3A_207] {strides = array<i32>} : memref<20x1x128xi32, #tpu.memory_space<vmem>>, vector<16xi32>,
        tpu.vector_store %arg9[%swap3A_205, %swap3A_206, %swap3A_207], %add3A_203 {strides = array<i32>} : memref<20x1x128xi32, #tpu.memory_space<vmem>>, vector<16xi32>,
      }
      %scan3A_64 = arith.constant 20 : i32
      %dma_start3A = arith.constant 0 : i32
      %dma_start3A_65 = arith.constant 0 : i32
      %dma_start3A_66 = arith.constant 0 : i32
      %dma_start3A_67 = arith.constant 0 : i32
      %dma_start3A_68 = tpu.memref_slice %arg10[%dma_start3A_66, %dma_start3A_67] : memref<128x128xf32, #tpu.memory_space<vmem>> -> memref<64x128xf32, #tpu.memory_space<vmem>>
      %dma_start3A_69 = arith.constant 0 : i32
      %dma_start3A_70 = tpu.memref_slice %arg9[%dma_start3A, %dma_start3A_65, %dma_start3A_69] : memref<20x1x128xi32, #tpu.memory_space<vmem>> -> memref<1x1x64xi32, #tpu.memory_space<vmem>>
      %dma_start3A_71 = tpu.memref_squeeze %dma_start3A_70 : memref<1x1x64xi32, #tpu.memory_space<vmem>> -> memref<64xi32, #tpu.memory_space<vmem>>
      %dma_start3A_72 = arith.constant 0 : i32
      %dma_start3A_73 = arith.constant 0 : i32
      %dma_start3A_74 = tpu.memref_slice %arg2[%dma_start3A_72, %dma_start3A_73] : memref<20000x128xf32, #tpu.memory_space<hbm>> -> memref<20000x128xf32, #tpu.memory_space<hbm>>
      tpu.enqueue_indirect_dma source(%dma_start3A_74 : memref<20000x128xf32, #tpu.memory_space<hbm>>) target(%dma_start3A_68 : memref<64x128xf32, #tpu.memory_space<vmem>>) offsets(%dma_start3A_71 : memref<64xi32, #tpu.memory_space<vmem>>) semaphore(%arg17 : memref<!tpu.dma_semaphore, #tpu.memory_space<semaphore_mem>>)
      %dma_start3A_75 = arith.constant 0 : i32
      %dma_start3A_76 = arith.constant 0 : i32
      %dma_start3A_77 = arith.constant 64 : i32
      %dma_start3A_78 = arith.constant 0 : i32
      %dma_start3A_79 = tpu.memref_slice %arg10[%dma_start3A_77, %dma_start3A_78] : memref<128x128xf32, #tpu.memory_space<vmem>> -> memref<64x128xf32, #tpu.memory_space<vmem>>
      %dma_start3A_80 = arith.constant 64 : i32
      %dma_start3A_81 = tpu.memref_slice %arg9[%dma_start3A_75, %dma_start3A_76, %dma_start3A_80] : memref<20x1x128xi32, #tpu.memory_space<vmem>> -> memref<1x1x64xi32, #tpu.memory_space<vmem>>
      %dma_start3A_82 = tpu.memref_squeeze %dma_start3A_81 : memref<1x1x64xi32, #tpu.memory_space<vmem>> -> memref<64xi32, #tpu.memory_space<vmem>>
      %dma_start3A_83 = arith.constant 0 : i32
      %dma_start3A_84 = arith.constant 0 : i32
      %dma_start3A_85 = tpu.memref_slice %arg2[%dma_start3A_83, %dma_start3A_84] : memref<20000x128xf32, #tpu.memory_space<hbm>> -> memref<20000x128xf32, #tpu.memory_space<hbm>>
      tpu.enqueue_indirect_dma source(%dma_start3A_85 : memref<20000x128xf32, #tpu.memory_space<hbm>>) target(%dma_start3A_79 : memref<64x128xf32, #tpu.memory_space<vmem>>) offsets(%dma_start3A_82 : memref<64xi32, #tpu.memory_space<vmem>>) semaphore(%arg17 : memref<!tpu.dma_semaphore, #tpu.memory_space<semaphore_mem>>)
      %dma_start3A_86 = arith.constant 1 : i32
      %dma_start3A_87 = arith.constant 0 : i32
      %dma_start3A_88 = arith.constant 0 : i32
      %dma_start3A_89 = arith.constant 0 : i32
      %dma_start3A_90 = tpu.memref_slice %arg11[%dma_start3A_88, %dma_start3A_89] : memref<128x128xf32, #tpu.memory_space<vmem>> -> memref<64x128xf32, #tpu.memory_space<vmem>>
      %dma_start3A_91 = arith.constant 0 : i32
      %dma_start3A_92 = tpu.memref_slice %arg9[%dma_start3A_86, %dma_start3A_87, %dma_start3A_91] : memref<20x1x128xi32, #tpu.memory_space<vmem>> -> memref<1x1x64xi32, #tpu.memory_space<vmem>>
      %dma_start3A_93 = tpu.memref_squeeze %dma_start3A_92 : memref<1x1x64xi32, #tpu.memory_space<vmem>> -> memref<64xi32, #tpu.memory_space<vmem>>
      %dma_start3A_94 = arith.constant 0 : i32
      %dma_start3A_95 = arith.constant 0 : i32
      %dma_start3A_96 = tpu.memref_slice %arg2[%dma_start3A_94, %dma_start3A_95] : memref<20000x128xf32, #tpu.memory_space<hbm>> -> memref<20000x128xf32, #tpu.memory_space<hbm>>
      tpu.enqueue_indirect_dma source(%dma_start3A_96 : memref<20000x128xf32, #tpu.memory_space<hbm>>) target(%dma_start3A_90 : memref<64x128xf32, #tpu.memory_space<vmem>>) offsets(%dma_start3A_93 : memref<64xi32, #tpu.memory_space<vmem>>) semaphore(%arg18 : memref<!tpu.dma_semaphore, #tpu.memory_space<semaphore_mem>>)
      %dma_start3A_97 = arith.constant 1 : i32
      %dma_start3A_98 = arith.constant 0 : i32
      %dma_start3A_99 = arith.constant 64 : i32
      %dma_start3A_100 = arith.constant 0 : i32
      %dma_start3A_101 = tpu.memref_slice %arg11[%dma_start3A_99, %dma_start3A_100] : memref<128x128xf32, #tpu.memory_space<vmem>> -> memref<64x128xf32, #tpu.memory_space<vmem>>
      %dma_start3A_102 = arith.constant 64 : i32
      %dma_start3A_103 = tpu.memref_slice %arg9[%dma_start3A_97, %dma_start3A_98, %dma_start3A_102] : memref<20x1x128xi32, #tpu.memory_space<vmem>> -> memref<1x1x64xi32, #tpu.memory_space<vmem>>
      %dma_start3A_104 = tpu.memref_squeeze %dma_start3A_103 : memref<1x1x64xi32, #tpu.memory_space<vmem>> -> memref<64xi32, #tpu.memory_space<vmem>>
      %dma_start3A_105 = arith.constant 0 : i32
      %dma_start3A_106 = arith.constant 0 : i32
      %dma_start3A_107 = tpu.memref_slice %arg2[%dma_start3A_105, %dma_start3A_106] : memref<20000x128xf32, #tpu.memory_space<hbm>> -> memref<20000x128xf32, #tpu.memory_space<hbm>>
      tpu.enqueue_indirect_dma source(%dma_start3A_107 : memref<20000x128xf32, #tpu.memory_space<hbm>>) target(%dma_start3A_101 : memref<64x128xf32, #tpu.memory_space<vmem>>) offsets(%dma_start3A_104 : memref<64xi32, #tpu.memory_space<vmem>>) semaphore(%arg18 : memref<!tpu.dma_semaphore, #tpu.memory_space<semaphore_mem>>)
      %scan3A_108 = arith.constant 0 : i32
      %scan3A_109 = arith.constant 0 : i32
      %scan3A_110 = arith.constant 10 : i32
      %scan3A_111 = arith.addi %scan3A_109, %scan3A_110 : i32
      %scan3A_112 = arith.constant 1 : i32
      scf.for %scan3A_114 = %scan3A_109 to %scan3A_111 step %scan3A_112  : i32 {
        %mul3A_115 = arith.constant 2 : i32
        %mul3A_116 = arith.muli %mul3A_115, %scan3A_114 : i32
        %add3A_117 = arith.constant 1 : i32
        %add3A_118 = arith.addi %mul3A_116, %add3A_117 : i32
        %dma_wait3A = arith.constant 0 : i32
        %dma_wait3A_119 = arith.constant 0 : i32
        %dma_wait3A_120 = arith.constant 0 : i32
        %dma_wait3A_121 = tpu.memref_slice %arg9[%dma_wait3A, %dma_wait3A_119, %dma_wait3A_120] : memref<20x1x128xi32, #tpu.memory_space<vmem>> -> memref<1x1x128xi32, #tpu.memory_space<vmem>>
        %dma_wait3A_122 = tpu.memref_squeeze %dma_wait3A_121 : memref<1x1x128xi32, #tpu.memory_space<vmem>> -> memref<128xi32, #tpu.memory_space<vmem>>
        %dma_wait3A_123 = arith.constant 0 : i32
        %dma_wait3A_124 = arith.constant 0 : i32
        %dma_wait3A_125 = tpu.memref_slice %arg2[%dma_wait3A_123, %dma_wait3A_124] : memref<20000x128xf32, #tpu.memory_space<hbm>> -> memref<20000x128xf32, #tpu.memory_space<hbm>>
        tpu.wait_indirect_dma semaphore(%arg17 : memref<!tpu.dma_semaphore, #tpu.memory_space<semaphore_mem>>) src(%dma_wait3A_125 : memref<20000x128xf32, #tpu.memory_space<hbm>>) dst(%arg10 : memref<128x128xf32, #tpu.memory_space<vmem>>)
        %add3A_126 = arith.constant 0 : i32
        %add3A_127 = vector.broadcast %add3A_126 : i32 to vector<16xi32>
        %add3A_128 = arith.addi %add3A_127, %iota3A : vector<16xi32>
        %mul3A_129 = arith.constant 2 : i32
        %mul3A_130 = vector.broadcast %mul3A_129 : i32 to vector<16xi32>
        %mul3A_131 = arith.muli %add3A_128, %mul3A_130 : vector<16xi32>
        %get3A = arith.constant 0 : i32
        %get3A_132 = arith.index_cast %mul3A_116 : i32 to index
        %get3A_133 = arith.index_cast %get3A : i32 to index
        %get3A_134 = arith.constant 0 : index
        %get3A_135 = tpu.vector_load %arg8[%get3A_132, %get3A_133, %get3A_134] {strides = array<i32>} : memref<20x1x128xi32, #tpu.memory_space<vmem>>, vector<16xi32>,
        %mul3A_136 = arith.constant 2 : i32
        %mul3A_137 = vector.broadcast %mul3A_136 : i32 to vector<16xi32>
        %mul3A_138 = arith.muli %get3A_135, %mul3A_137 : vector<16xi32>
        tpu.vector_store_idx %arg13[%mul3A_131], %mul3A_138 : memref<256xi32, #tpu.memory_space<vmem>>[vector<16xi32>], vector<16xi32>,
        %add3A_139 = arith.constant 1 : i32
        %add3A_140 = vector.broadcast %add3A_139 : i32 to vector<16xi32>
        %add3A_141 = arith.addi %mul3A_131, %add3A_140 : vector<16xi32>
        %add3A_142 = arith.constant 1 : i32
        %add3A_143 = vector.broadcast %add3A_142 : i32 to vector<16xi32>
        %add3A_144 = arith.addi %mul3A_138, %add3A_143 : vector<16xi32>
        tpu.vector_store_idx %arg13[%add3A_141], %add3A_144 : memref<256xi32, #tpu.memory_space<vmem>>[vector<16xi32>], vector<16xi32>,
        %add3A_145 = arith.constant 16 : i32
        %add3A_146 = vector.broadcast %add3A_145 : i32 to vector<16xi32>
        %add3A_147 = arith.addi %add3A_146, %iota3A : vector<16xi32>
        %mul3A_148 = arith.constant 2 : i32
        %mul3A_149 = vector.broadcast %mul3A_148 : i32 to vector<16xi32>
        %mul3A_150 = arith.muli %add3A_147, %mul3A_149 : vector<16xi32>
        %get3A_151 = arith.constant 0 : i32
        %get3A_152 = arith.index_cast %mul3A_116 : i32 to index
        %get3A_153 = arith.index_cast %get3A_151 : i32 to index
        %get3A_154 = arith.constant 16 : index
        %get3A_155 = tpu.vector_load %arg8[%get3A_152, %get3A_153, %get3A_154] {strides = array<i32>} : memref<20x1x128xi32, #tpu.memory_space<vmem>>, vector<16xi32>,
        %mul3A_156 = arith.constant 2 : i32
        %mul3A_157 = vector.broadcast %mul3A_156 : i32 to vector<16xi32>
        %mul3A_158 = arith.muli %get3A_155, %mul3A_157 : vector<16xi32>
        tpu.vector_store_idx %arg13[%mul3A_150], %mul3A_158 : memref<256xi32, #tpu.memory_space<vmem>>[vector<16xi32>], vector<16xi32>,
        %add3A_159 = arith.constant 1 : i32
        %add3A_160 = vector.broadcast %add3A_159 : i32 to vector<16xi32>
        %add3A_161 = arith.addi %mul3A_150, %add3A_160 : vector<16xi32>
        %add3A_162 = arith.constant 1 : i32
        %add3A_163 = vector.broadcast %add3A_162 : i32 to vector<16xi32>
        %add3A_164 = arith.addi %mul3A_158, %add3A_163 : vector<16xi32>
        tpu.vector_store_idx %arg13[%add3A_161], %add3A_164 : memref<256xi32, #tpu.memory_space<vmem>>[vector<16xi32>], vector<16xi32>,
        %add3A_165 = arith.constant 32 : i32
        %add3A_166 = vector.broadcast %add3A_165 : i32 to vector<16xi32>
        %add3A_167 = arith.addi %add3A_166, %iota3A : vector<16xi32>
        %mul3A_168 = arith.constant 2 : i32
        %mul3A_169 = vector.broadcast %mul3A_168 : i32 to vector<16xi32>
        %mul3A_170 = arith.muli %add3A_167, %mul3A_169 : vector<16xi32>
        %get3A_171 = arith.constant 0 : i32
        %get3A_172 = arith.index_cast %mul3A_116 : i32 to index
        %get3A_173 = arith.index_cast %get3A_171 : i32 to index
        %get3A_174 = arith.constant 32 : index
        %get3A_175 = tpu.vector_load %arg8[%get3A_172, %get3A_173, %get3A_174] {strides = array<i32>} : memref<20x1x128xi32, #tpu.memory_space<vmem>>, vector<16xi32>,
        %mul3A_176 = arith.constant 2 : i32
        %mul3A_177 = vector.broadcast %mul3A_176 : i32 to vector<16xi32>
        %mul3A_178 = arith.muli %get3A_175, %mul3A_177 : vector<16xi32>
        tpu.vector_store_idx %arg13[%mul3A_170], %mul3A_178 : memref<256xi32, #tpu.memory_space<vmem>>[vector<16xi32>], vector<16xi32>,
        %add3A_179 = arith.constant 1 : i32
        %add3A_180 = vector.broadcast %add3A_179 : i32 to vector<16xi32>
        %add3A_181 = arith.addi %mul3A_170, %add3A_180 : vector<16xi32>
        %add3A_182 = arith.constant 1 : i32
        %add3A_183 = vector.broadcast %add3A_182 : i32 to vector<16xi32>
        %add3A_184 = arith.addi %mul3A_178, %add3A_183 : vector<16xi32>
        tpu.vector_store_idx %arg13[%add3A_181], %add3A_184 : memref<256xi32, #tpu.memory_space<vmem>>[vector<16xi32>], vector<16xi32>,
        %add3A_185 = arith.constant 48 : i32
        %add3A_186 = vector.broadcast %add3A_185 : i32 to vector<16xi32>
        %add3A_187 = arith.addi %add3A_186, %iota3A : vector<16xi32>
        %mul3A_188 = arith.constant 2 : i32
        %mul3A_189 = vector.broadcast %mul3A_188 : i32 to vector<16xi32>
        %mul3A_190 = arith.muli %add3A_187, %mul3A_189 : vector<16xi32>
        %get3A_191 = arith.constant 0 : i32
        %get3A_192 = arith.index_cast %mul3A_116 : i32 to index
        %get3A_193 = arith.index_cast %get3A_191 : i32 to index
        %get3A_194 = arith.constant 48 : index
        %get3A_195 = tpu.vector_load %arg8[%get3A_192, %get3A_193, %get3A_194] {strides = array<i32>} : memref<20x1x128xi32, #tpu.memory_space<vmem>>, vector<16xi32>,
        %mul3A_196 = arith.constant 2 : i32
        %mul3A_197 = vector.broadcast %mul3A_196 : i32 to vector<16xi32>
        %mul3A_198 = arith.muli %get3A_195, %mul3A_197 : vector<16xi32>
        tpu.vector_store_idx %arg13[%mul3A_190], %mul3A_198 : memref<256xi32, #tpu.memory_space<vmem>>[vector<16xi32>], vector<16xi32>,
        %add3A_199 = arith.constant 1 : i32
        %add3A_200 = vector.broadcast %add3A_199 : i32 to vector<16xi32>
        %add3A_201 = arith.addi %mul3A_190, %add3A_200 : vector<16xi32>
        %add3A_202 = arith.constant 1 : i32
        %add3A_203 = vector.broadcast %add3A_202 : i32 to vector<16xi32>
        %add3A_204 = arith.addi %mul3A_198, %add3A_203 : vector<16xi32>
        tpu.vector_store_idx %arg13[%add3A_201], %add3A_204 : memref<256xi32, #tpu.memory_space<vmem>>[vector<16xi32>], vector<16xi32>,
        %add3A_205 = arith.constant 64 : i32
        %add3A_206 = vector.broadcast %add3A_205 : i32 to vector<16xi32>
        %add3A_207 = arith.addi %add3A_206, %iota3A : vector<16xi32>
        %mul3A_208 = arith.constant 2 : i32
        %mul3A_209 = vector.broadcast %mul3A_208 : i32 to vector<16xi32>
        %mul3A_210 = arith.muli %add3A_207, %mul3A_209 : vector<16xi32>
        %get3A_211 = arith.constant 0 : i32
        %get3A_212 = arith.index_cast %mul3A_116 : i32 to index
        %get3A_213 = arith.index_cast %get3A_211 : i32 to index
        %get3A_214 = arith.constant 64 : index
        %get3A_215 = tpu.vector_load %arg8[%get3A_212, %get3A_213, %get3A_214] {strides = array<i32>} : memref<20x1x128xi32, #tpu.memory_space<vmem>>, vector<16xi32>,
        %mul3A_216 = arith.constant 2 : i32
        %mul3A_217 = vector.broadcast %mul3A_216 : i32 to vector<16xi32>
        %mul3A_218 = arith.muli %get3A_215, %mul3A_217 : vector<16xi32>
        tpu.vector_store_idx %arg13[%mul3A_210], %mul3A_218 : memref<256xi32, #tpu.memory_space<vmem>>[vector<16xi32>], vector<16xi32>,
        %add3A_219 = arith.constant 1 : i32
        %add3A_220 = vector.broadcast %add3A_219 : i32 to vector<16xi32>
        %add3A_221 = arith.addi %mul3A_210, %add3A_220 : vector<16xi32>
        %add3A_222 = arith.constant 1 : i32
        %add3A_223 = vector.broadcast %add3A_222 : i32 to vector<16xi32>
        %add3A_224 = arith.addi %mul3A_218, %add3A_223 : vector<16xi32>
        tpu.vector_store_idx %arg13[%add3A_221], %add3A_224 : memref<256xi32, #tpu.memory_space<vmem>>[vector<16xi32>], vector<16xi32>,
        %add3A_225 = arith.constant 80 : i32
        %add3A_226 = vector.broadcast %add3A_225 : i32 to vector<16xi32>
        %add3A_227 = arith.addi %add3A_226, %iota3A : vector<16xi32>
        %mul3A_228 = arith.constant 2 : i32
        %mul3A_229 = vector.broadcast %mul3A_228 : i32 to vector<16xi32>
        %mul3A_230 = arith.muli %add3A_227, %mul3A_229 : vector<16xi32>
        %get3A_231 = arith.constant 0 : i32
        %get3A_232 = arith.index_cast %mul3A_116 : i32 to index
        %get3A_233 = arith.index_cast %get3A_231 : i32 to index
        %get3A_234 = arith.constant 80 : index
        %get3A_235 = tpu.vector_load %arg8[%get3A_232, %get3A_233, %get3A_234] {strides = array<i32>} : memref<20x1x128xi32, #tpu.memory_space<vmem>>, vector<16xi32>,
        %mul3A_236 = arith.constant 2 : i32
        %mul3A_237 = vector.broadcast %mul3A_236 : i32 to vector<16xi32>
        %mul3A_238 = arith.muli %get3A_235, %mul3A_237 : vector<16xi32>
        tpu.vector_store_idx %arg13[%mul3A_230], %mul3A_238 : memref<256xi32, #tpu.memory_space<vmem>>[vector<16xi32>], vector<16xi32>,
        %add3A_239 = arith.constant 1 : i32
        %add3A_240 = vector.broadcast %add3A_239 : i32 to vector<16xi32>
        %add3A_241 = arith.addi %mul3A_230, %add3A_240 : vector<16xi32>
        %add3A_242 = arith.constant 1 : i32
        %add3A_243 = vector.broadcast %add3A_242 : i32 to vector<16xi32>
        %add3A_244 = arith.addi %mul3A_238, %add3A_243 : vector<16xi32>
        tpu.vector_store_idx %arg13[%add3A_241], %add3A_244 : memref<256xi32, #tpu.memory_space<vmem>>[vector<16xi32>], vector<16xi32>,
        %add3A_245 = arith.constant 96 : i32
        %add3A_246 = vector.broadcast %add3A_245 : i32 to vector<16xi32>
        %add3A_247 = arith.addi %add3A_246, %iota3A : vector<16xi32>
        %mul3A_248 = arith.constant 2 : i32
        %mul3A_249 = vector.broadcast %mul3A_248 : i32 to vector<16xi32>
        %mul3A_250 = arith.muli %add3A_247, %mul3A_249 : vector<16xi32>
        %get3A_251 = arith.constant 0 : i32
        %get3A_252 = arith.index_cast %mul3A_116 : i32 to index
        %get3A_253 = arith.index_cast %get3A_251 : i32 to index
        %get3A_254 = arith.constant 96 : index
        %get3A_255 = tpu.vector_load %arg8[%get3A_252, %get3A_253, %get3A_254] {strides = array<i32>} : memref<20x1x128xi32, #tpu.memory_space<vmem>>, vector<16xi32>,
        %mul3A_256 = arith.constant 2 : i32
        %mul3A_257 = vector.broadcast %mul3A_256 : i32 to vector<16xi32>
        %mul3A_258 = arith.muli %get3A_255, %mul3A_257 : vector<16xi32>
        tpu.vector_store_idx %arg13[%mul3A_250], %mul3A_258 : memref<256xi32, #tpu.memory_space<vmem>>[vector<16xi32>], vector<16xi32>,
        %add3A_259 = arith.constant 1 : i32
        %add3A_260 = vector.broadcast %add3A_259 : i32 to vector<16xi32>
        %add3A_261 = arith.addi %mul3A_250, %add3A_260 : vector<16xi32>
        %add3A_262 = arith.constant 1 : i32
        %add3A_263 = vector.broadcast %add3A_262 : i32 to vector<16xi32>
        %add3A_264 = arith.addi %mul3A_258, %add3A_263 : vector<16xi32>
        tpu.vector_store_idx %arg13[%add3A_261], %add3A_264 : memref<256xi32, #tpu.memory_space<vmem>>[vector<16xi32>], vector<16xi32>,
        %add3A_265 = arith.constant 112 : i32
        %add3A_266 = vector.broadcast %add3A_265 : i32 to vector<16xi32>
        %add3A_267 = arith.addi %add3A_266, %iota3A : vector<16xi32>
        %mul3A_268 = arith.constant 2 : i32
        %mul3A_269 = vector.broadcast %mul3A_268 : i32 to vector<16xi32>
        %mul3A_270 = arith.muli %add3A_267, %mul3A_269 : vector<16xi32>
        %get3A_271 = arith.constant 0 : i32
        %get3A_272 = arith.index_cast %mul3A_116 : i32 to index
        %get3A_273 = arith.index_cast %get3A_271 : i32 to index
        %get3A_274 = arith.constant 112 : index
        %get3A_275 = tpu.vector_load %arg8[%get3A_272, %get3A_273, %get3A_274] {strides = array<i32>} : memref<20x1x128xi32, #tpu.memory_space<vmem>>, vector<16xi32>,
        %mul3A_276 = arith.constant 2 : i32
        %mul3A_277 = vector.broadcast %mul3A_276 : i32 to vector<16xi32>
        %mul3A_278 = arith.muli %get3A_275, %mul3A_277 : vector<16xi32>
        tpu.vector_store_idx %arg13[%mul3A_270], %mul3A_278 : memref<256xi32, #tpu.memory_space<vmem>>[vector<16xi32>], vector<16xi32>,
        %add3A_279 = arith.constant 1 : i32
        %add3A_280 = vector.broadcast %add3A_279 : i32 to vector<16xi32>
        %add3A_281 = arith.addi %mul3A_270, %add3A_280 : vector<16xi32>
        %add3A_282 = arith.constant 1 : i32
        %add3A_283 = vector.broadcast %add3A_282 : i32 to vector<16xi32>
        %add3A_284 = arith.addi %mul3A_278, %add3A_283 : vector<16xi32>
        tpu.vector_store_idx %arg13[%add3A_281], %add3A_284 : memref<256xi32, #tpu.memory_space<vmem>>[vector<16xi32>], vector<16xi32>,
        %scan3A_285 = arith.constant 0 : i32
        %scan3A_286 = arith.constant 0 : i32
        %scan3A_287 = arith.constant 128 : i32
        %scan3A_288 = arith.addi %scan3A_286, %scan3A_287 : i32
        %scan3A_289 = arith.constant 4 : i32
        scf.for %scan3A_514 = %scan3A_286 to %scan3A_288 step %scan3A_289  : i32 {
          %mul3A_515 = arith.constant 128 : i32
          %mul3A_516 = arith.muli %mul3A_116, %mul3A_515 : i32
          %add3A_517 = arith.addi %mul3A_516, %scan3A_514 : i32
          %mul3A_518 = arith.constant 2 : i32
          %mul3A_519 = arith.muli %mul3A_518, %add3A_517 : i32
          %get3A_520 = arith.index_cast %mul3A_519 : i32 to index
          %get3A_521 = tpu.vector_load %arg12[%get3A_520] {strides = array<i32>} : memref<5136xf32, #tpu.memory_space<vmem>>, vector<16xf32>,
          %slice3A = vector.extract_strided_slice %get3A_521 {offsets = [0], sizes = [1], strides = [1]} : vector<16xf32> to vector<1xf32>
          %squeeze3A = vector.extract %slice3A[0] : f32 from vector<1xf32>
          %slice3A_522 = vector.extract_strided_slice %get3A_521 {offsets = [1], sizes = [1], strides = [1]} : vector<16xf32> to vector<1xf32>
          %squeeze3A_523 = vector.extract %slice3A_522[0] : f32 from vector<1xf32>
          %get3A_524 = arith.index_cast %scan3A_514 : i32 to index
          %get3A_525 = arith.constant 0 : index
          %get3A_526 = tpu.vector_load %arg10[%get3A_524, %get3A_525] {strides = array<i32>} : memref<128x128xf32, #tpu.memory_space<vmem>>, vector<16xf32>,
          %mul3A_527 = vector.broadcast %squeeze3A : f32 to vector<16xf32>
          %mul3A_528 = arith.mulf %get3A_526, %mul3A_527 : vector<16xf32>
          %swap3A = arith.index_cast %scan3A_514 : i32 to index
          %swap3A_529 = arith.constant 0 : index
          %swap3A_530 = tpu.vector_load %arg10[%swap3A, %swap3A_529] {strides = array<i32>} : memref<128x128xf32, #tpu.memory_space<vmem>>, vector<16xf32>,
          tpu.vector_store %arg10[%swap3A, %swap3A_529], %mul3A_528 {strides = array<i32>} : memref<128x128xf32, #tpu.memory_space<vmem>>, vector<16xf32>,
          %get3A_531 = arith.index_cast %scan3A_514 : i32 to index
          %get3A_532 = arith.constant 16 : index
          %get3A_533 = tpu.vector_load %arg10[%get3A_531, %get3A_532] {strides = array<i32>} : memref<128x128xf32, #tpu.memory_space<vmem>>, vector<16xf32>,
          %mul3A_534 = vector.broadcast %squeeze3A : f32 to vector<16xf32>
          %mul3A_535 = arith.mulf %get3A_533, %mul3A_534 : vector<16xf32>
          %swap3A_536 = arith.index_cast %scan3A_514 : i32 to index
          %swap3A_537 = arith.constant 16 : index
          %swap3A_538 = tpu.vector_load %arg10[%swap3A_536, %swap3A_537] {strides = array<i32>} : memref<128x128xf32, #tpu.memory_space<vmem>>, vector<16xf32>,
          tpu.vector_store %arg10[%swap3A_536, %swap3A_537], %mul3A_535 {strides = array<i32>} : memref<128x128xf32, #tpu.memory_space<vmem>>, vector<16xf32>,
          %get3A_539 = arith.index_cast %scan3A_514 : i32 to index
          %get3A_540 = arith.constant 32 : index
          %get3A_541 = tpu.vector_load %arg10[%get3A_539, %get3A_540] {strides = array<i32>} : memref<128x128xf32, #tpu.memory_space<vmem>>, vector<16xf32>,
          %mul3A_542 = vector.broadcast %squeeze3A : f32 to vector<16xf32>
          %mul3A_543 = arith.mulf %get3A_541, %mul3A_542 : vector<16xf32>
          %swap3A_544 = arith.index_cast %scan3A_514 : i32 to index
          %swap3A_545 = arith.constant 32 : index
          %swap3A_546 = tpu.vector_load %arg10[%swap3A_544, %swap3A_545] {strides = array<i32>} : memref<128x128xf32, #tpu.memory_space<vmem>>, vector<16xf32>,
          tpu.vector_store %arg10[%swap3A_544, %swap3A_545], %mul3A_543 {strides = array<i32>} : memref<128x128xf32, #tpu.memory_space<vmem>>, vector<16xf32>,
          %get3A_547 = arith.index_cast %scan3A_514 : i32 to index
          %get3A_548 = arith.constant 48 : index
          %get3A_549 = tpu.vector_load %arg10[%get3A_547, %get3A_548] {strides = array<i32>} : memref<128x128xf32, #tpu.memory_space<vmem>>, vector<16xf32>,
          %mul3A_550 = vector.broadcast %squeeze3A : f32 to vector<16xf32>
          %mul3A_551 = arith.mulf %get3A_549, %mul3A_550 : vector<16xf32>
          %swap3A_552 = arith.index_cast %scan3A_514 : i32 to index
          %swap3A_553 = arith.constant 48 : index
          %swap3A_554 = tpu.vector_load %arg10[%swap3A_552, %swap3A_553] {strides = array<i32>} : memref<128x128xf32, #tpu.memory_space<vmem>>, vector<16xf32>,
          tpu.vector_store %arg10[%swap3A_552, %swap3A_553], %mul3A_551 {strides = array<i32>} : memref<128x128xf32, #tpu.memory_space<vmem>>, vector<16xf32>,
          %get3A_555 = arith.index_cast %scan3A_514 : i32 to index
          %get3A_556 = arith.constant 64 : index
          %get3A_557 = tpu.vector_load %arg10[%get3A_555, %get3A_556] {strides = array<i32>} : memref<128x128xf32, #tpu.memory_space<vmem>>, vector<16xf32>,
          %mul3A_558 = vector.broadcast %squeeze3A_523 : f32 to vector<16xf32>
          %mul3A_559 = arith.mulf %get3A_557, %mul3A_558 : vector<16xf32>
          %swap3A_560 = arith.index_cast %scan3A_514 : i32 to index
          %swap3A_561 = arith.constant 64 : index
          %swap3A_562 = tpu.vector_load %arg10[%swap3A_560, %swap3A_561] {strides = array<i32>} : memref<128x128xf32, #tpu.memory_space<vmem>>, vector<16xf32>,
          tpu.vector_store %arg10[%swap3A_560, %swap3A_561], %mul3A_559 {strides = array<i32>} : memref<128x128xf32, #tpu.memory_space<vmem>>, vector<16xf32>,
          %get3A_563 = arith.index_cast %scan3A_514 : i32 to index
          %get3A_564 = arith.constant 80 : index
          %get3A_565 = tpu.vector_load %arg10[%get3A_563, %get3A_564] {strides = array<i32>} : memref<128x128xf32, #tpu.memory_space<vmem>>, vector<16xf32>,
          %mul3A_566 = vector.broadcast %squeeze3A_523 : f32 to vector<16xf32>
          %mul3A_567 = arith.mulf %get3A_565, %mul3A_566 : vector<16xf32>
          %swap3A_568 = arith.index_cast %scan3A_514 : i32 to index
          %swap3A_569 = arith.constant 80 : index
          %swap3A_570 = tpu.vector_load %arg10[%swap3A_568, %swap3A_569] {strides = array<i32>} : memref<128x128xf32, #tpu.memory_space<vmem>>, vector<16xf32>,
          tpu.vector_store %arg10[%swap3A_568, %swap3A_569], %mul3A_567 {strides = array<i32>} : memref<128x128xf32, #tpu.memory_space<vmem>>, vector<16xf32>,
          %get3A_571 = arith.index_cast %scan3A_514 : i32 to index
          %get3A_572 = arith.constant 96 : index
          %get3A_573 = tpu.vector_load %arg10[%get3A_571, %get3A_572] {strides = array<i32>} : memref<128x128xf32, #tpu.memory_space<vmem>>, vector<16xf32>,
          %mul3A_574 = vector.broadcast %squeeze3A_523 : f32 to vector<16xf32>
          %mul3A_575 = arith.mulf %get3A_573, %mul3A_574 : vector<16xf32>
          %swap3A_576 = arith.index_cast %scan3A_514 : i32 to index
          %swap3A_577 = arith.constant 96 : index
          %swap3A_578 = tpu.vector_load %arg10[%swap3A_576, %swap3A_577] {strides = array<i32>} : memref<128x128xf32, #tpu.memory_space<vmem>>, vector<16xf32>,
          tpu.vector_store %arg10[%swap3A_576, %swap3A_577], %mul3A_575 {strides = array<i32>} : memref<128x128xf32, #tpu.memory_space<vmem>>, vector<16xf32>,
          %get3A_579 = arith.index_cast %scan3A_514 : i32 to index
          %get3A_580 = arith.constant 112 : index
          %get3A_581 = tpu.vector_load %arg10[%get3A_579, %get3A_580] {strides = array<i32>} : memref<128x128xf32, #tpu.memory_space<vmem>>, vector<16xf32>,
          %mul3A_582 = vector.broadcast %squeeze3A_523 : f32 to vector<16xf32>
          %mul3A_583 = arith.mulf %get3A_581, %mul3A_582 : vector<16xf32>
          %swap3A_584 = arith.index_cast %scan3A_514 : i32 to index
          %swap3A_585 = arith.constant 112 : index
          %swap3A_586 = tpu.vector_load %arg10[%swap3A_584, %swap3A_585] {strides = array<i32>} : memref<128x128xf32, #tpu.memory_space<vmem>>, vector<16xf32>,
          tpu.vector_store %arg10[%swap3A_584, %swap3A_585], %mul3A_583 {strides = array<i32>} : memref<128x128xf32, #tpu.memory_space<vmem>>, vector<16xf32>,
          %scan3A_587 = arith.constant 1 : i32
          %scan3A_588 = arith.addi %scan3A_514, %scan3A_587 : i32
          %mul3A_589 = arith.constant 128 : i32
          %mul3A_590 = arith.muli %mul3A_116, %mul3A_589 : i32
          %add3A_591 = arith.addi %mul3A_590, %scan3A_588 : i32
          %mul3A_592 = arith.constant 2 : i32
          %mul3A_593 = arith.muli %mul3A_592, %add3A_591 : i32
          %get3A_594 = arith.index_cast %mul3A_593 : i32 to index
          %get3A_595 = tpu.vector_load %arg12[%get3A_594] {strides = array<i32>} : memref<5136xf32, #tpu.memory_space<vmem>>, vector<16xf32>,
          %slice3A_596 = vector.extract_strided_slice %get3A_595 {offsets = [0], sizes = [1], strides = [1]} : vector<16xf32> to vector<1xf32>
          %squeeze3A_597 = vector.extract %slice3A_596[0] : f32 from vector<1xf32>
          %slice3A_598 = vector.extract_strided_slice %get3A_595 {offsets = [1], sizes = [1], strides = [1]} : vector<16xf32> to vector<1xf32>
          %squeeze3A_599 = vector.extract %slice3A_598[0] : f32 from vector<1xf32>
          %get3A_600 = arith.index_cast %scan3A_588 : i32 to index
          %get3A_601 = arith.constant 0 : index
          %get3A_602 = tpu.vector_load %arg10[%get3A_600, %get3A_601] {strides = array<i32>} : memref<128x128xf32, #tpu.memory_space<vmem>>, vector<16xf32>,
          %mul3A_603 = vector.broadcast %squeeze3A_597 : f32 to vector<16xf32>
          %mul3A_604 = arith.mulf %get3A_602, %mul3A_603 : vector<16xf32>
          %swap3A_605 = arith.index_cast %scan3A_588 : i32 to index
          %swap3A_606 = arith.constant 0 : index
          %swap3A_607 = tpu.vector_load %arg10[%swap3A_605, %swap3A_606] {strides = array<i32>} : memref<128x128xf32, #tpu.memory_space<vmem>>, vector<16xf32>,
          tpu.vector_store %arg10[%swap3A_605, %swap3A_606], %mul3A_604 {strides = array<i32>} : memref<128x128xf32, #tpu.memory_space<vmem>>, vector<16xf32>,
          %get3A_608 = arith.index_cast %scan3A_588 : i32 to index
          %get3A_609 = arith.constant 16 : index
          %get3A_610 = tpu.vector_load %arg10[%get3A_608, %get3A_609] {strides = array<i32>} : memref<128x128xf32, #tpu.memory_space<vmem>>, vector<16xf32>,
          %mul3A_611 = vector.broadcast %squeeze3A_597 : f32 to vector<16xf32>
          %mul3A_612 = arith.mulf %get3A_610, %mul3A_611 : vector<16xf32>
          %swap3A_613 = arith.index_cast %scan3A_588 : i32 to index
          %swap3A_614 = arith.constant 16 : index
          %swap3A_615 = tpu.vector_load %arg10[%swap3A_613, %swap3A_614] {strides = array<i32>} : memref<128x128xf32, #tpu.memory_space<vmem>>, vector<16xf32>,
          tpu.vector_store %arg10[%swap3A_613, %swap3A_614], %mul3A_612 {strides = array<i32>} : memref<128x128xf32, #tpu.memory_space<vmem>>, vector<16xf32>,
          %get3A_616 = arith.index_cast %scan3A_588 : i32 to index
          %get3A_617 = arith.constant 32 : index
          %get3A_618 = tpu.vector_load %arg10[%get3A_616, %get3A_617] {strides = array<i32>} : memref<128x128xf32, #tpu.memory_space<vmem>>, vector<16xf32>,
          %mul3A_619 = vector.broadcast %squeeze3A_597 : f32 to vector<16xf32>
          %mul3A_620 = arith.mulf %get3A_618, %mul3A_619 : vector<16xf32>
          %swap3A_621 = arith.index_cast %scan3A_588 : i32 to index
          %swap3A_622 = arith.constant 32 : index
          %swap3A_623 = tpu.vector_load %arg10[%swap3A_621, %swap3A_622] {strides = array<i32>} : memref<128x128xf32, #tpu.memory_space<vmem>>, vector<16xf32>,
          tpu.vector_store %arg10[%swap3A_621, %swap3A_622], %mul3A_620 {strides = array<i32>} : memref<128x128xf32, #tpu.memory_space<vmem>>, vector<16xf32>,
          %get3A_624 = arith.index_cast %scan3A_588 : i32 to index
          %get3A_625 = arith.constant 48 : index
          %get3A_626 = tpu.vector_load %arg10[%get3A_624, %get3A_625] {strides = array<i32>} : memref<128x128xf32, #tpu.memory_space<vmem>>, vector<16xf32>,
          %mul3A_627 = vector.broadcast %squeeze3A_597 : f32 to vector<16xf32>
          %mul3A_628 = arith.mulf %get3A_626, %mul3A_627 : vector<16xf32>
          %swap3A_629 = arith.index_cast %scan3A_588 : i32 to index
          %swap3A_630 = arith.constant 48 : index
          %swap3A_631 = tpu.vector_load %arg10[%swap3A_629, %swap3A_630] {strides = array<i32>} : memref<128x128xf32, #tpu.memory_space<vmem>>, vector<16xf32>,
          tpu.vector_store %arg10[%swap3A_629, %swap3A_630], %mul3A_628 {strides = array<i32>} : memref<128x128xf32, #tpu.memory_space<vmem>>, vector<16xf32>,
          %get3A_632 = arith.index_cast %scan3A_588 : i32 to index
          %get3A_633 = arith.constant 64 : index
          %get3A_634 = tpu.vector_load %arg10[%get3A_632, %get3A_633] {strides = array<i32>} : memref<128x128xf32, #tpu.memory_space<vmem>>, vector<16xf32>,
          %mul3A_635 = vector.broadcast %squeeze3A_599 : f32 to vector<16xf32>
          %mul3A_636 = arith.mulf %get3A_634, %mul3A_635 : vector<16xf32>
          %swap3A_637 = arith.index_cast %scan3A_588 : i32 to index
          %swap3A_638 = arith.constant 64 : index
          %swap3A_639 = tpu.vector_load %arg10[%swap3A_637, %swap3A_638] {strides = array<i32>} : memref<128x128xf32, #tpu.memory_space<vmem>>, vector<16xf32>,
          tpu.vector_store %arg10[%swap3A_637, %swap3A_638], %mul3A_636 {strides = array<i32>} : memref<128x128xf32, #tpu.memory_space<vmem>>, vector<16xf32>,
          %get3A_640 = arith.index_cast %scan3A_588 : i32 to index
          %get3A_641 = arith.constant 80 : index
          %get3A_642 = tpu.vector_load %arg10[%get3A_640, %get3A_641] {strides = array<i32>} : memref<128x128xf32, #tpu.memory_space<vmem>>, vector<16xf32>,
          %mul3A_643 = vector.broadcast %squeeze3A_599 : f32 to vector<16xf32>
          %mul3A_644 = arith.mulf %get3A_642, %mul3A_643 : vector<16xf32>
          %swap3A_645 = arith.index_cast %scan3A_588 : i32 to index
          %swap3A_646 = arith.constant 80 : index
          %swap3A_647 = tpu.vector_load %arg10[%swap3A_645, %swap3A_646] {strides = array<i32>} : memref<128x128xf32, #tpu.memory_space<vmem>>, vector<16xf32>,
          tpu.vector_store %arg10[%swap3A_645, %swap3A_646], %mul3A_644 {strides = array<i32>} : memref<128x128xf32, #tpu.memory_space<vmem>>, vector<16xf32>,
          %get3A_648 = arith.index_cast %scan3A_588 : i32 to index
          %get3A_649 = arith.constant 96 : index
          %get3A_650 = tpu.vector_load %arg10[%get3A_648, %get3A_649] {strides = array<i32>} : memref<128x128xf32, #tpu.memory_space<vmem>>, vector<16xf32>,
          %mul3A_651 = vector.broadcast %squeeze3A_599 : f32 to vector<16xf32>
          %mul3A_652 = arith.mulf %get3A_650, %mul3A_651 : vector<16xf32>
          %swap3A_653 = arith.index_cast %scan3A_588 : i32 to index
          %swap3A_654 = arith.constant 96 : index
          %swap3A_655 = tpu.vector_load %arg10[%swap3A_653, %swap3A_654] {strides = array<i32>} : memref<128x128xf32, #tpu.memory_space<vmem>>, vector<16xf32>,
          tpu.vector_store %arg10[%swap3A_653, %swap3A_654], %mul3A_652 {strides = array<i32>} : memref<128x128xf32, #tpu.memory_space<vmem>>, vector<16xf32>,
          %get3A_656 = arith.index_cast %scan3A_588 : i32 to index
          %get3A_657 = arith.constant 112 : index
          %get3A_658 = tpu.vector_load %arg10[%get3A_656, %get3A_657] {strides = array<i32>} : memref<128x128xf32, #tpu.memory_space<vmem>>, vector<16xf32>,
          %mul3A_659 = vector.broadcast %squeeze3A_599 : f32 to vector<16xf32>
          %mul3A_660 = arith.mulf %get3A_658, %mul3A_659 : vector<16xf32>
          %swap3A_661 = arith.index_cast %scan3A_588 : i32 to index
          %swap3A_662 = arith.constant 112 : index
          %swap3A_663 = tpu.vector_load %arg10[%swap3A_661, %swap3A_662] {strides = array<i32>} : memref<128x128xf32, #tpu.memory_space<vmem>>, vector<16xf32>,
          tpu.vector_store %arg10[%swap3A_661, %swap3A_662], %mul3A_660 {strides = array<i32>} : memref<128x128xf32, #tpu.memory_space<vmem>>, vector<16xf32>,
          %scan3A_664 = arith.constant 2 : i32
          %scan3A_665 = arith.addi %scan3A_514, %scan3A_664 : i32
          %mul3A_666 = arith.constant 128 : i32
          %mul3A_667 = arith.muli %mul3A_116, %mul3A_666 : i32
          %add3A_668 = arith.addi %mul3A_667, %scan3A_665 : i32
          %mul3A_669 = arith.constant 2 : i32
          %mul3A_670 = arith.muli %mul3A_669, %add3A_668 : i32
          %get3A_671 = arith.index_cast %mul3A_670 : i32 to index
          %get3A_672 = tpu.vector_load %arg12[%get3A_671] {strides = array<i32>} : memref<5136xf32, #tpu.memory_space<vmem>>, vector<16xf32>,
          %slice3A_673 = vector.extract_strided_slice %get3A_672 {offsets = [0], sizes = [1], strides = [1]} : vector<16xf32> to vector<1xf32>
          %squeeze3A_674 = vector.extract %slice3A_673[0] : f32 from vector<1xf32>
          %slice3A_675 = vector.extract_strided_slice %get3A_672 {offsets = [1], sizes = [1], strides = [1]} : vector<16xf32> to vector<1xf32>
          %squeeze3A_676 = vector.extract %slice3A_675[0] : f32 from vector<1xf32>
          %get3A_677 = arith.index_cast %scan3A_665 : i32 to index
          %get3A_678 = arith.constant 0 : index
          %get3A_679 = tpu.vector_load %arg10[%get3A_677, %get3A_678] {strides = array<i32>} : memref<128x128xf32, #tpu.memory_space<vmem>>, vector<16xf32>,
          %mul3A_680 = vector.broadcast %squeeze3A_674 : f32 to vector<16xf32>
          %mul3A_681 = arith.mulf %get3A_679, %mul3A_680 : vector<16xf32>
          %swap3A_682 = arith.index_cast %scan3A_665 : i32 to index
          %swap3A_683 = arith.constant 0 : index
          %swap3A_684 = tpu.vector_load %arg10[%swap3A_682, %swap3A_683] {strides = array<i32>} : memref<128x128xf32, #tpu.memory_space<vmem>>, vector<16xf32>,
          tpu.vector_store %arg10[%swap3A_682, %swap3A_683], %mul3A_681 {strides = array<i32>} : memref<128x128xf32, #tpu.memory_space<vmem>>, vector<16xf32>,
          %get3A_685 = arith.index_cast %scan3A_665 : i32 to index
          %get3A_686 = arith.constant 16 : index
          %get3A_687 = tpu.vector_load %arg10[%get3A_685, %get3A_686] {strides = array<i32>} : memref<128x128xf32, #tpu.memory_space<vmem>>, vector<16xf32>,
          %mul3A_688 = vector.broadcast %squeeze3A_674 : f32 to vector<16xf32>
          %mul3A_689 = arith.mulf %get3A_687, %mul3A_688 : vector<16xf32>
          %swap3A_690 = arith.index_cast %scan3A_665 : i32 to index
          %swap3A_691 = arith.constant 16 : index
          %swap3A_692 = tpu.vector_load %arg10[%swap3A_690, %swap3A_691] {strides = array<i32>} : memref<128x128xf32, #tpu.memory_space<vmem>>, vector<16xf32>,
          tpu.vector_store %arg10[%swap3A_690, %swap3A_691], %mul3A_689 {strides = array<i32>} : memref<128x128xf32, #tpu.memory_space<vmem>>, vector<16xf32>,
          %get3A_693 = arith.index_cast %scan3A_665 : i32 to index
          %get3A_694 = arith.constant 32 : index
          %get3A_695 = tpu.vector_load %arg10[%get3A_693, %get3A_694] {strides = array<i32>} : memref<128x128xf32, #tpu.memory_space<vmem>>, vector<16xf32>,
          %mul3A_696 = vector.broadcast %squeeze3A_674 : f32 to vector<16xf32>
          %mul3A_697 = arith.mulf %get3A_695, %mul3A_696 : vector<16xf32>
          %swap3A_698 = arith.index_cast %scan3A_665 : i32 to index
          %swap3A_699 = arith.constant 32 : index
          %swap3A_700 = tpu.vector_load %arg10[%swap3A_698, %swap3A_699] {strides = array<i32>} : memref<128x128xf32, #tpu.memory_space<vmem>>, vector<16xf32>,
          tpu.vector_store %arg10[%swap3A_698, %swap3A_699], %mul3A_697 {strides = array<i32>} : memref<128x128xf32, #tpu.memory_space<vmem>>, vector<16xf32>,
          %get3A_701 = arith.index_cast %scan3A_665 : i32 to index
          %get3A_702 = arith.constant 48 : index
          %get3A_703 = tpu.vector_load %arg10[%get3A_701, %get3A_702] {strides = array<i32>} : memref<128x128xf32, #tpu.memory_space<vmem>>, vector<16xf32>,
          %mul3A_704 = vector.broadcast %squeeze3A_674 : f32 to vector<16xf32>
          %mul3A_705 = arith.mulf %get3A_703, %mul3A_704 : vector<16xf32>
          %swap3A_706 = arith.index_cast %scan3A_665 : i32 to index
          %swap3A_707 = arith.constant 48 : index
          %swap3A_708 = tpu.vector_load %arg10[%swap3A_706, %swap3A_707] {strides = array<i32>} : memref<128x128xf32, #tpu.memory_space<vmem>>, vector<16xf32>,
          tpu.vector_store %arg10[%swap3A_706, %swap3A_707], %mul3A_705 {strides = array<i32>} : memref<128x128xf32, #tpu.memory_space<vmem>>, vector<16xf32>,
          %get3A_709 = arith.index_cast %scan3A_665 : i32 to index
          %get3A_710 = arith.constant 64 : index
          %get3A_711 = tpu.vector_load %arg10[%get3A_709, %get3A_710] {strides = array<i32>} : memref<128x128xf32, #tpu.memory_space<vmem>>, vector<16xf32>,
          %mul3A_712 = vector.broadcast %squeeze3A_676 : f32 to vector<16xf32>
          %mul3A_713 = arith.mulf %get3A_711, %mul3A_712 : vector<16xf32>
          %swap3A_714 = arith.index_cast %scan3A_665 : i32 to index
          %swap3A_715 = arith.constant 64 : index
          %swap3A_716 = tpu.vector_load %arg10[%swap3A_714, %swap3A_715] {strides = array<i32>} : memref<128x128xf32, #tpu.memory_space<vmem>>, vector<16xf32>,
          tpu.vector_store %arg10[%swap3A_714, %swap3A_715], %mul3A_713 {strides = array<i32>} : memref<128x128xf32, #tpu.memory_space<vmem>>, vector<16xf32>,
          %get3A_717 = arith.index_cast %scan3A_665 : i32 to index
          %get3A_718 = arith.constant 80 : index
          %get3A_719 = tpu.vector_load %arg10[%get3A_717, %get3A_718] {strides = array<i32>} : memref<128x128xf32, #tpu.memory_space<vmem>>, vector<16xf32>,
          %mul3A_720 = vector.broadcast %squeeze3A_676 : f32 to vector<16xf32>
          %mul3A_721 = arith.mulf %get3A_719, %mul3A_720 : vector<16xf32>
          %swap3A_722 = arith.index_cast %scan3A_665 : i32 to index
          %swap3A_723 = arith.constant 80 : index
          %swap3A_724 = tpu.vector_load %arg10[%swap3A_722, %swap3A_723] {strides = array<i32>} : memref<128x128xf32, #tpu.memory_space<vmem>>, vector<16xf32>,
          tpu.vector_store %arg10[%swap3A_722, %swap3A_723], %mul3A_721 {strides = array<i32>} : memref<128x128xf32, #tpu.memory_space<vmem>>, vector<16xf32>,
          %get3A_725 = arith.index_cast %scan3A_665 : i32 to index
          %get3A_726 = arith.constant 96 : index
          %get3A_727 = tpu.vector_load %arg10[%get3A_725, %get3A_726] {strides = array<i32>} : memref<128x128xf32, #tpu.memory_space<vmem>>, vector<16xf32>,
          %mul3A_728 = vector.broadcast %squeeze3A_676 : f32 to vector<16xf32>
          %mul3A_729 = arith.mulf %get3A_727, %mul3A_728 : vector<16xf32>
          %swap3A_730 = arith.index_cast %scan3A_665 : i32 to index
          %swap3A_731 = arith.constant 96 : index
          %swap3A_732 = tpu.vector_load %arg10[%swap3A_730, %swap3A_731] {strides = array<i32>} : memref<128x128xf32, #tpu.memory_space<vmem>>, vector<16xf32>,
          tpu.vector_store %arg10[%swap3A_730, %swap3A_731], %mul3A_729 {strides = array<i32>} : memref<128x128xf32, #tpu.memory_space<vmem>>, vector<16xf32>,
          %get3A_733 = arith.index_cast %scan3A_665 : i32 to index
          %get3A_734 = arith.constant 112 : index
          %get3A_735 = tpu.vector_load %arg10[%get3A_733, %get3A_734] {strides = array<i32>} : memref<128x128xf32, #tpu.memory_space<vmem>>, vector<16xf32>,
          %mul3A_736 = vector.broadcast %squeeze3A_676 : f32 to vector<16xf32>
          %mul3A_737 = arith.mulf %get3A_735, %mul3A_736 : vector<16xf32>
          %swap3A_738 = arith.index_cast %scan3A_665 : i32 to index
          %swap3A_739 = arith.constant 112 : index
          %swap3A_740 = tpu.vector_load %arg10[%swap3A_738, %swap3A_739] {strides = array<i32>} : memref<128x128xf32, #tpu.memory_space<vmem>>, vector<16xf32>,
          tpu.vector_store %arg10[%swap3A_738, %swap3A_739], %mul3A_737 {strides = array<i32>} : memref<128x128xf32, #tpu.memory_space<vmem>>, vector<16xf32>,
          %scan3A_741 = arith.constant 3 : i32
          %scan3A_742 = arith.addi %scan3A_514, %scan3A_741 : i32
          %mul3A_743 = arith.constant 128 : i32
          %mul3A_744 = arith.muli %mul3A_116, %mul3A_743 : i32
          %add3A_745 = arith.addi %mul3A_744, %scan3A_742 : i32
          %mul3A_746 = arith.constant 2 : i32
          %mul3A_747 = arith.muli %mul3A_746, %add3A_745 : i32
          %get3A_748 = arith.index_cast %mul3A_747 : i32 to index
          %get3A_749 = tpu.vector_load %arg12[%get3A_748] {strides = array<i32>} : memref<5136xf32, #tpu.memory_space<vmem>>, vector<16xf32>,
          %slice3A_750 = vector.extract_strided_slice %get3A_749 {offsets = [0], sizes = [1], strides = [1]} : vector<16xf32> to vector<1xf32>
          %squeeze3A_751 = vector.extract %slice3A_750[0] : f32 from vector<1xf32>
          %slice3A_752 = vector.extract_strided_slice %get3A_749 {offsets = [1], sizes = [1], strides = [1]} : vector<16xf32> to vector<1xf32>
          %squeeze3A_753 = vector.extract %slice3A_752[0] : f32 from vector<1xf32>
          %get3A_754 = arith.index_cast %scan3A_742 : i32 to index
          %get3A_755 = arith.constant 0 : index
          %get3A_756 = tpu.vector_load %arg10[%get3A_754, %get3A_755] {strides = array<i32>} : memref<128x128xf32, #tpu.memory_space<vmem>>, vector<16xf32>,
          %mul3A_757 = vector.broadcast %squeeze3A_751 : f32 to vector<16xf32>
          %mul3A_758 = arith.mulf %get3A_756, %mul3A_757 : vector<16xf32>
          %swap3A_759 = arith.index_cast %scan3A_742 : i32 to index
          %swap3A_760 = arith.constant 0 : index
          %swap3A_761 = tpu.vector_load %arg10[%swap3A_759, %swap3A_760] {strides = array<i32>} : memref<128x128xf32, #tpu.memory_space<vmem>>, vector<16xf32>,
          tpu.vector_store %arg10[%swap3A_759, %swap3A_760], %mul3A_758 {strides = array<i32>} : memref<128x128xf32, #tpu.memory_space<vmem>>, vector<16xf32>,
          %get3A_762 = arith.index_cast %scan3A_742 : i32 to index
          %get3A_763 = arith.constant 16 : index
          %get3A_764 = tpu.vector_load %arg10[%get3A_762, %get3A_763] {strides = array<i32>} : memref<128x128xf32, #tpu.memory_space<vmem>>, vector<16xf32>,
          %mul3A_765 = vector.broadcast %squeeze3A_751 : f32 to vector<16xf32>
          %mul3A_766 = arith.mulf %get3A_764, %mul3A_765 : vector<16xf32>
          %swap3A_767 = arith.index_cast %scan3A_742 : i32 to index
          %swap3A_768 = arith.constant 16 : index
          %swap3A_769 = tpu.vector_load %arg10[%swap3A_767, %swap3A_768] {strides = array<i32>} : memref<128x128xf32, #tpu.memory_space<vmem>>, vector<16xf32>,
          tpu.vector_store %arg10[%swap3A_767, %swap3A_768], %mul3A_766 {strides = array<i32>} : memref<128x128xf32, #tpu.memory_space<vmem>>, vector<16xf32>,
          %get3A_770 = arith.index_cast %scan3A_742 : i32 to index
          %get3A_771 = arith.constant 32 : index
          %get3A_772 = tpu.vector_load %arg10[%get3A_770, %get3A_771] {strides = array<i32>} : memref<128x128xf32, #tpu.memory_space<vmem>>, vector<16xf32>,
          %mul3A_773 = vector.broadcast %squeeze3A_751 : f32 to vector<16xf32>
          %mul3A_774 = arith.mulf %get3A_772, %mul3A_773 : vector<16xf32>
          %swap3A_775 = arith.index_cast %scan3A_742 : i32 to index
          %swap3A_776 = arith.constant 32 : index
          %swap3A_777 = tpu.vector_load %arg10[%swap3A_775, %swap3A_776] {strides = array<i32>} : memref<128x128xf32, #tpu.memory_space<vmem>>, vector<16xf32>,
          tpu.vector_store %arg10[%swap3A_775, %swap3A_776], %mul3A_774 {strides = array<i32>} : memref<128x128xf32, #tpu.memory_space<vmem>>, vector<16xf32>,
          %get3A_778 = arith.index_cast %scan3A_742 : i32 to index
          %get3A_779 = arith.constant 48 : index
          %get3A_780 = tpu.vector_load %arg10[%get3A_778, %get3A_779] {strides = array<i32>} : memref<128x128xf32, #tpu.memory_space<vmem>>, vector<16xf32>,
          %mul3A_781 = vector.broadcast %squeeze3A_751 : f32 to vector<16xf32>
          %mul3A_782 = arith.mulf %get3A_780, %mul3A_781 : vector<16xf32>
          %swap3A_783 = arith.index_cast %scan3A_742 : i32 to index
          %swap3A_784 = arith.constant 48 : index
          %swap3A_785 = tpu.vector_load %arg10[%swap3A_783, %swap3A_784] {strides = array<i32>} : memref<128x128xf32, #tpu.memory_space<vmem>>, vector<16xf32>,
          tpu.vector_store %arg10[%swap3A_783, %swap3A_784], %mul3A_782 {strides = array<i32>} : memref<128x128xf32, #tpu.memory_space<vmem>>, vector<16xf32>,
          %get3A_786 = arith.index_cast %scan3A_742 : i32 to index
          %get3A_787 = arith.constant 64 : index
          %get3A_788 = tpu.vector_load %arg10[%get3A_786, %get3A_787] {strides = array<i32>} : memref<128x128xf32, #tpu.memory_space<vmem>>, vector<16xf32>,
          %mul3A_789 = vector.broadcast %squeeze3A_753 : f32 to vector<16xf32>
          %mul3A_790 = arith.mulf %get3A_788, %mul3A_789 : vector<16xf32>
          %swap3A_791 = arith.index_cast %scan3A_742 : i32 to index
          %swap3A_792 = arith.constant 64 : index
          %swap3A_793 = tpu.vector_load %arg10[%swap3A_791, %swap3A_792] {strides = array<i32>} : memref<128x128xf32, #tpu.memory_space<vmem>>, vector<16xf32>,
          tpu.vector_store %arg10[%swap3A_791, %swap3A_792], %mul3A_790 {strides = array<i32>} : memref<128x128xf32, #tpu.memory_space<vmem>>, vector<16xf32>,
          %get3A_794 = arith.index_cast %scan3A_742 : i32 to index
          %get3A_795 = arith.constant 80 : index
          %get3A_796 = tpu.vector_load %arg10[%get3A_794, %get3A_795] {strides = array<i32>} : memref<128x128xf32, #tpu.memory_space<vmem>>, vector<16xf32>,
          %mul3A_797 = vector.broadcast %squeeze3A_753 : f32 to vector<16xf32>
          %mul3A_798 = arith.mulf %get3A_796, %mul3A_797 : vector<16xf32>
          %swap3A_799 = arith.index_cast %scan3A_742 : i32 to index
          %swap3A_800 = arith.constant 80 : index
          %swap3A_801 = tpu.vector_load %arg10[%swap3A_799, %swap3A_800] {strides = array<i32>} : memref<128x128xf32, #tpu.memory_space<vmem>>, vector<16xf32>,
          tpu.vector_store %arg10[%swap3A_799, %swap3A_800], %mul3A_798 {strides = array<i32>} : memref<128x128xf32, #tpu.memory_space<vmem>>, vector<16xf32>,
          %get3A_802 = arith.index_cast %scan3A_742 : i32 to index
          %get3A_803 = arith.constant 96 : index
          %get3A_804 = tpu.vector_load %arg10[%get3A_802, %get3A_803] {strides = array<i32>} : memref<128x128xf32, #tpu.memory_space<vmem>>, vector<16xf32>,
          %mul3A_805 = vector.broadcast %squeeze3A_753 : f32 to vector<16xf32>
          %mul3A_806 = arith.mulf %get3A_804, %mul3A_805 : vector<16xf32>
          %swap3A_807 = arith.index_cast %scan3A_742 : i32 to index
          %swap3A_808 = arith.constant 96 : index
          %swap3A_809 = tpu.vector_load %arg10[%swap3A_807, %swap3A_808] {strides = array<i32>} : memref<128x128xf32, #tpu.memory_space<vmem>>, vector<16xf32>,
          tpu.vector_store %arg10[%swap3A_807, %swap3A_808], %mul3A_806 {strides = array<i32>} : memref<128x128xf32, #tpu.memory_space<vmem>>, vector<16xf32>,
          %get3A_810 = arith.index_cast %scan3A_742 : i32 to index
          %get3A_811 = arith.constant 112 : index
          %get3A_812 = tpu.vector_load %arg10[%get3A_810, %get3A_811] {strides = array<i32>} : memref<128x128xf32, #tpu.memory_space<vmem>>, vector<16xf32>,
          %mul3A_813 = vector.broadcast %squeeze3A_753 : f32 to vector<16xf32>
          %mul3A_814 = arith.mulf %get3A_812, %mul3A_813 : vector<16xf32>
          %swap3A_815 = arith.index_cast %scan3A_742 : i32 to index
          %swap3A_816 = arith.constant 112 : index
          %swap3A_817 = tpu.vector_load %arg10[%swap3A_815, %swap3A_816] {strides = array<i32>} : memref<128x128xf32, #tpu.memory_space<vmem>>, vector<16xf32>,
          tpu.vector_store %arg10[%swap3A_815, %swap3A_816], %mul3A_814 {strides = array<i32>} : memref<128x128xf32, #tpu.memory_space<vmem>>, vector<16xf32>,
        }
        %scan3A_290 = arith.constant 128 : i32
        %dma_start3A_291 = arith.constant 0 : i32
        %dma_start3A_292 = arith.constant 0 : i32
        %dma_start3A_293 = tpu.memref_slice %arg8[%mul3A_116, %dma_start3A_291, %dma_start3A_292] : memref<20x1x128xi32, #tpu.memory_space<vmem>> -> memref<1x1x128xi32, #tpu.memory_space<vmem>>
        %dma_start3A_294 = tpu.memref_squeeze %dma_start3A_293 : memref<1x1x128xi32, #tpu.memory_space<vmem>> -> memref<128xi32, #tpu.memory_space<vmem>>
        %dma_start3A_295 = arith.constant 0 : i32
        %dma_start3A_296 = arith.constant 0 : i32
        %dma_start3A_297 = tpu.memref_slice %arg15[%dma_start3A_295, %dma_start3A_296] : memref<10240x128xf32, #tpu.memory_space<vmem_shared>> -> memref<10240x128xf32, #tpu.memory_space<vmem_shared>>
        tpu.enqueue_indirect_dma source(%arg10 : memref<128x128xf32, #tpu.memory_space<vmem>>) target(%dma_start3A_297 : memref<10240x128xf32, #tpu.memory_space<vmem_shared>>) offsets(%dma_start3A_294 : memref<128xi32, #tpu.memory_space<vmem>>) semaphore(%arg19 : memref<!tpu.dma_semaphore, #tpu.memory_space<semaphore_mem>>) {add = true}
        %mul3A_298 = arith.constant 128 : i32
        %mul3A_299 = arith.muli %mul3A_116, %mul3A_298 : i32
        %mul3A_300 = arith.constant 2 : i32
        %mul3A_301 = arith.muli %mul3A_300, %mul3A_299 : i32
        "tpu.region"() ({
          %run_scoped3A = tpu.sem_alloc : memref<!tpu.dma_semaphore, #tpu.memory_space<semaphore_mem>>
          %dma_start3A_514 = tpu.memref_slice %arg12[%mul3A_301] : memref<5136xf32, #tpu.memory_space<vmem>> -> memref<256xf32, #tpu.memory_space<vmem>>
          %dma_start3A_515 = arith.constant 0 : i32
          %dma_start3A_516 = tpu.memref_slice %arg16[%dma_start3A_515] : memref<20480xf32, #tpu.memory_space<vmem_shared>> -> memref<20480xf32, #tpu.memory_space<vmem_shared>>
          tpu.enqueue_indirect_dma source(%dma_start3A_514 : memref<256xf32, #tpu.memory_space<vmem>>) target(%dma_start3A_516 : memref<20480xf32, #tpu.memory_space<vmem_shared>>) offsets(%arg13 : memref<256xi32, #tpu.memory_space<vmem>>) semaphore(%run_scoped3A : memref<!tpu.dma_semaphore, #tpu.memory_space<semaphore_mem>>) {add = true}
          %dma_wait3A_517 = tpu.memref_slice %arg12[%mul3A_301] : memref<5136xf32, #tpu.memory_space<vmem>> -> memref<256xf32, #tpu.memory_space<vmem>>
          %dma_wait3A_518 = arith.constant 0 : i32
          %dma_wait3A_519 = tpu.memref_slice %arg16[%dma_wait3A_518] : memref<20480xf32, #tpu.memory_space<vmem_shared>> -> memref<20480xf32, #tpu.memory_space<vmem_shared>>
          tpu.wait_indirect_dma semaphore(%run_scoped3A : memref<!tpu.dma_semaphore, #tpu.memory_space<semaphore_mem>>) src(%dma_wait3A_517 : memref<256xf32, #tpu.memory_space<vmem>>) dst(%dma_wait3A_519 : memref<20480xf32, #tpu.memory_space<vmem_shared>>)
          tpu.yield
        }) : () -> ()
        %dma_wait3A_302 = arith.constant 0 : i32
        %dma_wait3A_303 = arith.constant 0 : i32
        %dma_wait3A_304 = arith.constant 0 : i32
        %dma_wait3A_305 = tpu.memref_slice %arg9[%dma_wait3A_302, %dma_wait3A_303, %dma_wait3A_304] : memref<20x1x128xi32, #tpu.memory_space<vmem>> -> memref<1x1x128xi32, #tpu.memory_space<vmem>>
        %dma_wait3A_306 = tpu.memref_squeeze %dma_wait3A_305 : memref<1x1x128xi32, #tpu.memory_space<vmem>> -> memref<128xi32, #tpu.memory_space<vmem>>
        %dma_wait3A_307 = arith.constant 0 : i32
        %dma_wait3A_308 = arith.constant 0 : i32
        %dma_wait3A_309 = tpu.memref_slice %arg2[%dma_wait3A_307, %dma_wait3A_308] : memref<20000x128xf32, #tpu.memory_space<hbm>> -> memref<20000x128xf32, #tpu.memory_space<hbm>>
        tpu.wait_indirect_dma semaphore(%arg18 : memref<!tpu.dma_semaphore, #tpu.memory_space<semaphore_mem>>) src(%dma_wait3A_309 : memref<20000x128xf32, #tpu.memory_space<hbm>>) dst(%arg11 : memref<128x128xf32, #tpu.memory_space<vmem>>)
        %dma_wait3A_310 = arith.constant 0 : i32
        %dma_wait3A_311 = arith.constant 0 : i32
        %dma_wait3A_312 = arith.constant 0 : i32
        %dma_wait3A_313 = tpu.memref_slice %arg8[%dma_wait3A_310, %dma_wait3A_311, %dma_wait3A_312] : memref<20x1x128xi32, #tpu.memory_space<vmem>> -> memref<1x1x128xi32, #tpu.memory_space<vmem>>
        %dma_wait3A_314 = tpu.memref_squeeze %dma_wait3A_313 : memref<1x1x128xi32, #tpu.memory_space<vmem>> -> memref<128xi32, #tpu.memory_space<vmem>>
        %dma_wait3A_315 = arith.constant 0 : i32
        %dma_wait3A_316 = arith.constant 0 : i32
        %dma_wait3A_317 = tpu.memref_slice %arg15[%dma_wait3A_315, %dma_wait3A_316] : memref<10240x128xf32, #tpu.memory_space<vmem_shared>> -> memref<10240x128xf32, #tpu.memory_space<vmem_shared>>
        tpu.wait_indirect_dma semaphore(%arg19 : memref<!tpu.dma_semaphore, #tpu.memory_space<semaphore_mem>>) src(%arg10 : memref<128x128xf32, #tpu.memory_space<vmem>>) dst(%dma_wait3A_317 : memref<10240x128xf32, #tpu.memory_space<vmem_shared>>)
        %add3A_318 = arith.constant 2 : i32
        %add3A_319 = arith.addi %mul3A_116, %add3A_318 : i32
        %lt3A = arith.constant 20 : i32
        %lt3A_320 = arith.cmpi slt, %add3A_319, %lt3A : i32
        %convert_element_type3A = arith.extui %lt3A_320 : i1 to i32
        %cond3A = arith.constant 0 : i32
        %cond3A_321 = arith.cmpi ne, %convert_element_type3A, %cond3A : i32
        scf.if %cond3A_321 {
          %add3A_514 = arith.constant 2 : i32
          %add3A_515 = arith.addi %mul3A_116, %add3A_514 : i32
          %dma_start3A_516 = arith.constant 0 : i32
          %dma_start3A_517 = arith.constant 0 : i32
          %dma_start3A_518 = arith.constant 0 : i32
          %dma_start3A_519 = tpu.memref_slice %arg10[%dma_start3A_517, %dma_start3A_518] : memref<128x128xf32, #tpu.memory_space<vmem>> -> memref<64x128xf32, #tpu.memory_space<vmem>>
          %dma_start3A_520 = arith.constant 0 : i32
          %dma_start3A_521 = tpu.memref_slice %arg9[%add3A_515, %dma_start3A_516, %dma_start3A_520] : memref<20x1x128xi32, #tpu.memory_space<vmem>> -> memref<1x1x64xi32, #tpu.memory_space<vmem>>
          %dma_start3A_522 = tpu.memref_squeeze %dma_start3A_521 : memref<1x1x64xi32, #tpu.memory_space<vmem>> -> memref<64xi32, #tpu.memory_space<vmem>>
          %dma_start3A_523 = arith.constant 0 : i32
          %dma_start3A_524 = arith.constant 0 : i32
          %dma_start3A_525 = tpu.memref_slice %arg2[%dma_start3A_523, %dma_start3A_524] : memref<20000x128xf32, #tpu.memory_space<hbm>> -> memref<20000x128xf32, #tpu.memory_space<hbm>>
          tpu.enqueue_indirect_dma source(%dma_start3A_525 : memref<20000x128xf32, #tpu.memory_space<hbm>>) target(%dma_start3A_519 : memref<64x128xf32, #tpu.memory_space<vmem>>) offsets(%dma_start3A_522 : memref<64xi32, #tpu.memory_space<vmem>>) semaphore(%arg17 : memref<!tpu.dma_semaphore, #tpu.memory_space<semaphore_mem>>)
          %dma_start3A_526 = arith.constant 0 : i32
          %dma_start3A_527 = arith.constant 64 : i32
          %dma_start3A_528 = arith.constant 0 : i32
          %dma_start3A_529 = tpu.memref_slice %arg10[%dma_start3A_527, %dma_start3A_528] : memref<128x128xf32, #tpu.memory_space<vmem>> -> memref<64x128xf32, #tpu.memory_space<vmem>>
          %dma_start3A_530 = arith.constant 64 : i32
          %dma_start3A_531 = tpu.memref_slice %arg9[%add3A_515, %dma_start3A_526, %dma_start3A_530] : memref<20x1x128xi32, #tpu.memory_space<vmem>> -> memref<1x1x64xi32, #tpu.memory_space<vmem>>
          %dma_start3A_532 = tpu.memref_squeeze %dma_start3A_531 : memref<1x1x64xi32, #tpu.memory_space<vmem>> -> memref<64xi32, #tpu.memory_space<vmem>>
          %dma_start3A_533 = arith.constant 0 : i32
          %dma_start3A_534 = arith.constant 0 : i32
          %dma_start3A_535 = tpu.memref_slice %arg2[%dma_start3A_533, %dma_start3A_534] : memref<20000x128xf32, #tpu.memory_space<hbm>> -> memref<20000x128xf32, #tpu.memory_space<hbm>>
          tpu.enqueue_indirect_dma source(%dma_start3A_535 : memref<20000x128xf32, #tpu.memory_space<hbm>>) target(%dma_start3A_529 : memref<64x128xf32, #tpu.memory_space<vmem>>) offsets(%dma_start3A_532 : memref<64xi32, #tpu.memory_space<vmem>>) semaphore(%arg17 : memref<!tpu.dma_semaphore, #tpu.memory_space<semaphore_mem>>)
        } else {
        }
        %add3A_322 = arith.constant 0 : i32
        %add3A_323 = vector.broadcast %add3A_322 : i32 to vector<16xi32>
        %add3A_324 = arith.addi %add3A_323, %iota3A : vector<16xi32>
        %mul3A_325 = arith.constant 2 : i32
        %mul3A_326 = vector.broadcast %mul3A_325 : i32 to vector<16xi32>
        %mul3A_327 = arith.muli %add3A_324, %mul3A_326 : vector<16xi32>
        %get3A_328 = arith.constant 0 : i32
        %get3A_329 = arith.index_cast %add3A_118 : i32 to index
        %get3A_330 = arith.index_cast %get3A_328 : i32 to index
        %get3A_331 = arith.constant 0 : index
        %get3A_332 = tpu.vector_load %arg8[%get3A_329, %get3A_330, %get3A_331] {strides = array<i32>} : memref<20x1x128xi32, #tpu.memory_space<vmem>>, vector<16xi32>,
        %mul3A_333 = arith.constant 2 : i32
        %mul3A_334 = vector.broadcast %mul3A_333 : i32 to vector<16xi32>
        %mul3A_335 = arith.muli %get3A_332, %mul3A_334 : vector<16xi32>
        tpu.vector_store_idx %arg13[%mul3A_327], %mul3A_335 : memref<256xi32, #tpu.memory_space<vmem>>[vector<16xi32>], vector<16xi32>,
        %add3A_336 = arith.constant 1 : i32
        %add3A_337 = vector.broadcast %add3A_336 : i32 to vector<16xi32>
        %add3A_338 = arith.addi %mul3A_327, %add3A_337 : vector<16xi32>
        %add3A_339 = arith.constant 1 : i32
        %add3A_340 = vector.broadcast %add3A_339 : i32 to vector<16xi32>
        %add3A_341 = arith.addi %mul3A_335, %add3A_340 : vector<16xi32>
        tpu.vector_store_idx %arg13[%add3A_338], %add3A_341 : memref<256xi32, #tpu.memory_space<vmem>>[vector<16xi32>], vector<16xi32>,
        %add3A_342 = arith.constant 16 : i32
        %add3A_343 = vector.broadcast %add3A_342 : i32 to vector<16xi32>
        %add3A_344 = arith.addi %add3A_343, %iota3A : vector<16xi32>
        %mul3A_345 = arith.constant 2 : i32
        %mul3A_346 = vector.broadcast %mul3A_345 : i32 to vector<16xi32>
        %mul3A_347 = arith.muli %add3A_344, %mul3A_346 : vector<16xi32>
        %get3A_348 = arith.constant 0 : i32
        %get3A_349 = arith.index_cast %add3A_118 : i32 to index
        %get3A_350 = arith.index_cast %get3A_348 : i32 to index
        %get3A_351 = arith.constant 16 : index
        %get3A_352 = tpu.vector_load %arg8[%get3A_349, %get3A_350, %get3A_351] {strides = array<i32>} : memref<20x1x128xi32, #tpu.memory_space<vmem>>, vector<16xi32>,
        %mul3A_353 = arith.constant 2 : i32
        %mul3A_354 = vector.broadcast %mul3A_353 : i32 to vector<16xi32>
        %mul3A_355 = arith.muli %get3A_352, %mul3A_354 : vector<16xi32>
        tpu.vector_store_idx %arg13[%mul3A_347], %mul3A_355 : memref<256xi32, #tpu.memory_space<vmem>>[vector<16xi32>], vector<16xi32>,
        %add3A_356 = arith.constant 1 : i32
        %add3A_357 = vector.broadcast %add3A_356 : i32 to vector<16xi32>
        %add3A_358 = arith.addi %mul3A_347, %add3A_357 : vector<16xi32>
        %add3A_359 = arith.constant 1 : i32
        %add3A_360 = vector.broadcast %add3A_359 : i32 to vector<16xi32>
        %add3A_361 = arith.addi %mul3A_355, %add3A_360 : vector<16xi32>
        tpu.vector_store_idx %arg13[%add3A_358], %add3A_361 : memref<256xi32, #tpu.memory_space<vmem>>[vector<16xi32>], vector<16xi32>,
        %add3A_362 = arith.constant 32 : i32
        %add3A_363 = vector.broadcast %add3A_362 : i32 to vector<16xi32>
        %add3A_364 = arith.addi %add3A_363, %iota3A : vector<16xi32>
        %mul3A_365 = arith.constant 2 : i32
        %mul3A_366 = vector.broadcast %mul3A_365 : i32 to vector<16xi32>
        %mul3A_367 = arith.muli %add3A_364, %mul3A_366 : vector<16xi32>
        %get3A_368 = arith.constant 0 : i32
        %get3A_369 = arith.index_cast %add3A_118 : i32 to index
        %get3A_370 = arith.index_cast %get3A_368 : i32 to index
        %get3A_371 = arith.constant 32 : index
        %get3A_372 = tpu.vector_load %arg8[%get3A_369, %get3A_370, %get3A_371] {strides = array<i32>} : memref<20x1x128xi32, #tpu.memory_space<vmem>>, vector<16xi32>,
        %mul3A_373 = arith.constant 2 : i32
        %mul3A_374 = vector.broadcast %mul3A_373 : i32 to vector<16xi32>
        %mul3A_375 = arith.muli %get3A_372, %mul3A_374 : vector<16xi32>
        tpu.vector_store_idx %arg13[%mul3A_367], %mul3A_375 : memref<256xi32, #tpu.memory_space<vmem>>[vector<16xi32>], vector<16xi32>,
        %add3A_376 = arith.constant 1 : i32
        %add3A_377 = vector.broadcast %add3A_376 : i32 to vector<16xi32>
        %add3A_378 = arith.addi %mul3A_367, %add3A_377 : vector<16xi32>
        %add3A_379 = arith.constant 1 : i32
        %add3A_380 = vector.broadcast %add3A_379 : i32 to vector<16xi32>
        %add3A_381 = arith.addi %mul3A_375, %add3A_380 : vector<16xi32>
        tpu.vector_store_idx %arg13[%add3A_378], %add3A_381 : memref<256xi32, #tpu.memory_space<vmem>>[vector<16xi32>], vector<16xi32>,
        %add3A_382 = arith.constant 48 : i32
        %add3A_383 = vector.broadcast %add3A_382 : i32 to vector<16xi32>
        %add3A_384 = arith.addi %add3A_383, %iota3A : vector<16xi32>
        %mul3A_385 = arith.constant 2 : i32
        %mul3A_386 = vector.broadcast %mul3A_385 : i32 to vector<16xi32>
        %mul3A_387 = arith.muli %add3A_384, %mul3A_386 : vector<16xi32>
        %get3A_388 = arith.constant 0 : i32
        %get3A_389 = arith.index_cast %add3A_118 : i32 to index
        %get3A_390 = arith.index_cast %get3A_388 : i32 to index
        %get3A_391 = arith.constant 48 : index
        %get3A_392 = tpu.vector_load %arg8[%get3A_389, %get3A_390, %get3A_391] {strides = array<i32>} : memref<20x1x128xi32, #tpu.memory_space<vmem>>, vector<16xi32>,
        %mul3A_393 = arith.constant 2 : i32
        %mul3A_394 = vector.broadcast %mul3A_393 : i32 to vector<16xi32>
        %mul3A_395 = arith.muli %get3A_392, %mul3A_394 : vector<16xi32>
        tpu.vector_store_idx %arg13[%mul3A_387], %mul3A_395 : memref<256xi32, #tpu.memory_space<vmem>>[vector<16xi32>], vector<16xi32>,
        %add3A_396 = arith.constant 1 : i32
        %add3A_397 = vector.broadcast %add3A_396 : i32 to vector<16xi32>
        %add3A_398 = arith.addi %mul3A_387, %add3A_397 : vector<16xi32>
        %add3A_399 = arith.constant 1 : i32
        %add3A_400 = vector.broadcast %add3A_399 : i32 to vector<16xi32>
        %add3A_401 = arith.addi %mul3A_395, %add3A_400 : vector<16xi32>
        tpu.vector_store_idx %arg13[%add3A_398], %add3A_401 : memref<256xi32, #tpu.memory_space<vmem>>[vector<16xi32>], vector<16xi32>,
        %add3A_402 = arith.constant 64 : i32
        %add3A_403 = vector.broadcast %add3A_402 : i32 to vector<16xi32>
        %add3A_404 = arith.addi %add3A_403, %iota3A : vector<16xi32>
        %mul3A_405 = arith.constant 2 : i32
        %mul3A_406 = vector.broadcast %mul3A_405 : i32 to vector<16xi32>
        %mul3A_407 = arith.muli %add3A_404, %mul3A_406 : vector<16xi32>
        %get3A_408 = arith.constant 0 : i32
        %get3A_409 = arith.index_cast %add3A_118 : i32 to index
        %get3A_410 = arith.index_cast %get3A_408 : i32 to index
        %get3A_411 = arith.constant 64 : index
        %get3A_412 = tpu.vector_load %arg8[%get3A_409, %get3A_410, %get3A_411] {strides = array<i32>} : memref<20x1x128xi32, #tpu.memory_space<vmem>>, vector<16xi32>,
        %mul3A_413 = arith.constant 2 : i32
        %mul3A_414 = vector.broadcast %mul3A_413 : i32 to vector<16xi32>
        %mul3A_415 = arith.muli %get3A_412, %mul3A_414 : vector<16xi32>
        tpu.vector_store_idx %arg13[%mul3A_407], %mul3A_415 : memref<256xi32, #tpu.memory_space<vmem>>[vector<16xi32>], vector<16xi32>,
        %add3A_416 = arith.constant 1 : i32
        %add3A_417 = vector.broadcast %add3A_416 : i32 to vector<16xi32>
        %add3A_418 = arith.addi %mul3A_407, %add3A_417 : vector<16xi32>
        %add3A_419 = arith.constant 1 : i32
        %add3A_420 = vector.broadcast %add3A_419 : i32 to vector<16xi32>
        %add3A_421 = arith.addi %mul3A_415, %add3A_420 : vector<16xi32>
        tpu.vector_store_idx %arg13[%add3A_418], %add3A_421 : memref<256xi32, #tpu.memory_space<vmem>>[vector<16xi32>], vector<16xi32>,
        %add3A_422 = arith.constant 80 : i32
        %add3A_423 = vector.broadcast %add3A_422 : i32 to vector<16xi32>
        %add3A_424 = arith.addi %add3A_423, %iota3A : vector<16xi32>
        %mul3A_425 = arith.constant 2 : i32
        %mul3A_426 = vector.broadcast %mul3A_425 : i32 to vector<16xi32>
        %mul3A_427 = arith.muli %add3A_424, %mul3A_426 : vector<16xi32>
        %get3A_428 = arith.constant 0 : i32
        %get3A_429 = arith.index_cast %add3A_118 : i32 to index
        %get3A_430 = arith.index_cast %get3A_428 : i32 to index
        %get3A_431 = arith.constant 80 : index
        %get3A_432 = tpu.vector_load %arg8[%get3A_429, %get3A_430, %get3A_431] {strides = array<i32>} : memref<20x1x128xi32, #tpu.memory_space<vmem>>, vector<16xi32>,
        %mul3A_433 = arith.constant 2 : i32
        %mul3A_434 = vector.broadcast %mul3A_433 : i32 to vector<16xi32>
        %mul3A_435 = arith.muli %get3A_432, %mul3A_434 : vector<16xi32>
        tpu.vector_store_idx %arg13[%mul3A_427], %mul3A_435 : memref<256xi32, #tpu.memory_space<vmem>>[vector<16xi32>], vector<16xi32>,
        %add3A_436 = arith.constant 1 : i32
        %add3A_437 = vector.broadcast %add3A_436 : i32 to vector<16xi32>
        %add3A_438 = arith.addi %mul3A_427, %add3A_437 : vector<16xi32>
        %add3A_439 = arith.constant 1 : i32
        %add3A_440 = vector.broadcast %add3A_439 : i32 to vector<16xi32>
        %add3A_441 = arith.addi %mul3A_435, %add3A_440 : vector<16xi32>
        tpu.vector_store_idx %arg13[%add3A_438], %add3A_441 : memref<256xi32, #tpu.memory_space<vmem>>[vector<16xi32>], vector<16xi32>,
        %add3A_442 = arith.constant 96 : i32
        %add3A_443 = vector.broadcast %add3A_442 : i32 to vector<16xi32>
        %add3A_444 = arith.addi %add3A_443, %iota3A : vector<16xi32>
        %mul3A_445 = arith.constant 2 : i32
        %mul3A_446 = vector.broadcast %mul3A_445 : i32 to vector<16xi32>
        %mul3A_447 = arith.muli %add3A_444, %mul3A_446 : vector<16xi32>
        %get3A_448 = arith.constant 0 : i32
        %get3A_449 = arith.index_cast %add3A_118 : i32 to index
        %get3A_450 = arith.index_cast %get3A_448 : i32 to index
        %get3A_451 = arith.constant 96 : index
        %get3A_452 = tpu.vector_load %arg8[%get3A_449, %get3A_450, %get3A_451] {strides = array<i32>} : memref<20x1x128xi32, #tpu.memory_space<vmem>>, vector<16xi32>,
        %mul3A_453 = arith.constant 2 : i32
        %mul3A_454 = vector.broadcast %mul3A_453 : i32 to vector<16xi32>
        %mul3A_455 = arith.muli %get3A_452, %mul3A_454 : vector<16xi32>
        tpu.vector_store_idx %arg13[%mul3A_447], %mul3A_455 : memref<256xi32, #tpu.memory_space<vmem>>[vector<16xi32>], vector<16xi32>,
        %add3A_456 = arith.constant 1 : i32
        %add3A_457 = vector.broadcast %add3A_456 : i32 to vector<16xi32>
        %add3A_458 = arith.addi %mul3A_447, %add3A_457 : vector<16xi32>
        %add3A_459 = arith.constant 1 : i32
        %add3A_460 = vector.broadcast %add3A_459 : i32 to vector<16xi32>
        %add3A_461 = arith.addi %mul3A_455, %add3A_460 : vector<16xi32>
        tpu.vector_store_idx %arg13[%add3A_458], %add3A_461 : memref<256xi32, #tpu.memory_space<vmem>>[vector<16xi32>], vector<16xi32>,
        %add3A_462 = arith.constant 112 : i32
        %add3A_463 = vector.broadcast %add3A_462 : i32 to vector<16xi32>
        %add3A_464 = arith.addi %add3A_463, %iota3A : vector<16xi32>
        %mul3A_465 = arith.constant 2 : i32
        %mul3A_466 = vector.broadcast %mul3A_465 : i32 to vector<16xi32>
        %mul3A_467 = arith.muli %add3A_464, %mul3A_466 : vector<16xi32>
        %get3A_468 = arith.constant 0 : i32
        %get3A_469 = arith.index_cast %add3A_118 : i32 to index
        %get3A_470 = arith.index_cast %get3A_468 : i32 to index
        %get3A_471 = arith.constant 112 : index
        %get3A_472 = tpu.vector_load %arg8[%get3A_469, %get3A_470, %get3A_471] {strides = array<i32>} : memref<20x1x128xi32, #tpu.memory_space<vmem>>, vector<16xi32>,
        %mul3A_473 = arith.constant 2 : i32
        %mul3A_474 = vector.broadcast %mul3A_473 : i32 to vector<16xi32>
        %mul3A_475 = arith.muli %get3A_472, %mul3A_474 : vector<16xi32>
        tpu.vector_store_idx %arg13[%mul3A_467], %mul3A_475 : memref<256xi32, #tpu.memory_space<vmem>>[vector<16xi32>], vector<16xi32>,
        %add3A_476 = arith.constant 1 : i32
        %add3A_477 = vector.broadcast %add3A_476 : i32 to vector<16xi32>
        %add3A_478 = arith.addi %mul3A_467, %add3A_477 : vector<16xi32>
        %add3A_479 = arith.constant 1 : i32
        %add3A_480 = vector.broadcast %add3A_479 : i32 to vector<16xi32>
        %add3A_481 = arith.addi %mul3A_475, %add3A_480 : vector<16xi32>
        tpu.vector_store_idx %arg13[%add3A_478], %add3A_481 : memref<256xi32, #tpu.memory_space<vmem>>[vector<16xi32>], vector<16xi32>,
        %scan3A_482 = arith.constant 0 : i32
        %scan3A_483 = arith.constant 0 : i32
        %scan3A_484 = arith.constant 128 : i32
        %scan3A_485 = arith.addi %scan3A_483, %scan3A_484 : i32
        %scan3A_486 = arith.constant 4 : i32
        scf.for %scan3A_514 = %scan3A_483 to %scan3A_485 step %scan3A_486  : i32 {
          %mul3A_515 = arith.constant 128 : i32
          %mul3A_516 = arith.muli %add3A_118, %mul3A_515 : i32
          %add3A_517 = arith.addi %mul3A_516, %scan3A_514 : i32
          %mul3A_518 = arith.constant 2 : i32
          %mul3A_519 = arith.muli %mul3A_518, %add3A_517 : i32
          %get3A_520 = arith.index_cast %mul3A_519 : i32 to index
          %get3A_521 = tpu.vector_load %arg12[%get3A_520] {strides = array<i32>} : memref<5136xf32, #tpu.memory_space<vmem>>, vector<16xf32>,
          %slice3A = vector.extract_strided_slice %get3A_521 {offsets = [0], sizes = [1], strides = [1]} : vector<16xf32> to vector<1xf32>
          %squeeze3A = vector.extract %slice3A[0] : f32 from vector<1xf32>
          %slice3A_522 = vector.extract_strided_slice %get3A_521 {offsets = [1], sizes = [1], strides = [1]} : vector<16xf32> to vector<1xf32>
          %squeeze3A_523 = vector.extract %slice3A_522[0] : f32 from vector<1xf32>
          %get3A_524 = arith.index_cast %scan3A_514 : i32 to index
          %get3A_525 = arith.constant 0 : index
          %get3A_526 = tpu.vector_load %arg11[%get3A_524, %get3A_525] {strides = array<i32>} : memref<128x128xf32, #tpu.memory_space<vmem>>, vector<16xf32>,
          %mul3A_527 = vector.broadcast %squeeze3A : f32 to vector<16xf32>
          %mul3A_528 = arith.mulf %get3A_526, %mul3A_527 : vector<16xf32>
          %swap3A = arith.index_cast %scan3A_514 : i32 to index
          %swap3A_529 = arith.constant 0 : index
          %swap3A_530 = tpu.vector_load %arg11[%swap3A, %swap3A_529] {strides = array<i32>} : memref<128x128xf32, #tpu.memory_space<vmem>>, vector<16xf32>,
          tpu.vector_store %arg11[%swap3A, %swap3A_529], %mul3A_528 {strides = array<i32>} : memref<128x128xf32, #tpu.memory_space<vmem>>, vector<16xf32>,
          %get3A_531 = arith.index_cast %scan3A_514 : i32 to index
          %get3A_532 = arith.constant 16 : index
          %get3A_533 = tpu.vector_load %arg11[%get3A_531, %get3A_532] {strides = array<i32>} : memref<128x128xf32, #tpu.memory_space<vmem>>, vector<16xf32>,
          %mul3A_534 = vector.broadcast %squeeze3A : f32 to vector<16xf32>
          %mul3A_535 = arith.mulf %get3A_533, %mul3A_534 : vector<16xf32>
          %swap3A_536 = arith.index_cast %scan3A_514 : i32 to index
          %swap3A_537 = arith.constant 16 : index
          %swap3A_538 = tpu.vector_load %arg11[%swap3A_536, %swap3A_537] {strides = array<i32>} : memref<128x128xf32, #tpu.memory_space<vmem>>, vector<16xf32>,
          tpu.vector_store %arg11[%swap3A_536, %swap3A_537], %mul3A_535 {strides = array<i32>} : memref<128x128xf32, #tpu.memory_space<vmem>>, vector<16xf32>,
          %get3A_539 = arith.index_cast %scan3A_514 : i32 to index
          %get3A_540 = arith.constant 32 : index
          %get3A_541 = tpu.vector_load %arg11[%get3A_539, %get3A_540] {strides = array<i32>} : memref<128x128xf32, #tpu.memory_space<vmem>>, vector<16xf32>,
          %mul3A_542 = vector.broadcast %squeeze3A : f32 to vector<16xf32>
          %mul3A_543 = arith.mulf %get3A_541, %mul3A_542 : vector<16xf32>
          %swap3A_544 = arith.index_cast %scan3A_514 : i32 to index
          %swap3A_545 = arith.constant 32 : index
          %swap3A_546 = tpu.vector_load %arg11[%swap3A_544, %swap3A_545] {strides = array<i32>} : memref<128x128xf32, #tpu.memory_space<vmem>>, vector<16xf32>,
          tpu.vector_store %arg11[%swap3A_544, %swap3A_545], %mul3A_543 {strides = array<i32>} : memref<128x128xf32, #tpu.memory_space<vmem>>, vector<16xf32>,
          %get3A_547 = arith.index_cast %scan3A_514 : i32 to index
          %get3A_548 = arith.constant 48 : index
          %get3A_549 = tpu.vector_load %arg11[%get3A_547, %get3A_548] {strides = array<i32>} : memref<128x128xf32, #tpu.memory_space<vmem>>, vector<16xf32>,
          %mul3A_550 = vector.broadcast %squeeze3A : f32 to vector<16xf32>
          %mul3A_551 = arith.mulf %get3A_549, %mul3A_550 : vector<16xf32>
          %swap3A_552 = arith.index_cast %scan3A_514 : i32 to index
          %swap3A_553 = arith.constant 48 : index
          %swap3A_554 = tpu.vector_load %arg11[%swap3A_552, %swap3A_553] {strides = array<i32>} : memref<128x128xf32, #tpu.memory_space<vmem>>, vector<16xf32>,
          tpu.vector_store %arg11[%swap3A_552, %swap3A_553], %mul3A_551 {strides = array<i32>} : memref<128x128xf32, #tpu.memory_space<vmem>>, vector<16xf32>,
          %get3A_555 = arith.index_cast %scan3A_514 : i32 to index
          %get3A_556 = arith.constant 64 : index
          %get3A_557 = tpu.vector_load %arg11[%get3A_555, %get3A_556] {strides = array<i32>} : memref<128x128xf32, #tpu.memory_space<vmem>>, vector<16xf32>,
          %mul3A_558 = vector.broadcast %squeeze3A_523 : f32 to vector<16xf32>
          %mul3A_559 = arith.mulf %get3A_557, %mul3A_558 : vector<16xf32>
          %swap3A_560 = arith.index_cast %scan3A_514 : i32 to index
          %swap3A_561 = arith.constant 64 : index
          %swap3A_562 = tpu.vector_load %arg11[%swap3A_560, %swap3A_561] {strides = array<i32>} : memref<128x128xf32, #tpu.memory_space<vmem>>, vector<16xf32>,
          tpu.vector_store %arg11[%swap3A_560, %swap3A_561], %mul3A_559 {strides = array<i32>} : memref<128x128xf32, #tpu.memory_space<vmem>>, vector<16xf32>,
          %get3A_563 = arith.index_cast %scan3A_514 : i32 to index
          %get3A_564 = arith.constant 80 : index
          %get3A_565 = tpu.vector_load %arg11[%get3A_563, %get3A_564] {strides = array<i32>} : memref<128x128xf32, #tpu.memory_space<vmem>>, vector<16xf32>,
          %mul3A_566 = vector.broadcast %squeeze3A_523 : f32 to vector<16xf32>
          %mul3A_567 = arith.mulf %get3A_565, %mul3A_566 : vector<16xf32>
          %swap3A_568 = arith.index_cast %scan3A_514 : i32 to index
          %swap3A_569 = arith.constant 80 : index
          %swap3A_570 = tpu.vector_load %arg11[%swap3A_568, %swap3A_569] {strides = array<i32>} : memref<128x128xf32, #tpu.memory_space<vmem>>, vector<16xf32>,
          tpu.vector_store %arg11[%swap3A_568, %swap3A_569], %mul3A_567 {strides = array<i32>} : memref<128x128xf32, #tpu.memory_space<vmem>>, vector<16xf32>,
          %get3A_571 = arith.index_cast %scan3A_514 : i32 to index
          %get3A_572 = arith.constant 96 : index
          %get3A_573 = tpu.vector_load %arg11[%get3A_571, %get3A_572] {strides = array<i32>} : memref<128x128xf32, #tpu.memory_space<vmem>>, vector<16xf32>,
          %mul3A_574 = vector.broadcast %squeeze3A_523 : f32 to vector<16xf32>
          %mul3A_575 = arith.mulf %get3A_573, %mul3A_574 : vector<16xf32>
          %swap3A_576 = arith.index_cast %scan3A_514 : i32 to index
          %swap3A_577 = arith.constant 96 : index
          %swap3A_578 = tpu.vector_load %arg11[%swap3A_576, %swap3A_577] {strides = array<i32>} : memref<128x128xf32, #tpu.memory_space<vmem>>, vector<16xf32>,
          tpu.vector_store %arg11[%swap3A_576, %swap3A_577], %mul3A_575 {strides = array<i32>} : memref<128x128xf32, #tpu.memory_space<vmem>>, vector<16xf32>,
          %get3A_579 = arith.index_cast %scan3A_514 : i32 to index
          %get3A_580 = arith.constant 112 : index
          %get3A_581 = tpu.vector_load %arg11[%get3A_579, %get3A_580] {strides = array<i32>} : memref<128x128xf32, #tpu.memory_space<vmem>>, vector<16xf32>,
          %mul3A_582 = vector.broadcast %squeeze3A_523 : f32 to vector<16xf32>
          %mul3A_583 = arith.mulf %get3A_581, %mul3A_582 : vector<16xf32>
          %swap3A_584 = arith.index_cast %scan3A_514 : i32 to index
          %swap3A_585 = arith.constant 112 : index
          %swap3A_586 = tpu.vector_load %arg11[%swap3A_584, %swap3A_585] {strides = array<i32>} : memref<128x128xf32, #tpu.memory_space<vmem>>, vector<16xf32>,
          tpu.vector_store %arg11[%swap3A_584, %swap3A_585], %mul3A_583 {strides = array<i32>} : memref<128x128xf32, #tpu.memory_space<vmem>>, vector<16xf32>,
          %scan3A_587 = arith.constant 1 : i32
          %scan3A_588 = arith.addi %scan3A_514, %scan3A_587 : i32
          %mul3A_589 = arith.constant 128 : i32
          %mul3A_590 = arith.muli %add3A_118, %mul3A_589 : i32
          %add3A_591 = arith.addi %mul3A_590, %scan3A_588 : i32
          %mul3A_592 = arith.constant 2 : i32
          %mul3A_593 = arith.muli %mul3A_592, %add3A_591 : i32
          %get3A_594 = arith.index_cast %mul3A_593 : i32 to index
          %get3A_595 = tpu.vector_load %arg12[%get3A_594] {strides = array<i32>} : memref<5136xf32, #tpu.memory_space<vmem>>, vector<16xf32>,
          %slice3A_596 = vector.extract_strided_slice %get3A_595 {offsets = [0], sizes = [1], strides = [1]} : vector<16xf32> to vector<1xf32>
          %squeeze3A_597 = vector.extract %slice3A_596[0] : f32 from vector<1xf32>
          %slice3A_598 = vector.extract_strided_slice %get3A_595 {offsets = [1], sizes = [1], strides = [1]} : vector<16xf32> to vector<1xf32>
          %squeeze3A_599 = vector.extract %slice3A_598[0] : f32 from vector<1xf32>
          %get3A_600 = arith.index_cast %scan3A_588 : i32 to index
          %get3A_601 = arith.constant 0 : index
          %get3A_602 = tpu.vector_load %arg11[%get3A_600, %get3A_601] {strides = array<i32>} : memref<128x128xf32, #tpu.memory_space<vmem>>, vector<16xf32>,
          %mul3A_603 = vector.broadcast %squeeze3A_597 : f32 to vector<16xf32>
          %mul3A_604 = arith.mulf %get3A_602, %mul3A_603 : vector<16xf32>
          %swap3A_605 = arith.index_cast %scan3A_588 : i32 to index
          %swap3A_606 = arith.constant 0 : index
          %swap3A_607 = tpu.vector_load %arg11[%swap3A_605, %swap3A_606] {strides = array<i32>} : memref<128x128xf32, #tpu.memory_space<vmem>>, vector<16xf32>,
          tpu.vector_store %arg11[%swap3A_605, %swap3A_606], %mul3A_604 {strides = array<i32>} : memref<128x128xf32, #tpu.memory_space<vmem>>, vector<16xf32>,
          %get3A_608 = arith.index_cast %scan3A_588 : i32 to index
          %get3A_609 = arith.constant 16 : index
          %get3A_610 = tpu.vector_load %arg11[%get3A_608, %get3A_609] {strides = array<i32>} : memref<128x128xf32, #tpu.memory_space<vmem>>, vector<16xf32>,
          %mul3A_611 = vector.broadcast %squeeze3A_597 : f32 to vector<16xf32>
          %mul3A_612 = arith.mulf %get3A_610, %mul3A_611 : vector<16xf32>
          %swap3A_613 = arith.index_cast %scan3A_588 : i32 to index
          %swap3A_614 = arith.constant 16 : index
          %swap3A_615 = tpu.vector_load %arg11[%swap3A_613, %swap3A_614] {strides = array<i32>} : memref<128x128xf32, #tpu.memory_space<vmem>>, vector<16xf32>,
          tpu.vector_store %arg11[%swap3A_613, %swap3A_614], %mul3A_612 {strides = array<i32>} : memref<128x128xf32, #tpu.memory_space<vmem>>, vector<16xf32>,
          %get3A_616 = arith.index_cast %scan3A_588 : i32 to index
          %get3A_617 = arith.constant 32 : index
          %get3A_618 = tpu.vector_load %arg11[%get3A_616, %get3A_617] {strides = array<i32>} : memref<128x128xf32, #tpu.memory_space<vmem>>, vector<16xf32>,
          %mul3A_619 = vector.broadcast %squeeze3A_597 : f32 to vector<16xf32>
          %mul3A_620 = arith.mulf %get3A_618, %mul3A_619 : vector<16xf32>
          %swap3A_621 = arith.index_cast %scan3A_588 : i32 to index
          %swap3A_622 = arith.constant 32 : index
          %swap3A_623 = tpu.vector_load %arg11[%swap3A_621, %swap3A_622] {strides = array<i32>} : memref<128x128xf32, #tpu.memory_space<vmem>>, vector<16xf32>,
          tpu.vector_store %arg11[%swap3A_621, %swap3A_622], %mul3A_620 {strides = array<i32>} : memref<128x128xf32, #tpu.memory_space<vmem>>, vector<16xf32>,
          %get3A_624 = arith.index_cast %scan3A_588 : i32 to index
          %get3A_625 = arith.constant 48 : index
          %get3A_626 = tpu.vector_load %arg11[%get3A_624, %get3A_625] {strides = array<i32>} : memref<128x128xf32, #tpu.memory_space<vmem>>, vector<16xf32>,
          %mul3A_627 = vector.broadcast %squeeze3A_597 : f32 to vector<16xf32>
          %mul3A_628 = arith.mulf %get3A_626, %mul3A_627 : vector<16xf32>
          %swap3A_629 = arith.index_cast %scan3A_588 : i32 to index
          %swap3A_630 = arith.constant 48 : index
          %swap3A_631 = tpu.vector_load %arg11[%swap3A_629, %swap3A_630] {strides = array<i32>} : memref<128x128xf32, #tpu.memory_space<vmem>>, vector<16xf32>,
          tpu.vector_store %arg11[%swap3A_629, %swap3A_630], %mul3A_628 {strides = array<i32>} : memref<128x128xf32, #tpu.memory_space<vmem>>, vector<16xf32>,
          %get3A_632 = arith.index_cast %scan3A_588 : i32 to index
          %get3A_633 = arith.constant 64 : index
          %get3A_634 = tpu.vector_load %arg11[%get3A_632, %get3A_633] {strides = array<i32>} : memref<128x128xf32, #tpu.memory_space<vmem>>, vector<16xf32>,
          %mul3A_635 = vector.broadcast %squeeze3A_599 : f32 to vector<16xf32>
          %mul3A_636 = arith.mulf %get3A_634, %mul3A_635 : vector<16xf32>
          %swap3A_637 = arith.index_cast %scan3A_588 : i32 to index
          %swap3A_638 = arith.constant 64 : index
          %swap3A_639 = tpu.vector_load %arg11[%swap3A_637, %swap3A_638] {strides = array<i32>} : memref<128x128xf32, #tpu.memory_space<vmem>>, vector<16xf32>,
          tpu.vector_store %arg11[%swap3A_637, %swap3A_638], %mul3A_636 {strides = array<i32>} : memref<128x128xf32, #tpu.memory_space<vmem>>, vector<16xf32>,
          %get3A_640 = arith.index_cast %scan3A_588 : i32 to index
          %get3A_641 = arith.constant 80 : index
          %get3A_642 = tpu.vector_load %arg11[%get3A_640, %get3A_641] {strides = array<i32>} : memref<128x128xf32, #tpu.memory_space<vmem>>, vector<16xf32>,
          %mul3A_643 = vector.broadcast %squeeze3A_599 : f32 to vector<16xf32>
          %mul3A_644 = arith.mulf %get3A_642, %mul3A_643 : vector<16xf32>
          %swap3A_645 = arith.index_cast %scan3A_588 : i32 to index
          %swap3A_646 = arith.constant 80 : index
          %swap3A_647 = tpu.vector_load %arg11[%swap3A_645, %swap3A_646] {strides = array<i32>} : memref<128x128xf32, #tpu.memory_space<vmem>>, vector<16xf32>,
          tpu.vector_store %arg11[%swap3A_645, %swap3A_646], %mul3A_644 {strides = array<i32>} : memref<128x128xf32, #tpu.memory_space<vmem>>, vector<16xf32>,
          %get3A_648 = arith.index_cast %scan3A_588 : i32 to index
          %get3A_649 = arith.constant 96 : index
          %get3A_650 = tpu.vector_load %arg11[%get3A_648, %get3A_649] {strides = array<i32>} : memref<128x128xf32, #tpu.memory_space<vmem>>, vector<16xf32>,
          %mul3A_651 = vector.broadcast %squeeze3A_599 : f32 to vector<16xf32>
          %mul3A_652 = arith.mulf %get3A_650, %mul3A_651 : vector<16xf32>
          %swap3A_653 = arith.index_cast %scan3A_588 : i32 to index
          %swap3A_654 = arith.constant 96 : index
          %swap3A_655 = tpu.vector_load %arg11[%swap3A_653, %swap3A_654] {strides = array<i32>} : memref<128x128xf32, #tpu.memory_space<vmem>>, vector<16xf32>,
          tpu.vector_store %arg11[%swap3A_653, %swap3A_654], %mul3A_652 {strides = array<i32>} : memref<128x128xf32, #tpu.memory_space<vmem>>, vector<16xf32>,
          %get3A_656 = arith.index_cast %scan3A_588 : i32 to index
          %get3A_657 = arith.constant 112 : index
          %get3A_658 = tpu.vector_load %arg11[%get3A_656, %get3A_657] {strides = array<i32>} : memref<128x128xf32, #tpu.memory_space<vmem>>, vector<16xf32>,
          %mul3A_659 = vector.broadcast %squeeze3A_599 : f32 to vector<16xf32>
          %mul3A_660 = arith.mulf %get3A_658, %mul3A_659 : vector<16xf32>
          %swap3A_661 = arith.index_cast %scan3A_588 : i32 to index
          %swap3A_662 = arith.constant 112 : index
          %swap3A_663 = tpu.vector_load %arg11[%swap3A_661, %swap3A_662] {strides = array<i32>} : memref<128x128xf32, #tpu.memory_space<vmem>>, vector<16xf32>,
          tpu.vector_store %arg11[%swap3A_661, %swap3A_662], %mul3A_660 {strides = array<i32>} : memref<128x128xf32, #tpu.memory_space<vmem>>, vector<16xf32>,
          %scan3A_664 = arith.constant 2 : i32
          %scan3A_665 = arith.addi %scan3A_514, %scan3A_664 : i32
          %mul3A_666 = arith.constant 128 : i32
          %mul3A_667 = arith.muli %add3A_118, %mul3A_666 : i32
          %add3A_668 = arith.addi %mul3A_667, %scan3A_665 : i32
          %mul3A_669 = arith.constant 2 : i32
          %mul3A_670 = arith.muli %mul3A_669, %add3A_668 : i32
          %get3A_671 = arith.index_cast %mul3A_670 : i32 to index
          %get3A_672 = tpu.vector_load %arg12[%get3A_671] {strides = array<i32>} : memref<5136xf32, #tpu.memory_space<vmem>>, vector<16xf32>,
          %slice3A_673 = vector.extract_strided_slice %get3A_672 {offsets = [0], sizes = [1], strides = [1]} : vector<16xf32> to vector<1xf32>
          %squeeze3A_674 = vector.extract %slice3A_673[0] : f32 from vector<1xf32>
          %slice3A_675 = vector.extract_strided_slice %get3A_672 {offsets = [1], sizes = [1], strides = [1]} : vector<16xf32> to vector<1xf32>
          %squeeze3A_676 = vector.extract %slice3A_675[0] : f32 from vector<1xf32>
          %get3A_677 = arith.index_cast %scan3A_665 : i32 to index
          %get3A_678 = arith.constant 0 : index
          %get3A_679 = tpu.vector_load %arg11[%get3A_677, %get3A_678] {strides = array<i32>} : memref<128x128xf32, #tpu.memory_space<vmem>>, vector<16xf32>,
          %mul3A_680 = vector.broadcast %squeeze3A_674 : f32 to vector<16xf32>
          %mul3A_681 = arith.mulf %get3A_679, %mul3A_680 : vector<16xf32>
          %swap3A_682 = arith.index_cast %scan3A_665 : i32 to index
          %swap3A_683 = arith.constant 0 : index
          %swap3A_684 = tpu.vector_load %arg11[%swap3A_682, %swap3A_683] {strides = array<i32>} : memref<128x128xf32, #tpu.memory_space<vmem>>, vector<16xf32>,
          tpu.vector_store %arg11[%swap3A_682, %swap3A_683], %mul3A_681 {strides = array<i32>} : memref<128x128xf32, #tpu.memory_space<vmem>>, vector<16xf32>,
          %get3A_685 = arith.index_cast %scan3A_665 : i32 to index
          %get3A_686 = arith.constant 16 : index
          %get3A_687 = tpu.vector_load %arg11[%get3A_685, %get3A_686] {strides = array<i32>} : memref<128x128xf32, #tpu.memory_space<vmem>>, vector<16xf32>,
          %mul3A_688 = vector.broadcast %squeeze3A_674 : f32 to vector<16xf32>
          %mul3A_689 = arith.mulf %get3A_687, %mul3A_688 : vector<16xf32>
          %swap3A_690 = arith.index_cast %scan3A_665 : i32 to index
          %swap3A_691 = arith.constant 16 : index
          %swap3A_692 = tpu.vector_load %arg11[%swap3A_690, %swap3A_691] {strides = array<i32>} : memref<128x128xf32, #tpu.memory_space<vmem>>, vector<16xf32>,
          tpu.vector_store %arg11[%swap3A_690, %swap3A_691], %mul3A_689 {strides = array<i32>} : memref<128x128xf32, #tpu.memory_space<vmem>>, vector<16xf32>,
          %get3A_693 = arith.index_cast %scan3A_665 : i32 to index
          %get3A_694 = arith.constant 32 : index
          %get3A_695 = tpu.vector_load %arg11[%get3A_693, %get3A_694] {strides = array<i32>} : memref<128x128xf32, #tpu.memory_space<vmem>>, vector<16xf32>,
          %mul3A_696 = vector.broadcast %squeeze3A_674 : f32 to vector<16xf32>
          %mul3A_697 = arith.mulf %get3A_695, %mul3A_696 : vector<16xf32>
          %swap3A_698 = arith.index_cast %scan3A_665 : i32 to index
          %swap3A_699 = arith.constant 32 : index
          %swap3A_700 = tpu.vector_load %arg11[%swap3A_698, %swap3A_699] {strides = array<i32>} : memref<128x128xf32, #tpu.memory_space<vmem>>, vector<16xf32>,
          tpu.vector_store %arg11[%swap3A_698, %swap3A_699], %mul3A_697 {strides = array<i32>} : memref<128x128xf32, #tpu.memory_space<vmem>>, vector<16xf32>,
          %get3A_701 = arith.index_cast %scan3A_665 : i32 to index
          %get3A_702 = arith.constant 48 : index
          %get3A_703 = tpu.vector_load %arg11[%get3A_701, %get3A_702] {strides = array<i32>} : memref<128x128xf32, #tpu.memory_space<vmem>>, vector<16xf32>,
          %mul3A_704 = vector.broadcast %squeeze3A_674 : f32 to vector<16xf32>
          %mul3A_705 = arith.mulf %get3A_703, %mul3A_704 : vector<16xf32>
          %swap3A_706 = arith.index_cast %scan3A_665 : i32 to index
          %swap3A_707 = arith.constant 48 : index
          %swap3A_708 = tpu.vector_load %arg11[%swap3A_706, %swap3A_707] {strides = array<i32>} : memref<128x128xf32, #tpu.memory_space<vmem>>, vector<16xf32>,
          tpu.vector_store %arg11[%swap3A_706, %swap3A_707], %mul3A_705 {strides = array<i32>} : memref<128x128xf32, #tpu.memory_space<vmem>>, vector<16xf32>,
          %get3A_709 = arith.index_cast %scan3A_665 : i32 to index
          %get3A_710 = arith.constant 64 : index
          %get3A_711 = tpu.vector_load %arg11[%get3A_709, %get3A_710] {strides = array<i32>} : memref<128x128xf32, #tpu.memory_space<vmem>>, vector<16xf32>,
          %mul3A_712 = vector.broadcast %squeeze3A_676 : f32 to vector<16xf32>
          %mul3A_713 = arith.mulf %get3A_711, %mul3A_712 : vector<16xf32>
          %swap3A_714 = arith.index_cast %scan3A_665 : i32 to index
          %swap3A_715 = arith.constant 64 : index
          %swap3A_716 = tpu.vector_load %arg11[%swap3A_714, %swap3A_715] {strides = array<i32>} : memref<128x128xf32, #tpu.memory_space<vmem>>, vector<16xf32>,
          tpu.vector_store %arg11[%swap3A_714, %swap3A_715], %mul3A_713 {strides = array<i32>} : memref<128x128xf32, #tpu.memory_space<vmem>>, vector<16xf32>,
          %get3A_717 = arith.index_cast %scan3A_665 : i32 to index
          %get3A_718 = arith.constant 80 : index
          %get3A_719 = tpu.vector_load %arg11[%get3A_717, %get3A_718] {strides = array<i32>} : memref<128x128xf32, #tpu.memory_space<vmem>>, vector<16xf32>,
          %mul3A_720 = vector.broadcast %squeeze3A_676 : f32 to vector<16xf32>
          %mul3A_721 = arith.mulf %get3A_719, %mul3A_720 : vector<16xf32>
          %swap3A_722 = arith.index_cast %scan3A_665 : i32 to index
          %swap3A_723 = arith.constant 80 : index
          %swap3A_724 = tpu.vector_load %arg11[%swap3A_722, %swap3A_723] {strides = array<i32>} : memref<128x128xf32, #tpu.memory_space<vmem>>, vector<16xf32>,
          tpu.vector_store %arg11[%swap3A_722, %swap3A_723], %mul3A_721 {strides = array<i32>} : memref<128x128xf32, #tpu.memory_space<vmem>>, vector<16xf32>,
          %get3A_725 = arith.index_cast %scan3A_665 : i32 to index
          %get3A_726 = arith.constant 96 : index
          %get3A_727 = tpu.vector_load %arg11[%get3A_725, %get3A_726] {strides = array<i32>} : memref<128x128xf32, #tpu.memory_space<vmem>>, vector<16xf32>,
          %mul3A_728 = vector.broadcast %squeeze3A_676 : f32 to vector<16xf32>
          %mul3A_729 = arith.mulf %get3A_727, %mul3A_728 : vector<16xf32>
          %swap3A_730 = arith.index_cast %scan3A_665 : i32 to index
          %swap3A_731 = arith.constant 96 : index
          %swap3A_732 = tpu.vector_load %arg11[%swap3A_730, %swap3A_731] {strides = array<i32>} : memref<128x128xf32, #tpu.memory_space<vmem>>, vector<16xf32>,
          tpu.vector_store %arg11[%swap3A_730, %swap3A_731], %mul3A_729 {strides = array<i32>} : memref<128x128xf32, #tpu.memory_space<vmem>>, vector<16xf32>,
          %get3A_733 = arith.index_cast %scan3A_665 : i32 to index
          %get3A_734 = arith.constant 112 : index
          %get3A_735 = tpu.vector_load %arg11[%get3A_733, %get3A_734] {strides = array<i32>} : memref<128x128xf32, #tpu.memory_space<vmem>>, vector<16xf32>,
          %mul3A_736 = vector.broadcast %squeeze3A_676 : f32 to vector<16xf32>
          %mul3A_737 = arith.mulf %get3A_735, %mul3A_736 : vector<16xf32>
          %swap3A_738 = arith.index_cast %scan3A_665 : i32 to index
          %swap3A_739 = arith.constant 112 : index
          %swap3A_740 = tpu.vector_load %arg11[%swap3A_738, %swap3A_739] {strides = array<i32>} : memref<128x128xf32, #tpu.memory_space<vmem>>, vector<16xf32>,
          tpu.vector_store %arg11[%swap3A_738, %swap3A_739], %mul3A_737 {strides = array<i32>} : memref<128x128xf32, #tpu.memory_space<vmem>>, vector<16xf32>,
          %scan3A_741 = arith.constant 3 : i32
          %scan3A_742 = arith.addi %scan3A_514, %scan3A_741 : i32
          %mul3A_743 = arith.constant 128 : i32
          %mul3A_744 = arith.muli %add3A_118, %mul3A_743 : i32
          %add3A_745 = arith.addi %mul3A_744, %scan3A_742 : i32
          %mul3A_746 = arith.constant 2 : i32
          %mul3A_747 = arith.muli %mul3A_746, %add3A_745 : i32
          %get3A_748 = arith.index_cast %mul3A_747 : i32 to index
          %get3A_749 = tpu.vector_load %arg12[%get3A_748] {strides = array<i32>} : memref<5136xf32, #tpu.memory_space<vmem>>, vector<16xf32>,
          %slice3A_750 = vector.extract_strided_slice %get3A_749 {offsets = [0], sizes = [1], strides = [1]} : vector<16xf32> to vector<1xf32>
          %squeeze3A_751 = vector.extract %slice3A_750[0] : f32 from vector<1xf32>
          %slice3A_752 = vector.extract_strided_slice %get3A_749 {offsets = [1], sizes = [1], strides = [1]} : vector<16xf32> to vector<1xf32>
          %squeeze3A_753 = vector.extract %slice3A_752[0] : f32 from vector<1xf32>
          %get3A_754 = arith.index_cast %scan3A_742 : i32 to index
          %get3A_755 = arith.constant 0 : index
          %get3A_756 = tpu.vector_load %arg11[%get3A_754, %get3A_755] {strides = array<i32>} : memref<128x128xf32, #tpu.memory_space<vmem>>, vector<16xf32>,
          %mul3A_757 = vector.broadcast %squeeze3A_751 : f32 to vector<16xf32>
          %mul3A_758 = arith.mulf %get3A_756, %mul3A_757 : vector<16xf32>
          %swap3A_759 = arith.index_cast %scan3A_742 : i32 to index
          %swap3A_760 = arith.constant 0 : index
          %swap3A_761 = tpu.vector_load %arg11[%swap3A_759, %swap3A_760] {strides = array<i32>} : memref<128x128xf32, #tpu.memory_space<vmem>>, vector<16xf32>,
          tpu.vector_store %arg11[%swap3A_759, %swap3A_760], %mul3A_758 {strides = array<i32>} : memref<128x128xf32, #tpu.memory_space<vmem>>, vector<16xf32>,
          %get3A_762 = arith.index_cast %scan3A_742 : i32 to index
          %get3A_763 = arith.constant 16 : index
          %get3A_764 = tpu.vector_load %arg11[%get3A_762, %get3A_763] {strides = array<i32>} : memref<128x128xf32, #tpu.memory_space<vmem>>, vector<16xf32>,
          %mul3A_765 = vector.broadcast %squeeze3A_751 : f32 to vector<16xf32>
          %mul3A_766 = arith.mulf %get3A_764, %mul3A_765 : vector<16xf32>
          %swap3A_767 = arith.index_cast %scan3A_742 : i32 to index
          %swap3A_768 = arith.constant 16 : index
          %swap3A_769 = tpu.vector_load %arg11[%swap3A_767, %swap3A_768] {strides = array<i32>} : memref<128x128xf32, #tpu.memory_space<vmem>>, vector<16xf32>,
          tpu.vector_store %arg11[%swap3A_767, %swap3A_768], %mul3A_766 {strides = array<i32>} : memref<128x128xf32, #tpu.memory_space<vmem>>, vector<16xf32>,
          %get3A_770 = arith.index_cast %scan3A_742 : i32 to index
          %get3A_771 = arith.constant 32 : index
          %get3A_772 = tpu.vector_load %arg11[%get3A_770, %get3A_771] {strides = array<i32>} : memref<128x128xf32, #tpu.memory_space<vmem>>, vector<16xf32>,
          %mul3A_773 = vector.broadcast %squeeze3A_751 : f32 to vector<16xf32>
          %mul3A_774 = arith.mulf %get3A_772, %mul3A_773 : vector<16xf32>
          %swap3A_775 = arith.index_cast %scan3A_742 : i32 to index
          %swap3A_776 = arith.constant 32 : index
          %swap3A_777 = tpu.vector_load %arg11[%swap3A_775, %swap3A_776] {strides = array<i32>} : memref<128x128xf32, #tpu.memory_space<vmem>>, vector<16xf32>,
          tpu.vector_store %arg11[%swap3A_775, %swap3A_776], %mul3A_774 {strides = array<i32>} : memref<128x128xf32, #tpu.memory_space<vmem>>, vector<16xf32>,
          %get3A_778 = arith.index_cast %scan3A_742 : i32 to index
          %get3A_779 = arith.constant 48 : index
          %get3A_780 = tpu.vector_load %arg11[%get3A_778, %get3A_779] {strides = array<i32>} : memref<128x128xf32, #tpu.memory_space<vmem>>, vector<16xf32>,
          %mul3A_781 = vector.broadcast %squeeze3A_751 : f32 to vector<16xf32>
          %mul3A_782 = arith.mulf %get3A_780, %mul3A_781 : vector<16xf32>
          %swap3A_783 = arith.index_cast %scan3A_742 : i32 to index
          %swap3A_784 = arith.constant 48 : index
          %swap3A_785 = tpu.vector_load %arg11[%swap3A_783, %swap3A_784] {strides = array<i32>} : memref<128x128xf32, #tpu.memory_space<vmem>>, vector<16xf32>,
          tpu.vector_store %arg11[%swap3A_783, %swap3A_784], %mul3A_782 {strides = array<i32>} : memref<128x128xf32, #tpu.memory_space<vmem>>, vector<16xf32>,
          %get3A_786 = arith.index_cast %scan3A_742 : i32 to index
          %get3A_787 = arith.constant 64 : index
          %get3A_788 = tpu.vector_load %arg11[%get3A_786, %get3A_787] {strides = array<i32>} : memref<128x128xf32, #tpu.memory_space<vmem>>, vector<16xf32>,
          %mul3A_789 = vector.broadcast %squeeze3A_753 : f32 to vector<16xf32>
          %mul3A_790 = arith.mulf %get3A_788, %mul3A_789 : vector<16xf32>
          %swap3A_791 = arith.index_cast %scan3A_742 : i32 to index
          %swap3A_792 = arith.constant 64 : index
          %swap3A_793 = tpu.vector_load %arg11[%swap3A_791, %swap3A_792] {strides = array<i32>} : memref<128x128xf32, #tpu.memory_space<vmem>>, vector<16xf32>,
          tpu.vector_store %arg11[%swap3A_791, %swap3A_792], %mul3A_790 {strides = array<i32>} : memref<128x128xf32, #tpu.memory_space<vmem>>, vector<16xf32>,
          %get3A_794 = arith.index_cast %scan3A_742 : i32 to index
          %get3A_795 = arith.constant 80 : index
          %get3A_796 = tpu.vector_load %arg11[%get3A_794, %get3A_795] {strides = array<i32>} : memref<128x128xf32, #tpu.memory_space<vmem>>, vector<16xf32>,
          %mul3A_797 = vector.broadcast %squeeze3A_753 : f32 to vector<16xf32>
          %mul3A_798 = arith.mulf %get3A_796, %mul3A_797 : vector<16xf32>
          %swap3A_799 = arith.index_cast %scan3A_742 : i32 to index
          %swap3A_800 = arith.constant 80 : index
          %swap3A_801 = tpu.vector_load %arg11[%swap3A_799, %swap3A_800] {strides = array<i32>} : memref<128x128xf32, #tpu.memory_space<vmem>>, vector<16xf32>,
          tpu.vector_store %arg11[%swap3A_799, %swap3A_800], %mul3A_798 {strides = array<i32>} : memref<128x128xf32, #tpu.memory_space<vmem>>, vector<16xf32>,
          %get3A_802 = arith.index_cast %scan3A_742 : i32 to index
          %get3A_803 = arith.constant 96 : index
          %get3A_804 = tpu.vector_load %arg11[%get3A_802, %get3A_803] {strides = array<i32>} : memref<128x128xf32, #tpu.memory_space<vmem>>, vector<16xf32>,
          %mul3A_805 = vector.broadcast %squeeze3A_753 : f32 to vector<16xf32>
          %mul3A_806 = arith.mulf %get3A_804, %mul3A_805 : vector<16xf32>
          %swap3A_807 = arith.index_cast %scan3A_742 : i32 to index
          %swap3A_808 = arith.constant 96 : index
          %swap3A_809 = tpu.vector_load %arg11[%swap3A_807, %swap3A_808] {strides = array<i32>} : memref<128x128xf32, #tpu.memory_space<vmem>>, vector<16xf32>,
          tpu.vector_store %arg11[%swap3A_807, %swap3A_808], %mul3A_806 {strides = array<i32>} : memref<128x128xf32, #tpu.memory_space<vmem>>, vector<16xf32>,
          %get3A_810 = arith.index_cast %scan3A_742 : i32 to index
          %get3A_811 = arith.constant 112 : index
          %get3A_812 = tpu.vector_load %arg11[%get3A_810, %get3A_811] {strides = array<i32>} : memref<128x128xf32, #tpu.memory_space<vmem>>, vector<16xf32>,
          %mul3A_813 = vector.broadcast %squeeze3A_753 : f32 to vector<16xf32>
          %mul3A_814 = arith.mulf %get3A_812, %mul3A_813 : vector<16xf32>
          %swap3A_815 = arith.index_cast %scan3A_742 : i32 to index
          %swap3A_816 = arith.constant 112 : index
          %swap3A_817 = tpu.vector_load %arg11[%swap3A_815, %swap3A_816] {strides = array<i32>} : memref<128x128xf32, #tpu.memory_space<vmem>>, vector<16xf32>,
          tpu.vector_store %arg11[%swap3A_815, %swap3A_816], %mul3A_814 {strides = array<i32>} : memref<128x128xf32, #tpu.memory_space<vmem>>, vector<16xf32>,
        }
        %scan3A_487 = arith.constant 128 : i32
        %dma_start3A_488 = arith.constant 0 : i32
        %dma_start3A_489 = arith.constant 0 : i32
        %dma_start3A_490 = tpu.memref_slice %arg8[%add3A_118, %dma_start3A_488, %dma_start3A_489] : memref<20x1x128xi32, #tpu.memory_space<vmem>> -> memref<1x1x128xi32, #tpu.memory_space<vmem>>
        %dma_start3A_491 = tpu.memref_squeeze %dma_start3A_490 : memref<1x1x128xi32, #tpu.memory_space<vmem>> -> memref<128xi32, #tpu.memory_space<vmem>>
        %dma_start3A_492 = arith.constant 0 : i32
        %dma_start3A_493 = arith.constant 0 : i32
        %dma_start3A_494 = tpu.memref_slice %arg15[%dma_start3A_492, %dma_start3A_493] : memref<10240x128xf32, #tpu.memory_space<vmem_shared>> -> memref<10240x128xf32, #tpu.memory_space<vmem_shared>>
        tpu.enqueue_indirect_dma source(%arg11 : memref<128x128xf32, #tpu.memory_space<vmem>>) target(%dma_start3A_494 : memref<10240x128xf32, #tpu.memory_space<vmem_shared>>) offsets(%dma_start3A_491 : memref<128xi32, #tpu.memory_space<vmem>>) semaphore(%arg20 : memref<!tpu.dma_semaphore, #tpu.memory_space<semaphore_mem>>) {add = true}
        %mul3A_495 = arith.constant 128 : i32
        %mul3A_496 = arith.muli %add3A_118, %mul3A_495 : i32
        %mul3A_497 = arith.constant 2 : i32
        %mul3A_498 = arith.muli %mul3A_497, %mul3A_496 : i32
        "tpu.region"() ({
          %run_scoped3A = tpu.sem_alloc : memref<!tpu.dma_semaphore, #tpu.memory_space<semaphore_mem>>
          %dma_start3A_514 = tpu.memref_slice %arg12[%mul3A_498] : memref<5136xf32, #tpu.memory_space<vmem>> -> memref<256xf32, #tpu.memory_space<vmem>>
          %dma_start3A_515 = arith.constant 0 : i32
          %dma_start3A_516 = tpu.memref_slice %arg16[%dma_start3A_515] : memref<20480xf32, #tpu.memory_space<vmem_shared>> -> memref<20480xf32, #tpu.memory_space<vmem_shared>>
          tpu.enqueue_indirect_dma source(%dma_start3A_514 : memref<256xf32, #tpu.memory_space<vmem>>) target(%dma_start3A_516 : memref<20480xf32, #tpu.memory_space<vmem_shared>>) offsets(%arg13 : memref<256xi32, #tpu.memory_space<vmem>>) semaphore(%run_scoped3A : memref<!tpu.dma_semaphore, #tpu.memory_space<semaphore_mem>>) {add = true}
          %dma_wait3A_517 = tpu.memref_slice %arg12[%mul3A_498] : memref<5136xf32, #tpu.memory_space<vmem>> -> memref<256xf32, #tpu.memory_space<vmem>>
          %dma_wait3A_518 = arith.constant 0 : i32
          %dma_wait3A_519 = tpu.memref_slice %arg16[%dma_wait3A_518] : memref<20480xf32, #tpu.memory_space<vmem_shared>> -> memref<20480xf32, #tpu.memory_space<vmem_shared>>
          tpu.wait_indirect_dma semaphore(%run_scoped3A : memref<!tpu.dma_semaphore, #tpu.memory_space<semaphore_mem>>) src(%dma_wait3A_517 : memref<256xf32, #tpu.memory_space<vmem>>) dst(%dma_wait3A_519 : memref<20480xf32, #tpu.memory_space<vmem_shared>>)
          tpu.yield
        }) : () -> ()
        %dma_wait3A_499 = arith.constant 0 : i32
        %dma_wait3A_500 = arith.constant 0 : i32
        %dma_wait3A_501 = arith.constant 0 : i32
        %dma_wait3A_502 = tpu.memref_slice %arg8[%dma_wait3A_499, %dma_wait3A_500, %dma_wait3A_501] : memref<20x1x128xi32, #tpu.memory_space<vmem>> -> memref<1x1x128xi32, #tpu.memory_space<vmem>>
        %dma_wait3A_503 = tpu.memref_squeeze %dma_wait3A_502 : memref<1x1x128xi32, #tpu.memory_space<vmem>> -> memref<128xi32, #tpu.memory_space<vmem>>
        %dma_wait3A_504 = arith.constant 0 : i32
        %dma_wait3A_505 = arith.constant 0 : i32
        %dma_wait3A_506 = tpu.memref_slice %arg15[%dma_wait3A_504, %dma_wait3A_505] : memref<10240x128xf32, #tpu.memory_space<vmem_shared>> -> memref<10240x128xf32, #tpu.memory_space<vmem_shared>>
        tpu.wait_indirect_dma semaphore(%arg20 : memref<!tpu.dma_semaphore, #tpu.memory_space<semaphore_mem>>) src(%arg11 : memref<128x128xf32, #tpu.memory_space<vmem>>) dst(%dma_wait3A_506 : memref<10240x128xf32, #tpu.memory_space<vmem_shared>>)
        %add3A_507 = arith.constant 2 : i32
        %add3A_508 = arith.addi %add3A_118, %add3A_507 : i32
        %lt3A_509 = arith.constant 20 : i32
        %lt3A_510 = arith.cmpi slt, %add3A_508, %lt3A_509 : i32
        %convert_element_type3A_511 = arith.extui %lt3A_510 : i1 to i32
        %cond3A_512 = arith.constant 0 : i32
        %cond3A_513 = arith.cmpi ne, %convert_element_type3A_511, %cond3A_512 : i32
        scf.if %cond3A_513 {
          %add3A_514 = arith.constant 2 : i32
          %add3A_515 = arith.addi %add3A_118, %add3A_514 : i32
          %dma_start3A_516 = arith.constant 0 : i32
          %dma_start3A_517 = arith.constant 0 : i32
          %dma_start3A_518 = arith.constant 0 : i32
          %dma_start3A_519 = tpu.memref_slice %arg11[%dma_start3A_517, %dma_start3A_518] : memref<128x128xf32, #tpu.memory_space<vmem>> -> memref<64x128xf32, #tpu.memory_space<vmem>>
          %dma_start3A_520 = arith.constant 0 : i32
          %dma_start3A_521 = tpu.memref_slice %arg9[%add3A_515, %dma_start3A_516, %dma_start3A_520] : memref<20x1x128xi32, #tpu.memory_space<vmem>> -> memref<1x1x64xi32, #tpu.memory_space<vmem>>
          %dma_start3A_522 = tpu.memref_squeeze %dma_start3A_521 : memref<1x1x64xi32, #tpu.memory_space<vmem>> -> memref<64xi32, #tpu.memory_space<vmem>>
          %dma_start3A_523 = arith.constant 0 : i32
          %dma_start3A_524 = arith.constant 0 : i32
          %dma_start3A_525 = tpu.memref_slice %arg2[%dma_start3A_523, %dma_start3A_524] : memref<20000x128xf32, #tpu.memory_space<hbm>> -> memref<20000x128xf32, #tpu.memory_space<hbm>>
          tpu.enqueue_indirect_dma source(%dma_start3A_525 : memref<20000x128xf32, #tpu.memory_space<hbm>>) target(%dma_start3A_519 : memref<64x128xf32, #tpu.memory_space<vmem>>) offsets(%dma_start3A_522 : memref<64xi32, #tpu.memory_space<vmem>>) semaphore(%arg18 : memref<!tpu.dma_semaphore, #tpu.memory_space<semaphore_mem>>)
          %dma_start3A_526 = arith.constant 0 : i32
          %dma_start3A_527 = arith.constant 64 : i32
          %dma_start3A_528 = arith.constant 0 : i32
          %dma_start3A_529 = tpu.memref_slice %arg11[%dma_start3A_527, %dma_start3A_528] : memref<128x128xf32, #tpu.memory_space<vmem>> -> memref<64x128xf32, #tpu.memory_space<vmem>>
          %dma_start3A_530 = arith.constant 64 : i32
          %dma_start3A_531 = tpu.memref_slice %arg9[%add3A_515, %dma_start3A_526, %dma_start3A_530] : memref<20x1x128xi32, #tpu.memory_space<vmem>> -> memref<1x1x64xi32, #tpu.memory_space<vmem>>
          %dma_start3A_532 = tpu.memref_squeeze %dma_start3A_531 : memref<1x1x64xi32, #tpu.memory_space<vmem>> -> memref<64xi32, #tpu.memory_space<vmem>>
          %dma_start3A_533 = arith.constant 0 : i32
          %dma_start3A_534 = arith.constant 0 : i32
          %dma_start3A_535 = tpu.memref_slice %arg2[%dma_start3A_533, %dma_start3A_534] : memref<20000x128xf32, #tpu.memory_space<hbm>> -> memref<20000x128xf32, #tpu.memory_space<hbm>>
          tpu.enqueue_indirect_dma source(%dma_start3A_535 : memref<20000x128xf32, #tpu.memory_space<hbm>>) target(%dma_start3A_529 : memref<64x128xf32, #tpu.memory_space<vmem>>) offsets(%dma_start3A_532 : memref<64xi32, #tpu.memory_space<vmem>>) semaphore(%arg18 : memref<!tpu.dma_semaphore, #tpu.memory_space<semaphore_mem>>)
        } else {
        }
      }
      %scan3A_113 = arith.constant 10 : i32
    }
    %scan3A_31 = arith.constant 8 : i32
    %barrier3A_32 = arith.constant 0 : index
    tpu.barrier barrier_id(%barrier3A_32)
    %add3A_33 = arith.constant 0 : i32
    %add3A_34 = arith.addi %mul3A_2, %add3A_33 : i32
    "tpu.region"() ({
      %run_scoped3A = tpu.sem_alloc : memref<!tpu.dma_semaphore, #tpu.memory_space<semaphore_mem>>
      %dma_start3A = arith.constant 0 : i32
      %dma_start3A_47 = tpu.memref_slice %arg15[%add3A_34, %dma_start3A] : memref<10240x128xf32, #tpu.memory_space<vmem_shared>> -> memref<128x128xf32, #tpu.memory_space<vmem_shared>>
      %dma_start3A_48 = arith.constant 0 : i32
      %dma_start3A_49 = tpu.memref_slice %arg15[%add3A_34, %dma_start3A_48] : memref<10240x128xf32, #tpu.memory_space<vmem_shared>> -> memref<128x128xf32, #tpu.memory_space<vmem_shared>>
      tpu.enqueue_dma source(%dma_start3A_49 : memref<128x128xf32, #tpu.memory_space<vmem_shared>>) target(%arg10 : memref<128x128xf32, #tpu.memory_space<vmem>>) target_semaphore(%run_scoped3A : memref<!tpu.dma_semaphore, #tpu.memory_space<semaphore_mem>>)
      %dma_wait3A = arith.constant 0 : i32
      %dma_wait3A_50 = tpu.memref_slice %arg15[%add3A_34, %dma_wait3A] : memref<10240x128xf32, #tpu.memory_space<vmem_shared>> -> memref<128x128xf32, #tpu.memory_space<vmem_shared>>
      %dma_wait3A_51 = arith.constant 0 : i32
      %dma_wait3A_52 = tpu.memref_slice %arg15[%add3A_34, %dma_wait3A_51] : memref<10240x128xf32, #tpu.memory_space<vmem_shared>> -> memref<128x128xf32, #tpu.memory_space<vmem_shared>>
      tpu.wait_dma2 semaphore(%run_scoped3A : memref<!tpu.dma_semaphore, #tpu.memory_space<semaphore_mem>>) src(%dma_wait3A_52 : memref<128x128xf32, #tpu.memory_space<vmem_shared>>) dst(%arg10 : memref<128x128xf32, #tpu.memory_space<vmem>>)
      tpu.yield
    }) : () -> ()
    "tpu.region"() ({
      %run_scoped3A = tpu.sem_alloc : memref<!tpu.dma_semaphore, #tpu.memory_space<semaphore_mem>>
      %dma_start3A = arith.constant 0 : i32
      %dma_start3A_47 = tpu.memref_slice %arg6[%arg0, %add3A_34, %dma_start3A] : memref<2x10240x128xf32, #tpu.memory_space<hbm>> -> memref<1x128x128xf32, #tpu.memory_space<hbm>>
      %dma_start3A_48 = tpu.memref_squeeze %dma_start3A_47 : memref<1x128x128xf32, #tpu.memory_space<hbm>> -> memref<128x128xf32, #tpu.memory_space<hbm>>
      %dma_start3A_49 = arith.constant 0 : i32
      %dma_start3A_50 = tpu.memref_slice %arg6[%arg0, %add3A_34, %dma_start3A_49] : memref<2x10240x128xf32, #tpu.memory_space<hbm>> -> memref<1x128x128xf32, #tpu.memory_space<hbm>>
      %dma_start3A_51 = tpu.memref_squeeze %dma_start3A_50 : memref<1x128x128xf32, #tpu.memory_space<hbm>> -> memref<128x128xf32, #tpu.memory_space<hbm>>
      tpu.enqueue_dma source(%arg10 : memref<128x128xf32, #tpu.memory_space<vmem>>) target(%dma_start3A_51 : memref<128x128xf32, #tpu.memory_space<hbm>>) target_semaphore(%run_scoped3A : memref<!tpu.dma_semaphore, #tpu.memory_space<semaphore_mem>>)
      %dma_wait3A = arith.constant 0 : i32
      %dma_wait3A_52 = tpu.memref_slice %arg6[%arg0, %add3A_34, %dma_wait3A] : memref<2x10240x128xf32, #tpu.memory_space<hbm>> -> memref<1x128x128xf32, #tpu.memory_space<hbm>>
      %dma_wait3A_53 = tpu.memref_squeeze %dma_wait3A_52 : memref<1x128x128xf32, #tpu.memory_space<hbm>> -> memref<128x128xf32, #tpu.memory_space<hbm>>
      %dma_wait3A_54 = arith.constant 0 : i32
      %dma_wait3A_55 = tpu.memref_slice %arg6[%arg0, %add3A_34, %dma_wait3A_54] : memref<2x10240x128xf32, #tpu.memory_space<hbm>> -> memref<1x128x128xf32, #tpu.memory_space<hbm>>
      %dma_wait3A_56 = tpu.memref_squeeze %dma_wait3A_55 : memref<1x128x128xf32, #tpu.memory_space<hbm>> -> memref<128x128xf32, #tpu.memory_space<hbm>>
      tpu.wait_dma2 semaphore(%run_scoped3A : memref<!tpu.dma_semaphore, #tpu.memory_space<semaphore_mem>>) src(%arg10 : memref<128x128xf32, #tpu.memory_space<vmem>>) dst(%dma_wait3A_56 : memref<128x128xf32, #tpu.memory_space<hbm>>)
      tpu.yield
    }) : () -> ()
    %add3A_35 = arith.constant 128 : i32
    %add3A_36 = arith.addi %mul3A_2, %add3A_35 : i32
    "tpu.region"() ({
      %run_scoped3A = tpu.sem_alloc : memref<!tpu.dma_semaphore, #tpu.memory_space<semaphore_mem>>
      %dma_start3A = arith.constant 0 : i32
      %dma_start3A_47 = tpu.memref_slice %arg15[%add3A_36, %dma_start3A] : memref<10240x128xf32, #tpu.memory_space<vmem_shared>> -> memref<128x128xf32, #tpu.memory_space<vmem_shared>>
      %dma_start3A_48 = arith.constant 0 : i32
      %dma_start3A_49 = tpu.memref_slice %arg15[%add3A_36, %dma_start3A_48] : memref<10240x128xf32, #tpu.memory_space<vmem_shared>> -> memref<128x128xf32, #tpu.memory_space<vmem_shared>>
      tpu.enqueue_dma source(%dma_start3A_49 : memref<128x128xf32, #tpu.memory_space<vmem_shared>>) target(%arg10 : memref<128x128xf32, #tpu.memory_space<vmem>>) target_semaphore(%run_scoped3A : memref<!tpu.dma_semaphore, #tpu.memory_space<semaphore_mem>>)
      %dma_wait3A = arith.constant 0 : i32
      %dma_wait3A_50 = tpu.memref_slice %arg15[%add3A_36, %dma_wait3A] : memref<10240x128xf32, #tpu.memory_space<vmem_shared>> -> memref<128x128xf32, #tpu.memory_space<vmem_shared>>
      %dma_wait3A_51 = arith.constant 0 : i32
      %dma_wait3A_52 = tpu.memref_slice %arg15[%add3A_36, %dma_wait3A_51] : memref<10240x128xf32, #tpu.memory_space<vmem_shared>> -> memref<128x128xf32, #tpu.memory_space<vmem_shared>>
      tpu.wait_dma2 semaphore(%run_scoped3A : memref<!tpu.dma_semaphore, #tpu.memory_space<semaphore_mem>>) src(%dma_wait3A_52 : memref<128x128xf32, #tpu.memory_space<vmem_shared>>) dst(%arg10 : memref<128x128xf32, #tpu.memory_space<vmem>>)
      tpu.yield
    }) : () -> ()
    "tpu.region"() ({
      %run_scoped3A = tpu.sem_alloc : memref<!tpu.dma_semaphore, #tpu.memory_space<semaphore_mem>>
      %dma_start3A = arith.constant 0 : i32
      %dma_start3A_47 = tpu.memref_slice %arg6[%arg0, %add3A_36, %dma_start3A] : memref<2x10240x128xf32, #tpu.memory_space<hbm>> -> memref<1x128x128xf32, #tpu.memory_space<hbm>>
      %dma_start3A_48 = tpu.memref_squeeze %dma_start3A_47 : memref<1x128x128xf32, #tpu.memory_space<hbm>> -> memref<128x128xf32, #tpu.memory_space<hbm>>
      %dma_start3A_49 = arith.constant 0 : i32
      %dma_start3A_50 = tpu.memref_slice %arg6[%arg0, %add3A_36, %dma_start3A_49] : memref<2x10240x128xf32, #tpu.memory_space<hbm>> -> memref<1x128x128xf32, #tpu.memory_space<hbm>>
      %dma_start3A_51 = tpu.memref_squeeze %dma_start3A_50 : memref<1x128x128xf32, #tpu.memory_space<hbm>> -> memref<128x128xf32, #tpu.memory_space<hbm>>
      tpu.enqueue_dma source(%arg10 : memref<128x128xf32, #tpu.memory_space<vmem>>) target(%dma_start3A_51 : memref<128x128xf32, #tpu.memory_space<hbm>>) target_semaphore(%run_scoped3A : memref<!tpu.dma_semaphore, #tpu.memory_space<semaphore_mem>>)
      %dma_wait3A = arith.constant 0 : i32
      %dma_wait3A_52 = tpu.memref_slice %arg6[%arg0, %add3A_36, %dma_wait3A] : memref<2x10240x128xf32, #tpu.memory_space<hbm>> -> memref<1x128x128xf32, #tpu.memory_space<hbm>>
      %dma_wait3A_53 = tpu.memref_squeeze %dma_wait3A_52 : memref<1x128x128xf32, #tpu.memory_space<hbm>> -> memref<128x128xf32, #tpu.memory_space<hbm>>
      %dma_wait3A_54 = arith.constant 0 : i32
      %dma_wait3A_55 = tpu.memref_slice %arg6[%arg0, %add3A_36, %dma_wait3A_54] : memref<2x10240x128xf32, #tpu.memory_space<hbm>> -> memref<1x128x128xf32, #tpu.memory_space<hbm>>
      %dma_wait3A_56 = tpu.memref_squeeze %dma_wait3A_55 : memref<1x128x128xf32, #tpu.memory_space<hbm>> -> memref<128x128xf32, #tpu.memory_space<hbm>>
      tpu.wait_dma2 semaphore(%run_scoped3A : memref<!tpu.dma_semaphore, #tpu.memory_space<semaphore_mem>>) src(%arg10 : memref<128x128xf32, #tpu.memory_space<vmem>>) dst(%dma_wait3A_56 : memref<128x128xf32, #tpu.memory_space<hbm>>)
      tpu.yield
    }) : () -> ()
    %add3A_37 = arith.constant 256 : i32
    %add3A_38 = arith.addi %mul3A_2, %add3A_37 : i32
    "tpu.region"() ({
      %run_scoped3A = tpu.sem_alloc : memref<!tpu.dma_semaphore, #tpu.memory_space<semaphore_mem>>
      %dma_start3A = arith.constant 0 : i32
      %dma_start3A_47 = tpu.memref_slice %arg15[%add3A_38, %dma_start3A] : memref<10240x128xf32, #tpu.memory_space<vmem_shared>> -> memref<128x128xf32, #tpu.memory_space<vmem_shared>>
      %dma_start3A_48 = arith.constant 0 : i32
      %dma_start3A_49 = tpu.memref_slice %arg15[%add3A_38, %dma_start3A_48] : memref<10240x128xf32, #tpu.memory_space<vmem_shared>> -> memref<128x128xf32, #tpu.memory_space<vmem_shared>>
      tpu.enqueue_dma source(%dma_start3A_49 : memref<128x128xf32, #tpu.memory_space<vmem_shared>>) target(%arg10 : memref<128x128xf32, #tpu.memory_space<vmem>>) target_semaphore(%run_scoped3A : memref<!tpu.dma_semaphore, #tpu.memory_space<semaphore_mem>>)
      %dma_wait3A = arith.constant 0 : i32
      %dma_wait3A_50 = tpu.memref_slice %arg15[%add3A_38, %dma_wait3A] : memref<10240x128xf32, #tpu.memory_space<vmem_shared>> -> memref<128x128xf32, #tpu.memory_space<vmem_shared>>
      %dma_wait3A_51 = arith.constant 0 : i32
      %dma_wait3A_52 = tpu.memref_slice %arg15[%add3A_38, %dma_wait3A_51] : memref<10240x128xf32, #tpu.memory_space<vmem_shared>> -> memref<128x128xf32, #tpu.memory_space<vmem_shared>>
      tpu.wait_dma2 semaphore(%run_scoped3A : memref<!tpu.dma_semaphore, #tpu.memory_space<semaphore_mem>>) src(%dma_wait3A_52 : memref<128x128xf32, #tpu.memory_space<vmem_shared>>) dst(%arg10 : memref<128x128xf32, #tpu.memory_space<vmem>>)
      tpu.yield
    }) : () -> ()
    "tpu.region"() ({
      %run_scoped3A = tpu.sem_alloc : memref<!tpu.dma_semaphore, #tpu.memory_space<semaphore_mem>>
      %dma_start3A = arith.constant 0 : i32
      %dma_start3A_47 = tpu.memref_slice %arg6[%arg0, %add3A_38, %dma_start3A] : memref<2x10240x128xf32, #tpu.memory_space<hbm>> -> memref<1x128x128xf32, #tpu.memory_space<hbm>>
      %dma_start3A_48 = tpu.memref_squeeze %dma_start3A_47 : memref<1x128x128xf32, #tpu.memory_space<hbm>> -> memref<128x128xf32, #tpu.memory_space<hbm>>
      %dma_start3A_49 = arith.constant 0 : i32
      %dma_start3A_50 = tpu.memref_slice %arg6[%arg0, %add3A_38, %dma_start3A_49] : memref<2x10240x128xf32, #tpu.memory_space<hbm>> -> memref<1x128x128xf32, #tpu.memory_space<hbm>>
      %dma_start3A_51 = tpu.memref_squeeze %dma_start3A_50 : memref<1x128x128xf32, #tpu.memory_space<hbm>> -> memref<128x128xf32, #tpu.memory_space<hbm>>
      tpu.enqueue_dma source(%arg10 : memref<128x128xf32, #tpu.memory_space<vmem>>) target(%dma_start3A_51 : memref<128x128xf32, #tpu.memory_space<hbm>>) target_semaphore(%run_scoped3A : memref<!tpu.dma_semaphore, #tpu.memory_space<semaphore_mem>>)
      %dma_wait3A = arith.constant 0 : i32
      %dma_wait3A_52 = tpu.memref_slice %arg6[%arg0, %add3A_38, %dma_wait3A] : memref<2x10240x128xf32, #tpu.memory_space<hbm>> -> memref<1x128x128xf32, #tpu.memory_space<hbm>>
      %dma_wait3A_53 = tpu.memref_squeeze %dma_wait3A_52 : memref<1x128x128xf32, #tpu.memory_space<hbm>> -> memref<128x128xf32, #tpu.memory_space<hbm>>
      %dma_wait3A_54 = arith.constant 0 : i32
      %dma_wait3A_55 = tpu.memref_slice %arg6[%arg0, %add3A_38, %dma_wait3A_54] : memref<2x10240x128xf32, #tpu.memory_space<hbm>> -> memref<1x128x128xf32, #tpu.memory_space<hbm>>
      %dma_wait3A_56 = tpu.memref_squeeze %dma_wait3A_55 : memref<1x128x128xf32, #tpu.memory_space<hbm>> -> memref<128x128xf32, #tpu.memory_space<hbm>>
      tpu.wait_dma2 semaphore(%run_scoped3A : memref<!tpu.dma_semaphore, #tpu.memory_space<semaphore_mem>>) src(%arg10 : memref<128x128xf32, #tpu.memory_space<vmem>>) dst(%dma_wait3A_56 : memref<128x128xf32, #tpu.memory_space<hbm>>)
      tpu.yield
    }) : () -> ()
    %add3A_39 = arith.constant 384 : i32
    %add3A_40 = arith.addi %mul3A_2, %add3A_39 : i32
    "tpu.region"() ({
      %run_scoped3A = tpu.sem_alloc : memref<!tpu.dma_semaphore, #tpu.memory_space<semaphore_mem>>
      %dma_start3A = arith.constant 0 : i32
      %dma_start3A_47 = tpu.memref_slice %arg15[%add3A_40, %dma_start3A] : memref<10240x128xf32, #tpu.memory_space<vmem_shared>> -> memref<128x128xf32, #tpu.memory_space<vmem_shared>>
      %dma_start3A_48 = arith.constant 0 : i32
      %dma_start3A_49 = tpu.memref_slice %arg15[%add3A_40, %dma_start3A_48] : memref<10240x128xf32, #tpu.memory_space<vmem_shared>> -> memref<128x128xf32, #tpu.memory_space<vmem_shared>>
      tpu.enqueue_dma source(%dma_start3A_49 : memref<128x128xf32, #tpu.memory_space<vmem_shared>>) target(%arg10 : memref<128x128xf32, #tpu.memory_space<vmem>>) target_semaphore(%run_scoped3A : memref<!tpu.dma_semaphore, #tpu.memory_space<semaphore_mem>>)
      %dma_wait3A = arith.constant 0 : i32
      %dma_wait3A_50 = tpu.memref_slice %arg15[%add3A_40, %dma_wait3A] : memref<10240x128xf32, #tpu.memory_space<vmem_shared>> -> memref<128x128xf32, #tpu.memory_space<vmem_shared>>
      %dma_wait3A_51 = arith.constant 0 : i32
      %dma_wait3A_52 = tpu.memref_slice %arg15[%add3A_40, %dma_wait3A_51] : memref<10240x128xf32, #tpu.memory_space<vmem_shared>> -> memref<128x128xf32, #tpu.memory_space<vmem_shared>>
      tpu.wait_dma2 semaphore(%run_scoped3A : memref<!tpu.dma_semaphore, #tpu.memory_space<semaphore_mem>>) src(%dma_wait3A_52 : memref<128x128xf32, #tpu.memory_space<vmem_shared>>) dst(%arg10 : memref<128x128xf32, #tpu.memory_space<vmem>>)
      tpu.yield
    }) : () -> ()
    "tpu.region"() ({
      %run_scoped3A = tpu.sem_alloc : memref<!tpu.dma_semaphore, #tpu.memory_space<semaphore_mem>>
      %dma_start3A = arith.constant 0 : i32
      %dma_start3A_47 = tpu.memref_slice %arg6[%arg0, %add3A_40, %dma_start3A] : memref<2x10240x128xf32, #tpu.memory_space<hbm>> -> memref<1x128x128xf32, #tpu.memory_space<hbm>>
      %dma_start3A_48 = tpu.memref_squeeze %dma_start3A_47 : memref<1x128x128xf32, #tpu.memory_space<hbm>> -> memref<128x128xf32, #tpu.memory_space<hbm>>
      %dma_start3A_49 = arith.constant 0 : i32
      %dma_start3A_50 = tpu.memref_slice %arg6[%arg0, %add3A_40, %dma_start3A_49] : memref<2x10240x128xf32, #tpu.memory_space<hbm>> -> memref<1x128x128xf32, #tpu.memory_space<hbm>>
      %dma_start3A_51 = tpu.memref_squeeze %dma_start3A_50 : memref<1x128x128xf32, #tpu.memory_space<hbm>> -> memref<128x128xf32, #tpu.memory_space<hbm>>
      tpu.enqueue_dma source(%arg10 : memref<128x128xf32, #tpu.memory_space<vmem>>) target(%dma_start3A_51 : memref<128x128xf32, #tpu.memory_space<hbm>>) target_semaphore(%run_scoped3A : memref<!tpu.dma_semaphore, #tpu.memory_space<semaphore_mem>>)
      %dma_wait3A = arith.constant 0 : i32
      %dma_wait3A_52 = tpu.memref_slice %arg6[%arg0, %add3A_40, %dma_wait3A] : memref<2x10240x128xf32, #tpu.memory_space<hbm>> -> memref<1x128x128xf32, #tpu.memory_space<hbm>>
      %dma_wait3A_53 = tpu.memref_squeeze %dma_wait3A_52 : memref<1x128x128xf32, #tpu.memory_space<hbm>> -> memref<128x128xf32, #tpu.memory_space<hbm>>
      %dma_wait3A_54 = arith.constant 0 : i32
      %dma_wait3A_55 = tpu.memref_slice %arg6[%arg0, %add3A_40, %dma_wait3A_54] : memref<2x10240x128xf32, #tpu.memory_space<hbm>> -> memref<1x128x128xf32, #tpu.memory_space<hbm>>
      %dma_wait3A_56 = tpu.memref_squeeze %dma_wait3A_55 : memref<1x128x128xf32, #tpu.memory_space<hbm>> -> memref<128x128xf32, #tpu.memory_space<hbm>>
      tpu.wait_dma2 semaphore(%run_scoped3A : memref<!tpu.dma_semaphore, #tpu.memory_space<semaphore_mem>>) src(%arg10 : memref<128x128xf32, #tpu.memory_space<vmem>>) dst(%dma_wait3A_56 : memref<128x128xf32, #tpu.memory_space<hbm>>)
      tpu.yield
    }) : () -> ()
    %add3A_41 = arith.constant 512 : i32
    %add3A_42 = arith.addi %mul3A_2, %add3A_41 : i32
    "tpu.region"() ({
      %run_scoped3A = tpu.sem_alloc : memref<!tpu.dma_semaphore, #tpu.memory_space<semaphore_mem>>
      %dma_start3A = arith.constant 0 : i32
      %dma_start3A_47 = tpu.memref_slice %arg15[%add3A_42, %dma_start3A] : memref<10240x128xf32, #tpu.memory_space<vmem_shared>> -> memref<128x128xf32, #tpu.memory_space<vmem_shared>>
      %dma_start3A_48 = arith.constant 0 : i32
      %dma_start3A_49 = tpu.memref_slice %arg15[%add3A_42, %dma_start3A_48] : memref<10240x128xf32, #tpu.memory_space<vmem_shared>> -> memref<128x128xf32, #tpu.memory_space<vmem_shared>>
      tpu.enqueue_dma source(%dma_start3A_49 : memref<128x128xf32, #tpu.memory_space<vmem_shared>>) target(%arg10 : memref<128x128xf32, #tpu.memory_space<vmem>>) target_semaphore(%run_scoped3A : memref<!tpu.dma_semaphore, #tpu.memory_space<semaphore_mem>>)
      %dma_wait3A = arith.constant 0 : i32
      %dma_wait3A_50 = tpu.memref_slice %arg15[%add3A_42, %dma_wait3A] : memref<10240x128xf32, #tpu.memory_space<vmem_shared>> -> memref<128x128xf32, #tpu.memory_space<vmem_shared>>
      %dma_wait3A_51 = arith.constant 0 : i32
      %dma_wait3A_52 = tpu.memref_slice %arg15[%add3A_42, %dma_wait3A_51] : memref<10240x128xf32, #tpu.memory_space<vmem_shared>> -> memref<128x128xf32, #tpu.memory_space<vmem_shared>>
      tpu.wait_dma2 semaphore(%run_scoped3A : memref<!tpu.dma_semaphore, #tpu.memory_space<semaphore_mem>>) src(%dma_wait3A_52 : memref<128x128xf32, #tpu.memory_space<vmem_shared>>) dst(%arg10 : memref<128x128xf32, #tpu.memory_space<vmem>>)
      tpu.yield
    }) : () -> ()
    "tpu.region"() ({
      %run_scoped3A = tpu.sem_alloc : memref<!tpu.dma_semaphore, #tpu.memory_space<semaphore_mem>>
      %dma_start3A = arith.constant 0 : i32
      %dma_start3A_47 = tpu.memref_slice %arg6[%arg0, %add3A_42, %dma_start3A] : memref<2x10240x128xf32, #tpu.memory_space<hbm>> -> memref<1x128x128xf32, #tpu.memory_space<hbm>>
      %dma_start3A_48 = tpu.memref_squeeze %dma_start3A_47 : memref<1x128x128xf32, #tpu.memory_space<hbm>> -> memref<128x128xf32, #tpu.memory_space<hbm>>
      %dma_start3A_49 = arith.constant 0 : i32
      %dma_start3A_50 = tpu.memref_slice %arg6[%arg0, %add3A_42, %dma_start3A_49] : memref<2x10240x128xf32, #tpu.memory_space<hbm>> -> memref<1x128x128xf32, #tpu.memory_space<hbm>>
      %dma_start3A_51 = tpu.memref_squeeze %dma_start3A_50 : memref<1x128x128xf32, #tpu.memory_space<hbm>> -> memref<128x128xf32, #tpu.memory_space<hbm>>
      tpu.enqueue_dma source(%arg10 : memref<128x128xf32, #tpu.memory_space<vmem>>) target(%dma_start3A_51 : memref<128x128xf32, #tpu.memory_space<hbm>>) target_semaphore(%run_scoped3A : memref<!tpu.dma_semaphore, #tpu.memory_space<semaphore_mem>>)
      %dma_wait3A = arith.constant 0 : i32
      %dma_wait3A_52 = tpu.memref_slice %arg6[%arg0, %add3A_42, %dma_wait3A] : memref<2x10240x128xf32, #tpu.memory_space<hbm>> -> memref<1x128x128xf32, #tpu.memory_space<hbm>>
      %dma_wait3A_53 = tpu.memref_squeeze %dma_wait3A_52 : memref<1x128x128xf32, #tpu.memory_space<hbm>> -> memref<128x128xf32, #tpu.memory_space<hbm>>
      %dma_wait3A_54 = arith.constant 0 : i32
      %dma_wait3A_55 = tpu.memref_slice %arg6[%arg0, %add3A_42, %dma_wait3A_54] : memref<2x10240x128xf32, #tpu.memory_space<hbm>> -> memref<1x128x128xf32, #tpu.memory_space<hbm>>
      %dma_wait3A_56 = tpu.memref_squeeze %dma_wait3A_55 : memref<1x128x128xf32, #tpu.memory_space<hbm>> -> memref<128x128xf32, #tpu.memory_space<hbm>>
      tpu.wait_dma2 semaphore(%run_scoped3A : memref<!tpu.dma_semaphore, #tpu.memory_space<semaphore_mem>>) src(%arg10 : memref<128x128xf32, #tpu.memory_space<vmem>>) dst(%dma_wait3A_56 : memref<128x128xf32, #tpu.memory_space<hbm>>)
      tpu.yield
    }) : () -> ()
    %mul3A_43 = arith.constant 2 : i32
    %mul3A_44 = arith.muli %mul3A_43, %mul3A_2 : i32
    "tpu.region"() ({
      %run_scoped3A = tpu.sem_alloc : memref<!tpu.dma_semaphore, #tpu.memory_space<semaphore_mem>>
      %dma_start3A = tpu.memref_slice %arg16[%mul3A_44] : memref<20480xf32, #tpu.memory_space<vmem_shared>> -> memref<1280xf32, #tpu.memory_space<vmem_shared>>
      %dma_start3A_47 = tpu.memref_slice %arg16[%mul3A_44] : memref<20480xf32, #tpu.memory_space<vmem_shared>> -> memref<1280xf32, #tpu.memory_space<vmem_shared>>
      tpu.enqueue_dma source(%dma_start3A_47 : memref<1280xf32, #tpu.memory_space<vmem_shared>>) target(%arg14 : memref<1280xf32, #tpu.memory_space<vmem>>) target_semaphore(%run_scoped3A : memref<!tpu.dma_semaphore, #tpu.memory_space<semaphore_mem>>)
      %dma_wait3A = tpu.memref_slice %arg16[%mul3A_44] : memref<20480xf32, #tpu.memory_space<vmem_shared>> -> memref<1280xf32, #tpu.memory_space<vmem_shared>>
      %dma_wait3A_48 = tpu.memref_slice %arg16[%mul3A_44] : memref<20480xf32, #tpu.memory_space<vmem_shared>> -> memref<1280xf32, #tpu.memory_space<vmem_shared>>
      tpu.wait_dma2 semaphore(%run_scoped3A : memref<!tpu.dma_semaphore, #tpu.memory_space<semaphore_mem>>) src(%dma_wait3A_48 : memref<1280xf32, #tpu.memory_space<vmem_shared>>) dst(%arg14 : memref<1280xf32, #tpu.memory_space<vmem>>)
      tpu.yield
    }) : () -> ()
    %mul3A_45 = arith.constant 2 : i32
    %mul3A_46 = arith.muli %mul3A_45, %mul3A_2 : i32
    "tpu.region"() ({
      %run_scoped3A = tpu.sem_alloc : memref<!tpu.dma_semaphore, #tpu.memory_space<semaphore_mem>>
      %dma_start3A = tpu.memref_slice %arg7[%arg0, %mul3A_46] : memref<2x20480xf32, #tpu.memory_space<hbm>> -> memref<1x1280xf32, #tpu.memory_space<hbm>>
      %dma_start3A_47 = tpu.memref_squeeze %dma_start3A : memref<1x1280xf32, #tpu.memory_space<hbm>> -> memref<1280xf32, #tpu.memory_space<hbm>>
      %dma_start3A_48 = tpu.memref_slice %arg7[%arg0, %mul3A_46] : memref<2x20480xf32, #tpu.memory_space<hbm>> -> memref<1x1280xf32, #tpu.memory_space<hbm>>
      %dma_start3A_49 = tpu.memref_squeeze %dma_start3A_48 : memref<1x1280xf32, #tpu.memory_space<hbm>> -> memref<1280xf32, #tpu.memory_space<hbm>>
      tpu.enqueue_dma source(%arg14 : memref<1280xf32, #tpu.memory_space<vmem>>) target(%dma_start3A_49 : memref<1280xf32, #tpu.memory_space<hbm>>) target_semaphore(%run_scoped3A : memref<!tpu.dma_semaphore, #tpu.memory_space<semaphore_mem>>)
      %dma_wait3A = tpu.memref_slice %arg7[%arg0, %mul3A_46] : memref<2x20480xf32, #tpu.memory_space<hbm>> -> memref<1x1280xf32, #tpu.memory_space<hbm>>
      %dma_wait3A_50 = tpu.memref_squeeze %dma_wait3A : memref<1x1280xf32, #tpu.memory_space<hbm>> -> memref<1280xf32, #tpu.memory_space<hbm>>
      %dma_wait3A_51 = tpu.memref_slice %arg7[%arg0, %mul3A_46] : memref<2x20480xf32, #tpu.memory_space<hbm>> -> memref<1x1280xf32, #tpu.memory_space<hbm>>
      %dma_wait3A_52 = tpu.memref_squeeze %dma_wait3A_51 : memref<1x1280xf32, #tpu.memory_space<hbm>> -> memref<1280xf32, #tpu.memory_space<hbm>>
      tpu.wait_dma2 semaphore(%run_scoped3A : memref<!tpu.dma_semaphore, #tpu.memory_space<semaphore_mem>>) src(%arg14 : memref<1280xf32, #tpu.memory_space<vmem>>) dst(%dma_wait3A_52 : memref<1280xf32, #tpu.memory_space<hbm>>)
      tpu.yield
    }) : () -> ()
    return
  }
}

#map = affine_map<(d0, d1) -> (0, 0)>
#map1 = affine_map<(d0, d1) -> (0, 0, 0, 0)>
module attributes {stable_mosaic.version = 14 : i64} {
  func.func @_wgt_body(%arg0: i32, %arg1: i32, %arg2: memref<2x40000xf32, #tpu.memory_space<hbm>>, %arg3: memref<16x160x1x128xi32, #tpu.memory_space<hbm>>, %arg4: memref<16x160x1x128xi32, #tpu.memory_space<hbm>>, %arg5: memref<2x655360xf32, #tpu.memory_space<hbm>>, %arg6: memref<40000xf32, #tpu.memory_space<vmem>>, %arg7: memref<20x1x128xi32, #tpu.memory_space<vmem>>, %arg8: memref<20x1x128xi32, #tpu.memory_space<vmem>>, %arg9: memref<5120xf32, #tpu.memory_space<vmem>>) attributes {dimension_semantics = [#tpu.dimension_semantics<core_parallel>, #tpu.dimension_semantics<subcore_parallel>], iteration_bounds = array<i64: 2, 16>, scalar_prefetch = 0 : i64, scratch_operands = 4 : i64, tpu.core_type = #tpu.core_type<sc_vector_subcore>, window_params = [{transform_indices = #map}, {transform_indices = #map1}, {transform_indices = #map1}, {transform_indices = #map}]} {
    %iota3A = tpu.iota {dimensions = array<i32: 0>} : vector<16xi32>
    "tpu.region"() ({
      %run_scoped3A = tpu.sem_alloc : memref<!tpu.dma_semaphore, #tpu.memory_space<semaphore_mem>>
      %dma_start3A = arith.constant 0 : i32
      %dma_start3A_5 = tpu.memref_slice %arg2[%arg0, %dma_start3A] : memref<2x40000xf32, #tpu.memory_space<hbm>> -> memref<1x40000xf32, #tpu.memory_space<hbm>>
      %dma_start3A_6 = tpu.memref_squeeze %dma_start3A_5 : memref<1x40000xf32, #tpu.memory_space<hbm>> -> memref<40000xf32, #tpu.memory_space<hbm>>
      %dma_start3A_7 = arith.constant 0 : i32
      %dma_start3A_8 = tpu.memref_slice %arg2[%arg0, %dma_start3A_7] : memref<2x40000xf32, #tpu.memory_space<hbm>> -> memref<1x40000xf32, #tpu.memory_space<hbm>>
      %dma_start3A_9 = tpu.memref_squeeze %dma_start3A_8 : memref<1x40000xf32, #tpu.memory_space<hbm>> -> memref<40000xf32, #tpu.memory_space<hbm>>
      tpu.enqueue_dma source(%dma_start3A_9 : memref<40000xf32, #tpu.memory_space<hbm>>) target(%arg6 : memref<40000xf32, #tpu.memory_space<vmem>>) target_semaphore(%run_scoped3A : memref<!tpu.dma_semaphore, #tpu.memory_space<semaphore_mem>>)
      %dma_wait3A = arith.constant 0 : i32
      %dma_wait3A_10 = tpu.memref_slice %arg2[%arg0, %dma_wait3A] : memref<2x40000xf32, #tpu.memory_space<hbm>> -> memref<1x40000xf32, #tpu.memory_space<hbm>>
      %dma_wait3A_11 = tpu.memref_squeeze %dma_wait3A_10 : memref<1x40000xf32, #tpu.memory_space<hbm>> -> memref<40000xf32, #tpu.memory_space<hbm>>
      %dma_wait3A_12 = arith.constant 0 : i32
      %dma_wait3A_13 = tpu.memref_slice %arg2[%arg0, %dma_wait3A_12] : memref<2x40000xf32, #tpu.memory_space<hbm>> -> memref<1x40000xf32, #tpu.memory_space<hbm>>
      %dma_wait3A_14 = tpu.memref_squeeze %dma_wait3A_13 : memref<1x40000xf32, #tpu.memory_space<hbm>> -> memref<40000xf32, #tpu.memory_space<hbm>>
      tpu.wait_dma2 semaphore(%run_scoped3A : memref<!tpu.dma_semaphore, #tpu.memory_space<semaphore_mem>>) src(%dma_wait3A_14 : memref<40000xf32, #tpu.memory_space<hbm>>) dst(%arg6 : memref<40000xf32, #tpu.memory_space<vmem>>)
      tpu.yield
    }) : () -> ()
    %scan3A = arith.constant 0 : i32
    %scan3A_0 = arith.constant 0 : i32
    %scan3A_1 = arith.constant 8 : i32
    %scan3A_2 = arith.addi %scan3A_0, %scan3A_1 : i32
    %scan3A_3 = arith.constant 1 : i32
    scf.for %scan3A_5 = %scan3A_0 to %scan3A_2 step %scan3A_3  : i32 {
      %mul3A = arith.constant 20 : i32
      %mul3A_6 = arith.muli %scan3A_5, %mul3A : i32
      "tpu.region"() ({
        %run_scoped3A = tpu.sem_alloc : memref<!tpu.dma_semaphore, #tpu.memory_space<semaphore_mem>>
        %dma_start3A = arith.constant 0 : i32
        %dma_start3A_21 = arith.constant 0 : i32
        %dma_start3A_22 = tpu.memref_slice %arg3[%arg1, %mul3A_6, %dma_start3A, %dma_start3A_21] : memref<16x160x1x128xi32, #tpu.memory_space<hbm>> -> memref<1x20x1x128xi32, #tpu.memory_space<hbm>>
        %dma_start3A_23 = tpu.memref_squeeze %dma_start3A_22 : memref<1x20x1x128xi32, #tpu.memory_space<hbm>> -> memref<20x1x128xi32, #tpu.memory_space<hbm>>
        %dma_start3A_24 = arith.constant 0 : i32
        %dma_start3A_25 = arith.constant 0 : i32
        %dma_start3A_26 = tpu.memref_slice %arg3[%arg1, %mul3A_6, %dma_start3A_24, %dma_start3A_25] : memref<16x160x1x128xi32, #tpu.memory_space<hbm>> -> memref<1x20x1x128xi32, #tpu.memory_space<hbm>>
        %dma_start3A_27 = tpu.memref_squeeze %dma_start3A_26 : memref<1x20x1x128xi32, #tpu.memory_space<hbm>> -> memref<20x1x128xi32, #tpu.memory_space<hbm>>
        tpu.enqueue_dma source(%dma_start3A_27 : memref<20x1x128xi32, #tpu.memory_space<hbm>>) target(%arg7 : memref<20x1x128xi32, #tpu.memory_space<vmem>>) target_semaphore(%run_scoped3A : memref<!tpu.dma_semaphore, #tpu.memory_space<semaphore_mem>>)
        %dma_wait3A = arith.constant 0 : i32
        %dma_wait3A_28 = arith.constant 0 : i32
        %dma_wait3A_29 = tpu.memref_slice %arg3[%arg1, %mul3A_6, %dma_wait3A, %dma_wait3A_28] : memref<16x160x1x128xi32, #tpu.memory_space<hbm>> -> memref<1x20x1x128xi32, #tpu.memory_space<hbm>>
        %dma_wait3A_30 = tpu.memref_squeeze %dma_wait3A_29 : memref<1x20x1x128xi32, #tpu.memory_space<hbm>> -> memref<20x1x128xi32, #tpu.memory_space<hbm>>
        %dma_wait3A_31 = arith.constant 0 : i32
        %dma_wait3A_32 = arith.constant 0 : i32
        %dma_wait3A_33 = tpu.memref_slice %arg3[%arg1, %mul3A_6, %dma_wait3A_31, %dma_wait3A_32] : memref<16x160x1x128xi32, #tpu.memory_space<hbm>> -> memref<1x20x1x128xi32, #tpu.memory_space<hbm>>
        %dma_wait3A_34 = tpu.memref_squeeze %dma_wait3A_33 : memref<1x20x1x128xi32, #tpu.memory_space<hbm>> -> memref<20x1x128xi32, #tpu.memory_space<hbm>>
        tpu.wait_dma2 semaphore(%run_scoped3A : memref<!tpu.dma_semaphore, #tpu.memory_space<semaphore_mem>>) src(%dma_wait3A_34 : memref<20x1x128xi32, #tpu.memory_space<hbm>>) dst(%arg7 : memref<20x1x128xi32, #tpu.memory_space<vmem>>)
        tpu.yield
      }) : () -> ()
      %mul3A_7 = arith.constant 20 : i32
      %mul3A_8 = arith.muli %scan3A_5, %mul3A_7 : i32
      "tpu.region"() ({
        %run_scoped3A = tpu.sem_alloc : memref<!tpu.dma_semaphore, #tpu.memory_space<semaphore_mem>>
        %dma_start3A = arith.constant 0 : i32
        %dma_start3A_21 = arith.constant 0 : i32
        %dma_start3A_22 = tpu.memref_slice %arg4[%arg1, %mul3A_8, %dma_start3A, %dma_start3A_21] : memref<16x160x1x128xi32, #tpu.memory_space<hbm>> -> memref<1x20x1x128xi32, #tpu.memory_space<hbm>>
        %dma_start3A_23 = tpu.memref_squeeze %dma_start3A_22 : memref<1x20x1x128xi32, #tpu.memory_space<hbm>> -> memref<20x1x128xi32, #tpu.memory_space<hbm>>
        %dma_start3A_24 = arith.constant 0 : i32
        %dma_start3A_25 = arith.constant 0 : i32
        %dma_start3A_26 = tpu.memref_slice %arg4[%arg1, %mul3A_8, %dma_start3A_24, %dma_start3A_25] : memref<16x160x1x128xi32, #tpu.memory_space<hbm>> -> memref<1x20x1x128xi32, #tpu.memory_space<hbm>>
        %dma_start3A_27 = tpu.memref_squeeze %dma_start3A_26 : memref<1x20x1x128xi32, #tpu.memory_space<hbm>> -> memref<20x1x128xi32, #tpu.memory_space<hbm>>
        tpu.enqueue_dma source(%dma_start3A_27 : memref<20x1x128xi32, #tpu.memory_space<hbm>>) target(%arg8 : memref<20x1x128xi32, #tpu.memory_space<vmem>>) target_semaphore(%run_scoped3A : memref<!tpu.dma_semaphore, #tpu.memory_space<semaphore_mem>>)
        %dma_wait3A = arith.constant 0 : i32
        %dma_wait3A_28 = arith.constant 0 : i32
        %dma_wait3A_29 = tpu.memref_slice %arg4[%arg1, %mul3A_8, %dma_wait3A, %dma_wait3A_28] : memref<16x160x1x128xi32, #tpu.memory_space<hbm>> -> memref<1x20x1x128xi32, #tpu.memory_space<hbm>>
        %dma_wait3A_30 = tpu.memref_squeeze %dma_wait3A_29 : memref<1x20x1x128xi32, #tpu.memory_space<hbm>> -> memref<20x1x128xi32, #tpu.memory_space<hbm>>
        %dma_wait3A_31 = arith.constant 0 : i32
        %dma_wait3A_32 = arith.constant 0 : i32
        %dma_wait3A_33 = tpu.memref_slice %arg4[%arg1, %mul3A_8, %dma_wait3A_31, %dma_wait3A_32] : memref<16x160x1x128xi32, #tpu.memory_space<hbm>> -> memref<1x20x1x128xi32, #tpu.memory_space<hbm>>
        %dma_wait3A_34 = tpu.memref_squeeze %dma_wait3A_33 : memref<1x20x1x128xi32, #tpu.memory_space<hbm>> -> memref<20x1x128xi32, #tpu.memory_space<hbm>>
        tpu.wait_dma2 semaphore(%run_scoped3A : memref<!tpu.dma_semaphore, #tpu.memory_space<semaphore_mem>>) src(%dma_wait3A_34 : memref<20x1x128xi32, #tpu.memory_space<hbm>>) dst(%arg8 : memref<20x1x128xi32, #tpu.memory_space<vmem>>)
        tpu.yield
      }) : () -> ()
      %mul3A_9 = arith.constant 20480 : i32
      %mul3A_10 = arith.muli %arg1, %mul3A_9 : i32
      %mul3A_11 = arith.constant 2560 : i32
      %mul3A_12 = arith.muli %scan3A_5, %mul3A_11 : i32
      %add3A = arith.addi %mul3A_10, %mul3A_12 : i32
      %scan3A_13 = arith.constant 0 : i32
      %scan3A_14 = arith.constant 0 : i32
      %scan3A_15 = arith.constant 20 : i32
      %scan3A_16 = arith.addi %scan3A_14, %scan3A_15 : i32
      %scan3A_17 = arith.constant 1 : i32
      scf.for %scan3A_21 = %scan3A_14 to %scan3A_16 step %scan3A_17  : i32 {
        %get3A = arith.constant 0 : i32
        %get3A_22 = arith.index_cast %scan3A_21 : i32 to index
        %get3A_23 = arith.index_cast %get3A : i32 to index
        %get3A_24 = arith.constant 0 : index
        %get3A_25 = tpu.vector_load %arg7[%get3A_22, %get3A_23, %get3A_24] {strides = array<i32>} : memref<20x1x128xi32, #tpu.memory_space<vmem>>, vector<16xi32>,
        %mul3A_26 = arith.constant 4 : i32
        %mul3A_27 = vector.broadcast %mul3A_26 : i32 to vector<16xi32>
        %mul3A_28 = arith.muli %get3A_25, %mul3A_27 : vector<16xi32>
        %get3A_29 = arith.constant 0 : i32
        %get3A_30 = arith.index_cast %scan3A_21 : i32 to index
        %get3A_31 = arith.index_cast %get3A_29 : i32 to index
        %get3A_32 = arith.constant 0 : index
        %get3A_33 = tpu.vector_load %arg8[%get3A_30, %get3A_31, %get3A_32] {strides = array<i32>} : memref<20x1x128xi32, #tpu.memory_space<vmem>>, vector<16xi32>,
        %mul3A_34 = arith.constant 4 : i32
        %mul3A_35 = vector.broadcast %mul3A_34 : i32 to vector<16xi32>
        %mul3A_36 = arith.muli %get3A_33, %mul3A_35 : vector<16xi32>
        %gather3A = tpu.vector_load_idx %arg6[%mul3A_28] : memref<40000xf32, #tpu.memory_space<vmem>>[vector<16xi32>], vector<16xf32>,
        %add3A_37 = arith.constant 2 : i32
        %add3A_38 = vector.broadcast %add3A_37 : i32 to vector<16xi32>
        %add3A_39 = arith.addi %mul3A_36, %add3A_38 : vector<16xi32>
        %gather3A_40 = tpu.vector_load_idx %arg6[%add3A_39] : memref<40000xf32, #tpu.memory_space<vmem>>[vector<16xi32>], vector<16xf32>,
        %add3A_41 = arith.addf %gather3A, %gather3A_40 : vector<16xf32>
        %add3A_42 = arith.constant 1 : i32
        %add3A_43 = vector.broadcast %add3A_42 : i32 to vector<16xi32>
        %add3A_44 = arith.addi %mul3A_28, %add3A_43 : vector<16xi32>
        %gather3A_45 = tpu.vector_load_idx %arg6[%add3A_44] : memref<40000xf32, #tpu.memory_space<vmem>>[vector<16xi32>], vector<16xf32>,
        %add3A_46 = arith.constant 3 : i32
        %add3A_47 = vector.broadcast %add3A_46 : i32 to vector<16xi32>
        %add3A_48 = arith.addi %mul3A_36, %add3A_47 : vector<16xi32>
        %gather3A_49 = tpu.vector_load_idx %arg6[%add3A_48] : memref<40000xf32, #tpu.memory_space<vmem>>[vector<16xi32>], vector<16xf32>,
        %add3A_50 = arith.addf %gather3A_45, %gather3A_49 : vector<16xf32>
        %gt3A = arith.constant 0.000000e+00 : f32
        %gt3A_51 = vector.broadcast %gt3A : f32 to vector<16xf32>
        %gt3A_52 = arith.cmpf ogt, %add3A_41, %gt3A_51 : vector<16xf32>
        %mul3A_53 = arith.constant 2.000000e-01 : f32
        %mul3A_54 = vector.broadcast %mul3A_53 : f32 to vector<16xf32>
        %mul3A_55 = arith.mulf %mul3A_54, %add3A_41 : vector<16xf32>
        %select_n3A = arith.select %gt3A_52, %add3A_41, %mul3A_55 : vector<16xi1>, vector<16xf32>
        %mul3A_56 = arith.constant 6.250000e-02 : f32
        %mul3A_57 = vector.broadcast %mul3A_56 : f32 to vector<16xf32>
        %mul3A_58 = arith.mulf %select_n3A, %mul3A_57 : vector<16xf32>
        %gt3A_59 = arith.constant 0.000000e+00 : f32
        %gt3A_60 = vector.broadcast %gt3A_59 : f32 to vector<16xf32>
        %gt3A_61 = arith.cmpf ogt, %add3A_50, %gt3A_60 : vector<16xf32>
        %mul3A_62 = arith.constant 2.000000e-01 : f32
        %mul3A_63 = vector.broadcast %mul3A_62 : f32 to vector<16xf32>
        %mul3A_64 = arith.mulf %mul3A_63, %add3A_50 : vector<16xf32>
        %select_n3A_65 = arith.select %gt3A_61, %add3A_50, %mul3A_64 : vector<16xi1>, vector<16xf32>
        %mul3A_66 = arith.constant 6.250000e-02 : f32
        %mul3A_67 = vector.broadcast %mul3A_66 : f32 to vector<16xf32>
        %mul3A_68 = arith.mulf %select_n3A_65, %mul3A_67 : vector<16xf32>
        %mul3A_69 = arith.constant 128 : i32
        %mul3A_70 = arith.muli %scan3A_21, %mul3A_69 : i32
        %add3A_71 = arith.addi %add3A, %mul3A_70 : i32
        %add3A_72 = arith.constant 0 : i32
        %add3A_73 = arith.addi %add3A_71, %add3A_72 : i32
        %add3A_74 = vector.broadcast %add3A_73 : i32 to vector<16xi32>
        %add3A_75 = arith.addi %add3A_74, %iota3A : vector<16xi32>
        %lt3A = arith.constant 320000 : i32
        %lt3A_76 = vector.broadcast %lt3A : i32 to vector<16xi32>
        %lt3A_77 = arith.cmpi slt, %add3A_75, %lt3A_76 : vector<16xi32>
        %exp3A = math.exp %mul3A_58 : vector<16xf32>
        %jit3A = arith.constant 0.000000e+00 : f32
        %broadcast_in_dim3A = vector.broadcast %jit3A : f32 to vector<16xf32>
        %select_n3A_78 = arith.select %lt3A_77, %exp3A, %broadcast_in_dim3A : vector<16xi1>, vector<16xf32>
        %exp3A_79 = math.exp %mul3A_68 : vector<16xf32>
        %jit3A_80 = arith.constant 0.000000e+00 : f32
        %broadcast_in_dim3A_81 = vector.broadcast %jit3A_80 : f32 to vector<16xf32>
        %select_n3A_82 = arith.select %lt3A_77, %exp3A_79, %broadcast_in_dim3A_81 : vector<16xi1>, vector<16xf32>
        %mul3A_83 = arith.constant 128 : i32
        %mul3A_84 = arith.muli %scan3A_21, %mul3A_83 : i32
        %add3A_85 = arith.constant 0 : i32
        %add3A_86 = arith.addi %mul3A_84, %add3A_85 : i32
        %add3A_87 = vector.broadcast %add3A_86 : i32 to vector<16xi32>
        %add3A_88 = arith.addi %add3A_87, %iota3A : vector<16xi32>
        %mul3A_89 = arith.constant 2 : i32
        %mul3A_90 = vector.broadcast %mul3A_89 : i32 to vector<16xi32>
        %mul3A_91 = arith.muli %add3A_88, %mul3A_90 : vector<16xi32>
        tpu.vector_store_idx %arg9[%mul3A_91], %select_n3A_78 : memref<5120xf32, #tpu.memory_space<vmem>>[vector<16xi32>], vector<16xf32>,
        %add3A_92 = arith.constant 1 : i32
        %add3A_93 = vector.broadcast %add3A_92 : i32 to vector<16xi32>
        %add3A_94 = arith.addi %mul3A_91, %add3A_93 : vector<16xi32>
        tpu.vector_store_idx %arg9[%add3A_94], %select_n3A_82 : memref<5120xf32, #tpu.memory_space<vmem>>[vector<16xi32>], vector<16xf32>,
        %get3A_95 = arith.constant 0 : i32
        %get3A_96 = arith.index_cast %scan3A_21 : i32 to index
        %get3A_97 = arith.index_cast %get3A_95 : i32 to index
        %get3A_98 = arith.constant 16 : index
        %get3A_99 = tpu.vector_load %arg7[%get3A_96, %get3A_97, %get3A_98] {strides = array<i32>} : memref<20x1x128xi32, #tpu.memory_space<vmem>>, vector<16xi32>,
        %mul3A_100 = arith.constant 4 : i32
        %mul3A_101 = vector.broadcast %mul3A_100 : i32 to vector<16xi32>
        %mul3A_102 = arith.muli %get3A_99, %mul3A_101 : vector<16xi32>
        %get3A_103 = arith.constant 0 : i32
        %get3A_104 = arith.index_cast %scan3A_21 : i32 to index
        %get3A_105 = arith.index_cast %get3A_103 : i32 to index
        %get3A_106 = arith.constant 16 : index
        %get3A_107 = tpu.vector_load %arg8[%get3A_104, %get3A_105, %get3A_106] {strides = array<i32>} : memref<20x1x128xi32, #tpu.memory_space<vmem>>, vector<16xi32>,
        %mul3A_108 = arith.constant 4 : i32
        %mul3A_109 = vector.broadcast %mul3A_108 : i32 to vector<16xi32>
        %mul3A_110 = arith.muli %get3A_107, %mul3A_109 : vector<16xi32>
        %gather3A_111 = tpu.vector_load_idx %arg6[%mul3A_102] : memref<40000xf32, #tpu.memory_space<vmem>>[vector<16xi32>], vector<16xf32>,
        %add3A_112 = arith.constant 2 : i32
        %add3A_113 = vector.broadcast %add3A_112 : i32 to vector<16xi32>
        %add3A_114 = arith.addi %mul3A_110, %add3A_113 : vector<16xi32>
        %gather3A_115 = tpu.vector_load_idx %arg6[%add3A_114] : memref<40000xf32, #tpu.memory_space<vmem>>[vector<16xi32>], vector<16xf32>,
        %add3A_116 = arith.addf %gather3A_111, %gather3A_115 : vector<16xf32>
        %add3A_117 = arith.constant 1 : i32
        %add3A_118 = vector.broadcast %add3A_117 : i32 to vector<16xi32>
        %add3A_119 = arith.addi %mul3A_102, %add3A_118 : vector<16xi32>
        %gather3A_120 = tpu.vector_load_idx %arg6[%add3A_119] : memref<40000xf32, #tpu.memory_space<vmem>>[vector<16xi32>], vector<16xf32>,
        %add3A_121 = arith.constant 3 : i32
        %add3A_122 = vector.broadcast %add3A_121 : i32 to vector<16xi32>
        %add3A_123 = arith.addi %mul3A_110, %add3A_122 : vector<16xi32>
        %gather3A_124 = tpu.vector_load_idx %arg6[%add3A_123] : memref<40000xf32, #tpu.memory_space<vmem>>[vector<16xi32>], vector<16xf32>,
        %add3A_125 = arith.addf %gather3A_120, %gather3A_124 : vector<16xf32>
        %gt3A_126 = arith.constant 0.000000e+00 : f32
        %gt3A_127 = vector.broadcast %gt3A_126 : f32 to vector<16xf32>
        %gt3A_128 = arith.cmpf ogt, %add3A_116, %gt3A_127 : vector<16xf32>
        %mul3A_129 = arith.constant 2.000000e-01 : f32
        %mul3A_130 = vector.broadcast %mul3A_129 : f32 to vector<16xf32>
        %mul3A_131 = arith.mulf %mul3A_130, %add3A_116 : vector<16xf32>
        %select_n3A_132 = arith.select %gt3A_128, %add3A_116, %mul3A_131 : vector<16xi1>, vector<16xf32>
        %mul3A_133 = arith.constant 6.250000e-02 : f32
        %mul3A_134 = vector.broadcast %mul3A_133 : f32 to vector<16xf32>
        %mul3A_135 = arith.mulf %select_n3A_132, %mul3A_134 : vector<16xf32>
        %gt3A_136 = arith.constant 0.000000e+00 : f32
        %gt3A_137 = vector.broadcast %gt3A_136 : f32 to vector<16xf32>
        %gt3A_138 = arith.cmpf ogt, %add3A_125, %gt3A_137 : vector<16xf32>
        %mul3A_139 = arith.constant 2.000000e-01 : f32
        %mul3A_140 = vector.broadcast %mul3A_139 : f32 to vector<16xf32>
        %mul3A_141 = arith.mulf %mul3A_140, %add3A_125 : vector<16xf32>
        %select_n3A_142 = arith.select %gt3A_138, %add3A_125, %mul3A_141 : vector<16xi1>, vector<16xf32>
        %mul3A_143 = arith.constant 6.250000e-02 : f32
        %mul3A_144 = vector.broadcast %mul3A_143 : f32 to vector<16xf32>
        %mul3A_145 = arith.mulf %select_n3A_142, %mul3A_144 : vector<16xf32>
        %mul3A_146 = arith.constant 128 : i32
        %mul3A_147 = arith.muli %scan3A_21, %mul3A_146 : i32
        %add3A_148 = arith.addi %add3A, %mul3A_147 : i32
        %add3A_149 = arith.constant 16 : i32
        %add3A_150 = arith.addi %add3A_148, %add3A_149 : i32
        %add3A_151 = vector.broadcast %add3A_150 : i32 to vector<16xi32>
        %add3A_152 = arith.addi %add3A_151, %iota3A : vector<16xi32>
        %lt3A_153 = arith.constant 320000 : i32
        %lt3A_154 = vector.broadcast %lt3A_153 : i32 to vector<16xi32>
        %lt3A_155 = arith.cmpi slt, %add3A_152, %lt3A_154 : vector<16xi32>
        %exp3A_156 = math.exp %mul3A_135 : vector<16xf32>
        %jit3A_157 = arith.constant 0.000000e+00 : f32
        %broadcast_in_dim3A_158 = vector.broadcast %jit3A_157 : f32 to vector<16xf32>
        %select_n3A_159 = arith.select %lt3A_155, %exp3A_156, %broadcast_in_dim3A_158 : vector<16xi1>, vector<16xf32>
        %exp3A_160 = math.exp %mul3A_145 : vector<16xf32>
        %jit3A_161 = arith.constant 0.000000e+00 : f32
        %broadcast_in_dim3A_162 = vector.broadcast %jit3A_161 : f32 to vector<16xf32>
        %select_n3A_163 = arith.select %lt3A_155, %exp3A_160, %broadcast_in_dim3A_162 : vector<16xi1>, vector<16xf32>
        %mul3A_164 = arith.constant 128 : i32
        %mul3A_165 = arith.muli %scan3A_21, %mul3A_164 : i32
        %add3A_166 = arith.constant 16 : i32
        %add3A_167 = arith.addi %mul3A_165, %add3A_166 : i32
        %add3A_168 = vector.broadcast %add3A_167 : i32 to vector<16xi32>
        %add3A_169 = arith.addi %add3A_168, %iota3A : vector<16xi32>
        %mul3A_170 = arith.constant 2 : i32
        %mul3A_171 = vector.broadcast %mul3A_170 : i32 to vector<16xi32>
        %mul3A_172 = arith.muli %add3A_169, %mul3A_171 : vector<16xi32>
        tpu.vector_store_idx %arg9[%mul3A_172], %select_n3A_159 : memref<5120xf32, #tpu.memory_space<vmem>>[vector<16xi32>], vector<16xf32>,
        %add3A_173 = arith.constant 1 : i32
        %add3A_174 = vector.broadcast %add3A_173 : i32 to vector<16xi32>
        %add3A_175 = arith.addi %mul3A_172, %add3A_174 : vector<16xi32>
        tpu.vector_store_idx %arg9[%add3A_175], %select_n3A_163 : memref<5120xf32, #tpu.memory_space<vmem>>[vector<16xi32>], vector<16xf32>,
        %get3A_176 = arith.constant 0 : i32
        %get3A_177 = arith.index_cast %scan3A_21 : i32 to index
        %get3A_178 = arith.index_cast %get3A_176 : i32 to index
        %get3A_179 = arith.constant 32 : index
        %get3A_180 = tpu.vector_load %arg7[%get3A_177, %get3A_178, %get3A_179] {strides = array<i32>} : memref<20x1x128xi32, #tpu.memory_space<vmem>>, vector<16xi32>,
        %mul3A_181 = arith.constant 4 : i32
        %mul3A_182 = vector.broadcast %mul3A_181 : i32 to vector<16xi32>
        %mul3A_183 = arith.muli %get3A_180, %mul3A_182 : vector<16xi32>
        %get3A_184 = arith.constant 0 : i32
        %get3A_185 = arith.index_cast %scan3A_21 : i32 to index
        %get3A_186 = arith.index_cast %get3A_184 : i32 to index
        %get3A_187 = arith.constant 32 : index
        %get3A_188 = tpu.vector_load %arg8[%get3A_185, %get3A_186, %get3A_187] {strides = array<i32>} : memref<20x1x128xi32, #tpu.memory_space<vmem>>, vector<16xi32>,
        %mul3A_189 = arith.constant 4 : i32
        %mul3A_190 = vector.broadcast %mul3A_189 : i32 to vector<16xi32>
        %mul3A_191 = arith.muli %get3A_188, %mul3A_190 : vector<16xi32>
        %gather3A_192 = tpu.vector_load_idx %arg6[%mul3A_183] : memref<40000xf32, #tpu.memory_space<vmem>>[vector<16xi32>], vector<16xf32>,
        %add3A_193 = arith.constant 2 : i32
        %add3A_194 = vector.broadcast %add3A_193 : i32 to vector<16xi32>
        %add3A_195 = arith.addi %mul3A_191, %add3A_194 : vector<16xi32>
        %gather3A_196 = tpu.vector_load_idx %arg6[%add3A_195] : memref<40000xf32, #tpu.memory_space<vmem>>[vector<16xi32>], vector<16xf32>,
        %add3A_197 = arith.addf %gather3A_192, %gather3A_196 : vector<16xf32>
        %add3A_198 = arith.constant 1 : i32
        %add3A_199 = vector.broadcast %add3A_198 : i32 to vector<16xi32>
        %add3A_200 = arith.addi %mul3A_183, %add3A_199 : vector<16xi32>
        %gather3A_201 = tpu.vector_load_idx %arg6[%add3A_200] : memref<40000xf32, #tpu.memory_space<vmem>>[vector<16xi32>], vector<16xf32>,
        %add3A_202 = arith.constant 3 : i32
        %add3A_203 = vector.broadcast %add3A_202 : i32 to vector<16xi32>
        %add3A_204 = arith.addi %mul3A_191, %add3A_203 : vector<16xi32>
        %gather3A_205 = tpu.vector_load_idx %arg6[%add3A_204] : memref<40000xf32, #tpu.memory_space<vmem>>[vector<16xi32>], vector<16xf32>,
        %add3A_206 = arith.addf %gather3A_201, %gather3A_205 : vector<16xf32>
        %gt3A_207 = arith.constant 0.000000e+00 : f32
        %gt3A_208 = vector.broadcast %gt3A_207 : f32 to vector<16xf32>
        %gt3A_209 = arith.cmpf ogt, %add3A_197, %gt3A_208 : vector<16xf32>
        %mul3A_210 = arith.constant 2.000000e-01 : f32
        %mul3A_211 = vector.broadcast %mul3A_210 : f32 to vector<16xf32>
        %mul3A_212 = arith.mulf %mul3A_211, %add3A_197 : vector<16xf32>
        %select_n3A_213 = arith.select %gt3A_209, %add3A_197, %mul3A_212 : vector<16xi1>, vector<16xf32>
        %mul3A_214 = arith.constant 6.250000e-02 : f32
        %mul3A_215 = vector.broadcast %mul3A_214 : f32 to vector<16xf32>
        %mul3A_216 = arith.mulf %select_n3A_213, %mul3A_215 : vector<16xf32>
        %gt3A_217 = arith.constant 0.000000e+00 : f32
        %gt3A_218 = vector.broadcast %gt3A_217 : f32 to vector<16xf32>
        %gt3A_219 = arith.cmpf ogt, %add3A_206, %gt3A_218 : vector<16xf32>
        %mul3A_220 = arith.constant 2.000000e-01 : f32
        %mul3A_221 = vector.broadcast %mul3A_220 : f32 to vector<16xf32>
        %mul3A_222 = arith.mulf %mul3A_221, %add3A_206 : vector<16xf32>
        %select_n3A_223 = arith.select %gt3A_219, %add3A_206, %mul3A_222 : vector<16xi1>, vector<16xf32>
        %mul3A_224 = arith.constant 6.250000e-02 : f32
        %mul3A_225 = vector.broadcast %mul3A_224 : f32 to vector<16xf32>
        %mul3A_226 = arith.mulf %select_n3A_223, %mul3A_225 : vector<16xf32>
        %mul3A_227 = arith.constant 128 : i32
        %mul3A_228 = arith.muli %scan3A_21, %mul3A_227 : i32
        %add3A_229 = arith.addi %add3A, %mul3A_228 : i32
        %add3A_230 = arith.constant 32 : i32
        %add3A_231 = arith.addi %add3A_229, %add3A_230 : i32
        %add3A_232 = vector.broadcast %add3A_231 : i32 to vector<16xi32>
        %add3A_233 = arith.addi %add3A_232, %iota3A : vector<16xi32>
        %lt3A_234 = arith.constant 320000 : i32
        %lt3A_235 = vector.broadcast %lt3A_234 : i32 to vector<16xi32>
        %lt3A_236 = arith.cmpi slt, %add3A_233, %lt3A_235 : vector<16xi32>
        %exp3A_237 = math.exp %mul3A_216 : vector<16xf32>
        %jit3A_238 = arith.constant 0.000000e+00 : f32
        %broadcast_in_dim3A_239 = vector.broadcast %jit3A_238 : f32 to vector<16xf32>
        %select_n3A_240 = arith.select %lt3A_236, %exp3A_237, %broadcast_in_dim3A_239 : vector<16xi1>, vector<16xf32>
        %exp3A_241 = math.exp %mul3A_226 : vector<16xf32>
        %jit3A_242 = arith.constant 0.000000e+00 : f32
        %broadcast_in_dim3A_243 = vector.broadcast %jit3A_242 : f32 to vector<16xf32>
        %select_n3A_244 = arith.select %lt3A_236, %exp3A_241, %broadcast_in_dim3A_243 : vector<16xi1>, vector<16xf32>
        %mul3A_245 = arith.constant 128 : i32
        %mul3A_246 = arith.muli %scan3A_21, %mul3A_245 : i32
        %add3A_247 = arith.constant 32 : i32
        %add3A_248 = arith.addi %mul3A_246, %add3A_247 : i32
        %add3A_249 = vector.broadcast %add3A_248 : i32 to vector<16xi32>
        %add3A_250 = arith.addi %add3A_249, %iota3A : vector<16xi32>
        %mul3A_251 = arith.constant 2 : i32
        %mul3A_252 = vector.broadcast %mul3A_251 : i32 to vector<16xi32>
        %mul3A_253 = arith.muli %add3A_250, %mul3A_252 : vector<16xi32>
        tpu.vector_store_idx %arg9[%mul3A_253], %select_n3A_240 : memref<5120xf32, #tpu.memory_space<vmem>>[vector<16xi32>], vector<16xf32>,
        %add3A_254 = arith.constant 1 : i32
        %add3A_255 = vector.broadcast %add3A_254 : i32 to vector<16xi32>
        %add3A_256 = arith.addi %mul3A_253, %add3A_255 : vector<16xi32>
        tpu.vector_store_idx %arg9[%add3A_256], %select_n3A_244 : memref<5120xf32, #tpu.memory_space<vmem>>[vector<16xi32>], vector<16xf32>,
        %get3A_257 = arith.constant 0 : i32
        %get3A_258 = arith.index_cast %scan3A_21 : i32 to index
        %get3A_259 = arith.index_cast %get3A_257 : i32 to index
        %get3A_260 = arith.constant 48 : index
        %get3A_261 = tpu.vector_load %arg7[%get3A_258, %get3A_259, %get3A_260] {strides = array<i32>} : memref<20x1x128xi32, #tpu.memory_space<vmem>>, vector<16xi32>,
        %mul3A_262 = arith.constant 4 : i32
        %mul3A_263 = vector.broadcast %mul3A_262 : i32 to vector<16xi32>
        %mul3A_264 = arith.muli %get3A_261, %mul3A_263 : vector<16xi32>
        %get3A_265 = arith.constant 0 : i32
        %get3A_266 = arith.index_cast %scan3A_21 : i32 to index
        %get3A_267 = arith.index_cast %get3A_265 : i32 to index
        %get3A_268 = arith.constant 48 : index
        %get3A_269 = tpu.vector_load %arg8[%get3A_266, %get3A_267, %get3A_268] {strides = array<i32>} : memref<20x1x128xi32, #tpu.memory_space<vmem>>, vector<16xi32>,
        %mul3A_270 = arith.constant 4 : i32
        %mul3A_271 = vector.broadcast %mul3A_270 : i32 to vector<16xi32>
        %mul3A_272 = arith.muli %get3A_269, %mul3A_271 : vector<16xi32>
        %gather3A_273 = tpu.vector_load_idx %arg6[%mul3A_264] : memref<40000xf32, #tpu.memory_space<vmem>>[vector<16xi32>], vector<16xf32>,
        %add3A_274 = arith.constant 2 : i32
        %add3A_275 = vector.broadcast %add3A_274 : i32 to vector<16xi32>
        %add3A_276 = arith.addi %mul3A_272, %add3A_275 : vector<16xi32>
        %gather3A_277 = tpu.vector_load_idx %arg6[%add3A_276] : memref<40000xf32, #tpu.memory_space<vmem>>[vector<16xi32>], vector<16xf32>,
        %add3A_278 = arith.addf %gather3A_273, %gather3A_277 : vector<16xf32>
        %add3A_279 = arith.constant 1 : i32
        %add3A_280 = vector.broadcast %add3A_279 : i32 to vector<16xi32>
        %add3A_281 = arith.addi %mul3A_264, %add3A_280 : vector<16xi32>
        %gather3A_282 = tpu.vector_load_idx %arg6[%add3A_281] : memref<40000xf32, #tpu.memory_space<vmem>>[vector<16xi32>], vector<16xf32>,
        %add3A_283 = arith.constant 3 : i32
        %add3A_284 = vector.broadcast %add3A_283 : i32 to vector<16xi32>
        %add3A_285 = arith.addi %mul3A_272, %add3A_284 : vector<16xi32>
        %gather3A_286 = tpu.vector_load_idx %arg6[%add3A_285] : memref<40000xf32, #tpu.memory_space<vmem>>[vector<16xi32>], vector<16xf32>,
        %add3A_287 = arith.addf %gather3A_282, %gather3A_286 : vector<16xf32>
        %gt3A_288 = arith.constant 0.000000e+00 : f32
        %gt3A_289 = vector.broadcast %gt3A_288 : f32 to vector<16xf32>
        %gt3A_290 = arith.cmpf ogt, %add3A_278, %gt3A_289 : vector<16xf32>
        %mul3A_291 = arith.constant 2.000000e-01 : f32
        %mul3A_292 = vector.broadcast %mul3A_291 : f32 to vector<16xf32>
        %mul3A_293 = arith.mulf %mul3A_292, %add3A_278 : vector<16xf32>
        %select_n3A_294 = arith.select %gt3A_290, %add3A_278, %mul3A_293 : vector<16xi1>, vector<16xf32>
        %mul3A_295 = arith.constant 6.250000e-02 : f32
        %mul3A_296 = vector.broadcast %mul3A_295 : f32 to vector<16xf32>
        %mul3A_297 = arith.mulf %select_n3A_294, %mul3A_296 : vector<16xf32>
        %gt3A_298 = arith.constant 0.000000e+00 : f32
        %gt3A_299 = vector.broadcast %gt3A_298 : f32 to vector<16xf32>
        %gt3A_300 = arith.cmpf ogt, %add3A_287, %gt3A_299 : vector<16xf32>
        %mul3A_301 = arith.constant 2.000000e-01 : f32
        %mul3A_302 = vector.broadcast %mul3A_301 : f32 to vector<16xf32>
        %mul3A_303 = arith.mulf %mul3A_302, %add3A_287 : vector<16xf32>
        %select_n3A_304 = arith.select %gt3A_300, %add3A_287, %mul3A_303 : vector<16xi1>, vector<16xf32>
        %mul3A_305 = arith.constant 6.250000e-02 : f32
        %mul3A_306 = vector.broadcast %mul3A_305 : f32 to vector<16xf32>
        %mul3A_307 = arith.mulf %select_n3A_304, %mul3A_306 : vector<16xf32>
        %mul3A_308 = arith.constant 128 : i32
        %mul3A_309 = arith.muli %scan3A_21, %mul3A_308 : i32
        %add3A_310 = arith.addi %add3A, %mul3A_309 : i32
        %add3A_311 = arith.constant 48 : i32
        %add3A_312 = arith.addi %add3A_310, %add3A_311 : i32
        %add3A_313 = vector.broadcast %add3A_312 : i32 to vector<16xi32>
        %add3A_314 = arith.addi %add3A_313, %iota3A : vector<16xi32>
        %lt3A_315 = arith.constant 320000 : i32
        %lt3A_316 = vector.broadcast %lt3A_315 : i32 to vector<16xi32>
        %lt3A_317 = arith.cmpi slt, %add3A_314, %lt3A_316 : vector<16xi32>
        %exp3A_318 = math.exp %mul3A_297 : vector<16xf32>
        %jit3A_319 = arith.constant 0.000000e+00 : f32
        %broadcast_in_dim3A_320 = vector.broadcast %jit3A_319 : f32 to vector<16xf32>
        %select_n3A_321 = arith.select %lt3A_317, %exp3A_318, %broadcast_in_dim3A_320 : vector<16xi1>, vector<16xf32>
        %exp3A_322 = math.exp %mul3A_307 : vector<16xf32>
        %jit3A_323 = arith.constant 0.000000e+00 : f32
        %broadcast_in_dim3A_324 = vector.broadcast %jit3A_323 : f32 to vector<16xf32>
        %select_n3A_325 = arith.select %lt3A_317, %exp3A_322, %broadcast_in_dim3A_324 : vector<16xi1>, vector<16xf32>
        %mul3A_326 = arith.constant 128 : i32
        %mul3A_327 = arith.muli %scan3A_21, %mul3A_326 : i32
        %add3A_328 = arith.constant 48 : i32
        %add3A_329 = arith.addi %mul3A_327, %add3A_328 : i32
        %add3A_330 = vector.broadcast %add3A_329 : i32 to vector<16xi32>
        %add3A_331 = arith.addi %add3A_330, %iota3A : vector<16xi32>
        %mul3A_332 = arith.constant 2 : i32
        %mul3A_333 = vector.broadcast %mul3A_332 : i32 to vector<16xi32>
        %mul3A_334 = arith.muli %add3A_331, %mul3A_333 : vector<16xi32>
        tpu.vector_store_idx %arg9[%mul3A_334], %select_n3A_321 : memref<5120xf32, #tpu.memory_space<vmem>>[vector<16xi32>], vector<16xf32>,
        %add3A_335 = arith.constant 1 : i32
        %add3A_336 = vector.broadcast %add3A_335 : i32 to vector<16xi32>
        %add3A_337 = arith.addi %mul3A_334, %add3A_336 : vector<16xi32>
        tpu.vector_store_idx %arg9[%add3A_337], %select_n3A_325 : memref<5120xf32, #tpu.memory_space<vmem>>[vector<16xi32>], vector<16xf32>,
        %get3A_338 = arith.constant 0 : i32
        %get3A_339 = arith.index_cast %scan3A_21 : i32 to index
        %get3A_340 = arith.index_cast %get3A_338 : i32 to index
        %get3A_341 = arith.constant 64 : index
        %get3A_342 = tpu.vector_load %arg7[%get3A_339, %get3A_340, %get3A_341] {strides = array<i32>} : memref<20x1x128xi32, #tpu.memory_space<vmem>>, vector<16xi32>,
        %mul3A_343 = arith.constant 4 : i32
        %mul3A_344 = vector.broadcast %mul3A_343 : i32 to vector<16xi32>
        %mul3A_345 = arith.muli %get3A_342, %mul3A_344 : vector<16xi32>
        %get3A_346 = arith.constant 0 : i32
        %get3A_347 = arith.index_cast %scan3A_21 : i32 to index
        %get3A_348 = arith.index_cast %get3A_346 : i32 to index
        %get3A_349 = arith.constant 64 : index
        %get3A_350 = tpu.vector_load %arg8[%get3A_347, %get3A_348, %get3A_349] {strides = array<i32>} : memref<20x1x128xi32, #tpu.memory_space<vmem>>, vector<16xi32>,
        %mul3A_351 = arith.constant 4 : i32
        %mul3A_352 = vector.broadcast %mul3A_351 : i32 to vector<16xi32>
        %mul3A_353 = arith.muli %get3A_350, %mul3A_352 : vector<16xi32>
        %gather3A_354 = tpu.vector_load_idx %arg6[%mul3A_345] : memref<40000xf32, #tpu.memory_space<vmem>>[vector<16xi32>], vector<16xf32>,
        %add3A_355 = arith.constant 2 : i32
        %add3A_356 = vector.broadcast %add3A_355 : i32 to vector<16xi32>
        %add3A_357 = arith.addi %mul3A_353, %add3A_356 : vector<16xi32>
        %gather3A_358 = tpu.vector_load_idx %arg6[%add3A_357] : memref<40000xf32, #tpu.memory_space<vmem>>[vector<16xi32>], vector<16xf32>,
        %add3A_359 = arith.addf %gather3A_354, %gather3A_358 : vector<16xf32>
        %add3A_360 = arith.constant 1 : i32
        %add3A_361 = vector.broadcast %add3A_360 : i32 to vector<16xi32>
        %add3A_362 = arith.addi %mul3A_345, %add3A_361 : vector<16xi32>
        %gather3A_363 = tpu.vector_load_idx %arg6[%add3A_362] : memref<40000xf32, #tpu.memory_space<vmem>>[vector<16xi32>], vector<16xf32>,
        %add3A_364 = arith.constant 3 : i32
        %add3A_365 = vector.broadcast %add3A_364 : i32 to vector<16xi32>
        %add3A_366 = arith.addi %mul3A_353, %add3A_365 : vector<16xi32>
        %gather3A_367 = tpu.vector_load_idx %arg6[%add3A_366] : memref<40000xf32, #tpu.memory_space<vmem>>[vector<16xi32>], vector<16xf32>,
        %add3A_368 = arith.addf %gather3A_363, %gather3A_367 : vector<16xf32>
        %gt3A_369 = arith.constant 0.000000e+00 : f32
        %gt3A_370 = vector.broadcast %gt3A_369 : f32 to vector<16xf32>
        %gt3A_371 = arith.cmpf ogt, %add3A_359, %gt3A_370 : vector<16xf32>
        %mul3A_372 = arith.constant 2.000000e-01 : f32
        %mul3A_373 = vector.broadcast %mul3A_372 : f32 to vector<16xf32>
        %mul3A_374 = arith.mulf %mul3A_373, %add3A_359 : vector<16xf32>
        %select_n3A_375 = arith.select %gt3A_371, %add3A_359, %mul3A_374 : vector<16xi1>, vector<16xf32>
        %mul3A_376 = arith.constant 6.250000e-02 : f32
        %mul3A_377 = vector.broadcast %mul3A_376 : f32 to vector<16xf32>
        %mul3A_378 = arith.mulf %select_n3A_375, %mul3A_377 : vector<16xf32>
        %gt3A_379 = arith.constant 0.000000e+00 : f32
        %gt3A_380 = vector.broadcast %gt3A_379 : f32 to vector<16xf32>
        %gt3A_381 = arith.cmpf ogt, %add3A_368, %gt3A_380 : vector<16xf32>
        %mul3A_382 = arith.constant 2.000000e-01 : f32
        %mul3A_383 = vector.broadcast %mul3A_382 : f32 to vector<16xf32>
        %mul3A_384 = arith.mulf %mul3A_383, %add3A_368 : vector<16xf32>
        %select_n3A_385 = arith.select %gt3A_381, %add3A_368, %mul3A_384 : vector<16xi1>, vector<16xf32>
        %mul3A_386 = arith.constant 6.250000e-02 : f32
        %mul3A_387 = vector.broadcast %mul3A_386 : f32 to vector<16xf32>
        %mul3A_388 = arith.mulf %select_n3A_385, %mul3A_387 : vector<16xf32>
        %mul3A_389 = arith.constant 128 : i32
        %mul3A_390 = arith.muli %scan3A_21, %mul3A_389 : i32
        %add3A_391 = arith.addi %add3A, %mul3A_390 : i32
        %add3A_392 = arith.constant 64 : i32
        %add3A_393 = arith.addi %add3A_391, %add3A_392 : i32
        %add3A_394 = vector.broadcast %add3A_393 : i32 to vector<16xi32>
        %add3A_395 = arith.addi %add3A_394, %iota3A : vector<16xi32>
        %lt3A_396 = arith.constant 320000 : i32
        %lt3A_397 = vector.broadcast %lt3A_396 : i32 to vector<16xi32>
        %lt3A_398 = arith.cmpi slt, %add3A_395, %lt3A_397 : vector<16xi32>
        %exp3A_399 = math.exp %mul3A_378 : vector<16xf32>
        %jit3A_400 = arith.constant 0.000000e+00 : f32
        %broadcast_in_dim3A_401 = vector.broadcast %jit3A_400 : f32 to vector<16xf32>
        %select_n3A_402 = arith.select %lt3A_398, %exp3A_399, %broadcast_in_dim3A_401 : vector<16xi1>, vector<16xf32>
        %exp3A_403 = math.exp %mul3A_388 : vector<16xf32>
        %jit3A_404 = arith.constant 0.000000e+00 : f32
        %broadcast_in_dim3A_405 = vector.broadcast %jit3A_404 : f32 to vector<16xf32>
        %select_n3A_406 = arith.select %lt3A_398, %exp3A_403, %broadcast_in_dim3A_405 : vector<16xi1>, vector<16xf32>
        %mul3A_407 = arith.constant 128 : i32
        %mul3A_408 = arith.muli %scan3A_21, %mul3A_407 : i32
        %add3A_409 = arith.constant 64 : i32
        %add3A_410 = arith.addi %mul3A_408, %add3A_409 : i32
        %add3A_411 = vector.broadcast %add3A_410 : i32 to vector<16xi32>
        %add3A_412 = arith.addi %add3A_411, %iota3A : vector<16xi32>
        %mul3A_413 = arith.constant 2 : i32
        %mul3A_414 = vector.broadcast %mul3A_413 : i32 to vector<16xi32>
        %mul3A_415 = arith.muli %add3A_412, %mul3A_414 : vector<16xi32>
        tpu.vector_store_idx %arg9[%mul3A_415], %select_n3A_402 : memref<5120xf32, #tpu.memory_space<vmem>>[vector<16xi32>], vector<16xf32>,
        %add3A_416 = arith.constant 1 : i32
        %add3A_417 = vector.broadcast %add3A_416 : i32 to vector<16xi32>
        %add3A_418 = arith.addi %mul3A_415, %add3A_417 : vector<16xi32>
        tpu.vector_store_idx %arg9[%add3A_418], %select_n3A_406 : memref<5120xf32, #tpu.memory_space<vmem>>[vector<16xi32>], vector<16xf32>,
        %get3A_419 = arith.constant 0 : i32
        %get3A_420 = arith.index_cast %scan3A_21 : i32 to index
        %get3A_421 = arith.index_cast %get3A_419 : i32 to index
        %get3A_422 = arith.constant 80 : index
        %get3A_423 = tpu.vector_load %arg7[%get3A_420, %get3A_421, %get3A_422] {strides = array<i32>} : memref<20x1x128xi32, #tpu.memory_space<vmem>>, vector<16xi32>,
        %mul3A_424 = arith.constant 4 : i32
        %mul3A_425 = vector.broadcast %mul3A_424 : i32 to vector<16xi32>
        %mul3A_426 = arith.muli %get3A_423, %mul3A_425 : vector<16xi32>
        %get3A_427 = arith.constant 0 : i32
        %get3A_428 = arith.index_cast %scan3A_21 : i32 to index
        %get3A_429 = arith.index_cast %get3A_427 : i32 to index
        %get3A_430 = arith.constant 80 : index
        %get3A_431 = tpu.vector_load %arg8[%get3A_428, %get3A_429, %get3A_430] {strides = array<i32>} : memref<20x1x128xi32, #tpu.memory_space<vmem>>, vector<16xi32>,
        %mul3A_432 = arith.constant 4 : i32
        %mul3A_433 = vector.broadcast %mul3A_432 : i32 to vector<16xi32>
        %mul3A_434 = arith.muli %get3A_431, %mul3A_433 : vector<16xi32>
        %gather3A_435 = tpu.vector_load_idx %arg6[%mul3A_426] : memref<40000xf32, #tpu.memory_space<vmem>>[vector<16xi32>], vector<16xf32>,
        %add3A_436 = arith.constant 2 : i32
        %add3A_437 = vector.broadcast %add3A_436 : i32 to vector<16xi32>
        %add3A_438 = arith.addi %mul3A_434, %add3A_437 : vector<16xi32>
        %gather3A_439 = tpu.vector_load_idx %arg6[%add3A_438] : memref<40000xf32, #tpu.memory_space<vmem>>[vector<16xi32>], vector<16xf32>,
        %add3A_440 = arith.addf %gather3A_435, %gather3A_439 : vector<16xf32>
        %add3A_441 = arith.constant 1 : i32
        %add3A_442 = vector.broadcast %add3A_441 : i32 to vector<16xi32>
        %add3A_443 = arith.addi %mul3A_426, %add3A_442 : vector<16xi32>
        %gather3A_444 = tpu.vector_load_idx %arg6[%add3A_443] : memref<40000xf32, #tpu.memory_space<vmem>>[vector<16xi32>], vector<16xf32>,
        %add3A_445 = arith.constant 3 : i32
        %add3A_446 = vector.broadcast %add3A_445 : i32 to vector<16xi32>
        %add3A_447 = arith.addi %mul3A_434, %add3A_446 : vector<16xi32>
        %gather3A_448 = tpu.vector_load_idx %arg6[%add3A_447] : memref<40000xf32, #tpu.memory_space<vmem>>[vector<16xi32>], vector<16xf32>,
        %add3A_449 = arith.addf %gather3A_444, %gather3A_448 : vector<16xf32>
        %gt3A_450 = arith.constant 0.000000e+00 : f32
        %gt3A_451 = vector.broadcast %gt3A_450 : f32 to vector<16xf32>
        %gt3A_452 = arith.cmpf ogt, %add3A_440, %gt3A_451 : vector<16xf32>
        %mul3A_453 = arith.constant 2.000000e-01 : f32
        %mul3A_454 = vector.broadcast %mul3A_453 : f32 to vector<16xf32>
        %mul3A_455 = arith.mulf %mul3A_454, %add3A_440 : vector<16xf32>
        %select_n3A_456 = arith.select %gt3A_452, %add3A_440, %mul3A_455 : vector<16xi1>, vector<16xf32>
        %mul3A_457 = arith.constant 6.250000e-02 : f32
        %mul3A_458 = vector.broadcast %mul3A_457 : f32 to vector<16xf32>
        %mul3A_459 = arith.mulf %select_n3A_456, %mul3A_458 : vector<16xf32>
        %gt3A_460 = arith.constant 0.000000e+00 : f32
        %gt3A_461 = vector.broadcast %gt3A_460 : f32 to vector<16xf32>
        %gt3A_462 = arith.cmpf ogt, %add3A_449, %gt3A_461 : vector<16xf32>
        %mul3A_463 = arith.constant 2.000000e-01 : f32
        %mul3A_464 = vector.broadcast %mul3A_463 : f32 to vector<16xf32>
        %mul3A_465 = arith.mulf %mul3A_464, %add3A_449 : vector<16xf32>
        %select_n3A_466 = arith.select %gt3A_462, %add3A_449, %mul3A_465 : vector<16xi1>, vector<16xf32>
        %mul3A_467 = arith.constant 6.250000e-02 : f32
        %mul3A_468 = vector.broadcast %mul3A_467 : f32 to vector<16xf32>
        %mul3A_469 = arith.mulf %select_n3A_466, %mul3A_468 : vector<16xf32>
        %mul3A_470 = arith.constant 128 : i32
        %mul3A_471 = arith.muli %scan3A_21, %mul3A_470 : i32
        %add3A_472 = arith.addi %add3A, %mul3A_471 : i32
        %add3A_473 = arith.constant 80 : i32
        %add3A_474 = arith.addi %add3A_472, %add3A_473 : i32
        %add3A_475 = vector.broadcast %add3A_474 : i32 to vector<16xi32>
        %add3A_476 = arith.addi %add3A_475, %iota3A : vector<16xi32>
        %lt3A_477 = arith.constant 320000 : i32
        %lt3A_478 = vector.broadcast %lt3A_477 : i32 to vector<16xi32>
        %lt3A_479 = arith.cmpi slt, %add3A_476, %lt3A_478 : vector<16xi32>
        %exp3A_480 = math.exp %mul3A_459 : vector<16xf32>
        %jit3A_481 = arith.constant 0.000000e+00 : f32
        %broadcast_in_dim3A_482 = vector.broadcast %jit3A_481 : f32 to vector<16xf32>
        %select_n3A_483 = arith.select %lt3A_479, %exp3A_480, %broadcast_in_dim3A_482 : vector<16xi1>, vector<16xf32>
        %exp3A_484 = math.exp %mul3A_469 : vector<16xf32>
        %jit3A_485 = arith.constant 0.000000e+00 : f32
        %broadcast_in_dim3A_486 = vector.broadcast %jit3A_485 : f32 to vector<16xf32>
        %select_n3A_487 = arith.select %lt3A_479, %exp3A_484, %broadcast_in_dim3A_486 : vector<16xi1>, vector<16xf32>
        %mul3A_488 = arith.constant 128 : i32
        %mul3A_489 = arith.muli %scan3A_21, %mul3A_488 : i32
        %add3A_490 = arith.constant 80 : i32
        %add3A_491 = arith.addi %mul3A_489, %add3A_490 : i32
        %add3A_492 = vector.broadcast %add3A_491 : i32 to vector<16xi32>
        %add3A_493 = arith.addi %add3A_492, %iota3A : vector<16xi32>
        %mul3A_494 = arith.constant 2 : i32
        %mul3A_495 = vector.broadcast %mul3A_494 : i32 to vector<16xi32>
        %mul3A_496 = arith.muli %add3A_493, %mul3A_495 : vector<16xi32>
        tpu.vector_store_idx %arg9[%mul3A_496], %select_n3A_483 : memref<5120xf32, #tpu.memory_space<vmem>>[vector<16xi32>], vector<16xf32>,
        %add3A_497 = arith.constant 1 : i32
        %add3A_498 = vector.broadcast %add3A_497 : i32 to vector<16xi32>
        %add3A_499 = arith.addi %mul3A_496, %add3A_498 : vector<16xi32>
        tpu.vector_store_idx %arg9[%add3A_499], %select_n3A_487 : memref<5120xf32, #tpu.memory_space<vmem>>[vector<16xi32>], vector<16xf32>,
        %get3A_500 = arith.constant 0 : i32
        %get3A_501 = arith.index_cast %scan3A_21 : i32 to index
        %get3A_502 = arith.index_cast %get3A_500 : i32 to index
        %get3A_503 = arith.constant 96 : index
        %get3A_504 = tpu.vector_load %arg7[%get3A_501, %get3A_502, %get3A_503] {strides = array<i32>} : memref<20x1x128xi32, #tpu.memory_space<vmem>>, vector<16xi32>,
        %mul3A_505 = arith.constant 4 : i32
        %mul3A_506 = vector.broadcast %mul3A_505 : i32 to vector<16xi32>
        %mul3A_507 = arith.muli %get3A_504, %mul3A_506 : vector<16xi32>
        %get3A_508 = arith.constant 0 : i32
        %get3A_509 = arith.index_cast %scan3A_21 : i32 to index
        %get3A_510 = arith.index_cast %get3A_508 : i32 to index
        %get3A_511 = arith.constant 96 : index
        %get3A_512 = tpu.vector_load %arg8[%get3A_509, %get3A_510, %get3A_511] {strides = array<i32>} : memref<20x1x128xi32, #tpu.memory_space<vmem>>, vector<16xi32>,
        %mul3A_513 = arith.constant 4 : i32
        %mul3A_514 = vector.broadcast %mul3A_513 : i32 to vector<16xi32>
        %mul3A_515 = arith.muli %get3A_512, %mul3A_514 : vector<16xi32>
        %gather3A_516 = tpu.vector_load_idx %arg6[%mul3A_507] : memref<40000xf32, #tpu.memory_space<vmem>>[vector<16xi32>], vector<16xf32>,
        %add3A_517 = arith.constant 2 : i32
        %add3A_518 = vector.broadcast %add3A_517 : i32 to vector<16xi32>
        %add3A_519 = arith.addi %mul3A_515, %add3A_518 : vector<16xi32>
        %gather3A_520 = tpu.vector_load_idx %arg6[%add3A_519] : memref<40000xf32, #tpu.memory_space<vmem>>[vector<16xi32>], vector<16xf32>,
        %add3A_521 = arith.addf %gather3A_516, %gather3A_520 : vector<16xf32>
        %add3A_522 = arith.constant 1 : i32
        %add3A_523 = vector.broadcast %add3A_522 : i32 to vector<16xi32>
        %add3A_524 = arith.addi %mul3A_507, %add3A_523 : vector<16xi32>
        %gather3A_525 = tpu.vector_load_idx %arg6[%add3A_524] : memref<40000xf32, #tpu.memory_space<vmem>>[vector<16xi32>], vector<16xf32>,
        %add3A_526 = arith.constant 3 : i32
        %add3A_527 = vector.broadcast %add3A_526 : i32 to vector<16xi32>
        %add3A_528 = arith.addi %mul3A_515, %add3A_527 : vector<16xi32>
        %gather3A_529 = tpu.vector_load_idx %arg6[%add3A_528] : memref<40000xf32, #tpu.memory_space<vmem>>[vector<16xi32>], vector<16xf32>,
        %add3A_530 = arith.addf %gather3A_525, %gather3A_529 : vector<16xf32>
        %gt3A_531 = arith.constant 0.000000e+00 : f32
        %gt3A_532 = vector.broadcast %gt3A_531 : f32 to vector<16xf32>
        %gt3A_533 = arith.cmpf ogt, %add3A_521, %gt3A_532 : vector<16xf32>
        %mul3A_534 = arith.constant 2.000000e-01 : f32
        %mul3A_535 = vector.broadcast %mul3A_534 : f32 to vector<16xf32>
        %mul3A_536 = arith.mulf %mul3A_535, %add3A_521 : vector<16xf32>
        %select_n3A_537 = arith.select %gt3A_533, %add3A_521, %mul3A_536 : vector<16xi1>, vector<16xf32>
        %mul3A_538 = arith.constant 6.250000e-02 : f32
        %mul3A_539 = vector.broadcast %mul3A_538 : f32 to vector<16xf32>
        %mul3A_540 = arith.mulf %select_n3A_537, %mul3A_539 : vector<16xf32>
        %gt3A_541 = arith.constant 0.000000e+00 : f32
        %gt3A_542 = vector.broadcast %gt3A_541 : f32 to vector<16xf32>
        %gt3A_543 = arith.cmpf ogt, %add3A_530, %gt3A_542 : vector<16xf32>
        %mul3A_544 = arith.constant 2.000000e-01 : f32
        %mul3A_545 = vector.broadcast %mul3A_544 : f32 to vector<16xf32>
        %mul3A_546 = arith.mulf %mul3A_545, %add3A_530 : vector<16xf32>
        %select_n3A_547 = arith.select %gt3A_543, %add3A_530, %mul3A_546 : vector<16xi1>, vector<16xf32>
        %mul3A_548 = arith.constant 6.250000e-02 : f32
        %mul3A_549 = vector.broadcast %mul3A_548 : f32 to vector<16xf32>
        %mul3A_550 = arith.mulf %select_n3A_547, %mul3A_549 : vector<16xf32>
        %mul3A_551 = arith.constant 128 : i32
        %mul3A_552 = arith.muli %scan3A_21, %mul3A_551 : i32
        %add3A_553 = arith.addi %add3A, %mul3A_552 : i32
        %add3A_554 = arith.constant 96 : i32
        %add3A_555 = arith.addi %add3A_553, %add3A_554 : i32
        %add3A_556 = vector.broadcast %add3A_555 : i32 to vector<16xi32>
        %add3A_557 = arith.addi %add3A_556, %iota3A : vector<16xi32>
        %lt3A_558 = arith.constant 320000 : i32
        %lt3A_559 = vector.broadcast %lt3A_558 : i32 to vector<16xi32>
        %lt3A_560 = arith.cmpi slt, %add3A_557, %lt3A_559 : vector<16xi32>
        %exp3A_561 = math.exp %mul3A_540 : vector<16xf32>
        %jit3A_562 = arith.constant 0.000000e+00 : f32
        %broadcast_in_dim3A_563 = vector.broadcast %jit3A_562 : f32 to vector<16xf32>
        %select_n3A_564 = arith.select %lt3A_560, %exp3A_561, %broadcast_in_dim3A_563 : vector<16xi1>, vector<16xf32>
        %exp3A_565 = math.exp %mul3A_550 : vector<16xf32>
        %jit3A_566 = arith.constant 0.000000e+00 : f32
        %broadcast_in_dim3A_567 = vector.broadcast %jit3A_566 : f32 to vector<16xf32>
        %select_n3A_568 = arith.select %lt3A_560, %exp3A_565, %broadcast_in_dim3A_567 : vector<16xi1>, vector<16xf32>
        %mul3A_569 = arith.constant 128 : i32
        %mul3A_570 = arith.muli %scan3A_21, %mul3A_569 : i32
        %add3A_571 = arith.constant 96 : i32
        %add3A_572 = arith.addi %mul3A_570, %add3A_571 : i32
        %add3A_573 = vector.broadcast %add3A_572 : i32 to vector<16xi32>
        %add3A_574 = arith.addi %add3A_573, %iota3A : vector<16xi32>
        %mul3A_575 = arith.constant 2 : i32
        %mul3A_576 = vector.broadcast %mul3A_575 : i32 to vector<16xi32>
        %mul3A_577 = arith.muli %add3A_574, %mul3A_576 : vector<16xi32>
        tpu.vector_store_idx %arg9[%mul3A_577], %select_n3A_564 : memref<5120xf32, #tpu.memory_space<vmem>>[vector<16xi32>], vector<16xf32>,
        %add3A_578 = arith.constant 1 : i32
        %add3A_579 = vector.broadcast %add3A_578 : i32 to vector<16xi32>
        %add3A_580 = arith.addi %mul3A_577, %add3A_579 : vector<16xi32>
        tpu.vector_store_idx %arg9[%add3A_580], %select_n3A_568 : memref<5120xf32, #tpu.memory_space<vmem>>[vector<16xi32>], vector<16xf32>,
        %get3A_581 = arith.constant 0 : i32
        %get3A_582 = arith.index_cast %scan3A_21 : i32 to index
        %get3A_583 = arith.index_cast %get3A_581 : i32 to index
        %get3A_584 = arith.constant 112 : index
        %get3A_585 = tpu.vector_load %arg7[%get3A_582, %get3A_583, %get3A_584] {strides = array<i32>} : memref<20x1x128xi32, #tpu.memory_space<vmem>>, vector<16xi32>,
        %mul3A_586 = arith.constant 4 : i32
        %mul3A_587 = vector.broadcast %mul3A_586 : i32 to vector<16xi32>
        %mul3A_588 = arith.muli %get3A_585, %mul3A_587 : vector<16xi32>
        %get3A_589 = arith.constant 0 : i32
        %get3A_590 = arith.index_cast %scan3A_21 : i32 to index
        %get3A_591 = arith.index_cast %get3A_589 : i32 to index
        %get3A_592 = arith.constant 112 : index
        %get3A_593 = tpu.vector_load %arg8[%get3A_590, %get3A_591, %get3A_592] {strides = array<i32>} : memref<20x1x128xi32, #tpu.memory_space<vmem>>, vector<16xi32>,
        %mul3A_594 = arith.constant 4 : i32
        %mul3A_595 = vector.broadcast %mul3A_594 : i32 to vector<16xi32>
        %mul3A_596 = arith.muli %get3A_593, %mul3A_595 : vector<16xi32>
        %gather3A_597 = tpu.vector_load_idx %arg6[%mul3A_588] : memref<40000xf32, #tpu.memory_space<vmem>>[vector<16xi32>], vector<16xf32>,
        %add3A_598 = arith.constant 2 : i32
        %add3A_599 = vector.broadcast %add3A_598 : i32 to vector<16xi32>
        %add3A_600 = arith.addi %mul3A_596, %add3A_599 : vector<16xi32>
        %gather3A_601 = tpu.vector_load_idx %arg6[%add3A_600] : memref<40000xf32, #tpu.memory_space<vmem>>[vector<16xi32>], vector<16xf32>,
        %add3A_602 = arith.addf %gather3A_597, %gather3A_601 : vector<16xf32>
        %add3A_603 = arith.constant 1 : i32
        %add3A_604 = vector.broadcast %add3A_603 : i32 to vector<16xi32>
        %add3A_605 = arith.addi %mul3A_588, %add3A_604 : vector<16xi32>
        %gather3A_606 = tpu.vector_load_idx %arg6[%add3A_605] : memref<40000xf32, #tpu.memory_space<vmem>>[vector<16xi32>], vector<16xf32>,
        %add3A_607 = arith.constant 3 : i32
        %add3A_608 = vector.broadcast %add3A_607 : i32 to vector<16xi32>
        %add3A_609 = arith.addi %mul3A_596, %add3A_608 : vector<16xi32>
        %gather3A_610 = tpu.vector_load_idx %arg6[%add3A_609] : memref<40000xf32, #tpu.memory_space<vmem>>[vector<16xi32>], vector<16xf32>,
        %add3A_611 = arith.addf %gather3A_606, %gather3A_610 : vector<16xf32>
        %gt3A_612 = arith.constant 0.000000e+00 : f32
        %gt3A_613 = vector.broadcast %gt3A_612 : f32 to vector<16xf32>
        %gt3A_614 = arith.cmpf ogt, %add3A_602, %gt3A_613 : vector<16xf32>
        %mul3A_615 = arith.constant 2.000000e-01 : f32
        %mul3A_616 = vector.broadcast %mul3A_615 : f32 to vector<16xf32>
        %mul3A_617 = arith.mulf %mul3A_616, %add3A_602 : vector<16xf32>
        %select_n3A_618 = arith.select %gt3A_614, %add3A_602, %mul3A_617 : vector<16xi1>, vector<16xf32>
        %mul3A_619 = arith.constant 6.250000e-02 : f32
        %mul3A_620 = vector.broadcast %mul3A_619 : f32 to vector<16xf32>
        %mul3A_621 = arith.mulf %select_n3A_618, %mul3A_620 : vector<16xf32>
        %gt3A_622 = arith.constant 0.000000e+00 : f32
        %gt3A_623 = vector.broadcast %gt3A_622 : f32 to vector<16xf32>
        %gt3A_624 = arith.cmpf ogt, %add3A_611, %gt3A_623 : vector<16xf32>
        %mul3A_625 = arith.constant 2.000000e-01 : f32
        %mul3A_626 = vector.broadcast %mul3A_625 : f32 to vector<16xf32>
        %mul3A_627 = arith.mulf %mul3A_626, %add3A_611 : vector<16xf32>
        %select_n3A_628 = arith.select %gt3A_624, %add3A_611, %mul3A_627 : vector<16xi1>, vector<16xf32>
        %mul3A_629 = arith.constant 6.250000e-02 : f32
        %mul3A_630 = vector.broadcast %mul3A_629 : f32 to vector<16xf32>
        %mul3A_631 = arith.mulf %select_n3A_628, %mul3A_630 : vector<16xf32>
        %mul3A_632 = arith.constant 128 : i32
        %mul3A_633 = arith.muli %scan3A_21, %mul3A_632 : i32
        %add3A_634 = arith.addi %add3A, %mul3A_633 : i32
        %add3A_635 = arith.constant 112 : i32
        %add3A_636 = arith.addi %add3A_634, %add3A_635 : i32
        %add3A_637 = vector.broadcast %add3A_636 : i32 to vector<16xi32>
        %add3A_638 = arith.addi %add3A_637, %iota3A : vector<16xi32>
        %lt3A_639 = arith.constant 320000 : i32
        %lt3A_640 = vector.broadcast %lt3A_639 : i32 to vector<16xi32>
        %lt3A_641 = arith.cmpi slt, %add3A_638, %lt3A_640 : vector<16xi32>
        %exp3A_642 = math.exp %mul3A_621 : vector<16xf32>
        %jit3A_643 = arith.constant 0.000000e+00 : f32
        %broadcast_in_dim3A_644 = vector.broadcast %jit3A_643 : f32 to vector<16xf32>
        %select_n3A_645 = arith.select %lt3A_641, %exp3A_642, %broadcast_in_dim3A_644 : vector<16xi1>, vector<16xf32>
        %exp3A_646 = math.exp %mul3A_631 : vector<16xf32>
        %jit3A_647 = arith.constant 0.000000e+00 : f32
        %broadcast_in_dim3A_648 = vector.broadcast %jit3A_647 : f32 to vector<16xf32>
        %select_n3A_649 = arith.select %lt3A_641, %exp3A_646, %broadcast_in_dim3A_648 : vector<16xi1>, vector<16xf32>
        %mul3A_650 = arith.constant 128 : i32
        %mul3A_651 = arith.muli %scan3A_21, %mul3A_650 : i32
        %add3A_652 = arith.constant 112 : i32
        %add3A_653 = arith.addi %mul3A_651, %add3A_652 : i32
        %add3A_654 = vector.broadcast %add3A_653 : i32 to vector<16xi32>
        %add3A_655 = arith.addi %add3A_654, %iota3A : vector<16xi32>
        %mul3A_656 = arith.constant 2 : i32
        %mul3A_657 = vector.broadcast %mul3A_656 : i32 to vector<16xi32>
        %mul3A_658 = arith.muli %add3A_655, %mul3A_657 : vector<16xi32>
        tpu.vector_store_idx %arg9[%mul3A_658], %select_n3A_645 : memref<5120xf32, #tpu.memory_space<vmem>>[vector<16xi32>], vector<16xf32>,
        %add3A_659 = arith.constant 1 : i32
        %add3A_660 = vector.broadcast %add3A_659 : i32 to vector<16xi32>
        %add3A_661 = arith.addi %mul3A_658, %add3A_660 : vector<16xi32>
        tpu.vector_store_idx %arg9[%add3A_661], %select_n3A_649 : memref<5120xf32, #tpu.memory_space<vmem>>[vector<16xi32>], vector<16xf32>,
      }
      %scan3A_18 = arith.constant 20 : i32
      %mul3A_19 = arith.constant 2 : i32
      %mul3A_20 = arith.muli %mul3A_19, %add3A : i32
      "tpu.region"() ({
        %run_scoped3A = tpu.sem_alloc : memref<!tpu.dma_semaphore, #tpu.memory_space<semaphore_mem>>
        %dma_start3A = tpu.memref_slice %arg5[%arg0, %mul3A_20] : memref<2x655360xf32, #tpu.memory_space<hbm>> -> memref<1x5120xf32, #tpu.memory_space<hbm>>
        %dma_start3A_21 = tpu.memref_squeeze %dma_start3A : memref<1x5120xf32, #tpu.memory_space<hbm>> -> memref<5120xf32, #tpu.memory_space<hbm>>
        %dma_start3A_22 = tpu.memref_slice %arg5[%arg0, %mul3A_20] : memref<2x655360xf32, #tpu.memory_space<hbm>> -> memref<1x5120xf32, #tpu.memory_space<hbm>>
        %dma_start3A_23 = tpu.memref_squeeze %dma_start3A_22 : memref<1x5120xf32, #tpu.memory_space<hbm>> -> memref<5120xf32, #tpu.memory_space<hbm>>
        tpu.enqueue_dma source(%arg9 : memref<5120xf32, #tpu.memory_space<vmem>>) target(%dma_start3A_23 : memref<5120xf32, #tpu.memory_space<hbm>>) target_semaphore(%run_scoped3A : memref<!tpu.dma_semaphore, #tpu.memory_space<semaphore_mem>>)
        %dma_wait3A = tpu.memref_slice %arg5[%arg0, %mul3A_20] : memref<2x655360xf32, #tpu.memory_space<hbm>> -> memref<1x5120xf32, #tpu.memory_space<hbm>>
        %dma_wait3A_24 = tpu.memref_squeeze %dma_wait3A : memref<1x5120xf32, #tpu.memory_space<hbm>> -> memref<5120xf32, #tpu.memory_space<hbm>>
        %dma_wait3A_25 = tpu.memref_slice %arg5[%arg0, %mul3A_20] : memref<2x655360xf32, #tpu.memory_space<hbm>> -> memref<1x5120xf32, #tpu.memory_space<hbm>>
        %dma_wait3A_26 = tpu.memref_squeeze %dma_wait3A_25 : memref<1x5120xf32, #tpu.memory_space<hbm>> -> memref<5120xf32, #tpu.memory_space<hbm>>
        tpu.wait_dma2 semaphore(%run_scoped3A : memref<!tpu.dma_semaphore, #tpu.memory_space<semaphore_mem>>) src(%arg9 : memref<5120xf32, #tpu.memory_space<vmem>>) dst(%dma_wait3A_26 : memref<5120xf32, #tpu.memory_space<hbm>>)
        tpu.yield
      }) : () -> ()
    }
    %scan3A_4 = arith.constant 8 : i32
    return
  }
}

module attributes {stable_mosaic.version = 14 : i64} {
  func.func @_proj_body(%arg0: i32, %arg1: memref<400x128xf32, #tpu.memory_space<vmem>>, %arg2: memref<128x256xf32, #tpu.memory_space<vmem>>, %arg3: memref<1x256xf32, #tpu.memory_space<vmem>>, %arg4: memref<256x8xf32, #tpu.memory_space<vmem>>, %arg5: memref<2x400x128xf32, #tpu.memory_space<vmem>>, %arg6: memref<2x400x4xf32, #tpu.memory_space<vmem>>) attributes {dimension_semantics = [#tpu.dimension_semantics<arbitrary>], iteration_bounds = array<i64: 25>, scalar_prefetch = 0 : i64, scratch_operands = 0 : i64, tpu.core_type = #tpu.core_type<tc>, window_params = [{transform_indices = @transform_0, window_bounds = array<i64: 400, 128>}, {pipeline_mode = #tpu.pipeline_mode<synchronous>, transform_indices = @transform_1, window_bounds = array<i64: 128, 256>}, {pipeline_mode = #tpu.pipeline_mode<synchronous>, transform_indices = @transform_2, window_bounds = array<i64: 1, 256>}, {pipeline_mode = #tpu.pipeline_mode<synchronous>, transform_indices = @transform_3, window_bounds = array<i64: 256, 8>}, {transform_indices = @transform_4, window_bounds = array<i64: 2, 400, 128>}, {transform_indices = @transform_5, window_bounds = array<i64: 2, 400, 4>}]} {
    %get3A = arith.constant 0 : index
    %get3A_0 = arith.constant 0 : index
    %get3A_1 = vector.load %arg1[%get3A, %get3A_0] : memref<400x128xf32, #tpu.memory_space<vmem>>, vector<400x128xf32>
    %get3A_2 = arith.constant 0 : index
    %get3A_3 = arith.constant 0 : index
    %get3A_4 = vector.load %arg2[%get3A_2, %get3A_3] : memref<128x256xf32, #tpu.memory_space<vmem>>, vector<128x256xf32>
    %dot_general3A = arith.constant dense<0.000000e+00> : vector<400x256xf32>
    %dot_general3A_5 = tpu.matmul %get3A_1, %get3A_4, %dot_general3A {dimension_numbers = #tpu.dot_dimension_numbers<[1], [0], [0], [1], [0, 0, 1, 1], [], []>, transpose_lhs_hint = false} : vector<400x128xf32>, vector<128x256xf32>, vector<400x256xf32> -> vector<400x256xf32>
    %get3A_6 = arith.constant 0 : index
    %get3A_7 = arith.constant 0 : index
    %get3A_8 = vector.load %arg3[%get3A_6, %get3A_7] : memref<1x256xf32, #tpu.memory_space<vmem>>, vector<1x256xf32>
    %add3A = vector.broadcast %get3A_8 : vector<1x256xf32> to vector<400x256xf32>
    %add3A_9 = arith.addf %dot_general3A_5, %add3A : vector<400x256xf32>
    %slice3A = vector.extract_strided_slice %add3A_9 {offsets = [0, 0], sizes = [400, 128], strides = [1, 1]} : vector<400x256xf32> to vector<400x128xf32>
    %swap3A = arith.constant 0 : index
    %swap3A_10 = arith.constant 0 : index
    %swap3A_11 = arith.constant 0 : index
    %swap3A_12 = vector.load %arg5[%swap3A, %swap3A_10, %swap3A_11] : memref<2x400x128xf32, #tpu.memory_space<vmem>>, vector<1x400x128xf32>
    %swap3A_13 = vector.shape_cast %swap3A_12 : vector<1x400x128xf32> to vector<400x128xf32>
    %swap3A_14 = vector.shape_cast %slice3A : vector<400x128xf32> to vector<1x400x128xf32>
    tpu.vector_store %arg5[%swap3A, %swap3A_10, %swap3A_11], %swap3A_14 {strides = array<i32>} : memref<2x400x128xf32, #tpu.memory_space<vmem>>, vector<1x400x128xf32>,
    %slice3A_15 = vector.extract_strided_slice %add3A_9 {offsets = [0, 128], sizes = [400, 128], strides = [1, 1]} : vector<400x256xf32> to vector<400x128xf32>
    %swap3A_16 = arith.constant 1 : index
    %swap3A_17 = arith.constant 0 : index
    %swap3A_18 = arith.constant 0 : index
    %swap3A_19 = vector.load %arg5[%swap3A_16, %swap3A_17, %swap3A_18] : memref<2x400x128xf32, #tpu.memory_space<vmem>>, vector<1x400x128xf32>
    %swap3A_20 = vector.shape_cast %swap3A_19 : vector<1x400x128xf32> to vector<400x128xf32>
    %swap3A_21 = vector.shape_cast %slice3A_15 : vector<400x128xf32> to vector<1x400x128xf32>
    tpu.vector_store %arg5[%swap3A_16, %swap3A_17, %swap3A_18], %swap3A_21 {strides = array<i32>} : memref<2x400x128xf32, #tpu.memory_space<vmem>>, vector<1x400x128xf32>,
    %get3A_22 = arith.constant 0 : index
    %get3A_23 = arith.constant 0 : index
    %get3A_24 = vector.load %arg4[%get3A_22, %get3A_23] : memref<256x8xf32, #tpu.memory_space<vmem>>, vector<256x8xf32>
    %dot_general3A_25 = arith.constant dense<0.000000e+00> : vector<400x8xf32>
    %dot_general3A_26 = tpu.matmul %add3A_9, %get3A_24, %dot_general3A_25 {dimension_numbers = #tpu.dot_dimension_numbers<[1], [0], [0], [1], [0, 0, 1, 1], [], []>, transpose_lhs_hint = false} : vector<400x256xf32>, vector<256x8xf32>, vector<400x8xf32> -> vector<400x8xf32>
    %slice3A_27 = vector.extract_strided_slice %dot_general3A_26 {offsets = [0, 0], sizes = [400, 4], strides = [1, 1]} : vector<400x8xf32> to vector<400x4xf32>
    %swap3A_28 = arith.constant 0 : index
    %swap3A_29 = arith.constant 0 : index
    %swap3A_30 = arith.constant 0 : index
    %swap3A_31 = vector.load %arg6[%swap3A_28, %swap3A_29, %swap3A_30] : memref<2x400x4xf32, #tpu.memory_space<vmem>>, vector<1x400x4xf32>
    %swap3A_32 = vector.shape_cast %swap3A_31 : vector<1x400x4xf32> to vector<400x4xf32>
    %swap3A_33 = vector.shape_cast %slice3A_27 : vector<400x4xf32> to vector<1x400x4xf32>
    tpu.vector_store %arg6[%swap3A_28, %swap3A_29, %swap3A_30], %swap3A_33 {strides = array<i32>} : memref<2x400x4xf32, #tpu.memory_space<vmem>>, vector<1x400x4xf32>,
    %slice3A_34 = vector.extract_strided_slice %dot_general3A_26 {offsets = [0, 4], sizes = [400, 4], strides = [1, 1]} : vector<400x8xf32> to vector<400x4xf32>
    %swap3A_35 = arith.constant 1 : index
    %swap3A_36 = arith.constant 0 : index
    %swap3A_37 = arith.constant 0 : index
    %swap3A_38 = vector.load %arg6[%swap3A_35, %swap3A_36, %swap3A_37] : memref<2x400x4xf32, #tpu.memory_space<vmem>>, vector<1x400x4xf32>
    %swap3A_39 = vector.shape_cast %swap3A_38 : vector<1x400x4xf32> to vector<400x4xf32>
    %swap3A_40 = vector.shape_cast %slice3A_34 : vector<400x4xf32> to vector<1x400x4xf32>
    tpu.vector_store %arg6[%swap3A_35, %swap3A_36, %swap3A_37], %swap3A_40 {strides = array<i32>} : memref<2x400x4xf32, #tpu.memory_space<vmem>>, vector<1x400x4xf32>,
    return
  }
  func.func @transform_0(%arg0: i32) -> (i32, i32) {
    %c0_i32 = arith.constant 0 : i32
    %c0_i32_0 = arith.constant 0 : i32
    return %arg0, %c0_i32 : i32, i32
  }
  func.func @transform_1(%arg0: i32) -> (i32, i32) {
    %c0_i32 = arith.constant 0 : i32
    %c0_i32_0 = arith.constant 0 : i32
    %c0_i32_1 = arith.constant 0 : i32
    return %c0_i32, %c0_i32_0 : i32, i32
  }
  func.func @transform_2(%arg0: i32) -> (i32, i32) {
    %c0_i32 = arith.constant 0 : i32
    %c0_i32_0 = arith.constant 0 : i32
    %c0_i32_1 = arith.constant 0 : i32
    return %c0_i32, %c0_i32_0 : i32, i32
  }
  func.func @transform_3(%arg0: i32) -> (i32, i32) {
    %c0_i32 = arith.constant 0 : i32
    %c0_i32_0 = arith.constant 0 : i32
    %c0_i32_1 = arith.constant 0 : i32
    return %c0_i32, %c0_i32_0 : i32, i32
  }
  func.func @transform_4(%arg0: i32) -> (i32, i32, i32) {
    %c0_i32 = arith.constant 0 : i32
    %c0_i32_0 = arith.constant 0 : i32
    %c0_i32_1 = arith.constant 0 : i32
    return %c0_i32, %arg0, %c0_i32_0 : i32, i32, i32
  }
  func.func @transform_5(%arg0: i32) -> (i32, i32, i32) {
    %c0_i32 = arith.constant 0 : i32
    %c0_i32_0 = arith.constant 0 : i32
    %c0_i32_1 = arith.constant 0 : i32
    return %c0_i32, %arg0, %c0_i32_0 : i32, i32, i32
  }
}

module attributes {stable_mosaic.version = 14 : i64} {
  func.func @_ln_body(%arg0: i32, %arg1: memref<2x400x128xf32, #tpu.memory_space<vmem>>, %arg2: memref<2x400x2xf32, #tpu.memory_space<vmem>>, %arg3: memref<1x256xf32, #tpu.memory_space<vmem>>, %arg4: memref<1x256xf32, #tpu.memory_space<vmem>>, %arg5: memref<400x256xf32, #tpu.memory_space<vmem>>) attributes {dimension_semantics = [#tpu.dimension_semantics<arbitrary>], iteration_bounds = array<i64: 25>, scalar_prefetch = 0 : i64, scratch_operands = 0 : i64, tpu.core_type = #tpu.core_type<tc>, window_params = [{transform_indices = @transform_0, window_bounds = array<i64: 2, 400, 128>}, {transform_indices = @transform_1, window_bounds = array<i64: 2, 400, 2>}, {pipeline_mode = #tpu.pipeline_mode<synchronous>, transform_indices = @transform_2, window_bounds = array<i64: 1, 256>}, {pipeline_mode = #tpu.pipeline_mode<synchronous>, transform_indices = @transform_3, window_bounds = array<i64: 1, 256>}, {transform_indices = @transform_4, window_bounds = array<i64: 400, 256>}]} {
    %get3A = arith.constant 0 : index
    %get3A_0 = arith.constant 0 : index
    %get3A_1 = arith.constant 0 : index
    %get3A_2 = vector.load %arg1[%get3A, %get3A_0, %get3A_1] : memref<2x400x128xf32, #tpu.memory_space<vmem>>, vector<1x400x128xf32>
    %get3A_3 = vector.shape_cast %get3A_2 : vector<1x400x128xf32> to vector<400x128xf32>
    %get3A_4 = arith.constant 1 : index
    %get3A_5 = arith.constant 0 : index
    %get3A_6 = arith.constant 0 : index
    %get3A_7 = vector.load %arg1[%get3A_4, %get3A_5, %get3A_6] : memref<2x400x128xf32, #tpu.memory_space<vmem>>, vector<1x400x128xf32>
    %get3A_8 = vector.shape_cast %get3A_7 : vector<1x400x128xf32> to vector<400x128xf32>
    %get3A_9 = arith.constant 0 : index
    %get3A_10 = arith.constant 0 : index
    %get3A_11 = arith.constant 0 : index
    %get3A_12 = vector.load %arg2[%get3A_9, %get3A_10, %get3A_11] : memref<2x400x2xf32, #tpu.memory_space<vmem>>, vector<2x400x2xf32>
    %slice3A = vector.extract_strided_slice %get3A_3 {offsets = [0, 0], sizes = [400, 64], strides = [1, 1]} : vector<400x128xf32> to vector<400x64xf32>
    %slice3A_13 = vector.extract_strided_slice %get3A_12 {offsets = [0, 0, 0], sizes = [1, 400, 1], strides = [1, 1, 1]} : vector<2x400x2xf32> to vector<1x400x1xf32>
    %squeeze3A = vector.shape_cast %slice3A_13 : vector<1x400x1xf32> to vector<400x1xf32>
    %eq3A = arith.constant 0.000000e+00 : f32
    %eq3A_14 = vector.broadcast %eq3A : f32 to vector<400x1xf32>
    %eq3A_15 = arith.cmpf oeq, %squeeze3A, %eq3A_14 : vector<400x1xf32>
    %jit3A = arith.constant 1.000000e+00 : f32
    %broadcast_in_dim3A = vector.broadcast %jit3A : f32 to vector<400x1xf32>
    %select_n3A = arith.select %eq3A_15, %broadcast_in_dim3A, %squeeze3A : vector<400x1xi1>, vector<400x1xf32>
    %div3A = vector.broadcast %select_n3A : vector<400x1xf32> to vector<400x64xf32>
    %div3A_16 = arith.divf %slice3A, %div3A : vector<400x64xf32>
    %slice3A_17 = vector.extract_strided_slice %get3A_3 {offsets = [0, 64], sizes = [400, 64], strides = [1, 1]} : vector<400x128xf32> to vector<400x64xf32>
    %slice3A_18 = vector.extract_strided_slice %get3A_12 {offsets = [0, 0, 1], sizes = [1, 400, 1], strides = [1, 1, 1]} : vector<2x400x2xf32> to vector<1x400x1xf32>
    %squeeze3A_19 = vector.shape_cast %slice3A_18 : vector<1x400x1xf32> to vector<400x1xf32>
    %eq3A_20 = arith.constant 0.000000e+00 : f32
    %eq3A_21 = vector.broadcast %eq3A_20 : f32 to vector<400x1xf32>
    %eq3A_22 = arith.cmpf oeq, %squeeze3A_19, %eq3A_21 : vector<400x1xf32>
    %jit3A_23 = arith.constant 1.000000e+00 : f32
    %broadcast_in_dim3A_24 = vector.broadcast %jit3A_23 : f32 to vector<400x1xf32>
    %select_n3A_25 = arith.select %eq3A_22, %broadcast_in_dim3A_24, %squeeze3A_19 : vector<400x1xi1>, vector<400x1xf32>
    %div3A_26 = vector.broadcast %select_n3A_25 : vector<400x1xf32> to vector<400x64xf32>
    %div3A_27 = arith.divf %slice3A_17, %div3A_26 : vector<400x64xf32>
    %slice3A_28 = vector.extract_strided_slice %get3A_8 {offsets = [0, 0], sizes = [400, 64], strides = [1, 1]} : vector<400x128xf32> to vector<400x64xf32>
    %slice3A_29 = vector.extract_strided_slice %get3A_12 {offsets = [1, 0, 0], sizes = [1, 400, 1], strides = [1, 1, 1]} : vector<2x400x2xf32> to vector<1x400x1xf32>
    %squeeze3A_30 = vector.shape_cast %slice3A_29 : vector<1x400x1xf32> to vector<400x1xf32>
    %eq3A_31 = arith.constant 0.000000e+00 : f32
    %eq3A_32 = vector.broadcast %eq3A_31 : f32 to vector<400x1xf32>
    %eq3A_33 = arith.cmpf oeq, %squeeze3A_30, %eq3A_32 : vector<400x1xf32>
    %jit3A_34 = arith.constant 1.000000e+00 : f32
    %broadcast_in_dim3A_35 = vector.broadcast %jit3A_34 : f32 to vector<400x1xf32>
    %select_n3A_36 = arith.select %eq3A_33, %broadcast_in_dim3A_35, %squeeze3A_30 : vector<400x1xi1>, vector<400x1xf32>
    %div3A_37 = vector.broadcast %select_n3A_36 : vector<400x1xf32> to vector<400x64xf32>
    %div3A_38 = arith.divf %slice3A_28, %div3A_37 : vector<400x64xf32>
    %slice3A_39 = vector.extract_strided_slice %get3A_8 {offsets = [0, 64], sizes = [400, 64], strides = [1, 1]} : vector<400x128xf32> to vector<400x64xf32>
    %slice3A_40 = vector.extract_strided_slice %get3A_12 {offsets = [1, 0, 1], sizes = [1, 400, 1], strides = [1, 1, 1]} : vector<2x400x2xf32> to vector<1x400x1xf32>
    %squeeze3A_41 = vector.shape_cast %slice3A_40 : vector<1x400x1xf32> to vector<400x1xf32>
    %eq3A_42 = arith.constant 0.000000e+00 : f32
    %eq3A_43 = vector.broadcast %eq3A_42 : f32 to vector<400x1xf32>
    %eq3A_44 = arith.cmpf oeq, %squeeze3A_41, %eq3A_43 : vector<400x1xf32>
    %jit3A_45 = arith.constant 1.000000e+00 : f32
    %broadcast_in_dim3A_46 = vector.broadcast %jit3A_45 : f32 to vector<400x1xf32>
    %select_n3A_47 = arith.select %eq3A_44, %broadcast_in_dim3A_46, %squeeze3A_41 : vector<400x1xi1>, vector<400x1xf32>
    %div3A_48 = vector.broadcast %select_n3A_47 : vector<400x1xf32> to vector<400x64xf32>
    %div3A_49 = arith.divf %slice3A_39, %div3A_48 : vector<400x64xf32>
    %concatenate3A = tpu.concatenate %div3A_16, %div3A_27, %div3A_38, %div3A_49 in 1 : vector<400x64xf32>, vector<400x64xf32>, vector<400x64xf32>, vector<400x64xf32> -> vector<400x256xf32>
    %reduce_sum3A = arith.constant dense<0.000000e+00> : vector<400xf32>
    %reduce_sum3A_50 = vector.multi_reduction <add>, %concatenate3A, %reduce_sum3A [1] : vector<400x256xf32> to vector<400xf32>
    %broadcast_in_dim3A_51 = vector.shape_cast %reduce_sum3A_50 : vector<400xf32> to vector<400x1xf32>
    %div3A_52 = arith.constant 2.560000e+02 : f32
    %div3A_53 = vector.broadcast %div3A_52 : f32 to vector<400x1xf32>
    %div3A_54 = arith.divf %broadcast_in_dim3A_51, %div3A_53 : vector<400x1xf32>
    %sub3A = vector.broadcast %div3A_54 : vector<400x1xf32> to vector<400x256xf32>
    %sub3A_55 = arith.subf %concatenate3A, %sub3A : vector<400x256xf32>
    %mul3A = arith.mulf %sub3A_55, %sub3A_55 : vector<400x256xf32>
    %reduce_sum3A_56 = arith.constant dense<0.000000e+00> : vector<400xf32>
    %reduce_sum3A_57 = vector.multi_reduction <add>, %mul3A, %reduce_sum3A_56 [1] : vector<400x256xf32> to vector<400xf32>
    %broadcast_in_dim3A_58 = vector.shape_cast %reduce_sum3A_57 : vector<400xf32> to vector<400x1xf32>
    %div3A_59 = arith.constant 2.550000e+02 : f32
    %div3A_60 = vector.broadcast %div3A_59 : f32 to vector<400x1xf32>
    %div3A_61 = arith.divf %broadcast_in_dim3A_58, %div3A_60 : vector<400x1xf32>
    %sqrt3A = math.sqrt %div3A_61 : vector<400x1xf32>
    %get3A_62 = arith.constant 0 : index
    %get3A_63 = arith.constant 0 : index
    %get3A_64 = vector.load %arg3[%get3A_62, %get3A_63] : memref<1x256xf32, #tpu.memory_space<vmem>>, vector<1x256xf32>
    %mul3A_65 = vector.broadcast %get3A_64 : vector<1x256xf32> to vector<400x256xf32>
    %mul3A_66 = arith.mulf %mul3A_65, %sub3A_55 : vector<400x256xf32>
    %add3A = arith.constant 9.99999997E-7 : f32
    %add3A_67 = vector.broadcast %add3A : f32 to vector<400x1xf32>
    %add3A_68 = arith.addf %sqrt3A, %add3A_67 : vector<400x1xf32>
    %div3A_69 = vector.broadcast %add3A_68 : vector<400x1xf32> to vector<400x256xf32>
    %div3A_70 = arith.divf %mul3A_66, %div3A_69 : vector<400x256xf32>
    %get3A_71 = arith.constant 0 : index
    %get3A_72 = arith.constant 0 : index
    %get3A_73 = vector.load %arg4[%get3A_71, %get3A_72] : memref<1x256xf32, #tpu.memory_space<vmem>>, vector<1x256xf32>
    %add3A_74 = vector.broadcast %get3A_73 : vector<1x256xf32> to vector<400x256xf32>
    %add3A_75 = arith.addf %div3A_70, %add3A_74 : vector<400x256xf32>
    %gt3A = arith.constant 0.000000e+00 : f32
    %gt3A_76 = vector.broadcast %gt3A : f32 to vector<400x256xf32>
    %gt3A_77 = arith.cmpf ogt, %add3A_75, %gt3A_76 : vector<400x256xf32>
    %min3A = arith.constant 0.000000e+00 : f32
    %min3A_78 = vector.broadcast %min3A : f32 to vector<400x256xf32>
    %min3A_79 = arith.minimumf %add3A_75, %min3A_78 : vector<400x256xf32>
    %exp3A = math.exp %min3A_79 : vector<400x256xf32>
    %sub3A_80 = arith.constant 1.000000e+00 : f32
    %sub3A_81 = vector.broadcast %sub3A_80 : f32 to vector<400x256xf32>
    %sub3A_82 = arith.subf %exp3A, %sub3A_81 : vector<400x256xf32>
    %select_n3A_83 = arith.select %gt3A_77, %add3A_75, %sub3A_82 : vector<400x256xi1>, vector<400x256xf32>
    %swap3A = arith.constant 0 : index
    %swap3A_84 = arith.constant 0 : index
    %swap3A_85 = vector.load %arg5[%swap3A, %swap3A_84] : memref<400x256xf32, #tpu.memory_space<vmem>>, vector<400x256xf32>
    tpu.vector_store %arg5[%swap3A, %swap3A_84], %select_n3A_83 {strides = array<i32>} : memref<400x256xf32, #tpu.memory_space<vmem>>, vector<400x256xf32>,
    return
  }
  func.func @transform_0(%arg0: i32) -> (i32, i32, i32) {
    %c0_i32 = arith.constant 0 : i32
    %c0_i32_0 = arith.constant 0 : i32
    %c0_i32_1 = arith.constant 0 : i32
    return %c0_i32, %arg0, %c0_i32_0 : i32, i32, i32
  }
  func.func @transform_1(%arg0: i32) -> (i32, i32, i32) {
    %c0_i32 = arith.constant 0 : i32
    %c0_i32_0 = arith.constant 0 : i32
    %c0_i32_1 = arith.constant 0 : i32
    return %c0_i32, %arg0, %c0_i32_0 : i32, i32, i32
  }
  func.func @transform_2(%arg0: i32) -> (i32, i32) {
    %c0_i32 = arith.constant 0 : i32
    %c0_i32_0 = arith.constant 0 : i32
    %c0_i32_1 = arith.constant 0 : i32
    return %c0_i32, %c0_i32_0 : i32, i32
  }
  func.func @transform_3(%arg0: i32) -> (i32, i32) {
    %c0_i32 = arith.constant 0 : i32
    %c0_i32_0 = arith.constant 0 : i32
    %c0_i32_1 = arith.constant 0 : i32
    return %c0_i32, %c0_i32_0 : i32, i32
  }
  func.func @transform_4(%arg0: i32) -> (i32, i32) {
    %c0_i32 = arith.constant 0 : i32
    %c0_i32_0 = arith.constant 0 : i32
    return %arg0, %c0_i32 : i32, i32
  }
}

</mosaic_0001>

<sc_bundles>
// kernel: kernel.6.cloned.1.call-start
scs
__scs_entry_jumppad:
0x0: {  	(pc) =	sbr.rel $0x88, $3  }
0x1: {  	(tag) =	ssettag $0x0;
	lr =	simm.s32 $0x1  }
0x2: {  	[smem:$0x3F9A] =	sst lr;
	_ =	strace $0xD0000000  }
0x3: {  	_ = 	snop  }
0x4: {  	_ = 	snop  }
0x5: {  	_ = 	snop  }
0x6: {  	_ = 	snop  }
0x7: {  	_ = 	snop  }
__scs_overlays_trampoline_lowered:
0x8: {  	[smem:$0x3FA9] =	sst s0  }
0x9: {  	[smem:$0x3FAA] =	sst s1  }
0xa: {  	[smem:$0x3FAB] =	sst s2  }
0xb: {  	[smem:$0x3FAC] =	sst s3  }
0xc: {  	[smem:$0x3FAD] =	sst s4  }
0xd: {  	[smem:$0x3FAE] =	sst s5  }
0xe: {  	[smem:$0x3FAF] =	sst s6  }
0xf: {  	[smem:$0x3FB0] =	sst s7  }
0x10: {  	[smem:$0x3FB1] =	sst s8  }
0x11: {  	[smem:$0x3FB2] =	sst s9;
	s0 =	simm.s32 @!p0 $0x0  }
0x12: {  	s1 =	sld [smem:$0x3F98];
	s0 =	simm.s32 @p0 $0x1  }
0x13: {  	[smem:$0x3FB3] =	sst s0;
	s0 =	simm.s32 @!p1 $0x0  }
0x14: {  	s2 =	sld [smem:$0x3F97];
	s0 =	simm.s32 @p1 $0x1  }
0x15: {  	[smem:$0x3FB4] =	sst s0;
	s0 =	simm.s32 @!p2 $0x0  }
0x16: {  	s3 =	sld [smem:$0x3FDB];
	s0 =	simm.s32 @p2 $0x1  }
0x17: {  	s4 =	simm.s32 $0x1BF5;
	[smem:$0x3FB6] =	sst s0  }
0x18: {  	s0 =	sld [smem:$0x3F99];
	_ =	swait.ge [sflag:s4], $0x0  }
0x19: {  	s7 =	sld [smem:$0x3F9A]  }
0x1a: {  	s8 =	sadd.s32 $0xFFFFE003, lr  }
0x1b: {  	s9 =	sadd.s32 $0xFFFFFEF7, lr;
	s5 =	simm.s32 $0xFFFFFFFF;
	p2 =	slt.u32 s8, $0xFFFFF086  }
0x1c: {  	p1 =	slt.u32 s9, $0xF7A;
	s5 =	simm.s32 @!p2 $0x0  }
0x1d: {  	s5 =	simm.s32 @p1 $0x1;
	p0 =	seq.s32 s7, s2  }
0x1e: {  	s7 =	smul.u32 @!p0 $0xF7A, s2;
	p2 =	seq.s32 @!p0 s5, $0x0  }
0x1f: {  	s9 =	smul.u32 $0xF7A, s1;
	s8 =	simm.s32 @!p0 $0x1BF5;
	p2 =	por !p2, p0  }
0x20: {  	[sflag:s8] =	ssyncset.s32 @!p0 $0xFFFFF086;
	s6 =	sadd.s32 @!p0 s3, s7;
	s7 =	simm.s32 @!p0 $0x108  }
0x21: {  	s3 =	sadd.s32 s3, s9;
	s6 =	sadd.s32 @!p0 $0x88, s6;
	s7 =	simm.s32 @p2 $0x1082  }
0x22: {  	[simem:s7], [sflag:s8] =	dma.local @!p0 [hbm:s6], $0xF7A  }
0x23: {  	s9 =	sor.u32 $0xD0000000, s2;
	s6 =	simm.s32 $0x108;
	_ =	swait.ge @!p0 [sflag:s8], $0x0  }
0x24: {  	s3 =	sadd.s32 $0x88, s3;
	s6 =	simm.s32 @!p1 $0x1082;
	[sflag:s4] =	ssyncset.s32 $0xFFFFF086  }
0x25: {  	[simem:s6], [sflag:s4] =	dma.local [hbm:s3], $0xF7A  }
0x26: {  	[smem:$0x3F9A] =	sst s1;
	(tag) =	ssettag s2;
	_ =	strace s9  }
0x27: {  	s1 =	sld [smem:$0x3FAA]  }
0x28: {  	s2 =	sld [smem:$0x3FAB]  }
0x29: {  	s4 =	sld [smem:$0x3FAD]  }
0x2a: {  	p0 =	seq.s32 s5, $0x0;
	s5 =	sld [smem:$0x3FAE]  }
0x2b: {  	s6 =	sld [smem:$0x3FAF]  }
0x2c: {  	s7 =	sld [smem:$0x3FB0]  }
0x2d: {  	s3 =	simm.s32 $0x108;
	s8 =	sld [smem:$0x3FB1]  }
0x2e: {  	s3 =	simm.s32 @!p0 $0x1082;
	s9 =	sld [smem:$0x3FB2]  }
0x2f: {  	lr =	sadd.s32 s0, s3;
	s0 =	sld [smem:$0x3FA9]  }
0x30: {  	s3 =	sld [smem:$0x3FAC]  }
0x31: {  	[smem:$0x3FB5] =	sst s10  }
0x32: {  	s10 =	sld [smem:$0x3FB3];
	_ =	sdelay $0x3  }
0x33: {  	p0 =	seq.s32 s10, $0x1;
	s10 =	sld [smem:$0x3FB5];
	_ =	sdelay $0x3  }
0x34: {  	[smem:$0x3FB5] =	sst s10  }
0x35: {  	s10 =	sld [smem:$0x3FB4];
	_ =	sdelay $0x3  }
0x36: {  	p1 =	seq.s32 s10, $0x1;
	s10 =	sld [smem:$0x3FB5];
	_ =	sdelay $0x3  }
0x37: {  	[smem:$0x3FB5] =	sst s10  }
0x38: {  	s10 =	sld [smem:$0x3FB6]  }
0x39: {  	_ = 	snop;
	(pc) =	sbr.ind lr, $3  }
0x3a: {  	_ = 	snop  }
0x3b: {  	_ = 	snop  }
0x3c: {  	p2 =	seq.s32 s10, $0x1;
	s10 =	sld [smem:$0x3FB5]  }
0x3d: {  	_ =	shalt  }
0x3e: {  	_ =	shalt  }
0x3f: {  	_ =	shalt  }
0x40: {  	_ =	shalt  }
0x41: {  	_ =	shalt  }
0x42: {  	_ =	shalt  }
0x43: {  	_ =	shalt  }
0x44: {  	_ =	shalt  }
0x45: {  	_ =	shalt  }
0x46: {  	_ =	shalt  }
0x47: {  	_ =	shalt  }
0x48: {  	_ =	shalt  }
0x49: {  	_ =	shalt  }
0x4a: {  	_ =	shalt  }
0x4b: {  	_ =	shalt  }
0x4c: {  	_ =	shalt  }
0x4d: {  	_ =	shalt  }
0x4e: {  	_ =	shalt  }
0x4f: {  	_ =	shalt  }
0x50: {  	_ =	shalt  }
0x51: {  	_ =	shalt  }
0x52: {  	_ =	shalt  }
0x53: {  	_ =	shalt  }
0x54: {  	_ =	shalt  }
0x55: {  	_ =	shalt  }
0x56: {  	_ =	shalt  }
0x57: {  	_ =	shalt  }
0x58: {  	_ =	shalt  }
0x59: {  	_ =	shalt  }
0x5a: {  	_ =	shalt  }
0x5b: {  	_ =	shalt  }
0x5c: {  	_ =	shalt  }
0x5d: {  	_ =	shalt  }
0x5e: {  	_ =	shalt  }
0x5f: {  	_ =	shalt  }
0x60: {  	_ =	shalt  }
0x61: {  	_ =	shalt  }
0x62: {  	_ =	shalt  }
0x63: {  	_ =	shalt  }
0x64: {  	_ =	shalt  }
0x65: {  	_ =	shalt  }
0x66: {  	_ =	shalt  }
0x67: {  	_ =	shalt  }
0x68: {  	_ =	shalt  }
0x69: {  	_ =	shalt  }
0x6a: {  	_ =	shalt  }
0x6b: {  	_ =	shalt  }
0x6c: {  	_ =	shalt  }
0x6d: {  	_ =	shalt  }
0x6e: {  	_ =	shalt  }
0x6f: {  	_ =	shalt  }
0x70: {  	_ =	shalt  }
0x71: {  	_ =	shalt  }
0x72: {  	_ =	shalt  }
0x73: {  	_ =	shalt  }
0x74: {  	_ =	shalt  }
0x75: {  	_ =	shalt  }
0x76: {  	_ =	shalt  }
0x77: {  	_ =	shalt  }
0x78: {  	_ =	shalt  }
0x79: {  	_ =	shalt  }
0x7a: {  	_ =	shalt  }
0x7b: {  	_ =	shalt  }
0x7c: {  	_ =	shalt  }
0x7d: {  	_ =	shalt  }
0x7e: {  	_ =	shalt  }
0x7f: {  	_ =	shalt  }
0x80: {  	_ =	shalt  }
0x81: {  	_ =	shalt  }
0x82: {  	_ =	shalt  }
0x83: {  	_ =	shalt  }
0x84: {  	_ =	shalt  }
0x85: {  	_ =	shalt  }
0x86: {  	_ =	shalt  }
0x87: {  	_ =	shalt  }
.Lfunc_end0:
.L_simem_size_0:
called_computation_lowered:
.L_overlay_start_0:
0x88: {  	s2 =	sld [smem:$0x3FD9]  }
0x89: {  	s3 =	sld [smem:$0x3FFE];
	_ =	sdelay $0x1  }
0x8a: {  	s1 =	srdreg.scid  }
0x8b: {  	s0 =	sand.u32 $0x1, s1  }
0x8c: {  	s17 =	sshll.u32 s0, $0xA;
	s2 =	sadd.s32 s3, s2  }
0x8d: {  	s2 =	sadd.s32 s2, s17  }
0x8e: {  	[smem:$0x3FC1] =	sst s2  }
0x8f: {  	_ = 	snop  }
0x90: {  	s2 =	sld [smem:$0x3FD0];
	(tm) =	ssettm $0x1  }
0x91: {  	s18 =	sld [smem:$0x3FFB];
	_ =	sdelay $0x3  }
0x92: {  	_ =	strace s18  }
0x93: {  	s3 =	sld [smem:$0x3FFC];
	_ =	sdelay $0x3  }
0x94: {  	_ =	strace s3  }
0x95: {  	s3 =	sld [smem:$0x3FFD];
	_ =	sdelay $0x3  }
0x96: {  	_ =	strace s3  }
0x97: {  	_ =	strace $0x8FFFFFFF  }
0x98: {  	s19 =	sld [smem:$0x3FDB];
	_ =	sdelay $0x1  }
0x99: {  	s4 =	simm.s32 $_scs_section_size  }
0x9a: {  	s5 =	simm.s32 $_size__tile_overlayer_lowered;
	s6 =	simm.s32 $_tile_overlayer_lowered  }
0x9b: {  	s22 =	simm.s32 $0x1BFF;
	s21 =	sshll.u32 s6, $0x1;
	s3 =	sadd.s32 s4, s19  }
0x9c: {  	s7 =	simm.s32 $0x0;
	s20 =	sshll.u32 s5, $0x1;
	s5 =	sadd.s32 s21, s3  }
0x9d: {  	[timem:s7], [sflag:s22] =	dma.local [hbm:s5], s20  }
0x9e: {  	_ =	swait.ge [sflag:s22], s20  }
0x9f: {  	s4 =	ssub.s32 $0x0, s20;
	[sflag:s22] =	ssyncset.done $0x0  }
0xa0: {  	[sflag:s22] =	ssyncadd.s32 s4;
	_ =	sdelay $0x1  }
0xa1: {  	s23 =	simm.s32 $0x1B8B  }
0xa2: {  	_ =	swait.ge [sflag:s23], $0x1  }
0xa3: {  	[sflag:s23] =	ssyncset.done $0x0  }
0xa4: {  	s25 =	simm.s32 $0x1B8E;
	s24 =	sld [smem:$0x3FFE];
	[sflag:s23] =	ssyncadd.s32 $0xFFFFFFFF  }
0xa5: {  	s26 =	simm.s32 $execute0_lowered;
	[smem:$0x3FD2] =	sst s25  }
0xa6: {  	s5 =	sshll.u32 s26, $0x1;
	_ =	strace $0x80000046;
	[dreg:$0x1] =	wrdreg $0xFFFFFFFF  }
0xa7: {  	s28 =	simm.s32 $_size_execute0_lowered;
	s3 =	sadd.s32 s3, s5;
	[dreg:$0x0] =	wrdreg $0x0  }
0xa8: {  	s5 =	sshll.u32 s28, $0x1;
	[dreg:$0x2] =	wrdreg s3  }
0xa9: {  	[dreg:$0x3] =	wrdreg s5  }
0xaa: {  	[dreg:$0x4] =	wrdreg $0xC0  }
0xab: {  	_ =	task [dreg:s7], $0x5FFFF  }
0xac: {  	[dreg:$0x1] =	wrdreg $0xFFFFFFFF  }
0xad: {  	[dreg:$0x0] =	wrdreg $0x60  }
0xae: {  	[dreg:$0x2] =	wrdreg s24  }
0xaf: {  	[dreg:$0x3] =	wrdreg s2  }
0xb0: {  	[dreg:$0x4] =	wrdreg $0x9  }
0xb1: {  	_ =	task.clear_ibuf [dreg:s7], $0x5FFFF;
	_ =	strace $0x90000046  }
0xb2: {  	s29 =	simm.s32 $0x9;
	_ =	strace $0x80000048  }
0xb3: {  	_ =	swait.ge [sflag:s29], $0x1  }
0xb4: {  	[sflag:s29] =	ssyncadd.s32 $0xFFFFFFFF  }
0xb5: {  	_ =	strace $0x90000048  }
0xb6: {  	_ =	sfence  }
0xb7: {  	s30 =	sld [smem:$0x0];
	_ =	sdelay $0x2  }
0xb8: {  	s31 =	sshll.u32 s1, $0xD;
	s1 =	sshrl.u32 s1, $0x2  }
0xb9: {  	s3 =	sand.u32 $0x4000, s31;
	s1 =	sadd.s32 s1, s30  }
0xba: {  	s0 =	sor.u32 s3, s0;
	s1 =	sshll.u32 s1, $0x11  }
0xbb: {  	s0 =	sor.u32 s1, s0  }
0xbc: {  	s0 =	sadd.s32 $0x8F2B, s0  }
0xbd: {  	[sflag:s0] =	ssyncadd.remote.s32 $0x1  }
0xbe: {  	_ =	sfence.sel $0xFFFF  }
0xbf: {  	[dreg:$0x0] =	wrdreg $0xFFFFFFFF;
	(pc) =	sbr.abs _section_cstart, $3  }
0xc0: {  	[dreg:$0x1] =	wrdreg $0xFFFFFFFF  }
0xc1: {  	_ =	task.clear_ibuf [dreg:s7], $0x2FFFF;
	_ =	strace $0x9FFFFFFF  }
0xc2: {  	(tm) =	ssettm $0x7FFFFFFF  }
0xc3: {  	_ =	shalt  }
tec
execute0_lowered:
.L_overlay_start_1:
0x0: {  	(tag) =	ssettag $0x1  }
0x1: {  	s3 =	rddreg [dreg:$0x0]  }
0x2: {  	s1 =	rddreg [dreg:$0x1]  }
0x3: {  	s0 =	rddreg [dreg:$0x2]  }
0x4: {  	s2 =	simm.s32 $0x0;
	s4 =	srdreg.scid;
	s10 =	simm.s32 $0x80  }
0x5: {  	s11 =	simm.s32 $0x100;
	s12 =	simm.s32 $0x1;
	s13 =	simm.s32 $0x9C80  }
0x6: {  	s14 =	simm.s32 $0xA680;
	s15 =	simm.s32 $0xB080;
	s16 =	simm.s32 $0x0  }
0x7: {  	[smem:$0x7FF] =	sst s2;
	s6 =	sand.u32 $0x1, s4;
	s5 =	sadd.s32 $0x1E00, s3  }
0x8: {  	_ =	strace $0x80000047;
	s4 =	sshll.u32 s6, $0x4;
	s8 =	ssub.s32 $0x2, s6  }
0x9: {  	s6 =	sshll.u32 s6, $0x7;
	s7 =	sadd.s32 s4, s3;
	s9 =	sshrl.u32 s8, $0x1  }
0xa: {  	v0 =	vlaneseq.u32;
	s4 =	sadd.s32 $0xBE00, s3;
	s3 =	stileid.u32;
	s9 =	ssub.s32 s8, s9  }
0xb: {  	v0 =	vmul.u32 $0x2, v0;
	s7 =	sadd.s32 $0x64000, s7;
	s8 =	smul.u32 $0x5000, s3;
	s9 =	smax.u32 s9, $0x1  }
.LBB2_1:
0xc: {  	[tilespmem:s2], [sflag:$0x1] =	stream.strided.gather [hbm4b:s7+s10], $0x9C80, s11, s10, $0x38;
	[tilespmem:$0xC480] =	vst v63  }
0xd: {  	_ =	swait.ge [sflag:s12], $0x9C80  }
0xe: {  	[sflag:s12] =	ssyncset.done $0x0  }
0xf: {  	s18 =	simm.s32 $0x0;
	s17 =	smov.u32 s8;
	[sflag:s12] =	ssyncadd.s32 $0xFFFF6380  }
.LBB2_2:
0x10: {  	s19 =	smul.u32 $0xA00, s18;
	_ =	sdelay $0x1  }
0x11: {  	s19 =	sadd.s32 s8, s19  }
0x12: {  	s20 =	sshrl.u32 s19, $0x3  }
0x13: {  	s21 =	sadd.s32 s4, s20  }
0x14: {  	[tilespmem:s13], [sflag:$0x1] =	stream.linear.gather [hbm4b:s21+s2], $0xA00, $0x38;
	[tilespmem:$0xC480] =	vst v63  }
0x15: {  	_ =	swait.ge [sflag:s12], $0xA00  }
0x16: {  	[sflag:s12] =	ssyncset.done $0x0  }
0x17: {  	s20 =	sadd.s32 s5, s20;
	[sflag:s12] =	ssyncadd.s32 $0xFFFFF600  }
0x18: {  	[tilespmem:s14], [sflag:$0x1] =	stream.linear.gather [hbm4b:s20+s2], $0xA00, $0x38;
	[tilespmem:$0xC480] =	vst v63  }
0x19: {  	_ =	swait.ge [sflag:s12], $0xA00  }
0x1a: {  	s22 =	simm.s32 $0x9CC0;
	[sflag:s12] =	ssyncset.done $0x0  }
0x1b: {  	s21 =	simm.s32 $0xA6C0;
	s20 =	simm.s32 $0x70;
	[sflag:s12] =	ssyncadd.s32 $0xFFFFF600  }
.LBB2_3:
0x1c: {  	v1 =	vld [tilespmem:s22+$0xFFFFFFC0]  }
0x1d: {  	v2 =	vld [tilespmem:s21+$0xFFFFFFC0];
	_ =	sdelay $0x4  }
0x1e: {  	v1 =	vshll.u32 v1, $0x2;
	v2 =	vshll.u32 v2, $0x2  }
0x1f: {  	v3 =	vor.u32 $0x2, v2  }
0x20: {  	v4 =	vor.u32 $0x1, v1  }
0x21: {  	v2 =	vor.u32 $0x3, v2;
	_ =	sdelay $0x1  }
0x22: {  	v1 =	vld.idx.msk [tilespmem:v1+s2+$0x0], $0xffff  }
0x23: {  	v3 =	vld.idx.msk [tilespmem:v3+s2+$0x0], $0xffff  }
0x24: {  	v4 =	vld.idx.msk [tilespmem:v4+s2+$0x0], $0xffff  }
0x25: {  	v2 =	vld.idx.msk [tilespmem:v2+s2+$0x0], $0xffff;
	_ =	sdelay $0x3  }
0x26: {  	v1 =	vadd.f32 v3, v1  }
0x27: {  	v2 =	vadd.f32 v2, v4  }
0x28: {  	v3 =	vmul.f32 $2.000000030e-01, v1  }
0x29: {  	vm0 =	vgt.f32 v1, $0.0e+00;
	v4 =	vmul.f32 $2.000000030e-01, v2  }
0x2a: {  	vm13 =	vgt.f32 v2, $0.0e+00;
	v1 =	vsel vm0, v1, v3  }
0x2b: {  	v2 =	vsel vm13, v2, v4;
	v1 =	vmul.f32 $6.250000000e-02, v1  }
0x2c: {  	v2 =	vmul.f32 $6.250000000e-02, v2  }
0x2d: {  	v1 =	vmul.f32 $1.442695020e+00, v1  }
0x2e: {  	v2 =	vmul.f32 $1.442695020e+00, v2  }
0x2f: {  	(erf) = vpow2.f32 v1  }
0x30: {  	(erf) = vpow2.f32 v2;
	_ =	sdelay $0x1  }
0x31: {  	s23 =	sadd.s32 $0xFFFFFF90, s20  }
0x32: {  	v1 =	vmov s23  }
0x33: {  	v1 =	vshll.u32 v1, $0x1  }
0x34: {  	v1 =	vor.u32 v0, v1  }
0x35: {  	s23 =	sadd.s32 s20, s17;
	v2 =	vor.u32 $0x1, v1  }
0x36: {  	s24 =	sadd.s32 $0xFFFFFF90, s23  }
0x37: {  	p0 =	slt.u32 s24, $0x4E200;
	v3 =	vpop (erf)  }
0x38: {  	v3 =	vpsel !p0, $0x0, v3;
	v49 =	vpop (erf)  }
0x39: {  	v4 =	vpsel !p0, $0x0, v49;
	[tilespmem:v1+s15+$0x0] =	vst.idx.msk $0xffff, v3  }
0x3a: {  	[tilespmem:v2+s15+$0x0] =	vst.idx.msk $0xffff, v4  }
0x3b: {  	v1 =	vld [tilespmem:s22+$0xFFFFFFD0]  }
0x3c: {  	v2 =	vld [tilespmem:s21+$0xFFFFFFD0];
	_ =	sdelay $0x4  }
0x3d: {  	v1 =	vshll.u32 v1, $0x2;
	v2 =	vshll.u32 v2, $0x2  }
0x3e: {  	v3 =	vor.u32 $0x2, v2  }
0x3f: {  	v50 =	vor.u32 $0x1, v1  }
0x40: {  	v2 =	vor.u32 $0x3, v2;
	_ =	sdelay $0x1  }
0x41: {  	v1 =	vld.idx.msk [tilespmem:v1+s2+$0x0], $0xffff  }
0x42: {  	v3 =	vld.idx.msk [tilespmem:v3+s2+$0x0], $0xffff  }
0x43: {  	v4 =	vld.idx.msk [tilespmem:v50+s2+$0x0], $0xffff  }
0x44: {  	v2 =	vld.idx.msk [tilespmem:v2+s2+$0x0], $0xffff;
	_ =	sdelay $0x3  }
0x45: {  	v1 =	vadd.f32 v3, v1  }
0x46: {  	v2 =	vadd.f32 v2, v4  }
0x47: {  	v3 =	vmul.f32 $2.000000030e-01, v1  }
0x48: {  	vm14 =	vgt.f32 v1, $0.0e+00;
	v4 =	vmul.f32 $2.000000030e-01, v2  }
0x49: {  	vm15 =	vgt.f32 v2, $0.0e+00;
	v1 =	vsel vm14, v1, v3  }
0x4a: {  	v2 =	vsel vm15, v2, v4;
	v1 =	vmul.f32 $6.250000000e-02, v1  }
0x4b: {  	v2 =	vmul.f32 $6.250000000e-02, v2  }
0x4c: {  	v1 =	vmul.f32 $1.442695020e+00, v1  }
0x4d: {  	v2 =	vmul.f32 $1.442695020e+00, v2  }
0x4e: {  	(erf) = vpow2.f32 v1  }
0x4f: {  	(erf) = vpow2.f32 v2;
	_ =	sdelay $0x1  }
0x50: {  	s25 =	sadd.s32 $0xFFFFFFA0, s20  }
0x51: {  	v1 =	vmov s25  }
0x52: {  	v1 =	vshll.u32 v1, $0x1  }
0x53: {  	v1 =	vor.u32 v0, v1  }
0x54: {  	v2 =	vor.u32 $0x1, v1  }
0x55: {  	s26 =	sadd.s32 $0xFFFFFFA0, s23  }
0x56: {  	p6 =	slt.u32 s26, $0x4E200;
	v3 =	vpop (erf)  }
0x57: {  	v3 =	vpsel !p6, $0x0, v3;
	v51 =	vpop (erf)  }
0x58: {  	v4 =	vpsel !p6, $0x0, v51;
	[tilespmem:v1+s15+$0x0] =	vst.idx.msk $0xffff, v3  }
0x59: {  	[tilespmem:v2+s15+$0x0] =	vst.idx.msk $0xffff, v4  }
0x5a: {  	v1 =	vld [tilespmem:s22+$0xFFFFFFE0]  }
0x5b: {  	v2 =	vld [tilespmem:s21+$0xFFFFFFE0];
	_ =	sdelay $0x4  }
0x5c: {  	v1 =	vshll.u32 v1, $0x2;
	v2 =	vshll.u32 v2, $0x2  }
0x5d: {  	v3 =	vor.u32 $0x2, v2  }
0x5e: {  	v52 =	vor.u32 $0x1, v1  }
0x5f: {  	v2 =	vor.u32 $0x3, v2;
	_ =	sdelay $0x1  }
0x60: {  	v1 =	vld.idx.msk [tilespmem:v1+s2+$0x0], $0xffff  }
0x61: {  	v3 =	vld.idx.msk [tilespmem:v3+s2+$0x0], $0xffff  }
0x62: {  	v4 =	vld.idx.msk [tilespmem:v52+s2+$0x0], $0xffff  }
0x63: {  	v2 =	vld.idx.msk [tilespmem:v2+s2+$0x0], $0xffff;
	_ =	sdelay $0x3  }
0x64: {  	v1 =	vadd.f32 v3, v1  }
0x65: {  	v2 =	vadd.f32 v2, v4  }
0x66: {  	v3 =	vmul.f32 $2.000000030e-01, v1  }
0x67: {  	vm4 =	vgt.f32 v1, $0.0e+00;
	v4 =	vmul.f32 $2.000000030e-01, v2  }
0x68: {  	vm5 =	vgt.f32 v2, $0.0e+00;
	v1 =	vsel vm4, v1, v3  }
0x69: {  	v2 =	vsel vm5, v2, v4;
	v1 =	vmul.f32 $6.250000000e-02, v1  }
0x6a: {  	v2 =	vmul.f32 $6.250000000e-02, v2  }
0x6b: {  	v1 =	vmul.f32 $1.442695020e+00, v1  }
0x6c: {  	v2 =	vmul.f32 $1.442695020e+00, v2  }
0x6d: {  	(erf) = vpow2.f32 v1  }
0x6e: {  	(erf) = vpow2.f32 v2;
	_ =	sdelay $0x1  }
0x6f: {  	s28 =	sadd.s32 $0xFFFFFFB0, s20  }
0x70: {  	v1 =	vmov s28  }
0x71: {  	v1 =	vshll.u32 v1, $0x1  }
0x72: {  	v1 =	vor.u32 v0, v1  }
0x73: {  	v2 =	vor.u32 $0x1, v1  }
0x74: {  	s29 =	sadd.s32 $0xFFFFFFB0, s23  }
0x75: {  	p1 =	slt.u32 s29, $0x4E200;
	v3 =	vpop (erf)  }
0x76: {  	v3 =	vpsel !p1, $0x0, v3;
	v53 =	vpop (erf)  }
0x77: {  	v4 =	vpsel !p1, $0x0, v53;
	[tilespmem:v1+s15+$0x0] =	vst.idx.msk $0xffff, v3  }
0x78: {  	[tilespmem:v2+s15+$0x0] =	vst.idx.msk $0xffff, v4  }
0x79: {  	v1 =	vld [tilespmem:s22+$0xFFFFFFF0]  }
0x7a: {  	v2 =	vld [tilespmem:s21+$0xFFFFFFF0];
	_ =	sdelay $0x4  }
0x7b: {  	v1 =	vshll.u32 v1, $0x2;
	v2 =	vshll.u32 v2, $0x2  }
0x7c: {  	v3 =	vor.u32 $0x2, v2  }
0x7d: {  	v54 =	vor.u32 $0x1, v1  }
0x7e: {  	v2 =	vor.u32 $0x3, v2;
	_ =	sdelay $0x1  }
0x7f: {  	v1 =	vld.idx.msk [tilespmem:v1+s2+$0x0], $0xffff  }
0x80: {  	v3 =	vld.idx.msk [tilespmem:v3+s2+$0x0], $0xffff  }
0x81: {  	v4 =	vld.idx.msk [tilespmem:v54+s2+$0x0], $0xffff  }
0x82: {  	v2 =	vld.idx.msk [tilespmem:v2+s2+$0x0], $0xffff;
	_ =	sdelay $0x3  }
0x83: {  	v1 =	vadd.f32 v3, v1  }
0x84: {  	v2 =	vadd.f32 v2, v4  }
0x85: {  	v3 =	vmul.f32 $2.000000030e-01, v1  }
0x86: {  	vm6 =	vgt.f32 v1, $0.0e+00;
	v4 =	vmul.f32 $2.000000030e-01, v2  }
0x87: {  	vm7 =	vgt.f32 v2, $0.0e+00;
	v1 =	vsel vm6, v1, v3  }
0x88: {  	v2 =	vsel vm7, v2, v4;
	v1 =	vmul.f32 $6.250000000e-02, v1  }
0x89: {  	v2 =	vmul.f32 $6.250000000e-02, v2  }
0x8a: {  	v1 =	vmul.f32 $1.442695020e+00, v1  }
0x8b: {  	v2 =	vmul.f32 $1.442695020e+00, v2  }
0x8c: {  	(erf) = vpow2.f32 v1  }
0x8d: {  	(erf) = vpow2.f32 v2;
	_ =	sdelay $0x1  }
0x8e: {  	s30 =	sadd.s32 $0xFFFFFFC0, s20  }
0x8f: {  	v1 =	vmov s30  }
0x90: {  	v1 =	vshll.u32 v1, $0x1  }
0x91: {  	v1 =	vor.u32 v0, v1  }
0x92: {  	v2 =	vor.u32 $0x1, v1  }
0x93: {  	s31 =	sadd.s32 $0xFFFFFFC0, s23  }
0x94: {  	p2 =	slt.u32 s31, $0x4E200;
	v3 =	vpop (erf)  }
0x95: {  	v3 =	vpsel !p2, $0x0, v3;
	v55 =	vpop (erf)  }
0x96: {  	v4 =	vpsel !p2, $0x0, v55;
	[tilespmem:v1+s15+$0x0] =	vst.idx.msk $0xffff, v3  }
0x97: {  	[tilespmem:v2+s15+$0x0] =	vst.idx.msk $0xffff, v4  }
0x98: {  	v1 =	vld [tilespmem:s22+$0x0]  }
0x99: {  	v2 =	vld [tilespmem:s21+$0x0];
	_ =	sdelay $0x4  }
0x9a: {  	v1 =	vshll.u32 v1, $0x2;
	v2 =	vshll.u32 v2, $0x2  }
0x9b: {  	v3 =	vor.u32 $0x2, v2  }
0x9c: {  	v56 =	vor.u32 $0x1, v1  }
0x9d: {  	v2 =	vor.u32 $0x3, v2;
	_ =	sdelay $0x1  }
0x9e: {  	v1 =	vld.idx.msk [tilespmem:v1+s2+$0x0], $0xffff  }
0x9f: {  	v3 =	vld.idx.msk [tilespmem:v3+s2+$0x0], $0xffff  }
0xa0: {  	v4 =	vld.idx.msk [tilespmem:v56+s2+$0x0], $0xffff  }
0xa1: {  	v2 =	vld.idx.msk [tilespmem:v2+s2+$0x0], $0xffff;
	_ =	sdelay $0x3  }
0xa2: {  	v1 =	vadd.f32 v3, v1  }
0xa3: {  	v2 =	vadd.f32 v2, v4  }
0xa4: {  	v3 =	vmul.f32 $2.000000030e-01, v1  }
0xa5: {  	vm8 =	vgt.f32 v1, $0.0e+00;
	v4 =	vmul.f32 $2.000000030e-01, v2  }
0xa6: {  	vm9 =	vgt.f32 v2, $0.0e+00;
	v1 =	vsel vm8, v1, v3  }
0xa7: {  	v2 =	vsel vm9, v2, v4;
	v1 =	vmul.f32 $6.250000000e-02, v1  }
0xa8: {  	v2 =	vmul.f32 $6.250000000e-02, v2  }
0xa9: {  	v1 =	vmul.f32 $1.442695020e+00, v1  }
0xaa: {  	v2 =	vmul.f32 $1.442695020e+00, v2  }
0xab: {  	(erf) = vpow2.f32 v1  }
0xac: {  	(erf) = vpow2.f32 v2;
	_ =	sdelay $0x1  }
0xad: {  	s25 =	sadd.s32 $0xFFFFFFD0, s20  }
0xae: {  	v1 =	vmov s25  }
0xaf: {  	v1 =	vshll.u32 v1, $0x1  }
0xb0: {  	v1 =	vor.u32 v0, v1  }
0xb1: {  	v2 =	vor.u32 $0x1, v1  }
0xb2: {  	s26 =	sadd.s32 $0xFFFFFFD0, s23  }
0xb3: {  	p3 =	slt.u32 s26, $0x4E200;
	v3 =	vpop (erf)  }
0xb4: {  	v3 =	vpsel !p3, $0x0, v3;
	v57 =	vpop (erf)  }
0xb5: {  	v4 =	vpsel !p3, $0x0, v57;
	[tilespmem:v1+s15+$0x0] =	vst.idx.msk $0xffff, v3  }
0xb6: {  	[tilespmem:v2+s15+$0x0] =	vst.idx.msk $0xffff, v4  }
0xb7: {  	v1 =	vld [tilespmem:s22+$0x10]  }
0xb8: {  	v2 =	vld [tilespmem:s21+$0x10];
	_ =	sdelay $0x4  }
0xb9: {  	v1 =	vshll.u32 v1, $0x2;
	v2 =	vshll.u32 v2, $0x2  }
0xba: {  	v3 =	vor.u32 $0x2, v2  }
0xbb: {  	v58 =	vor.u32 $0x1, v1  }
0xbc: {  	v2 =	vor.u32 $0x3, v2;
	_ =	sdelay $0x1  }
0xbd: {  	v1 =	vld.idx.msk [tilespmem:v1+s2+$0x0], $0xffff  }
0xbe: {  	v3 =	vld.idx.msk [tilespmem:v3+s2+$0x0], $0xffff  }
0xbf: {  	v4 =	vld.idx.msk [tilespmem:v58+s2+$0x0], $0xffff  }
0xc0: {  	v2 =	vld.idx.msk [tilespmem:v2+s2+$0x0], $0xffff;
	_ =	sdelay $0x3  }
0xc1: {  	v1 =	vadd.f32 v3, v1  }
0xc2: {  	v2 =	vadd.f32 v2, v4  }
0xc3: {  	v3 =	vmul.f32 $2.000000030e-01, v1  }
0xc4: {  	vm10 =	vgt.f32 v1, $0.0e+00;
	v4 =	vmul.f32 $2.000000030e-01, v2  }
0xc5: {  	vm11 =	vgt.f32 v2, $0.0e+00;
	v1 =	vsel vm10, v1, v3  }
0xc6: {  	v2 =	vsel vm11, v2, v4;
	v1 =	vmul.f32 $6.250000000e-02, v1  }
0xc7: {  	v2 =	vmul.f32 $6.250000000e-02, v2  }
0xc8: {  	v1 =	vmul.f32 $1.442695020e+00, v1  }
0xc9: {  	v2 =	vmul.f32 $1.442695020e+00, v2  }
0xca: {  	(erf) = vpow2.f32 v1  }
0xcb: {  	(erf) = vpow2.f32 v2;
	_ =	sdelay $0x1  }
0xcc: {  	s28 =	sadd.s32 $0xFFFFFFE0, s20  }
0xcd: {  	v1 =	vmov s28  }
0xce: {  	v1 =	vshll.u32 v1, $0x1  }
0xcf: {  	v1 =	vor.u32 v0, v1  }
0xd0: {  	v2 =	vor.u32 $0x1, v1  }
0xd1: {  	s29 =	sadd.s32 $0xFFFFFFE0, s23  }
0xd2: {  	p4 =	slt.u32 s29, $0x4E200;
	v3 =	vpop (erf)  }
0xd3: {  	v3 =	vpsel !p4, $0x0, v3;
	v59 =	vpop (erf)  }
0xd4: {  	v4 =	vpsel !p4, $0x0, v59;
	[tilespmem:v1+s15+$0x0] =	vst.idx.msk $0xffff, v3  }
0xd5: {  	[tilespmem:v2+s15+$0x0] =	vst.idx.msk $0xffff, v4  }
0xd6: {  	v1 =	vld [tilespmem:s22+$0x20]  }
0xd7: {  	v2 =	vld [tilespmem:s21+$0x20];
	_ =	sdelay $0x4  }
0xd8: {  	v1 =	vshll.u32 v1, $0x2;
	v2 =	vshll.u32 v2, $0x2  }
0xd9: {  	v3 =	vor.u32 $0x2, v2  }
0xda: {  	v60 =	vor.u32 $0x1, v1  }
0xdb: {  	v2 =	vor.u32 $0x3, v2;
	_ =	sdelay $0x1  }
0xdc: {  	v1 =	vld.idx.msk [tilespmem:v1+s2+$0x0], $0xffff  }
0xdd: {  	v3 =	vld.idx.msk [tilespmem:v3+s2+$0x0], $0xffff  }
0xde: {  	v4 =	vld.idx.msk [tilespmem:v60+s2+$0x0], $0xffff  }
0xdf: {  	v2 =	vld.idx.msk [tilespmem:v2+s2+$0x0], $0xffff;
	_ =	sdelay $0x3  }
0xe0: {  	v1 =	vadd.f32 v3, v1  }
0xe1: {  	v2 =	vadd.f32 v2, v4  }
0xe2: {  	v3 =	vmul.f32 $2.000000030e-01, v1  }
0xe3: {  	vm12 =	vgt.f32 v1, $0.0e+00;
	v4 =	vmul.f32 $2.000000030e-01, v2  }
0xe4: {  	vm13 =	vgt.f32 v2, $0.0e+00;
	v1 =	vsel vm12, v1, v3  }
0xe5: {  	v2 =	vsel vm13, v2, v4;
	v1 =	vmul.f32 $6.250000000e-02, v1  }
0xe6: {  	v2 =	vmul.f32 $6.250000000e-02, v2  }
0xe7: {  	v1 =	vmul.f32 $1.442695020e+00, v1  }
0xe8: {  	v2 =	vmul.f32 $1.442695020e+00, v2  }
0xe9: {  	(erf) = vpow2.f32 v1  }
0xea: {  	(erf) = vpow2.f32 v2;
	_ =	sdelay $0x1  }
0xeb: {  	s30 =	sadd.s32 $0xFFFFFFF0, s20  }
0xec: {  	v1 =	vmov s30  }
0xed: {  	v1 =	vshll.u32 v1, $0x1  }
0xee: {  	v1 =	vor.u32 v0, v1  }
0xef: {  	v2 =	vor.u32 $0x1, v1  }
0xf0: {  	s31 =	sadd.s32 $0xFFFFFFF0, s23  }
0xf1: {  	p5 =	slt.u32 s31, $0x4E200;
	v3 =	vpop (erf)  }
0xf2: {  	v3 =	vpsel !p5, $0x0, v3;
	v61 =	vpop (erf)  }
0xf3: {  	v4 =	vpsel !p5, $0x0, v61;
	[tilespmem:v1+s15+$0x0] =	vst.idx.msk $0xffff, v3  }
0xf4: {  	[tilespmem:v2+s15+$0x0] =	vst.idx.msk $0xffff, v4  }
0xf5: {  	v1 =	vld [tilespmem:s22+$0x30]  }
0xf6: {  	v2 =	vld [tilespmem:s21+$0x30];
	_ =	sdelay $0x4  }
0xf7: {  	v1 =	vshll.u32 v1, $0x2;
	v2 =	vshll.u32 v2, $0x2  }
0xf8: {  	v3 =	vor.u32 $0x2, v2  }
0xf9: {  	v62 =	vor.u32 $0x1, v1  }
0xfa: {  	v2 =	vor.u32 $0x3, v2;
	_ =	sdelay $0x1  }
0xfb: {  	v1 =	vld.idx.msk [tilespmem:v1+s2+$0x0], $0xffff  }
0xfc: {  	v3 =	vld.idx.msk [tilespmem:v3+s2+$0x0], $0xffff  }
0xfd: {  	v4 =	vld.idx.msk [tilespmem:v62+s2+$0x0], $0xffff  }
0xfe: {  	v2 =	vld.idx.msk [tilespmem:v2+s2+$0x0], $0xffff;
	_ =	sdelay $0x3  }
0xff: {  	v1 =	vadd.f32 v3, v1  }
0x100: {  	v2 =	vadd.f32 v2, v4  }
0x101: {  	v3 =	vmul.f32 $2.000000030e-01, v1  }
0x102: {  	vm14 =	vgt.f32 v1, $0.0e+00;
	v4 =	vmul.f32 $2.000000030e-01, v2  }
0x103: {  	vm15 =	vgt.f32 v2, $0.0e+00;
	v1 =	vsel vm14, v1, v3  }
0x104: {  	v2 =	vsel vm15, v2, v4;
	v1 =	vmul.f32 $6.250000000e-02, v1  }
0x105: {  	v2 =	vmul.f32 $6.250000000e-02, v2  }
0x106: {  	v1 =	vmul.f32 $1.442695020e+00, v1  }
0x107: {  	v2 =	vmul.f32 $1.442695020e+00, v2  }
0x108: {  	(erf) = vpow2.f32 v1  }
0x109: {  	(erf) = vpow2.f32 v2;
	_ =	sdelay $0x2  }
0x10a: {  	v1 =	vmov s20  }
0x10b: {  	v1 =	vshll.u32 v1, $0x1  }
0x10c: {  	v1 =	vor.u32 v0, v1  }
0x10d: {  	p0 =	sne.s32 s20, $0x9F0;
	v2 =	vor.u32 $0x1, v1  }
.Ltmp0:
0x10e: {  	_ = 	snop;
	(pc) =	sbr.rel @p0 .LBB2_3-.Ltmp0, $4  }
0x10f: {  	p6 =	slt.u32 s23, $0x4E200;
	v3 =	vpop (erf)  }
0x110: {  	v3 =	vpsel !p6, $0x0, v3;
	v63 =	vpop (erf)  }
0x111: {  	v4 =	vpsel !p6, $0x0, v63;
	[tilespmem:v1+s15+$0x0] =	vst.idx.msk $0xffff, v3  }
0x112: {  	s21 =	sadd.s32 $0x80, s21;
	s22 =	sadd.s32 $0x80, s22;
	s20 =	sadd.s32 $0x80, s20;
	[tilespmem:v2+s15+$0x0] =	vst.idx.msk $0xffff, v4  }
0x113: {  	s19 =	sshll.u32 s19, $0x2  }
0x114: {  	s18 =	sadd.s32 $0x1, s18;
	s19 =	sor.u32 s6, s19  }
0x115: {  	p0 =	sne.s32 s18, $0x8;
	s19 =	sshrl.u32 s19, $0x3  }
.Ltmp1:
0x116: {  	s19 =	sadd.s32 s1, s19;
	(pc) =	sbr.rel @p0 .LBB2_2-.Ltmp1, $4  }
0x117: {  	[hbm4b:s19+s10] =	stream.strided.scatter [tilespmem:s15], [sflag:$0x1], $0x1400, s11, s10, $0x38;
	[tilespmem:$0xC480] =	vst v63  }
0x118: {  	_ =	swait.ge [sflag:s12], $0x1400  }
0x119: {  	[sflag:s12] =	ssyncset.done $0x0  }
0x11a: {  	s17 =	sadd.s32 $0xA00, s17;
	[sflag:s12] =	ssyncadd.s32 $0xFFFFEC00  }
0x11b: {  	s16 =	sadd.s32 $0x1, s16  }
0x11c: {  	p0 =	sne.s32 s16, s9  }
.Ltmp2:
0x11d: {  	_ = 	snop;
	(pc) =	sbr.rel @p0 .LBB2_1-.Ltmp2, $1  }
0x11e: {  	_ =	sdelay $0x3  }
0x11f: {  	_ =	sfence.sel $0x180000  }
0x120: {  	[bflag:$0x0] =	sbarrier.arrive $0xFFFF  }
0x121: {  	p0 =	sne.s32 s3, $0x0;
	_ =	strace $0x90000047  }
0x122: {  	s0 =	sadd.s32 @!p0 $0x100000, s0;
	[bflag:$0x2] =	sbarrier.arrive $0xFFFF  }
0x123: {  	[sflag:s0] =	ssyncadd.tile.s32 @!p0 $0x1;
	_ =	shalt  }
.Lfunc_end2:
_tile_overlayer_lowered:
.L_overlay_start_2:
0x124: {  	(tag) =	ssettag $0x2  }
0x125: {  	s0 =	rddreg [dreg:$0x0];
	s2 =	stileid.u32  }
0x126: {  	s1 =	rddreg [dreg:$0x1];
	p0 =	sne.s32 s2, $0x0  }
0x127: {  	s3 =	rddreg [dreg:$0x2];
	[bflag:$0x3] =	sbarrier.arrive $0xFFFF;
	s2 =	simm.s32 @!p0 $0x1C01  }
0x128: {  	[timem:s3], [sflag:s2] =	dma.local @!p0 [hbm:s0], s1  }
0x129: {  	s0 =	simm.s32 @!p0 $0x1  }
0x12a: {  	_ =	swait.ge @!p0 [sflag:s0], s1  }
0x12b: {  	s1 =	ssub.s32 @!p0 $0x0, s1;
	[sflag:s0] =	ssyncset.done @!p0 $0x0  }
0x12c: {  	[sflag:s0] =	ssyncadd.s32 @!p0 s1  }
0x12d: {  	[bflag:$0x3] =	sbarrier.arrive $0xFFFF  }
0x12e: {  	_ =	shalt  }

// kernel: kernel.9.cloned.1.call-start
scs
__scs_entry_jumppad:
0x0: {  	(pc) =	sbr.rel $0x88, $3  }
0x1: {  	(tag) =	ssettag $0x0;
	lr =	simm.s32 $0x1  }
0x2: {  	[smem:$0x3F9A] =	sst lr;
	_ =	strace $0xD0000000  }
0x3: {  	_ = 	snop  }
0x4: {  	_ = 	snop  }
0x5: {  	_ = 	snop  }
0x6: {  	_ = 	snop  }
0x7: {  	_ = 	snop  }
__scs_overlays_trampoline_lowered:
0x8: {  	[smem:$0x3FA9] =	sst s0  }
0x9: {  	[smem:$0x3FAA] =	sst s1  }
0xa: {  	[smem:$0x3FAB] =	sst s2  }
0xb: {  	[smem:$0x3FAC] =	sst s3  }
0xc: {  	[smem:$0x3FAD] =	sst s4  }
0xd: {  	[smem:$0x3FAE] =	sst s5  }
0xe: {  	[smem:$0x3FAF] =	sst s6  }
0xf: {  	[smem:$0x3FB0] =	sst s7  }
0x10: {  	[smem:$0x3FB1] =	sst s8  }
0x11: {  	[smem:$0x3FB2] =	sst s9;
	s0 =	simm.s32 @!p0 $0x0  }
0x12: {  	s1 =	sld [smem:$0x3F98];
	s0 =	simm.s32 @p0 $0x1  }
0x13: {  	[smem:$0x3FB3] =	sst s0;
	s0 =	simm.s32 @!p1 $0x0  }
0x14: {  	s2 =	sld [smem:$0x3F97];
	s0 =	simm.s32 @p1 $0x1  }
0x15: {  	[smem:$0x3FB4] =	sst s0;
	s0 =	simm.s32 @!p2 $0x0  }
0x16: {  	s3 =	sld [smem:$0x3FDB];
	s0 =	simm.s32 @p2 $0x1  }
0x17: {  	s4 =	simm.s32 $0x1BF5;
	[smem:$0x3FB6] =	sst s0  }
0x18: {  	s0 =	sld [smem:$0x3F99];
	_ =	swait.ge [sflag:s4], $0x0  }
0x19: {  	s7 =	sld [smem:$0x3F9A]  }
0x1a: {  	s8 =	sadd.s32 $0xFFFFE003, lr  }
0x1b: {  	s9 =	sadd.s32 $0xFFFFFEF7, lr;
	s5 =	simm.s32 $0xFFFFFFFF;
	p2 =	slt.u32 s8, $0xFFFFF086  }
0x1c: {  	p1 =	slt.u32 s9, $0xF7A;
	s5 =	simm.s32 @!p2 $0x0  }
0x1d: {  	s5 =	simm.s32 @p1 $0x1;
	p0 =	seq.s32 s7, s2  }
0x1e: {  	s7 =	smul.u32 @!p0 $0xF7A, s2;
	p2 =	seq.s32 @!p0 s5, $0x0  }
0x1f: {  	s9 =	smul.u32 $0xF7A, s1;
	s8 =	simm.s32 @!p0 $0x1BF5;
	p2 =	por !p2, p0  }
0x20: {  	[sflag:s8] =	ssyncset.s32 @!p0 $0xFFFFF086;
	s6 =	sadd.s32 @!p0 s3, s7;
	s7 =	simm.s32 @!p0 $0x108  }
0x21: {  	s3 =	sadd.s32 s3, s9;
	s6 =	sadd.s32 @!p0 $0x88, s6;
	s7 =	simm.s32 @p2 $0x1082  }
0x22: {  	[simem:s7], [sflag:s8] =	dma.local @!p0 [hbm:s6], $0xF7A  }
0x23: {  	s9 =	sor.u32 $0xD0000000, s2;
	s6 =	simm.s32 $0x108;
	_ =	swait.ge @!p0 [sflag:s8], $0x0  }
0x24: {  	s3 =	sadd.s32 $0x88, s3;
	s6 =	simm.s32 @!p1 $0x1082;
	[sflag:s4] =	ssyncset.s32 $0xFFFFF086  }
0x25: {  	[simem:s6], [sflag:s4] =	dma.local [hbm:s3], $0xF7A  }
0x26: {  	[smem:$0x3F9A] =	sst s1;
	(tag) =	ssettag s2;
	_ =	strace s9  }
0x27: {  	s1 =	sld [smem:$0x3FAA]  }
0x28: {  	s2 =	sld [smem:$0x3FAB]  }
0x29: {  	s4 =	sld [smem:$0x3FAD]  }
0x2a: {  	p0 =	seq.s32 s5, $0x0;
	s5 =	sld [smem:$0x3FAE]  }
0x2b: {  	s6 =	sld [smem:$0x3FAF]  }
0x2c: {  	s7 =	sld [smem:$0x3FB0]  }
0x2d: {  	s3 =	simm.s32 $0x108;
	s8 =	sld [smem:$0x3FB1]  }
0x2e: {  	s3 =	simm.s32 @!p0 $0x1082;
	s9 =	sld [smem:$0x3FB2]  }
0x2f: {  	lr =	sadd.s32 s0, s3;
	s0 =	sld [smem:$0x3FA9]  }
0x30: {  	s3 =	sld [smem:$0x3FAC]  }
0x31: {  	[smem:$0x3FB5] =	sst s10  }
0x32: {  	s10 =	sld [smem:$0x3FB3];
	_ =	sdelay $0x3  }
0x33: {  	p0 =	seq.s32 s10, $0x1;
	s10 =	sld [smem:$0x3FB5];
	_ =	sdelay $0x3  }
0x34: {  	[smem:$0x3FB5] =	sst s10  }
0x35: {  	s10 =	sld [smem:$0x3FB4];
	_ =	sdelay $0x3  }
0x36: {  	p1 =	seq.s32 s10, $0x1;
	s10 =	sld [smem:$0x3FB5];
	_ =	sdelay $0x3  }
0x37: {  	[smem:$0x3FB5] =	sst s10  }
0x38: {  	s10 =	sld [smem:$0x3FB6]  }
0x39: {  	_ = 	snop;
	(pc) =	sbr.ind lr, $3  }
0x3a: {  	_ = 	snop  }
0x3b: {  	_ = 	snop  }
0x3c: {  	p2 =	seq.s32 s10, $0x1;
	s10 =	sld [smem:$0x3FB5]  }
0x3d: {  	_ =	shalt  }
0x3e: {  	_ =	shalt  }
0x3f: {  	_ =	shalt  }
0x40: {  	_ =	shalt  }
0x41: {  	_ =	shalt  }
0x42: {  	_ =	shalt  }
0x43: {  	_ =	shalt  }
0x44: {  	_ =	shalt  }
0x45: {  	_ =	shalt  }
0x46: {  	_ =	shalt  }
0x47: {  	_ =	shalt  }
0x48: {  	_ =	shalt  }
0x49: {  	_ =	shalt  }
0x4a: {  	_ =	shalt  }
0x4b: {  	_ =	shalt  }
0x4c: {  	_ =	shalt  }
0x4d: {  	_ =	shalt  }
0x4e: {  	_ =	shalt  }
0x4f: {  	_ =	shalt  }
0x50: {  	_ =	shalt  }
0x51: {  	_ =	shalt  }
0x52: {  	_ =	shalt  }
0x53: {  	_ =	shalt  }
0x54: {  	_ =	shalt  }
0x55: {  	_ =	shalt  }
0x56: {  	_ =	shalt  }
0x57: {  	_ =	shalt  }
0x58: {  	_ =	shalt  }
0x59: {  	_ =	shalt  }
0x5a: {  	_ =	shalt  }
0x5b: {  	_ =	shalt  }
0x5c: {  	_ =	shalt  }
0x5d: {  	_ =	shalt  }
0x5e: {  	_ =	shalt  }
0x5f: {  	_ =	shalt  }
0x60: {  	_ =	shalt  }
0x61: {  	_ =	shalt  }
0x62: {  	_ =	shalt  }
0x63: {  	_ =	shalt  }
0x64: {  	_ =	shalt  }
0x65: {  	_ =	shalt  }
0x66: {  	_ =	shalt  }
0x67: {  	_ =	shalt  }
0x68: {  	_ =	shalt  }
0x69: {  	_ =	shalt  }
0x6a: {  	_ =	shalt  }
0x6b: {  	_ =	shalt  }
0x6c: {  	_ =	shalt  }
0x6d: {  	_ =	shalt  }
0x6e: {  	_ =	shalt  }
0x6f: {  	_ =	shalt  }
0x70: {  	_ =	shalt  }
0x71: {  	_ =	shalt  }
0x72: {  	_ =	shalt  }
0x73: {  	_ =	shalt  }
0x74: {  	_ =	shalt  }
0x75: {  	_ =	shalt  }
0x76: {  	_ =	shalt  }
0x77: {  	_ =	shalt  }
0x78: {  	_ =	shalt  }
0x79: {  	_ =	shalt  }
0x7a: {  	_ =	shalt  }
0x7b: {  	_ =	shalt  }
0x7c: {  	_ =	shalt  }
0x7d: {  	_ =	shalt  }
0x7e: {  	_ =	shalt  }
0x7f: {  	_ =	shalt  }
0x80: {  	_ =	shalt  }
0x81: {  	_ =	shalt  }
0x82: {  	_ =	shalt  }
0x83: {  	_ =	shalt  }
0x84: {  	_ =	shalt  }
0x85: {  	_ =	shalt  }
0x86: {  	_ =	shalt  }
0x87: {  	_ =	shalt  }
.Lfunc_end0:
.L_simem_size_0:
called_computation.1_lowered:
.L_overlay_start_0:
0x88: {  	s2 =	sld [smem:$0x3FD9]  }
0x89: {  	s3 =	sld [smem:$0x3FFE];
	_ =	sdelay $0x1  }
0x8a: {  	s1 =	srdreg.scid  }
0x8b: {  	s0 =	sand.u32 $0x1, s1  }
0x8c: {  	s17 =	sshll.u32 s0, $0xA;
	s2 =	sadd.s32 s3, s2  }
0x8d: {  	s2 =	sadd.s32 s2, s17  }
0x8e: {  	[smem:$0x3FC1] =	sst s2  }
0x8f: {  	_ = 	snop  }
0x90: {  	s2 =	sld [smem:$0x3FD0];
	(tm) =	ssettm $0x1  }
0x91: {  	s18 =	sld [smem:$0x3FFB];
	_ =	sdelay $0x3  }
0x92: {  	_ =	strace s18  }
0x93: {  	s3 =	sld [smem:$0x3FFC];
	_ =	sdelay $0x3  }
0x94: {  	_ =	strace s3  }
0x95: {  	s3 =	sld [smem:$0x3FFD];
	_ =	sdelay $0x3  }
0x96: {  	_ =	strace s3  }
0x97: {  	_ =	strace $0x8FFFFFFF  }
0x98: {  	s19 =	sld [smem:$0x3FDB];
	_ =	sdelay $0x1  }
0x99: {  	s4 =	simm.s32 $_scs_section_size  }
0x9a: {  	s5 =	simm.s32 $_size__tile_overlayer_lowered;
	s6 =	simm.s32 $_tile_overlayer_lowered  }
0x9b: {  	s22 =	simm.s32 $0x1BFF;
	s21 =	sshll.u32 s6, $0x1;
	s3 =	sadd.s32 s4, s19  }
0x9c: {  	s7 =	simm.s32 $0x0;
	s20 =	sshll.u32 s5, $0x1;
	s5 =	sadd.s32 s21, s3  }
0x9d: {  	[timem:s7], [sflag:s22] =	dma.local [hbm:s5], s20  }
0x9e: {  	_ =	swait.ge [sflag:s22], s20  }
0x9f: {  	s4 =	ssub.s32 $0x0, s20;
	[sflag:s22] =	ssyncset.done $0x0  }
0xa0: {  	[sflag:s22] =	ssyncadd.s32 s4;
	_ =	sdelay $0x1  }
0xa1: {  	s23 =	simm.s32 $0x1B8B  }
0xa2: {  	_ =	swait.ge [sflag:s23], $0x1  }
0xa3: {  	[sflag:s23] =	ssyncset.done $0x0  }
0xa4: {  	s25 =	simm.s32 $0x1B8E;
	s24 =	sld [smem:$0x3FFE];
	[sflag:s23] =	ssyncadd.s32 $0xFFFFFFFF  }
0xa5: {  	s26 =	simm.s32 $execute0_lowered;
	[smem:$0x3FD2] =	sst s25  }
0xa6: {  	s5 =	sshll.u32 s26, $0x1;
	_ =	strace $0x80000049;
	[dreg:$0x1] =	wrdreg $0xFFFFFFFF  }
0xa7: {  	s28 =	simm.s32 $_size_execute0_lowered;
	s3 =	sadd.s32 s3, s5;
	[dreg:$0x0] =	wrdreg $0x0  }
0xa8: {  	s5 =	sshll.u32 s28, $0x1;
	[dreg:$0x2] =	wrdreg s3  }
0xa9: {  	[dreg:$0x3] =	wrdreg s5  }
0xaa: {  	[dreg:$0x4] =	wrdreg $0xC0  }
0xab: {  	_ =	task [dreg:s7], $0x5FFFF  }
0xac: {  	[dreg:$0x1] =	wrdreg $0xFFFFFFFF  }
0xad: {  	[dreg:$0x0] =	wrdreg $0x60  }
0xae: {  	[dreg:$0x2] =	wrdreg s24  }
0xaf: {  	[dreg:$0x3] =	wrdreg s2  }
0xb0: {  	[dreg:$0x4] =	wrdreg $0xAE800  }
0xb1: {  	[dreg:$0x5] =	wrdreg $0x1EE800  }
0xb2: {  	[dreg:$0x6] =	wrdreg $0x9  }
0xb3: {  	_ =	task.clear_ibuf [dreg:s7], $0x7FFFF;
	_ =	strace $0x90000049  }
0xb4: {  	s29 =	simm.s32 $0x9;
	_ =	strace $0x8000004B  }
0xb5: {  	_ =	swait.ge [sflag:s29], $0x1  }
0xb6: {  	[sflag:s29] =	ssyncadd.s32 $0xFFFFFFFF  }
0xb7: {  	_ =	strace $0x9000004B  }
0xb8: {  	_ =	sfence  }
0xb9: {  	s30 =	sld [smem:$0x0];
	_ =	sdelay $0x2  }
0xba: {  	s31 =	sshll.u32 s1, $0xD;
	s1 =	sshrl.u32 s1, $0x2  }
0xbb: {  	s3 =	sand.u32 $0x4000, s31;
	s1 =	sadd.s32 s1, s30  }
0xbc: {  	s0 =	sor.u32 s3, s0;
	s1 =	sshll.u32 s1, $0x11  }
0xbd: {  	s0 =	sor.u32 s1, s0  }
0xbe: {  	s0 =	sadd.s32 $0x8F2B, s0  }
0xbf: {  	[sflag:s0] =	ssyncadd.remote.s32 $0x1  }
0xc0: {  	_ =	sfence.sel $0xFFFF  }
0xc1: {  	[dreg:$0x0] =	wrdreg $0xFFFFFFFF;
	(pc) =	sbr.abs _section_cstart, $3  }
0xc2: {  	[dreg:$0x1] =	wrdreg $0xFFFFFFFF  }
0xc3: {  	_ =	task.clear_ibuf [dreg:s7], $0x2FFFF;
	_ =	strace $0x9FFFFFFF  }
0xc4: {  	(tm) =	ssettm $0x7FFFFFFF  }
0xc5: {  	_ =	shalt  }
tec
execute0_lowered:
.L_overlay_start_1:
0x0: {  	(tag) =	ssettag $0x1  }
0x1: {  	s0 =	rddreg [dreg:$0x0]  }
0x2: {  	s2 =	rddreg [dreg:$0x2]  }
0x3: {  	s3 =	rddreg [dreg:$0x3];
	s1 =	simm.s32 $0x0  }
0x4: {  	s14 =	srdreg.scid;
	s15 =	stileid.u32;
	s28 =	simm.s32 $0xA00  }
0x5: {  	s29 =	simm.s32 $0x80;
	s30 =	simm.s32 $0x100;
	s4 =	smul.u32 $0xA00, s15  }
0x6: {  	[smem:$0x7FF] =	sst s1;
	s1 =	sand.u32 $0x1, s14;
	s9 =	smul.u32 $0x50000, s15  }
0x7: {  	s6 =	sadd.s32 $0x15E00, s0;
	s5 =	sadd.s32 $0xBE00, s0;
	s10 =	smul.u32 $0x14000, s15  }
0x8: {  	s16 =	sadd.s32 $0x1E00, s0;
	s17 =	sadd.s32 $0x65400, s0;
	s22 =	smul.u32 $0x1400, s15  }
0x9: {  	_ =	strace $0x8000004A;
	[dreg:$0x5] =	wrdreg s5;
	s8 =	sshll.u32 s1, $0x7  }
0xa: {  	[dreg:$0x6] =	wrdreg s16;
	s7 =	ssub.s32 $0x2, s1;
	s19 =	smul.u32 $0x2710, s1  }
0xb: {  	s1 =	smul.u32 $0x140000, s1;
	s5 =	simm.s32 $0xA980;
	s4 =	sor.u32 s8, s4  }
0xc: {  	s18 =	sshrl.u32 s7, $0x1;
	s9 =	sshrl.u32 s9, $0x2;
	s20 =	sadd.s32 $0x4000, s10  }
0xd: {  	s11 =	sadd.s32 $0x8000, s10;
	s13 =	sadd.s32 $0xC000, s10;
	s14 =	sadd.s32 $0x10000, s10  }
0xe: {  	s4 =	sshrl.u32 s4, $0x3;
	s9 =	sadd.s32 s9, s2;
	s12 =	sadd.s32 s20, s2  }
0xf: {  	s21 =	sadd.s32 s11, s2;
	s16 =	sadd.s32 s13, s2;
	[dreg:$0x7] =	wrdreg s9  }
0x10: {  	s23 =	sadd.s32 s14, s2;
	s10 =	sadd.s32 s10, s1;
	[dreg:$0x8] =	wrdreg s12  }
0x11: {  	s11 =	sadd.s32 s1, s11;
	s24 =	sadd.s32 s1, s13;
	[dreg:$0x9] =	wrdreg s21  }
0x12: {  	v1 =	vmov s19;
	s19 =	simm.s32 $0x5400;
	s13 =	simm.s32 $0x0;
	[dreg:$0xa] =	wrdreg s16  }
0x13: {  	s0 =	sadd.s32 s4, s0;
	s4 =	ssub.s32 s7, s18;
	[dreg:$0xb] =	wrdreg s23  }
0x14: {  	s12 =	sshrl.u32 s22, $0x2;
	s9 =	sadd.s32 s1, s20;
	s1 =	sadd.s32 s1, s14  }
0x15: {  	s16 =	smul.u32 $0x5000, s15;
	s10 =	sshrl.u32 s10, $0x3;
	s25 =	sshrl.u32 s11, $0x3  }
0x16: {  	s26 =	sshrl.u32 s24, $0x3;
	s24 =	simm.s32 $0x1400;
	s21 =	simm.s32 $0x7400  }
0x17: {  	s22 =	simm.s32 $0x1;
	s23 =	simm.s32 $0xA880;
	s12 =	sadd.s32 s12, s3  }
0x18: {  	v0 =	vlaneseq.u32;
	s11 =	simm.s32 $0x4;
	s10 =	sadd.s32 s17, s10;
	[dreg:$0xc] =	wrdreg s12  }
0x19: {  	v0 =	vmul.u32 $0x2, v0;
	s9 =	sshrl.u32 s9, $0x3;
	s0 =	sadd.s32 $0x64000, s0;
	[dreg:$0xd] =	wrdreg s10  }
0x1a: {  	v2 =	vimm.f32 $0.0e+00;
	s1 =	sshrl.u32 s1, $0x3;
	s31 =	smax.u32 s4, $0x1;
	[dreg:$0x12] =	wrdreg s0  }
.Ltmp0:
0x1b: {  	v3 =	vor.u32 $0x1, v0;
	v4 =	vor.u32 $0x20, v0;
	v5 =	vor.u32 $0x21, v0;
	s9 =	sadd.s32 s17, s9;
	[dreg:$0x13] =	wrdreg s31;
	(pc) =	sbr.rel .LBB2_1-.Ltmp0, $4  }
0x1c: {  	v6 =	vor.u32 $0x40, v0;
	v7 =	vor.u32 $0x41, v0;
	v8 =	vor.u32 $0x60, v0;
	s4 =	simm.s32 $0x0;
	s1 =	sadd.s32 s17, s1;
	[dreg:$0xe] =	wrdreg s9  }
0x1d: {  	v9 =	vor.u32 $0x61, v0;
	v10 =	vor.u32 $0x80, v0;
	v11 =	vor.u32 $0x81, v0;
	s0 =	simm.s32 $0x40;
	s9 =	sadd.s32 s17, s25;
	[dreg:$0x11] =	wrdreg s1  }
0x1e: {  	v12 =	vor.u32 $0xA0, v0;
	v13 =	vor.u32 $0xA1, v0;
	v14 =	vor.u32 $0xC0, v0;
	s10 =	simm.s32 $0x3;
	[dreg:$0xf] =	wrdreg s9;
	s9 =	sadd.s32 s17, s26  }
0x1f: {  	v15 =	vor.u32 $0xC1, v0;
	v16 =	vor.u32 $0xE0, v0;
	v17 =	vor.u32 $0xE1, v0;
	s25 =	simm.s32 $0x5;
	s26 =	simm.s32 $0x2;
	[dreg:$0x10] =	wrdreg s9  }
.LBB2_16:
0x20: {  	[bflag:$0x0] =	sbarrier.arrive $0xFFFF  }
0x21: {  	s1 =	rddreg [dreg:$0x7]  }
0x22: {  	[tilespmem:s24], [sflag:$0x5] =	stream.linear.gather [spmem:s1], $0x4000, $0x38;
	[tilespmem:$0x1F380] =	vst v63  }
0x23: {  	_ =	swait.ge [sflag:s25], $0x4000  }
0x24: {  	[sflag:s25] =	ssyncset.done $0x0  }
0x25: {  	s18 =	simm.s32 $0x0;
	s4 =	rddreg [dreg:$0xd];
	[sflag:s25] =	ssyncadd.s32 $0xFFFFC000  }
0x26: {  	[hbm4b:s4+s18] =	stream.linear.scatter [tilespmem:s24], [sflag:$0x5], $0x4000, $0x38;
	[tilespmem:$0x1F380] =	vst v63  }
0x27: {  	_ =	swait.ge [sflag:s25], $0x4000  }
0x28: {  	[sflag:s25] =	ssyncset.done $0x0  }
0x29: {  	s20 =	rddreg [dreg:$0x8];
	[sflag:s25] =	ssyncadd.s32 $0xFFFFC000  }
0x2a: {  	[tilespmem:s24], [sflag:$0x5] =	stream.linear.gather [spmem:s20], $0x4000, $0x38;
	[tilespmem:$0x1F380] =	vst v63  }
0x2b: {  	_ =	swait.ge [sflag:s25], $0x4000  }
0x2c: {  	[sflag:s25] =	ssyncset.done $0x0  }
0x2d: {  	s31 =	rddreg [dreg:$0xe];
	[sflag:s25] =	ssyncadd.s32 $0xFFFFC000  }
0x2e: {  	[hbm4b:s31+s18] =	stream.linear.scatter [tilespmem:s24], [sflag:$0x5], $0x4000, $0x38;
	[tilespmem:$0x1F380] =	vst v63  }
0x2f: {  	_ =	swait.ge [sflag:s25], $0x4000  }
0x30: {  	[sflag:s25] =	ssyncset.done $0x0  }
0x31: {  	s5 =	rddreg [dreg:$0x9];
	[sflag:s25] =	ssyncadd.s32 $0xFFFFC000  }
0x32: {  	[tilespmem:s24], [sflag:$0x5] =	stream.linear.gather [spmem:s5], $0x4000, $0x38;
	[tilespmem:$0x1F380] =	vst v63  }
0x33: {  	_ =	swait.ge [sflag:s25], $0x4000  }
0x34: {  	[sflag:s25] =	ssyncset.done $0x0  }
0x35: {  	s7 =	rddreg [dreg:$0xf];
	[sflag:s25] =	ssyncadd.s32 $0xFFFFC000  }
0x36: {  	[hbm4b:s7+s18] =	stream.linear.scatter [tilespmem:s24], [sflag:$0x5], $0x4000, $0x38;
	[tilespmem:$0x1F380] =	vst v63  }
0x37: {  	_ =	swait.ge [sflag:s25], $0x4000  }
0x38: {  	[sflag:s25] =	ssyncset.done $0x0  }
0x39: {  	s9 =	rddreg [dreg:$0xa];
	[sflag:s25] =	ssyncadd.s32 $0xFFFFC000  }
0x3a: {  	[tilespmem:s24], [sflag:$0x5] =	stream.linear.gather [spmem:s9], $0x4000, $0x38;
	[tilespmem:$0x1F380] =	vst v63  }
0x3b: {  	_ =	swait.ge [sflag:s25], $0x4000  }
0x3c: {  	[sflag:s25] =	ssyncset.done $0x0  }
0x3d: {  	s12 =	rddreg [dreg:$0x10];
	[sflag:s25] =	ssyncadd.s32 $0xFFFFC000  }
0x3e: {  	[hbm4b:s12+s18] =	stream.linear.scatter [tilespmem:s24], [sflag:$0x5], $0x4000, $0x38;
	[tilespmem:$0x1F380] =	vst v63  }
0x3f: {  	_ =	swait.ge [sflag:s25], $0x4000  }
0x40: {  	[sflag:s25] =	ssyncset.done $0x0  }
0x41: {  	s14 =	rddreg [dreg:$0xb];
	[sflag:s25] =	ssyncadd.s32 $0xFFFFC000  }
0x42: {  	[tilespmem:s24], [sflag:$0x5] =	stream.linear.gather [spmem:s14], $0x4000, $0x38;
	[tilespmem:$0x1F380] =	vst v63  }
0x43: {  	_ =	swait.ge [sflag:s25], $0x4000  }
0x44: {  	[sflag:s25] =	ssyncset.done $0x0  }
0x45: {  	s15 =	rddreg [dreg:$0x11];
	[sflag:s25] =	ssyncadd.s32 $0xFFFFC000  }
0x46: {  	[hbm4b:s15+s18] =	stream.linear.scatter [tilespmem:s24], [sflag:$0x5], $0x4000, $0x38;
	[tilespmem:$0x1F380] =	vst v63  }
0x47: {  	_ =	swait.ge [sflag:s25], $0x4000  }
0x48: {  	[sflag:s25] =	ssyncset.done $0x0  }
0x49: {  	s5 =	simm.s32 $0xA980;
	s17 =	rddreg [dreg:$0xc];
	[sflag:s25] =	ssyncadd.s32 $0xFFFFC000  }
0x4a: {  	[tilespmem:s5], [sflag:$0x5] =	stream.linear.gather [spmem:s17], $0x500, $0x38;
	[tilespmem:$0x1F380] =	vst v63  }
0x4b: {  	_ =	swait.ge [sflag:s25], $0x500  }
0x4c: {  	[sflag:s25] =	ssyncset.done $0x0  }
0x4d: {  	s18 =	rddreg [dreg:$0x12];
	[sflag:s25] =	ssyncadd.s32 $0xFFFFFB00  }
0x4e: {  	[hbm4b:s18+s29] =	stream.strided.scatter [tilespmem:s5], [sflag:$0x5], $0x500, s30, s29, $0x38;
	[tilespmem:$0x1F380] =	vst v63  }
0x4f: {  	_ =	swait.ge [sflag:s25], $0x500  }
0x50: {  	s20 =	rddreg [dreg:$0x14]  }
0x51: {  	s31 =	rddreg [dreg:$0x13];
	s4 =	sadd.s32 $0x1, s20  }
0x52: {  	p0 =	sne.s32 s4, s31  }
.Ltmp1:
0x53: {  	_ = 	snop;
	(pc) =	sbr.rel @!p0 .LBB2_17-.Ltmp1, $3  }
0x54: {  	_ =	sdelay $0x1  }
0x55: {  	[sflag:s25] =	ssyncset.done $0x0  }
0x56: {  	[sflag:s25] =	ssyncadd.s32 $0xFFFFFB00  }
.LBB2_1:
0x57: {  	[dreg:$0x14] =	wrdreg s4;
	s1 =	simm.s32 $0x0;
	s4 =	simm.s32 $0x200  }
.LBB2_2:
0x58: {  	p0 =	sne.s32 s4, $0xFE00;
	[tilespmem:s1+$0x1470] =	vst v2  }
0x59: {  	[tilespmem:s1+$0x1400] =	vst v2  }
0x5a: {  	[tilespmem:s1+$0x1410] =	vst v2  }
.Ltmp2:
0x5b: {  	[tilespmem:s1+$0x1420] =	vst v2;
	(pc) =	sbr.rel @p0 .LBB2_2-.Ltmp2, $4  }
0x5c: {  	[tilespmem:s1+$0x1430] =	vst v2  }
0x5d: {  	[tilespmem:s1+$0x1440] =	vst v2  }
0x5e: {  	[tilespmem:s1+$0x1450] =	vst v2  }
0x5f: {  	[tilespmem:s1+$0x1460] =	vst v2;
	s1 =	sshra.s32 s4, $0x2;
	s4 =	sadd.s32 $0x200, s4  }
0x60: {  	[tilespmem:s1+$0x1470] =	vst v2  }
0x61: {  	[tilespmem:s1+$0x1400] =	vst v2  }
0x62: {  	[tilespmem:s1+$0x1410] =	vst v2  }
0x63: {  	[tilespmem:s1+$0x1420] =	vst v2  }
0x64: {  	[tilespmem:s1+$0x1430] =	vst v2  }
0x65: {  	[tilespmem:s1+$0x1440] =	vst v2  }
0x66: {  	[tilespmem:s1+$0x1450] =	vst v2  }
0x67: {  	[tilespmem:s1+$0x1460] =	vst v2;
	s1 =	simm.s32 $0x40;
	s4 =	simm.s32 $0x0  }
.LBB2_4:
0x68: {  	p0 =	sne.s32 s1, $0x13C0;
	[tilespmem:s4+$0xA980] =	vst v2;
	s4 =	smov.u32 s1;
	s1 =	sadd.s32 $0x40, s1  }
.Ltmp3:
0x69: {  	(pc) =	sbr.rel @p0 .LBB2_4-.Ltmp3, $2  }
0x6a: {  	_ =	sdelay $0x2  }
0x6b: {  	s4 =	sshra.s32 s4, $0x2  }
0x6c: {  	[tilespmem:s4+$0xA980] =	vst v2;
	s1 =	rddreg [dreg:$0x7]  }
0x6d: {  	[spmem:s1] =	stream.linear.scatter [tilespmem:s24], [sflag:$0x5], $0x4000, $0x38;
	[tilespmem:$0x1F380] =	vst v63  }
0x6e: {  	_ =	swait.ge [sflag:s25], $0x4000  }
0x6f: {  	[sflag:s25] =	ssyncset.done $0x0  }
0x70: {  	s15 =	rddreg [dreg:$0x8];
	[sflag:s25] =	ssyncadd.s32 $0xFFFFC000  }
0x71: {  	[spmem:s15] =	stream.linear.scatter [tilespmem:s24], [sflag:$0x5], $0x4000, $0x38;
	[tilespmem:$0x1F380] =	vst v63  }
0x72: {  	_ =	swait.ge [sflag:s25], $0x4000  }
0x73: {  	[sflag:s25] =	ssyncset.done $0x0  }
0x74: {  	s17 =	rddreg [dreg:$0x9];
	[sflag:s25] =	ssyncadd.s32 $0xFFFFC000  }
0x75: {  	[spmem:s17] =	stream.linear.scatter [tilespmem:s24], [sflag:$0x5], $0x4000, $0x38;
	[tilespmem:$0x1F380] =	vst v63  }
0x76: {  	_ =	swait.ge [sflag:s25], $0x4000  }
0x77: {  	[sflag:s25] =	ssyncset.done $0x0  }
0x78: {  	s18 =	rddreg [dreg:$0xa];
	[sflag:s25] =	ssyncadd.s32 $0xFFFFC000  }
0x79: {  	[spmem:s18] =	stream.linear.scatter [tilespmem:s24], [sflag:$0x5], $0x4000, $0x38;
	[tilespmem:$0x1F380] =	vst v63  }
0x7a: {  	_ =	swait.ge [sflag:s25], $0x4000  }
0x7b: {  	[sflag:s25] =	ssyncset.done $0x0  }
0x7c: {  	s20 =	rddreg [dreg:$0xb];
	[sflag:s25] =	ssyncadd.s32 $0xFFFFC000  }
0x7d: {  	[spmem:s20] =	stream.linear.scatter [tilespmem:s24], [sflag:$0x5], $0x4000, $0x38;
	[tilespmem:$0x1F380] =	vst v63  }
0x7e: {  	_ =	swait.ge [sflag:s25], $0x4000  }
0x7f: {  	[sflag:s25] =	ssyncset.done $0x0  }
0x80: {  	s31 =	rddreg [dreg:$0xc];
	[sflag:s25] =	ssyncadd.s32 $0xFFFFC000  }
0x81: {  	[spmem:s31] =	stream.linear.scatter [tilespmem:s5], [sflag:$0x5], $0x500, $0x38;
	[tilespmem:$0x1F380] =	vst v63  }
.Ltmp4:
0x82: {  	_ =	swait.ge [sflag:s25], $0x500;
	(pc) =	sbr.rel .LBB2_6-.Ltmp4, $4  }
0x83: {  	[sflag:s25] =	ssyncset.done $0x0  }
0x84: {  	[sflag:s25] =	ssyncadd.s32 $0xFFFFFB00  }
0x85: {  	[bflag:$0x0] =	sbarrier.arrive $0xFFFF  }
0x86: {  	s14 =	simm.s32 $0x0  }
.LBB2_15:
0x87: {  	s14 =	sadd.s32 $0x1, s14  }
0x88: {  	p0 =	sne.s32 s14, $0x8  }
.Ltmp5:
0x89: {  	_ = 	snop;
	(pc) =	sbr.rel @!p0 .LBB2_16-.Ltmp5, $1  }
0x8a: {  	_ =	sdelay $0x3  }
.LBB2_6:
0x8b: {  	s1 =	smul.u32 $0xA00, s14;
	_ =	sdelay $0x1  }
0x8c: {  	s1 =	sadd.s32 s16, s1  }
0x8d: {  	s5 =	rddreg [dreg:$0x5];
	s4 =	sshrl.u32 s1, $0x3  }
0x8e: {  	s5 =	sadd.s32 s5, s4  }
0x8f: {  	[tilespmem:s13], [sflag:$0x5] =	stream.linear.gather [hbm4b:s5+s13], $0xA00, $0x38;
	[tilespmem:$0x1F380] =	vst v63  }
0x90: {  	_ =	swait.ge [sflag:s25], $0xA00  }
0x91: {  	[sflag:s25] =	ssyncset.done $0x0;
	s18 =	rddreg [dreg:$0x6]  }
0x92: {  	[sflag:s25] =	ssyncadd.s32 $0xFFFFF600;
	s4 =	sadd.s32 s18, s4  }
0x93: {  	[tilespmem:s28], [sflag:$0x5] =	stream.linear.gather [hbm4b:s4+s13], $0xA00, $0x38;
	[tilespmem:$0x1F380] =	vst v63  }
0x94: {  	_ =	swait.ge [sflag:s25], $0xA00  }
0x95: {  	s1 =	sshll.u32 s1, $0x2;
	[sflag:s25] =	ssyncset.done $0x0  }
0x96: {  	s1 =	sor.u32 s8, s1;
	[sflag:s25] =	ssyncadd.s32 $0xFFFFF600  }
0x97: {  	s1 =	sshrl.u32 s1, $0x3;
	s20 =	rddreg [dreg:$0x1]  }
0x98: {  	s31 =	simm.s32 $0x9400;
	s1 =	sadd.s32 s20, s1  }
0x99: {  	[tilespmem:s31], [sflag:$0x5] =	stream.strided.gather [hbm4b:s1+s29], $0x1400, s30, s29, $0x38;
	[tilespmem:$0x1F380] =	vst v63  }
0x9a: {  	_ =	swait.ge [sflag:s25], $0x1400  }
0x9b: {  	[sflag:s25] =	ssyncset.done $0x0  }
0x9c: {  	s1 =	simm.s32 $0x0;
	[sflag:s25] =	ssyncadd.s32 $0xFFFFEC00  }
0x9d: {  	v20 =	vld [tilespmem:s1+$0xA00]  }
0x9e: {  	v22 =	vld [tilespmem:s1+$0xA10]  }
0x9f: {  	v21 =	vld [tilespmem:s1+$0xA20]  }
0xa0: {  	v19 =	vld [tilespmem:s1+$0xA30]  }
0xa1: {  	v18 =	vld [tilespmem:s1+$0xA40]  }
0xa2: {  	v23 =	vadd.s32 v1, v20;
	v20 =	vld [tilespmem:s1+$0xA50]  }
0xa3: {  	s4 =	simm.s32 $0x200;
	[tilespmem:s1+$0xA00] =	vst v23;
	v23 =	vadd.s32 v1, v22;
	v22 =	vld [tilespmem:s1+$0xA60]  }
.LBB2_7:
0xa4: {  	s5 =	sshra.s32 s4, $0x2;
	p0 =	sne.s32 s4, $0x2600;
	[tilespmem:s1+$0xA10] =	vst v23;
	v21 =	vadd.s32 v1, v21;
	v23 =	vld [tilespmem:s1+$0xA70]  }
0xa5: {  	v24 =	vld [tilespmem:s5+$0xA00];
	[tilespmem:s1+$0xA20] =	vst v21;
	v19 =	vadd.s32 v1, v19  }
0xa6: {  	v25 =	vld [tilespmem:s5+$0xA10];
	[tilespmem:s1+$0xA30] =	vst v19;
	v18 =	vadd.s32 v1, v18  }
.Ltmp6:
0xa7: {  	v21 =	vld [tilespmem:s5+$0xA20];
	[tilespmem:s1+$0xA40] =	vst v18;
	v18 =	vadd.s32 v1, v20;
	(pc) =	sbr.rel @p0 .LBB2_7-.Ltmp6, $4  }
0xa8: {  	v19 =	vld [tilespmem:s5+$0xA30];
	[tilespmem:s1+$0xA50] =	vst v18;
	v20 =	vadd.s32 v1, v22  }
0xa9: {  	v18 =	vld [tilespmem:s5+$0xA40];
	[tilespmem:s1+$0xA60] =	vst v20;
	v22 =	vadd.s32 v1, v23  }
0xaa: {  	v23 =	vadd.s32 v1, v24;
	v20 =	vld [tilespmem:s5+$0xA50];
	[tilespmem:s1+$0xA70] =	vst v22;
	s1 =	smov.u32 s5  }
0xab: {  	s4 =	sadd.s32 $0x200, s4;
	[tilespmem:s1+$0xA00] =	vst v23;
	v23 =	vadd.s32 v1, v25;
	v22 =	vld [tilespmem:s1+$0xA60]  }
0xac: {  	[tilespmem:s1+$0xA10] =	vst v23;
	v21 =	vadd.s32 v1, v21;
	v63 =	vld [tilespmem:s1+$0xA70]  }
0xad: {  	[tilespmem:s1+$0xA20] =	vst v21;
	v19 =	vadd.s32 v1, v19  }
0xae: {  	[tilespmem:s1+$0xA30] =	vst v19;
	v18 =	vadd.s32 v1, v18  }
0xaf: {  	[tilespmem:s1+$0xA40] =	vst v18;
	v18 =	vadd.s32 v1, v20  }
0xb0: {  	[tilespmem:s1+$0xA50] =	vst v18;
	v18 =	vadd.s32 v1, v22  }
0xb1: {  	[tilespmem:s1+$0xA60] =	vst v18;
	v18 =	vadd.s32 v1, v63  }
0xb2: {  	[tilespmem:s1+$0xA70] =	vst v18  }
0xb3: {  	[tilespmem:s24], [sflag:$0x1] =	stream.indirect.gather [hbm4b:s6+s0], $0x80, s28, s0, $0xb8;
	[tilespmem:$0x1F380] =	vst v63  }
0xb4: {  	s18 =	simm.s32 $0xA40;
	s4 =	simm.s32 $0x3400  }
0xb5: {  	[tilespmem:s4], [sflag:$0x1] =	stream.indirect.gather [hbm4b:s6+s0], $0x80, s18, s0, $0xb8;
	[tilespmem:$0x1F380] =	vst v63  }
0xb6: {  	s20 =	simm.s32 $0xA80;
	s31 =	simm.s32 $0xAC0  }
0xb7: {  	[tilespmem:s19], [sflag:$0x2] =	stream.indirect.gather [hbm4b:s6+s0], $0x80, s20, s0, $0xb8;
	[tilespmem:$0x1F380] =	vst v63  }
0xb8: {  	s15 =	simm.s32 $0x0;
	s5 =	simm.s32 $0x9404;
	s9 =	simm.s32 $0x9506  }
0xb9: {  	[tilespmem:s21], [sflag:$0x2] =	stream.indirect.gather [hbm4b:s6+s0], $0x80, s31, s0, $0xb8;
	[tilespmem:$0x1F380] =	vst v63  }
.LBB2_9:
0xba: {  	_ =	swait.ge [sflag:s22], $0x4000  }
0xbb: {  	[sflag:s22] =	ssyncset.done $0x0  }
0xbc: {  	s1 =	sshll.u32 s15, $0x8;
	[sflag:s22] =	ssyncadd.s32 $0xFFFFC000  }
0xbd: {  	v18 =	vld [tilespmem:s1+$0x0];
	_ =	sdelay $0x4  }
0xbe: {  	v18 =	vshll.u32 v18, $0x1  }
0xbf: {  	[tilespmem:v0+s23+$0x0] =	vst.idx.msk $0xffff, v18;
	v18 =	vor.u32 $0x1, v18  }
0xc0: {  	[tilespmem:v3+s23+$0x0] =	vst.idx.msk $0xffff, v18  }
0xc1: {  	v18 =	vld [tilespmem:s1+$0x10];
	_ =	sdelay $0x4  }
0xc2: {  	v18 =	vshll.u32 v18, $0x1  }
0xc3: {  	[tilespmem:v4+s23+$0x0] =	vst.idx.msk $0xffff, v18;
	v18 =	vor.u32 $0x1, v18  }
0xc4: {  	[tilespmem:v5+s23+$0x0] =	vst.idx.msk $0xffff, v18  }
0xc5: {  	v18 =	vld [tilespmem:s1+$0x20];
	_ =	sdelay $0x4  }
0xc6: {  	v18 =	vshll.u32 v18, $0x1  }
0xc7: {  	[tilespmem:v6+s23+$0x0] =	vst.idx.msk $0xffff, v18;
	v18 =	vor.u32 $0x1, v18  }
0xc8: {  	[tilespmem:v7+s23+$0x0] =	vst.idx.msk $0xffff, v18  }
0xc9: {  	v18 =	vld [tilespmem:s1+$0x30];
	_ =	sdelay $0x4  }
0xca: {  	v18 =	vshll.u32 v18, $0x1  }
0xcb: {  	[tilespmem:v8+s23+$0x0] =	vst.idx.msk $0xffff, v18;
	v18 =	vor.u32 $0x1, v18  }
0xcc: {  	[tilespmem:v9+s23+$0x0] =	vst.idx.msk $0xffff, v18  }
0xcd: {  	v18 =	vld [tilespmem:s1+$0x40];
	_ =	sdelay $0x4  }
0xce: {  	v18 =	vshll.u32 v18, $0x1  }
0xcf: {  	[tilespmem:v10+s23+$0x0] =	vst.idx.msk $0xffff, v18;
	v18 =	vor.u32 $0x1, v18  }
0xd0: {  	[tilespmem:v11+s23+$0x0] =	vst.idx.msk $0xffff, v18  }
0xd1: {  	v18 =	vld [tilespmem:s1+$0x50];
	_ =	sdelay $0x4  }
0xd2: {  	v18 =	vshll.u32 v18, $0x1  }
0xd3: {  	[tilespmem:v12+s23+$0x0] =	vst.idx.msk $0xffff, v18;
	v18 =	vor.u32 $0x1, v18  }
0xd4: {  	[tilespmem:v13+s23+$0x0] =	vst.idx.msk $0xffff, v18  }
0xd5: {  	v18 =	vld [tilespmem:s1+$0x60];
	_ =	sdelay $0x4  }
0xd6: {  	v18 =	vshll.u32 v18, $0x1  }
0xd7: {  	[tilespmem:v14+s23+$0x0] =	vst.idx.msk $0xffff, v18;
	v18 =	vor.u32 $0x1, v18  }
0xd8: {  	[tilespmem:v15+s23+$0x0] =	vst.idx.msk $0xffff, v18  }
0xd9: {  	v18 =	vld [tilespmem:s1+$0x70];
	_ =	sdelay $0x4  }
0xda: {  	v18 =	vshll.u32 v18, $0x1  }
0xdb: {  	[tilespmem:v16+s23+$0x0] =	vst.idx.msk $0xffff, v18;
	v18 =	vor.u32 $0x1, v18  }
0xdc: {  	[tilespmem:v17+s23+$0x0] =	vst.idx.msk $0xffff, v18  }
0xdd: {  	v18 =	vld [tilespmem:s5+$0xFFFFFFFC]  }
0xde: {  	s4 =	simm.s32 $0x1500  }
0xdf: {  	v20 =	vld [tilespmem:s4+$0xFFFFFF70]  }
0xe0: {  	v21 =	vld [tilespmem:s4+$0xFFFFFF00]  }
0xe1: {  	v22 =	vld [tilespmem:s4+$0xFFFFFF20]  }
0xe2: {  	v19 =	vld [tilespmem:s4+$0xFFFFFF50];
	v24 =	vbroadcast v18, $0x1  }
0xe3: {  	v23 =	vld [tilespmem:s4+$0xFFFFFF30];
	v18 =	vbroadcast v18, $0x0  }
0xe4: {  	v26 =	vld [tilespmem:s4+$0xFFFFFF10];
	v20 =	vmul.f32 v20, v24  }
0xe5: {  	v27 =	vld [tilespmem:s4+$0xFFFFFF40];
	v21 =	vmul.f32 v18, v21  }
0xe6: {  	v25 =	vld [tilespmem:s4+$0xFFFFFF60];
	v22 =	vmul.f32 v22, v18;
	[tilespmem:s4+$0xFFFFFF70] =	vst v20  }
0xe7: {  	v19 =	vmul.f32 v19, v24;
	[tilespmem:s4+$0xFFFFFF00] =	vst v21  }
0xe8: {  	v20 =	vmul.f32 v23, v18;
	[tilespmem:s4+$0xFFFFFF20] =	vst v22  }
0xe9: {  	v18 =	vmul.f32 v26, v18;
	[tilespmem:s4+$0xFFFFFF50] =	vst v19  }
0xea: {  	v19 =	vmul.f32 v27, v24;
	[tilespmem:s4+$0xFFFFFF30] =	vst v20  }
0xeb: {  	v20 =	vmul.f32 v25, v24;
	[tilespmem:s4+$0xFFFFFF10] =	vst v18  }
0xec: {  	[tilespmem:s4+$0xFFFFFF40] =	vst v19  }
0xed: {  	[tilespmem:s4+$0xFFFFFF60] =	vst v20  }
0xee: {  	v18 =	vld [tilespmem:s5+$0xFFFFFFFE];
	_ =	sdelay $0x1  }
0xef: {  	v19 =	vld [tilespmem:s4+$0xFFFFFF80]  }
0xf0: {  	v20 =	vld [tilespmem:s4+$0xFFFFFF90]  }
0xf1: {  	v21 =	vld [tilespmem:s4+$0xFFFFFFB0]  }
0xf2: {  	v22 =	vld [tilespmem:s4+$0xFFFFFFD0];
	v23 =	vbroadcast v18, $0x0  }
0xf3: {  	v24 =	vld [tilespmem:s4+$0xFFFFFFF0]  }
0xf4: {  	v25 =	vld [tilespmem:s4+$0xFFFFFFA0];
	v19 =	vmul.f32 v23, v19  }
0xf5: {  	v26 =	vld [tilespmem:s4+$0xFFFFFFC0];
	v27 =	vbroadcast v18, $0x1;
	v18 =	vmul.f32 v20, v23  }
0xf6: {  	v20 =	vld [tilespmem:s4+$0xFFFFFFE0];
	v21 =	vmul.f32 v21, v23;
	[tilespmem:s4+$0xFFFFFF80] =	vst v19  }
0xf7: {  	v19 =	vmul.f32 v22, v27;
	[tilespmem:s4+$0xFFFFFF90] =	vst v18  }
0xf8: {  	v22 =	vmul.f32 v24, v27;
	[tilespmem:s4+$0xFFFFFFB0] =	vst v21  }
0xf9: {  	v21 =	vmul.f32 v25, v23;
	[tilespmem:s4+$0xFFFFFFD0] =	vst v19  }
0xfa: {  	v18 =	vld [tilespmem:s4+$0x60];
	v23 =	vmul.f32 v26, v27;
	[tilespmem:s4+$0xFFFFFFF0] =	vst v22  }
0xfb: {  	v25 =	vld [tilespmem:s4+$0x30];
	[tilespmem:s4+$0xFFFFFFA0] =	vst v21;
	v22 =	vmul.f32 v20, v27  }
0xfc: {  	v24 =	vld [tilespmem:s4+$0x20];
	[tilespmem:s4+$0xFFFFFFC0] =	vst v23  }
0xfd: {  	v19 =	vld [tilespmem:s4+$0x70];
	[tilespmem:s4+$0xFFFFFFE0] =	vst v22  }
0xfe: {  	v26 =	vld [tilespmem:s5+$0x0]  }
0xff: {  	v21 =	vld [tilespmem:s4+$0x40]  }
0x100: {  	v23 =	vld [tilespmem:s4+$0x0]  }
0x101: {  	s12 =	simm.s32 $0x0;
	v22 =	vld [tilespmem:s4+$0x10]  }
0x102: {  	s7 =	smov.u32 s5;
	s17 =	simm.s32 $0x1500;
	s18 =	smov.u32 s5;
	v20 =	vld [tilespmem:s4+$0x50]  }
.LBB2_10:
0x103: {  	s12 =	sadd.s32 $0x4, s12;
	v27 =	vbroadcast v26, $0x0;
	v26 =	vbroadcast v26, $0x1;
	s7 =	sadd.s32 $0x8, s7;
	s4 =	sadd.s32 $0x200, s4  }
0x104: {  	p0 =	slt.u32 s12, $0x7C  }
0x105: {  	v23 =	vmul.f32 v27, v23;
	v25 =	vmul.f32 v25, v27  }
0x106: {  	v21 =	vmul.f32 v21, v26;
	v22 =	vmul.f32 v22, v27  }
0x107: {  	v20 =	vmul.f32 v20, v26;
	v24 =	vmul.f32 v24, v27;
	[tilespmem:s17+$0x30] =	vst v25  }
0x108: {  	v18 =	vmul.f32 v18, v26;
	v19 =	vmul.f32 v19, v26;
	[tilespmem:s17+$0x40] =	vst v21  }
0x109: {  	[tilespmem:s17+$0x50] =	vst v20  }
0x10a: {  	[tilespmem:s17+$0x60] =	vst v18;
	v20 =	vld [tilespmem:s17+$0x80]  }
0x10b: {  	v18 =	vld [tilespmem:s4+$0x60];
	[tilespmem:s17+$0x20] =	vst v24  }
0x10c: {  	[tilespmem:s17+$0x0] =	vst v23;
	v21 =	vld [tilespmem:s17+$0xD0]  }
0x10d: {  	[tilespmem:s17+$0x70] =	vst v19;
	v23 =	vld [tilespmem:s17+$0xF0]  }
0x10e: {  	v19 =	vld [tilespmem:s4+$0x70];
	[tilespmem:s17+$0x10] =	vst v22  }
0x10f: {  	v22 =	vld [tilespmem:s18+$0x2];
	s18 =	smov.u32 s7  }
0x110: {  	v24 =	vld [tilespmem:s17+$0xB0]  }
0x111: {  	v25 =	vld [tilespmem:s17+$0x90]  }
0x112: {  	v26 =	vld [tilespmem:s17+$0xA0]  }
0x113: {  	v27 =	vld [tilespmem:s17+$0xC0]  }
0x114: {  	v28 =	vbroadcast v22, $0x0;
	v22 =	vbroadcast v22, $0x1;
	v29 =	vld [tilespmem:s17+$0xE0];
	_ =	sdelay $0x1  }
0x115: {  	v20 =	vmul.f32 v28, v20;
	v25 =	vmul.f32 v25, v28  }
0x116: {  	v24 =	vmul.f32 v24, v28;
	v26 =	vmul.f32 v26, v28  }
0x117: {  	v21 =	vmul.f32 v21, v22;
	[tilespmem:s17+$0x80] =	vst v20;
	v20 =	vmul.f32 v27, v22  }
0x118: {  	[tilespmem:s17+$0xB0] =	vst v24;
	v24 =	vmul.f32 v29, v22;
	v22 =	vmul.f32 v23, v22  }
0x119: {  	[tilespmem:s17+$0xD0] =	vst v21  }
0x11a: {  	[tilespmem:s17+$0xF0] =	vst v22  }
0x11b: {  	[tilespmem:s17+$0xA0] =	vst v26  }
0x11c: {  	v21 =	vld [tilespmem:s4+$0xFFFFFF50];
	[tilespmem:s17+$0xC0] =	vst v20  }
0x11d: {  	v20 =	vld [tilespmem:s4+$0xFFFFFF30];
	[tilespmem:s17+$0xE0] =	vst v24  }
0x11e: {  	v22 =	vld [tilespmem:s4+$0xFFFFFF60];
	[tilespmem:s17+$0x90] =	vst v25;
	s17 =	smov.u32 s4  }
0x11f: {  	v23 =	vld [tilespmem:s7+$0xFFFFFFFC]  }
0x120: {  	v24 =	vld [tilespmem:s4+$0xFFFFFF70]  }
0x121: {  	v25 =	vld [tilespmem:s4+$0xFFFFFF00]  }
0x122: {  	v26 =	vld [tilespmem:s4+$0xFFFFFF20]  }
0x123: {  	v27 =	vld [tilespmem:s4+$0xFFFFFF10]  }
0x124: {  	v28 =	vbroadcast v23, $0x0;
	v29 =	vld [tilespmem:s4+$0xFFFFFF40];
	v23 =	vbroadcast v23, $0x1;
	_ =	sdelay $0x1  }
0x125: {  	v25 =	vmul.f32 v28, v25;
	v24 =	vmul.f32 v24, v23  }
0x126: {  	v22 =	vmul.f32 v22, v23;
	v26 =	vmul.f32 v26, v28  }
0x127: {  	v20 =	vmul.f32 v20, v28;
	v27 =	vmul.f32 v27, v28;
	[tilespmem:s4+$0xFFFFFF70] =	vst v24  }
0x128: {  	v21 =	vmul.f32 v21, v23;
	[tilespmem:s4+$0xFFFFFF00] =	vst v25;
	v24 =	vmul.f32 v29, v23  }
0x129: {  	[tilespmem:s4+$0xFFFFFF20] =	vst v26  }
0x12a: {  	[tilespmem:s4+$0xFFFFFF30] =	vst v20  }
0x12b: {  	[tilespmem:s4+$0xFFFFFF50] =	vst v21  }
0x12c: {  	[tilespmem:s4+$0xFFFFFF10] =	vst v27;
	v20 =	vld [tilespmem:s4+$0xFFFFFFF0]  }
0x12d: {  	[tilespmem:s4+$0xFFFFFF60] =	vst v22;
	v21 =	vld [tilespmem:s4+$0xFFFFFFE0]  }
0x12e: {  	[tilespmem:s4+$0xFFFFFF40] =	vst v24;
	v22 =	vld [tilespmem:s4+$0xFFFFFFC0]  }
0x12f: {  	v23 =	vld [tilespmem:s7+$0xFFFFFFFE]  }
0x130: {  	v24 =	vld [tilespmem:s4+$0xFFFFFFB0]  }
0x131: {  	v25 =	vld [tilespmem:s4+$0xFFFFFF80]  }
0x132: {  	v26 =	vld [tilespmem:s4+$0xFFFFFF90]  }
0x133: {  	v27 =	vld [tilespmem:s4+$0xFFFFFFD0]  }
0x134: {  	v28 =	vbroadcast v23, $0x0;
	v29 =	vld [tilespmem:s4+$0xFFFFFFA0];
	v23 =	vbroadcast v23, $0x1;
	_ =	sdelay $0x1  }
0x135: {  	v25 =	vmul.f32 v28, v25;
	v24 =	vmul.f32 v24, v28  }
0x136: {  	v22 =	vmul.f32 v22, v23;
	v26 =	vmul.f32 v26, v28  }
0x137: {  	v21 =	vmul.f32 v21, v23;
	[tilespmem:s4+$0xFFFFFF80] =	vst v25;
	v25 =	vmul.f32 v27, v23  }
0x138: {  	v20 =	vmul.f32 v20, v23;
	[tilespmem:s4+$0xFFFFFF90] =	vst v26;
	v26 =	vmul.f32 v29, v28  }
0x139: {  	[tilespmem:s4+$0xFFFFFFB0] =	vst v24  }
0x13a: {  	[tilespmem:s4+$0xFFFFFFD0] =	vst v25  }
0x13b: {  	[tilespmem:s4+$0xFFFFFFF0] =	vst v20  }
0x13c: {  	[tilespmem:s4+$0xFFFFFFA0] =	vst v26  }
0x13d: {  	[tilespmem:s4+$0xFFFFFFC0] =	vst v22;
	v20 =	vld [tilespmem:s4+$0x50]  }
0x13e: {  	[tilespmem:s4+$0xFFFFFFE0] =	vst v21;
	v21 =	vld [tilespmem:s4+$0x40]  }
.Ltmp7:
0x13f: {  	v26 =	vld [tilespmem:s7+$0x0];
	(pc) =	sbr.rel @p0 .LBB2_10-.Ltmp7, $4  }
0x140: {  	v25 =	vld [tilespmem:s4+$0x30]  }
0x141: {  	v23 =	vld [tilespmem:s4+$0x0]  }
0x142: {  	v22 =	vld [tilespmem:s4+$0x10]  }
0x143: {  	v24 =	vld [tilespmem:s4+$0x20]  }
0x144: {  	v27 =	vbroadcast v26, $0x0  }
0x145: {  	v26 =	vbroadcast v26, $0x1  }
0x146: {  	v25 =	vmul.f32 v25, v27  }
0x147: {  	v21 =	vmul.f32 v21, v26  }
0x148: {  	v20 =	vmul.f32 v20, v26;
	[tilespmem:s17+$0x30] =	vst v25  }
0x149: {  	v18 =	vmul.f32 v18, v26;
	[tilespmem:s17+$0x40] =	vst v21  }
0x14a: {  	v21 =	vmul.f32 v24, v27;
	[tilespmem:s17+$0x50] =	vst v20  }
0x14b: {  	v20 =	vmul.f32 v27, v23;
	[tilespmem:s17+$0x60] =	vst v18  }
0x14c: {  	v18 =	vmul.f32 v19, v26;
	[tilespmem:s17+$0x20] =	vst v21  }
0x14d: {  	v19 =	vmul.f32 v22, v27;
	[tilespmem:s17+$0x0] =	vst v20  }
0x14e: {  	[tilespmem:s17+$0x70] =	vst v18  }
0x14f: {  	[tilespmem:s17+$0x10] =	vst v19  }
0x150: {  	v18 =	vld [tilespmem:s18+$0x2];
	_ =	sdelay $0x1  }
0x151: {  	v21 =	vld [tilespmem:s17+$0x80]  }
0x152: {  	v20 =	vld [tilespmem:s17+$0xB0]  }
0x153: {  	v19 =	vld [tilespmem:s17+$0xD0]  }
0x154: {  	v22 =	vld [tilespmem:s17+$0xF0];
	v24 =	vbroadcast v18, $0x0  }
0x155: {  	v25 =	vld [tilespmem:s17+$0xA0]  }
0x156: {  	v26 =	vld [tilespmem:s17+$0xC0];
	v18 =	vbroadcast v18, $0x1;
	v21 =	vmul.f32 v24, v21  }
0x157: {  	v27 =	vld [tilespmem:s17+$0xE0];
	v20 =	vmul.f32 v20, v24  }
0x158: {  	v23 =	vld [tilespmem:s17+$0x90];
	v19 =	vmul.f32 v19, v18;
	[tilespmem:s17+$0x80] =	vst v21  }
0x159: {  	[tilespmem:s17+$0xB0] =	vst v20;
	v20 =	vmul.f32 v22, v18  }
0x15a: {  	v21 =	vmul.f32 v25, v24;
	[tilespmem:s17+$0xD0] =	vst v19  }
0x15b: {  	v19 =	vmul.f32 v26, v18;
	[tilespmem:s17+$0xF0] =	vst v20  }
0x15c: {  	v18 =	vmul.f32 v27, v18;
	[tilespmem:s17+$0xA0] =	vst v21  }
0x15d: {  	v20 =	vmul.f32 v23, v24;
	[tilespmem:s17+$0xC0] =	vst v19  }
0x15e: {  	s4 =	sshll.u32 s15, $0x9;
	[tilespmem:s17+$0xE0] =	vst v18  }
0x15f: {  	s4 =	sand.u32 $0x3FFFFE00, s4;
	[tilespmem:s17+$0x90] =	vst v20  }
0x160: {  	[spmem:s2] =	stream.indirect.scatter.add.f32 [tilespmem:s24], [sflag:$0x3], $0x80, s1, s29, $0xb8;
	[tilespmem:$0x1F380] =	vst v63  }
0x161: {  	s4 =	sadd.s32 $0x9400, s4  }
0x162: {  	[spmem:s3] =	stream.indirect.scatter.add.f32 [tilespmem:s4], [sflag:$0x5], $0x1, s23, s30, $0xb8;
	[tilespmem:$0x1F380] =	vst v63  }
0x163: {  	_ =	swait.ge [sflag:s25], $0x100  }
0x164: {  	[sflag:s25] =	ssyncset.done $0x0  }
0x165: {  	[sflag:s25] =	ssyncadd.s32 $0xFFFFFF00  }
0x166: {  	_ =	swait.ge [sflag:s26], $0x4000  }
0x167: {  	[sflag:s26] =	ssyncset.done $0x0  }
0x168: {  	[sflag:s26] =	ssyncadd.s32 $0xFFFFC000  }
0x169: {  	p0 =	seq.s32 s15, $0x9;
	_ =	swait.ge [sflag:s10], $0x4000  }
0x16a: {  	s7 =	simm.s32 @!p0 $0x40;
	[sflag:s10] =	ssyncset.done $0x0  }
0x16b: {  	s12 =	simm.s32 @!p0 $0x1400;
	s4 =	sadd.s32 @!p0 $0xB00, s1;
	[sflag:s10] =	ssyncadd.s32 $0xFFFFC000  }
0x16c: {  	[tilespmem:s12], [sflag:$0x1] =	stream.indirect.gather @!p0 [hbm4b:s6+s7], $0x80, s4, s7, $0xb8;
	[tilespmem:$0x1F380] =	vst v63  }
0x16d: {  	s31 =	sshllo.u32 s15, $0x1;
	s4 =	sadd.s32 @!p0 $0xB40, s1;
	s12 =	simm.s32 @!p0 $0x3400  }
0x16e: {  	[tilespmem:s12], [sflag:$0x1] =	stream.indirect.gather @!p0 [hbm4b:s6+s7], $0x80, s4, s7, $0xb8;
	[tilespmem:$0x1F380] =	vst v63  }
0x16f: {  	s4 =	sshll.u32 s31, $0x7  }
0x170: {  	v18 =	vld [tilespmem:s4+$0x0];
	_ =	sdelay $0x4  }
0x171: {  	v18 =	vshll.u32 v18, $0x1  }
0x172: {  	[tilespmem:v0+s23+$0x0] =	vst.idx.msk $0xffff, v18;
	v18 =	vor.u32 $0x1, v18  }
0x173: {  	[tilespmem:v3+s23+$0x0] =	vst.idx.msk $0xffff, v18  }
0x174: {  	v18 =	vld [tilespmem:s4+$0x10];
	_ =	sdelay $0x4  }
0x175: {  	v18 =	vshll.u32 v18, $0x1  }
0x176: {  	[tilespmem:v4+s23+$0x0] =	vst.idx.msk $0xffff, v18;
	v18 =	vor.u32 $0x1, v18  }
0x177: {  	[tilespmem:v5+s23+$0x0] =	vst.idx.msk $0xffff, v18  }
0x178: {  	v18 =	vld [tilespmem:s4+$0x20];
	_ =	sdelay $0x4  }
0x179: {  	v18 =	vshll.u32 v18, $0x1  }
0x17a: {  	[tilespmem:v6+s23+$0x0] =	vst.idx.msk $0xffff, v18;
	v18 =	vor.u32 $0x1, v18  }
0x17b: {  	[tilespmem:v7+s23+$0x0] =	vst.idx.msk $0xffff, v18  }
0x17c: {  	v18 =	vld [tilespmem:s4+$0x30];
	_ =	sdelay $0x4  }
0x17d: {  	v18 =	vshll.u32 v18, $0x1  }
0x17e: {  	[tilespmem:v8+s23+$0x0] =	vst.idx.msk $0xffff, v18;
	v18 =	vor.u32 $0x1, v18  }
0x17f: {  	[tilespmem:v9+s23+$0x0] =	vst.idx.msk $0xffff, v18  }
0x180: {  	v18 =	vld [tilespmem:s4+$0x40];
	_ =	sdelay $0x4  }
0x181: {  	v18 =	vshll.u32 v18, $0x1  }
0x182: {  	[tilespmem:v10+s23+$0x0] =	vst.idx.msk $0xffff, v18;
	v18 =	vor.u32 $0x1, v18  }
0x183: {  	[tilespmem:v11+s23+$0x0] =	vst.idx.msk $0xffff, v18  }
0x184: {  	v18 =	vld [tilespmem:s4+$0x50];
	_ =	sdelay $0x4  }
0x185: {  	v18 =	vshll.u32 v18, $0x1  }
0x186: {  	[tilespmem:v12+s23+$0x0] =	vst.idx.msk $0xffff, v18;
	v18 =	vor.u32 $0x1, v18  }
0x187: {  	[tilespmem:v13+s23+$0x0] =	vst.idx.msk $0xffff, v18  }
0x188: {  	v18 =	vld [tilespmem:s4+$0x60];
	_ =	sdelay $0x4  }
0x189: {  	v18 =	vshll.u32 v18, $0x1  }
0x18a: {  	[tilespmem:v14+s23+$0x0] =	vst.idx.msk $0xffff, v18;
	v18 =	vor.u32 $0x1, v18  }
0x18b: {  	[tilespmem:v15+s23+$0x0] =	vst.idx.msk $0xffff, v18  }
0x18c: {  	v18 =	vld [tilespmem:s4+$0x70];
	_ =	sdelay $0x4  }
0x18d: {  	v18 =	vshll.u32 v18, $0x1  }
0x18e: {  	[tilespmem:v16+s23+$0x0] =	vst.idx.msk $0xffff, v18;
	v18 =	vor.u32 $0x1, v18  }
0x18f: {  	[tilespmem:v17+s23+$0x0] =	vst.idx.msk $0xffff, v18  }
0x190: {  	v18 =	vld [tilespmem:s9+$0xFFFFFFFA]  }
0x191: {  	s17 =	simm.s32 $0x5500  }
0x192: {  	v20 =	vld [tilespmem:s17+$0xFFFFFF70]  }
0x193: {  	v21 =	vld [tilespmem:s17+$0xFFFFFF00]  }
0x194: {  	v22 =	vld [tilespmem:s17+$0xFFFFFF20]  }
0x195: {  	v19 =	vld [tilespmem:s17+$0xFFFFFF50];
	v24 =	vbroadcast v18, $0x1  }
0x196: {  	v23 =	vld [tilespmem:s17+$0xFFFFFF30];
	v18 =	vbroadcast v18, $0x0  }
0x197: {  	v26 =	vld [tilespmem:s17+$0xFFFFFF10];
	v20 =	vmul.f32 v20, v24  }
0x198: {  	v27 =	vld [tilespmem:s17+$0xFFFFFF40];
	v21 =	vmul.f32 v18, v21  }
0x199: {  	v25 =	vld [tilespmem:s17+$0xFFFFFF60];
	v22 =	vmul.f32 v22, v18;
	[tilespmem:s17+$0xFFFFFF70] =	vst v20  }
0x19a: {  	v19 =	vmul.f32 v19, v24;
	[tilespmem:s17+$0xFFFFFF00] =	vst v21  }
0x19b: {  	v20 =	vmul.f32 v23, v18;
	[tilespmem:s17+$0xFFFFFF20] =	vst v22  }
0x19c: {  	v18 =	vmul.f32 v26, v18;
	[tilespmem:s17+$0xFFFFFF50] =	vst v19  }
0x19d: {  	v19 =	vmul.f32 v27, v24;
	[tilespmem:s17+$0xFFFFFF30] =	vst v20  }
0x19e: {  	v20 =	vmul.f32 v25, v24;
	[tilespmem:s17+$0xFFFFFF10] =	vst v18  }
0x19f: {  	[tilespmem:s17+$0xFFFFFF40] =	vst v19  }
0x1a0: {  	[tilespmem:s17+$0xFFFFFF60] =	vst v20  }
0x1a1: {  	v18 =	vld [tilespmem:s9+$0xFFFFFFFC];
	_ =	sdelay $0x1  }
0x1a2: {  	v19 =	vld [tilespmem:s17+$0xFFFFFF80]  }
0x1a3: {  	v20 =	vld [tilespmem:s17+$0xFFFFFF90]  }
0x1a4: {  	v21 =	vld [tilespmem:s17+$0xFFFFFFB0]  }
0x1a5: {  	v22 =	vld [tilespmem:s17+$0xFFFFFFD0];
	v23 =	vbroadcast v18, $0x0  }
0x1a6: {  	v24 =	vld [tilespmem:s17+$0xFFFFFFF0]  }
0x1a7: {  	v25 =	vld [tilespmem:s17+$0xFFFFFFA0];
	v19 =	vmul.f32 v23, v19  }
0x1a8: {  	v26 =	vld [tilespmem:s17+$0xFFFFFFC0];
	v27 =	vbroadcast v18, $0x1;
	v18 =	vmul.f32 v20, v23  }
0x1a9: {  	v20 =	vld [tilespmem:s17+$0xFFFFFFE0];
	v21 =	vmul.f32 v21, v23;
	[tilespmem:s17+$0xFFFFFF80] =	vst v19  }
0x1aa: {  	v19 =	vmul.f32 v22, v27;
	[tilespmem:s17+$0xFFFFFF90] =	vst v18  }
0x1ab: {  	v22 =	vmul.f32 v24, v27;
	[tilespmem:s17+$0xFFFFFFB0] =	vst v21  }
0x1ac: {  	v21 =	vmul.f32 v25, v23;
	[tilespmem:s17+$0xFFFFFFD0] =	vst v19  }
0x1ad: {  	v18 =	vld [tilespmem:s17+$0x60];
	v23 =	vmul.f32 v26, v27;
	[tilespmem:s17+$0xFFFFFFF0] =	vst v22  }
0x1ae: {  	v25 =	vld [tilespmem:s17+$0x30];
	[tilespmem:s17+$0xFFFFFFA0] =	vst v21;
	v22 =	vmul.f32 v20, v27  }
0x1af: {  	v24 =	vld [tilespmem:s17+$0x20];
	[tilespmem:s17+$0xFFFFFFC0] =	vst v23  }
0x1b0: {  	v19 =	vld [tilespmem:s17+$0x70];
	[tilespmem:s17+$0xFFFFFFE0] =	vst v22  }
0x1b1: {  	v26 =	vld [tilespmem:s9+$0xFFFFFFFE]  }
0x1b2: {  	v21 =	vld [tilespmem:s17+$0x40]  }
0x1b3: {  	v23 =	vld [tilespmem:s17+$0x0]  }
0x1b4: {  	s20 =	smov.u32 s9;
	v22 =	vld [tilespmem:s17+$0x10]  }
0x1b5: {  	s18 =	simm.s32 $0x5500;
	s7 =	simm.s32 $0x0;
	s12 =	smov.u32 s9;
	v20 =	vld [tilespmem:s17+$0x50]  }
.LBB2_12:
0x1b6: {  	s7 =	sadd.s32 $0x4, s7;
	v27 =	vbroadcast v26, $0x0;
	v26 =	vbroadcast v26, $0x1;
	s20 =	sadd.s32 $0x8, s20;
	s17 =	sadd.s32 $0x200, s17  }
0x1b7: {  	p1 =	slt.u32 s7, $0x7C  }
0x1b8: {  	v23 =	vmul.f32 v27, v23;
	v25 =	vmul.f32 v25, v27  }
0x1b9: {  	v21 =	vmul.f32 v21, v26;
	v22 =	vmul.f32 v22, v27  }
0x1ba: {  	v20 =	vmul.f32 v20, v26;
	v24 =	vmul.f32 v24, v27;
	[tilespmem:s18+$0x30] =	vst v25  }
0x1bb: {  	v18 =	vmul.f32 v18, v26;
	v19 =	vmul.f32 v19, v26;
	[tilespmem:s18+$0x40] =	vst v21  }
0x1bc: {  	[tilespmem:s18+$0x50] =	vst v20  }
0x1bd: {  	[tilespmem:s18+$0x60] =	vst v18;
	v20 =	vld [tilespmem:s18+$0x80]  }
0x1be: {  	v18 =	vld [tilespmem:s17+$0x60];
	[tilespmem:s18+$0x20] =	vst v24  }
0x1bf: {  	[tilespmem:s18+$0x0] =	vst v23;
	v21 =	vld [tilespmem:s18+$0xD0]  }
0x1c0: {  	[tilespmem:s18+$0x70] =	vst v19;
	v23 =	vld [tilespmem:s18+$0xF0]  }
0x1c1: {  	v19 =	vld [tilespmem:s17+$0x70];
	[tilespmem:s18+$0x10] =	vst v22  }
0x1c2: {  	v22 =	vld [tilespmem:s12+$0x0];
	s12 =	smov.u32 s20  }
0x1c3: {  	v24 =	vld [tilespmem:s18+$0xB0]  }
0x1c4: {  	v25 =	vld [tilespmem:s18+$0x90]  }
0x1c5: {  	v26 =	vld [tilespmem:s18+$0xA0]  }
0x1c6: {  	v27 =	vld [tilespmem:s18+$0xC0]  }
0x1c7: {  	v28 =	vbroadcast v22, $0x0;
	v22 =	vbroadcast v22, $0x1;
	v29 =	vld [tilespmem:s18+$0xE0];
	_ =	sdelay $0x1  }
0x1c8: {  	v20 =	vmul.f32 v28, v20;
	v25 =	vmul.f32 v25, v28  }
0x1c9: {  	v24 =	vmul.f32 v24, v28;
	v26 =	vmul.f32 v26, v28  }
0x1ca: {  	v21 =	vmul.f32 v21, v22;
	[tilespmem:s18+$0x80] =	vst v20;
	v20 =	vmul.f32 v27, v22  }
0x1cb: {  	[tilespmem:s18+$0xB0] =	vst v24;
	v24 =	vmul.f32 v29, v22;
	v22 =	vmul.f32 v23, v22  }
0x1cc: {  	[tilespmem:s18+$0xD0] =	vst v21  }
0x1cd: {  	[tilespmem:s18+$0xF0] =	vst v22  }
0x1ce: {  	[tilespmem:s18+$0xA0] =	vst v26  }
0x1cf: {  	v21 =	vld [tilespmem:s17+$0xFFFFFF50];
	[tilespmem:s18+$0xC0] =	vst v20  }
0x1d0: {  	v20 =	vld [tilespmem:s17+$0xFFFFFF30];
	[tilespmem:s18+$0xE0] =	vst v24  }
0x1d1: {  	v22 =	vld [tilespmem:s17+$0xFFFFFF60];
	[tilespmem:s18+$0x90] =	vst v25;
	s18 =	smov.u32 s17  }
0x1d2: {  	v23 =	vld [tilespmem:s20+$0xFFFFFFFA]  }
0x1d3: {  	v24 =	vld [tilespmem:s17+$0xFFFFFF70]  }
0x1d4: {  	v25 =	vld [tilespmem:s17+$0xFFFFFF00]  }
0x1d5: {  	v26 =	vld [tilespmem:s17+$0xFFFFFF20]  }
0x1d6: {  	v27 =	vld [tilespmem:s17+$0xFFFFFF10]  }
0x1d7: {  	v28 =	vbroadcast v23, $0x0;
	v29 =	vld [tilespmem:s17+$0xFFFFFF40];
	v23 =	vbroadcast v23, $0x1;
	_ =	sdelay $0x1  }
0x1d8: {  	v25 =	vmul.f32 v28, v25;
	v24 =	vmul.f32 v24, v23  }
0x1d9: {  	v22 =	vmul.f32 v22, v23;
	v26 =	vmul.f32 v26, v28  }
0x1da: {  	v20 =	vmul.f32 v20, v28;
	v27 =	vmul.f32 v27, v28;
	[tilespmem:s17+$0xFFFFFF70] =	vst v24  }
0x1db: {  	v21 =	vmul.f32 v21, v23;
	[tilespmem:s17+$0xFFFFFF00] =	vst v25;
	v24 =	vmul.f32 v29, v23  }
0x1dc: {  	[tilespmem:s17+$0xFFFFFF20] =	vst v26  }
0x1dd: {  	[tilespmem:s17+$0xFFFFFF30] =	vst v20  }
0x1de: {  	[tilespmem:s17+$0xFFFFFF50] =	vst v21  }
0x1df: {  	[tilespmem:s17+$0xFFFFFF10] =	vst v27;
	v20 =	vld [tilespmem:s17+$0xFFFFFFF0]  }
0x1e0: {  	[tilespmem:s17+$0xFFFFFF60] =	vst v22;
	v21 =	vld [tilespmem:s17+$0xFFFFFFE0]  }
0x1e1: {  	[tilespmem:s17+$0xFFFFFF40] =	vst v24;
	v22 =	vld [tilespmem:s17+$0xFFFFFFC0]  }
0x1e2: {  	v23 =	vld [tilespmem:s20+$0xFFFFFFFC]  }
0x1e3: {  	v24 =	vld [tilespmem:s17+$0xFFFFFFB0]  }
0x1e4: {  	v25 =	vld [tilespmem:s17+$0xFFFFFF80]  }
0x1e5: {  	v26 =	vld [tilespmem:s17+$0xFFFFFF90]  }
0x1e6: {  	v27 =	vld [tilespmem:s17+$0xFFFFFFD0]  }
0x1e7: {  	v28 =	vbroadcast v23, $0x0;
	v29 =	vld [tilespmem:s17+$0xFFFFFFA0];
	v23 =	vbroadcast v23, $0x1;
	_ =	sdelay $0x1  }
0x1e8: {  	v25 =	vmul.f32 v28, v25;
	v24 =	vmul.f32 v24, v28  }
0x1e9: {  	v22 =	vmul.f32 v22, v23;
	v26 =	vmul.f32 v26, v28  }
0x1ea: {  	v21 =	vmul.f32 v21, v23;
	[tilespmem:s17+$0xFFFFFF80] =	vst v25;
	v25 =	vmul.f32 v27, v23  }
0x1eb: {  	v20 =	vmul.f32 v20, v23;
	[tilespmem:s17+$0xFFFFFF90] =	vst v26;
	v26 =	vmul.f32 v29, v28  }
0x1ec: {  	[tilespmem:s17+$0xFFFFFFB0] =	vst v24  }
0x1ed: {  	[tilespmem:s17+$0xFFFFFFD0] =	vst v25  }
0x1ee: {  	[tilespmem:s17+$0xFFFFFFF0] =	vst v20  }
0x1ef: {  	[tilespmem:s17+$0xFFFFFFA0] =	vst v26  }
0x1f0: {  	[tilespmem:s17+$0xFFFFFFC0] =	vst v22;
	v20 =	vld [tilespmem:s17+$0x50]  }
0x1f1: {  	[tilespmem:s17+$0xFFFFFFE0] =	vst v21;
	v21 =	vld [tilespmem:s17+$0x40]  }
.Ltmp8:
0x1f2: {  	v26 =	vld [tilespmem:s20+$0xFFFFFFFE];
	(pc) =	sbr.rel @p1 .LBB2_12-.Ltmp8, $4  }
0x1f3: {  	v25 =	vld [tilespmem:s17+$0x30]  }
0x1f4: {  	v23 =	vld [tilespmem:s17+$0x0]  }
0x1f5: {  	v22 =	vld [tilespmem:s17+$0x10]  }
0x1f6: {  	v24 =	vld [tilespmem:s17+$0x20]  }
0x1f7: {  	v27 =	vbroadcast v26, $0x0  }
0x1f8: {  	v50 =	vbroadcast v26, $0x1  }
0x1f9: {  	v25 =	vmul.f32 v25, v27  }
0x1fa: {  	v21 =	vmul.f32 v21, v50  }
0x1fb: {  	v20 =	vmul.f32 v20, v50;
	[tilespmem:s18+$0x30] =	vst v25  }
0x1fc: {  	v18 =	vmul.f32 v18, v50;
	[tilespmem:s18+$0x40] =	vst v21  }
0x1fd: {  	v52 =	vmul.f32 v27, v23;
	[tilespmem:s18+$0x50] =	vst v20  }
0x1fe: {  	v51 =	vmul.f32 v24, v27;
	[tilespmem:s18+$0x60] =	vst v18  }
0x1ff: {  	v18 =	vmul.f32 v19, v50;
	[tilespmem:s18+$0x0] =	vst v52  }
0x200: {  	v19 =	vmul.f32 v22, v27;
	[tilespmem:s18+$0x20] =	vst v51  }
0x201: {  	[tilespmem:s18+$0x70] =	vst v18  }
0x202: {  	[tilespmem:s18+$0x10] =	vst v19  }
0x203: {  	v18 =	vld [tilespmem:s12+$0x0];
	_ =	sdelay $0x1  }
0x204: {  	v53 =	vld [tilespmem:s18+$0x80]  }
0x205: {  	v54 =	vld [tilespmem:s18+$0xB0]  }
0x206: {  	v19 =	vld [tilespmem:s18+$0xD0]  }
0x207: {  	v55 =	vld [tilespmem:s18+$0xF0];
	v57 =	vbroadcast v18, $0x0  }
0x208: {  	v58 =	vld [tilespmem:s18+$0xA0]  }
0x209: {  	v56 =	vld [tilespmem:s18+$0x90];
	v18 =	vbroadcast v18, $0x1;
	v21 =	vmul.f32 v57, v53  }
0x20a: {  	v59 =	vld [tilespmem:s18+$0xC0];
	v20 =	vmul.f32 v54, v57  }
0x20b: {  	v60 =	vld [tilespmem:s18+$0xE0];
	v19 =	vmul.f32 v19, v18;
	[tilespmem:s18+$0x80] =	vst v21  }
0x20c: {  	v61 =	vmul.f32 v55, v18;
	[tilespmem:s18+$0xB0] =	vst v20  }
0x20d: {  	v62 =	vmul.f32 v58, v57;
	[tilespmem:s18+$0xD0] =	vst v19  }
0x20e: {  	v63 =	vmul.f32 v56, v57;
	[tilespmem:s18+$0xF0] =	vst v61  }
0x20f: {  	v19 =	vmul.f32 v59, v18;
	[tilespmem:s18+$0xA0] =	vst v62  }
0x210: {  	v18 =	vmul.f32 v60, v18;
	[tilespmem:s18+$0x90] =	vst v63  }
0x211: {  	[tilespmem:s18+$0xC0] =	vst v19  }
0x212: {  	s31 =	sshll.u32 s31, $0x8;
	[tilespmem:s18+$0xE0] =	vst v18  }
0x213: {  	[spmem:s2] =	stream.indirect.scatter.add.f32 [tilespmem:s19], [sflag:$0x4], $0x80, s4, s29, $0xb8;
	[tilespmem:$0x1F380] =	vst v63  }
0x214: {  	s4 =	sand.u32 $0x3FFFFF00, s31  }
0x215: {  	s4 =	sadd.s32 $0x9400, s4  }
0x216: {  	[spmem:s3] =	stream.indirect.scatter.add.f32 [tilespmem:s4], [sflag:$0x5], $0x1, s23, s30, $0xb8;
	[tilespmem:$0x1F380] =	vst v63  }
0x217: {  	_ =	swait.ge [sflag:s25], $0x100  }
.Ltmp9:
0x218: {  	[sflag:s25] =	ssyncset.done $0x0;
	(pc) =	sbr.rel @p0 .LBB2_15-.Ltmp9, $4  }
0x219: {  	[sflag:s25] =	ssyncadd.s32 $0xFFFFFF00  }
0x21a: {  	_ =	swait.ge [sflag:s11], $0x4000  }
0x21b: {  	[sflag:s11] =	ssyncset.done $0x0  }
0x21c: {  	[sflag:s11] =	ssyncadd.s32 $0xFFFFC000  }
.Ltmp10:
0x21d: {  	(pc) =	sbr.rel .LBB2_9-.Ltmp10, $4  }
0x21e: {  	s4 =	sadd.s32 $0xB80, s1;
	s31 =	sadd.s32 $0xBC0, s1  }
0x21f: {  	[tilespmem:s19], [sflag:$0x2] =	stream.indirect.gather [hbm4b:s6+s0], $0x80, s4, s0, $0xb8;
	[tilespmem:$0x1F380] =	vst v63  }
0x220: {  	s15 =	sadd.s32 $0x1, s15;
	s5 =	sadd.s32 $0x200, s5;
	s9 =	sadd.s32 $0x200, s9  }
0x221: {  	[tilespmem:s21], [sflag:$0x2] =	stream.indirect.gather [hbm4b:s6+s0], $0x80, s31, s0, $0xb8;
	[tilespmem:$0x1F380] =	vst v63  }
.LBB2_17:
0x222: {  	_ =	sfence.sel $0x180000  }
0x223: {  	[bflag:$0x0] =	sbarrier.arrive $0xFFFF  }
0x224: {  	_ =	strace $0x9000004A  }
0x225: {  	s0 =	stileid.u32;
	[bflag:$0x2] =	sbarrier.arrive $0xFFFF  }
0x226: {  	p0 =	sne.s32 s0, $0x0;
	s0 =	rddreg [dreg:$0x4]  }
0x227: {  	s0 =	sadd.s32 @!p0 $0x100000, s0  }
0x228: {  	[sflag:s0] =	ssyncadd.tile.s32 @!p0 $0x1;
	_ =	shalt  }
.Lfunc_end2:
_tile_overlayer_lowered:
.L_overlay_start_2:
0x229: {  	(tag) =	ssettag $0x2  }
0x22a: {  	s0 =	rddreg [dreg:$0x0];
	s2 =	stileid.u32  }
0x22b: {  	s1 =	rddreg [dreg:$0x1];
	p0 =	sne.s32 s2, $0x0  }
0x22c: {  	s3 =	rddreg [dreg:$0x2];
	[bflag:$0x3] =	sbarrier.arrive $0xFFFF;
	s2 =	simm.s32 @!p0 $0x1C05  }
0x22d: {  	[timem:s3], [sflag:s2] =	dma.local @!p0 [hbm:s0], s1  }
0x22e: {  	s0 =	simm.s32 @!p0 $0x5  }
0x22f: {  	_ =	swait.ge @!p0 [sflag:s0], s1  }
0x230: {  	s1 =	ssub.s32 @!p0 $0x0, s1;
	[sflag:s0] =	ssyncset.done @!p0 $0x0  }
0x231: {  	[sflag:s0] =	ssyncadd.s32 @!p0 s1  }
0x232: {  	[bflag:$0x3] =	sbarrier.arrive $0xFFFF  }
0x233: {  	_ =	shalt  }

</sc_bundles>
